<compile_context>
chip_gen: v7x
topology: tpu7x:2x2x1
jax: 0.10.2.dev20260603
libtpu: 0.0.44.dev20260713+nightly
codegen_flags: <defaults>
</compile_context>

<pallas_src>
import functools

import jax
import jax.numpy as jnp
from jax import lax
from jax.experimental import pallas as pl
from jax.experimental.pallas import tpu as pltpu
from jax.experimental.pallas import tpu_sc as plsc

_EMBED = 768
_NEXP = 8
_BLK = 4096

_LANES = 16
_NW = 32
_CHUNK = 16
_SC_TOKENS = 4096


def _tc_router_body(x_ref, w_ref, g_ref, i_ref, tl_ref, load_ref):
    logits = jax.lax.dot_general(
        w_ref[:],
        x_ref[:],
        (((1,), (1,)), ((), ())),
        preferred_element_type=jnp.float32,
    )
    eidx = jax.lax.broadcasted_iota(jnp.int32, logits.shape, 0)
    neg = jnp.float32(-jnp.inf)

    l1 = jnp.max(logits, axis=0, keepdims=True)
    i1 = jnp.min(jnp.where(logits == l1, eidx, _NEXP), axis=0, keepdims=True)
    masked2 = jnp.where(eidx == i1, neg, logits)
    l2 = jnp.max(masked2, axis=0, keepdims=True)
    i2 = jnp.min(jnp.where(masked2 == l2, eidx, _NEXP), axis=0, keepdims=True)

    e21 = jnp.exp(l2 - l1)
    denom = 1.0 + e21
    g1 = 1.0 / denom
    g2 = e21 / denom

    g_ref[0:1, :] = g1
    g_ref[1:2, :] = g2
    i_ref[0:1, :] = i1
    i_ref[1:2, :] = i2
    tl_ref[0:1, :] = l1
    tl_ref[1:2, :] = l2

    part = jnp.sum(
        jnp.where(eidx == i1, g1, 0.0) + jnp.where(eidx == i2, g2, 0.0),
        axis=1,
        keepdims=True,
    )

    @pl.when(pl.program_id(0) == 0)
    def _init():
        load_ref[:] = jnp.zeros_like(load_ref)

    load_ref[:, 0:1] += part


def _tc_router(x2, W, n_tc):
    grid = (n_tc // _BLK,)
    return pl.pallas_call(
        _tc_router_body,
        grid=grid,
        in_specs=[
            pl.BlockSpec((_BLK, _EMBED), lambda i: (i, 0)),
            pl.BlockSpec((_NEXP, _EMBED), lambda i: (0, 0)),
        ],
        out_specs=[
            pl.BlockSpec((2, _BLK), lambda i: (0, i)),
            pl.BlockSpec((2, _BLK), lambda i: (0, i)),
            pl.BlockSpec((2, _BLK), lambda i: (0, i)),
            pl.BlockSpec((_NEXP, 128), lambda i: (0, 0)),
        ],
        out_shape=[
            jax.ShapeDtypeStruct((2, n_tc), jnp.float32),
            jax.ShapeDtypeStruct((2, n_tc), jnp.int32),
            jax.ShapeDtypeStruct((2, n_tc), jnp.float32),
            jax.ShapeDtypeStruct((_NEXP, 128), jnp.float32),
        ],
    )(x2[:n_tc], W)


def _make_sc_router(n_total, f_tokens):
    tpt = f_tokens // _NW
    base0 = n_total - f_tokens
    n_chunks = tpt // _CHUNK
    mesh = plsc.VectorSubcoreMesh(core_axis_name="c", subcore_axis_name="s")

    out_type = [
        jax.ShapeDtypeStruct((f_tokens,), jnp.float32),
        jax.ShapeDtypeStruct((f_tokens,), jnp.float32),
        jax.ShapeDtypeStruct((f_tokens,), jnp.int32),
        jax.ShapeDtypeStruct((f_tokens,), jnp.int32),
        jax.ShapeDtypeStruct((f_tokens,), jnp.float32),
        jax.ShapeDtypeStruct((f_tokens,), jnp.float32),
        jax.ShapeDtypeStruct((_NW, _NEXP, _LANES), jnp.float32),
    ]
    scratch = [
        pltpu.VMEM((_NEXP, _EMBED), jnp.float32),
        pltpu.VMEM((_CHUNK, _EMBED), jnp.float32),
        pltpu.VMEM((_CHUNK * _NEXP * _LANES,), jnp.float32),
        pltpu.VMEM((tpt,), jnp.float32),
        pltpu.VMEM((tpt,), jnp.float32),
        pltpu.VMEM((tpt,), jnp.int32),
        pltpu.VMEM((tpt,), jnp.int32),
        pltpu.VMEM((tpt,), jnp.float32),
        pltpu.VMEM((tpt,), jnp.float32),
        pltpu.VMEM((_NEXP, _LANES), jnp.float32),
    ]
    n_dchunks = _EMBED // _LANES
    tok_grp = 4

    def _bf16_round(v):
        u = plsc.bitcast(v, jnp.uint32)
        lsb = (u >> 16) & jnp.uint32(1)
        r = (u + jnp.uint32(0x7FFF) + lsb) & jnp.uint32(0xFFFF0000)
        return plsc.bitcast(r, jnp.float32)

    @functools.partial(
        pl.kernel, out_type=out_type, mesh=mesh, scratch_types=scratch,
        compiler_params=pltpu.CompilerParams(needs_layout_passes=False),
    )
    def sc_router(x_hbm, w_hbm, g1_o, g2_o, i1_o, i2_o, l1_o, l2_o, load_o,
                  w_v, x_v, red_b, g1_b, g2_b, i1_b, i2_b, l1_b, l2_b,
                  load_b):
        wid = lax.axis_index("s") * 2 + lax.axis_index("c")
        tok0 = base0 + wid * tpt
        pltpu.sync_copy(w_hbm, w_v)

        lanes_i = lax.iota(jnp.int32, _LANES)
        zero_f = jnp.zeros((_LANES,), jnp.float32)

        for e in range(_NEXP):

            def w_round(c, carry, e=e):
                sl = pl.ds(c * _LANES, _LANES)
                w_v[e, sl] = _bf16_round(w_v[e, sl])
                return carry

            lax.fori_loop(0, n_dchunks, w_round, 0)
        for e in range(_NEXP):
            load_b[e, :] = zero_f

        def chunk_body(c, carry):
            pltpu.sync_copy(x_hbm.at[pl.ds(tok0 + c * _CHUNK, _CHUNK)], x_v)

            for tg in range(_CHUNK // tok_grp):

                def d_body(dc, accs):
                    base = dc * _LANES
                    xs = tuple(
                        _bf16_round(x_v[tg * tok_grp + t, pl.ds(base, _LANES)])
                        for t in range(tok_grp)
                    )
                    ws = tuple(
                        w_v[e, pl.ds(base, _LANES)] for e in range(_NEXP)
                    )
                    return tuple(
                        accs[t * _NEXP + e] + xs[t] * ws[e]
                        for t in range(tok_grp)
                        for e in range(_NEXP)
                    )

                accs = lax.fori_loop(
                    0, n_dchunks, d_body,
                    tuple(zero_f for _ in range(tok_grp * _NEXP)),
                )
                for t in range(tok_grp):
                    for e in range(_NEXP):
                        row = e * _CHUNK + tg * tok_grp + t
                        red_b[pl.ds(row * _LANES, _LANES)] = (
                            accs[t * _NEXP + e]
                        )

            lanes16 = lanes_i * _LANES
            logits = []
            for e in range(_NEXP):
                tot = zero_f
                for j in range(_LANES):
                    idxs = lanes16 + (e * _CHUNK * _LANES + j)
                    tot = tot + plsc.load_gather(red_b, [idxs])
                logits.append(tot)

            m1 = logits[0]
            i1 = jnp.zeros((_LANES,), jnp.int32)
            m2 = jnp.full((_LANES,), -jnp.inf, jnp.float32)
            i2 = jnp.zeros((_LANES,), jnp.int32)
            for e in range(1, _NEXP):
                v = logits[e]
                ei = jnp.full((_LANES,), e, jnp.int32)
                gt1 = v > m1
                gt2 = v > m2
                m2 = jnp.where(gt1, m1, jnp.where(gt2, v, m2))
                i2 = jnp.where(gt1, i1, jnp.where(gt2, ei, i2))
                m1 = jnp.where(gt1, v, m1)
                i1 = jnp.where(gt1, ei, i1)

            e21 = jnp.exp(m2 - m1)
            denom = 1.0 + e21
            g1 = 1.0 / denom
            g2 = e21 / denom

            sl = pl.ds(c * _CHUNK, _CHUNK)
            g1_b[sl] = g1
            g2_b[sl] = g2
            i1_b[sl] = i1
            i2_b[sl] = i2
            l1_b[sl] = m1
            l2_b[sl] = m2
            for e in range(_NEXP):
                load_b[e, :] = (
                    load_b[e, :]
                    + jnp.where(i1 == e, g1, 0.0)
                    + jnp.where(i2 == e, g2, 0.0)
                )
            return carry

        lax.fori_loop(0, n_chunks, chunk_body, 0)

        out0 = wid * tpt
        pltpu.sync_copy(g1_b, g1_o.at[pl.ds(out0, tpt)])
        pltpu.sync_copy(g2_b, g2_o.at[pl.ds(out0, tpt)])
        pltpu.sync_copy(i1_b, i1_o.at[pl.ds(out0, tpt)])
        pltpu.sync_copy(i2_b, i2_o.at[pl.ds(out0, tpt)])
        pltpu.sync_copy(l1_b, l1_o.at[pl.ds(out0, tpt)])
        pltpu.sync_copy(l2_b, l2_o.at[pl.ds(out0, tpt)])
        pltpu.sync_copy(load_b, load_o.at[wid])

    return sc_router


@jax.jit
def kernel(x, W):
    b, s, d = x.shape
    n = b * s
    x2 = x.reshape(n, d)
    n_tc = n - _SC_TOKENS

    sg1, sg2, si1, si2, sl1, sl2, load_sc = _make_sc_router(n, _SC_TOKENS)(
        x2, W
    )
    g_t, i_t, tl_t, load_tc = _tc_router(x2, W, n_tc)

    gates = jnp.concatenate(
        [g_t.T, jnp.stack([sg1, sg2], axis=-1)], axis=0
    ).reshape(b, s, 2)
    idx = jnp.concatenate(
        [i_t.T, jnp.stack([si1, si2], axis=-1)], axis=0
    ).reshape(b, s, 2)
    tl = jnp.concatenate(
        [tl_t.T, jnp.stack([sl1, sl2], axis=-1)], axis=0
    ).reshape(b, s, 2)
    load = load_tc[:, 0] + jnp.sum(load_sc, axis=(0, 2))
    return gates, idx, load, tl

# --- scband reference (transcript-rebuilt; emitter-appended) ---
"""Pipeline reference for scband-modality-router-81853486727572 (READ-ONLY COPY).

The authoritative reference and input builder live on the scoring server;
editing this copy changes nothing except your own understanding.
"""

import jax, jax.numpy as jnp
import numpy as np

EMBED_DIM = 768
NUM_EXPERTS = 8
TOP_K = 2

def setup_inputs(seed: int = 0) -> dict:
    key = jax.random.key(seed)
    k1, k2 = jax.random.split(key)
    x = jax.random.normal(k1, (4, 8192, EMBED_DIM), dtype=jnp.float32)
    W = jax.random.normal(k2, (NUM_EXPERTS, EMBED_DIM), dtype=jnp.float32) * 0.02
    return {"x": x, "W": W}

def reference(x, W):
    # gate: Linear(embed_dim -> num_experts, bias=False)
    logits = jnp.einsum('bsd,ed->bse', x, W)
    # jitter noise only applied in training; eval path here
    top_logits, top_indices = jax.lax.top_k(logits, TOP_K)
    gates = jax.nn.softmax(top_logits, axis=-1)
    load = jnp.zeros((NUM_EXPERTS,), dtype=jnp.float32)
    for kk in range(TOP_K):
        load = load.at[top_indices[..., kk].reshape(-1)].add(gates[..., kk].reshape(-1))
    return gates, top_indices, load, top_logits

if __name__ == "__main__":
    import jax
    _d = setup_inputs()
    print(jax.jit(kernel)(*tuple(_d.values())))

</pallas_src>

<mosaic_0001>
#map = affine_map<(d0, d1) -> (0, 0)>
#map1 = affine_map<(d0, d1) -> (0)>
#map2 = affine_map<(d0, d1) -> (0, 0, 0)>
module attributes {stable_mosaic.version = 14 : i64} {
  func.func @sc_router(%arg0: i32, %arg1: i32, %arg2: memref<32768x768xf32, #tpu.memory_space<hbm>>, %arg3: memref<8x768xf32, #tpu.memory_space<hbm>>, %arg4: memref<4096xf32, #tpu.memory_space<hbm>>, %arg5: memref<4096xf32, #tpu.memory_space<hbm>>, %arg6: memref<4096xi32, #tpu.memory_space<hbm>>, %arg7: memref<4096xi32, #tpu.memory_space<hbm>>, %arg8: memref<4096xf32, #tpu.memory_space<hbm>>, %arg9: memref<4096xf32, #tpu.memory_space<hbm>>, %arg10: memref<32x8x16xf32, #tpu.memory_space<hbm>>, %arg11: memref<8x768xf32, #tpu.memory_space<vmem>>, %arg12: memref<16x768xf32, #tpu.memory_space<vmem>>, %arg13: memref<2048xf32, #tpu.memory_space<vmem>>, %arg14: memref<128xf32, #tpu.memory_space<vmem>>, %arg15: memref<128xf32, #tpu.memory_space<vmem>>, %arg16: memref<128xi32, #tpu.memory_space<vmem>>, %arg17: memref<128xi32, #tpu.memory_space<vmem>>, %arg18: memref<128xf32, #tpu.memory_space<vmem>>, %arg19: memref<128xf32, #tpu.memory_space<vmem>>, %arg20: memref<8x16xf32, #tpu.memory_space<vmem>>) attributes {dimension_semantics = [#tpu.dimension_semantics<core_parallel>, #tpu.dimension_semantics<subcore_parallel>], iteration_bounds = array<i64: 2, 16>, scalar_prefetch = 0 : i64, scratch_operands = 10 : i64, tpu.core_type = #tpu.core_type<sc_vector_subcore>, window_params = [{transform_indices = #map}, {transform_indices = #map}, {transform_indices = #map1}, {transform_indices = #map1}, {transform_indices = #map1}, {transform_indices = #map1}, {transform_indices = #map1}, {transform_indices = #map1}, {transform_indices = #map2}]} {
    %mul3A = arith.constant 2 : i32
    %mul3A_0 = arith.muli %arg1, %mul3A : i32
    %add3A = arith.addi %mul3A_0, %arg0 : i32
    %mul3A_1 = arith.constant 128 : i32
    %mul3A_2 = arith.muli %add3A, %mul3A_1 : i32
    %add3A_3 = arith.constant 28672 : i32
    %add3A_4 = arith.addi %add3A_3, %mul3A_2 : i32
    "tpu.region"() ({
      %run_scoped3A = tpu.sem_alloc : memref<!tpu.dma_semaphore, #tpu.memory_space<semaphore_mem>>
      tpu.enqueue_dma source(%arg3 : memref<8x768xf32, #tpu.memory_space<hbm>>) target(%arg11 : memref<8x768xf32, #tpu.memory_space<vmem>>) target_semaphore(%run_scoped3A : memref<!tpu.dma_semaphore, #tpu.memory_space<semaphore_mem>>)
      tpu.wait_dma2 semaphore(%run_scoped3A : memref<!tpu.dma_semaphore, #tpu.memory_space<semaphore_mem>>) src(%arg3 : memref<8x768xf32, #tpu.memory_space<hbm>>) dst(%arg11 : memref<8x768xf32, #tpu.memory_space<vmem>>)
      tpu.yield
    }) : () -> ()
    %iota3A = tpu.iota {dimensions = array<i32: 0>} : vector<16xi32>
    %broadcast_in_dim3A = arith.constant 0.000000e+00 : f32
    %broadcast_in_dim3A_5 = vector.broadcast %broadcast_in_dim3A : f32 to vector<16xf32>
    %scan3A = arith.constant 0 : i32
    %scan3A_6 = arith.constant 0 : i32
    %scan3A_7 = arith.constant 48 : i32
    %scan3A_8 = arith.addi %scan3A_6, %scan3A_7 : i32
    %scan3A_9 = arith.constant 1 : i32
    scf.for %scan3A_92 = %scan3A_6 to %scan3A_8 step %scan3A_9  : i32 {
      %mul3A_93 = arith.constant 16 : i32
      %mul3A_94 = arith.muli %scan3A_92, %mul3A_93 : i32
      %get3A = arith.constant 0 : i32
      %get3A_95 = arith.index_cast %get3A : i32 to index
      %get3A_96 = arith.index_cast %mul3A_94 : i32 to index
      %get3A_97 = tpu.vector_load %arg11[%get3A_95, %get3A_96] {strides = array<i32>} : memref<8x768xf32, #tpu.memory_space<vmem>>, vector<16xf32>,
      %bitcast3A = vector.bitcast %get3A_97 : vector<16xf32> to vector<16xi32>
      %shift_right_logical3A = arith.constant 16 : i32
      %shift_right_logical3A_98 = vector.broadcast %shift_right_logical3A : i32 to vector<16xi32>
      %shift_right_logical3A_99 = arith.shrui %bitcast3A, %shift_right_logical3A_98 : vector<16xi32>
      %and3A = arith.constant 1 : i32
      %and3A_100 = vector.broadcast %and3A : i32 to vector<16xi32>
      %and3A_101 = arith.andi %shift_right_logical3A_99, %and3A_100 : vector<16xi32>
      %add3A_102 = arith.constant 32767 : i32
      %add3A_103 = vector.broadcast %add3A_102 : i32 to vector<16xi32>
      %add3A_104 = arith.addi %bitcast3A, %add3A_103 : vector<16xi32>
      %add3A_105 = arith.addi %add3A_104, %and3A_101 : vector<16xi32>
      %and3A_106 = arith.constant -65536 : i32
      %and3A_107 = vector.broadcast %and3A_106 : i32 to vector<16xi32>
      %and3A_108 = arith.andi %add3A_105, %and3A_107 : vector<16xi32>
      %bitcast3A_109 = vector.bitcast %and3A_108 : vector<16xi32> to vector<16xf32>
      %swap3A_110 = arith.constant 0 : i32
      %swap3A_111 = arith.index_cast %swap3A_110 : i32 to index
      %swap3A_112 = arith.index_cast %mul3A_94 : i32 to index
      %swap3A_113 = tpu.vector_load %arg11[%swap3A_111, %swap3A_112] {strides = array<i32>} : memref<8x768xf32, #tpu.memory_space<vmem>>, vector<16xf32>,
      tpu.vector_store %arg11[%swap3A_111, %swap3A_112], %bitcast3A_109 {strides = array<i32>} : memref<8x768xf32, #tpu.memory_space<vmem>>, vector<16xf32>,
    }
    %scan3A_10 = arith.constant 48 : i32
    %scan3A_11 = arith.constant 0 : i32
    %scan3A_12 = arith.constant 0 : i32
    %scan3A_13 = arith.constant 48 : i32
    %scan3A_14 = arith.addi %scan3A_12, %scan3A_13 : i32
    %scan3A_15 = arith.constant 1 : i32
    scf.for %scan3A_92 = %scan3A_12 to %scan3A_14 step %scan3A_15  : i32 {
      %mul3A_93 = arith.constant 16 : i32
      %mul3A_94 = arith.muli %scan3A_92, %mul3A_93 : i32
      %get3A = arith.constant 1 : i32
      %get3A_95 = arith.index_cast %get3A : i32 to index
      %get3A_96 = arith.index_cast %mul3A_94 : i32 to index
      %get3A_97 = tpu.vector_load %arg11[%get3A_95, %get3A_96] {strides = array<i32>} : memref<8x768xf32, #tpu.memory_space<vmem>>, vector<16xf32>,
      %bitcast3A = vector.bitcast %get3A_97 : vector<16xf32> to vector<16xi32>
      %shift_right_logical3A = arith.constant 16 : i32
      %shift_right_logical3A_98 = vector.broadcast %shift_right_logical3A : i32 to vector<16xi32>
      %shift_right_logical3A_99 = arith.shrui %bitcast3A, %shift_right_logical3A_98 : vector<16xi32>
      %and3A = arith.constant 1 : i32
      %and3A_100 = vector.broadcast %and3A : i32 to vector<16xi32>
      %and3A_101 = arith.andi %shift_right_logical3A_99, %and3A_100 : vector<16xi32>
      %add3A_102 = arith.constant 32767 : i32
      %add3A_103 = vector.broadcast %add3A_102 : i32 to vector<16xi32>
      %add3A_104 = arith.addi %bitcast3A, %add3A_103 : vector<16xi32>
      %add3A_105 = arith.addi %add3A_104, %and3A_101 : vector<16xi32>
      %and3A_106 = arith.constant -65536 : i32
      %and3A_107 = vector.broadcast %and3A_106 : i32 to vector<16xi32>
      %and3A_108 = arith.andi %add3A_105, %and3A_107 : vector<16xi32>
      %bitcast3A_109 = vector.bitcast %and3A_108 : vector<16xi32> to vector<16xf32>
      %swap3A_110 = arith.constant 1 : i32
      %swap3A_111 = arith.index_cast %swap3A_110 : i32 to index
      %swap3A_112 = arith.index_cast %mul3A_94 : i32 to index
      %swap3A_113 = tpu.vector_load %arg11[%swap3A_111, %swap3A_112] {strides = array<i32>} : memref<8x768xf32, #tpu.memory_space<vmem>>, vector<16xf32>,
      tpu.vector_store %arg11[%swap3A_111, %swap3A_112], %bitcast3A_109 {strides = array<i32>} : memref<8x768xf32, #tpu.memory_space<vmem>>, vector<16xf32>,
    }
    %scan3A_16 = arith.constant 48 : i32
    %scan3A_17 = arith.constant 0 : i32
    %scan3A_18 = arith.constant 0 : i32
    %scan3A_19 = arith.constant 48 : i32
    %scan3A_20 = arith.addi %scan3A_18, %scan3A_19 : i32
    %scan3A_21 = arith.constant 1 : i32
    scf.for %scan3A_92 = %scan3A_18 to %scan3A_20 step %scan3A_21  : i32 {
      %mul3A_93 = arith.constant 16 : i32
      %mul3A_94 = arith.muli %scan3A_92, %mul3A_93 : i32
      %get3A = arith.constant 2 : i32
      %get3A_95 = arith.index_cast %get3A : i32 to index
      %get3A_96 = arith.index_cast %mul3A_94 : i32 to index
      %get3A_97 = tpu.vector_load %arg11[%get3A_95, %get3A_96] {strides = array<i32>} : memref<8x768xf32, #tpu.memory_space<vmem>>, vector<16xf32>,
      %bitcast3A = vector.bitcast %get3A_97 : vector<16xf32> to vector<16xi32>
      %shift_right_logical3A = arith.constant 16 : i32
      %shift_right_logical3A_98 = vector.broadcast %shift_right_logical3A : i32 to vector<16xi32>
      %shift_right_logical3A_99 = arith.shrui %bitcast3A, %shift_right_logical3A_98 : vector<16xi32>
      %and3A = arith.constant 1 : i32
      %and3A_100 = vector.broadcast %and3A : i32 to vector<16xi32>
      %and3A_101 = arith.andi %shift_right_logical3A_99, %and3A_100 : vector<16xi32>
      %add3A_102 = arith.constant 32767 : i32
      %add3A_103 = vector.broadcast %add3A_102 : i32 to vector<16xi32>
      %add3A_104 = arith.addi %bitcast3A, %add3A_103 : vector<16xi32>
      %add3A_105 = arith.addi %add3A_104, %and3A_101 : vector<16xi32>
      %and3A_106 = arith.constant -65536 : i32
      %and3A_107 = vector.broadcast %and3A_106 : i32 to vector<16xi32>
      %and3A_108 = arith.andi %add3A_105, %and3A_107 : vector<16xi32>
      %bitcast3A_109 = vector.bitcast %and3A_108 : vector<16xi32> to vector<16xf32>
      %swap3A_110 = arith.constant 2 : i32
      %swap3A_111 = arith.index_cast %swap3A_110 : i32 to index
      %swap3A_112 = arith.index_cast %mul3A_94 : i32 to index
      %swap3A_113 = tpu.vector_load %arg11[%swap3A_111, %swap3A_112] {strides = array<i32>} : memref<8x768xf32, #tpu.memory_space<vmem>>, vector<16xf32>,
      tpu.vector_store %arg11[%swap3A_111, %swap3A_112], %bitcast3A_109 {strides = array<i32>} : memref<8x768xf32, #tpu.memory_space<vmem>>, vector<16xf32>,
    }
    %scan3A_22 = arith.constant 48 : i32
    %scan3A_23 = arith.constant 0 : i32
    %scan3A_24 = arith.constant 0 : i32
    %scan3A_25 = arith.constant 48 : i32
    %scan3A_26 = arith.addi %scan3A_24, %scan3A_25 : i32
    %scan3A_27 = arith.constant 1 : i32
    scf.for %scan3A_92 = %scan3A_24 to %scan3A_26 step %scan3A_27  : i32 {
      %mul3A_93 = arith.constant 16 : i32
      %mul3A_94 = arith.muli %scan3A_92, %mul3A_93 : i32
      %get3A = arith.constant 3 : i32
      %get3A_95 = arith.index_cast %get3A : i32 to index
      %get3A_96 = arith.index_cast %mul3A_94 : i32 to index
      %get3A_97 = tpu.vector_load %arg11[%get3A_95, %get3A_96] {strides = array<i32>} : memref<8x768xf32, #tpu.memory_space<vmem>>, vector<16xf32>,
      %bitcast3A = vector.bitcast %get3A_97 : vector<16xf32> to vector<16xi32>
      %shift_right_logical3A = arith.constant 16 : i32
      %shift_right_logical3A_98 = vector.broadcast %shift_right_logical3A : i32 to vector<16xi32>
      %shift_right_logical3A_99 = arith.shrui %bitcast3A, %shift_right_logical3A_98 : vector<16xi32>
      %and3A = arith.constant 1 : i32
      %and3A_100 = vector.broadcast %and3A : i32 to vector<16xi32>
      %and3A_101 = arith.andi %shift_right_logical3A_99, %and3A_100 : vector<16xi32>
      %add3A_102 = arith.constant 32767 : i32
      %add3A_103 = vector.broadcast %add3A_102 : i32 to vector<16xi32>
      %add3A_104 = arith.addi %bitcast3A, %add3A_103 : vector<16xi32>
      %add3A_105 = arith.addi %add3A_104, %and3A_101 : vector<16xi32>
      %and3A_106 = arith.constant -65536 : i32
      %and3A_107 = vector.broadcast %and3A_106 : i32 to vector<16xi32>
      %and3A_108 = arith.andi %add3A_105, %and3A_107 : vector<16xi32>
      %bitcast3A_109 = vector.bitcast %and3A_108 : vector<16xi32> to vector<16xf32>
      %swap3A_110 = arith.constant 3 : i32
      %swap3A_111 = arith.index_cast %swap3A_110 : i32 to index
      %swap3A_112 = arith.index_cast %mul3A_94 : i32 to index
      %swap3A_113 = tpu.vector_load %arg11[%swap3A_111, %swap3A_112] {strides = array<i32>} : memref<8x768xf32, #tpu.memory_space<vmem>>, vector<16xf32>,
      tpu.vector_store %arg11[%swap3A_111, %swap3A_112], %bitcast3A_109 {strides = array<i32>} : memref<8x768xf32, #tpu.memory_space<vmem>>, vector<16xf32>,
    }
    %scan3A_28 = arith.constant 48 : i32
    %scan3A_29 = arith.constant 0 : i32
    %scan3A_30 = arith.constant 0 : i32
    %scan3A_31 = arith.constant 48 : i32
    %scan3A_32 = arith.addi %scan3A_30, %scan3A_31 : i32
    %scan3A_33 = arith.constant 1 : i32
    scf.for %scan3A_92 = %scan3A_30 to %scan3A_32 step %scan3A_33  : i32 {
      %mul3A_93 = arith.constant 16 : i32
      %mul3A_94 = arith.muli %scan3A_92, %mul3A_93 : i32
      %get3A = arith.constant 4 : i32
      %get3A_95 = arith.index_cast %get3A : i32 to index
      %get3A_96 = arith.index_cast %mul3A_94 : i32 to index
      %get3A_97 = tpu.vector_load %arg11[%get3A_95, %get3A_96] {strides = array<i32>} : memref<8x768xf32, #tpu.memory_space<vmem>>, vector<16xf32>,
      %bitcast3A = vector.bitcast %get3A_97 : vector<16xf32> to vector<16xi32>
      %shift_right_logical3A = arith.constant 16 : i32
      %shift_right_logical3A_98 = vector.broadcast %shift_right_logical3A : i32 to vector<16xi32>
      %shift_right_logical3A_99 = arith.shrui %bitcast3A, %shift_right_logical3A_98 : vector<16xi32>
      %and3A = arith.constant 1 : i32
      %and3A_100 = vector.broadcast %and3A : i32 to vector<16xi32>
      %and3A_101 = arith.andi %shift_right_logical3A_99, %and3A_100 : vector<16xi32>
      %add3A_102 = arith.constant 32767 : i32
      %add3A_103 = vector.broadcast %add3A_102 : i32 to vector<16xi32>
      %add3A_104 = arith.addi %bitcast3A, %add3A_103 : vector<16xi32>
      %add3A_105 = arith.addi %add3A_104, %and3A_101 : vector<16xi32>
      %and3A_106 = arith.constant -65536 : i32
      %and3A_107 = vector.broadcast %and3A_106 : i32 to vector<16xi32>
      %and3A_108 = arith.andi %add3A_105, %and3A_107 : vector<16xi32>
      %bitcast3A_109 = vector.bitcast %and3A_108 : vector<16xi32> to vector<16xf32>
      %swap3A_110 = arith.constant 4 : i32
      %swap3A_111 = arith.index_cast %swap3A_110 : i32 to index
      %swap3A_112 = arith.index_cast %mul3A_94 : i32 to index
      %swap3A_113 = tpu.vector_load %arg11[%swap3A_111, %swap3A_112] {strides = array<i32>} : memref<8x768xf32, #tpu.memory_space<vmem>>, vector<16xf32>,
      tpu.vector_store %arg11[%swap3A_111, %swap3A_112], %bitcast3A_109 {strides = array<i32>} : memref<8x768xf32, #tpu.memory_space<vmem>>, vector<16xf32>,
    }
    %scan3A_34 = arith.constant 48 : i32
    %scan3A_35 = arith.constant 0 : i32
    %scan3A_36 = arith.constant 0 : i32
    %scan3A_37 = arith.constant 48 : i32
    %scan3A_38 = arith.addi %scan3A_36, %scan3A_37 : i32
    %scan3A_39 = arith.constant 1 : i32
    scf.for %scan3A_92 = %scan3A_36 to %scan3A_38 step %scan3A_39  : i32 {
      %mul3A_93 = arith.constant 16 : i32
      %mul3A_94 = arith.muli %scan3A_92, %mul3A_93 : i32
      %get3A = arith.constant 5 : i32
      %get3A_95 = arith.index_cast %get3A : i32 to index
      %get3A_96 = arith.index_cast %mul3A_94 : i32 to index
      %get3A_97 = tpu.vector_load %arg11[%get3A_95, %get3A_96] {strides = array<i32>} : memref<8x768xf32, #tpu.memory_space<vmem>>, vector<16xf32>,
      %bitcast3A = vector.bitcast %get3A_97 : vector<16xf32> to vector<16xi32>
      %shift_right_logical3A = arith.constant 16 : i32
      %shift_right_logical3A_98 = vector.broadcast %shift_right_logical3A : i32 to vector<16xi32>
      %shift_right_logical3A_99 = arith.shrui %bitcast3A, %shift_right_logical3A_98 : vector<16xi32>
      %and3A = arith.constant 1 : i32
      %and3A_100 = vector.broadcast %and3A : i32 to vector<16xi32>
      %and3A_101 = arith.andi %shift_right_logical3A_99, %and3A_100 : vector<16xi32>
      %add3A_102 = arith.constant 32767 : i32
      %add3A_103 = vector.broadcast %add3A_102 : i32 to vector<16xi32>
      %add3A_104 = arith.addi %bitcast3A, %add3A_103 : vector<16xi32>
      %add3A_105 = arith.addi %add3A_104, %and3A_101 : vector<16xi32>
      %and3A_106 = arith.constant -65536 : i32
      %and3A_107 = vector.broadcast %and3A_106 : i32 to vector<16xi32>
      %and3A_108 = arith.andi %add3A_105, %and3A_107 : vector<16xi32>
      %bitcast3A_109 = vector.bitcast %and3A_108 : vector<16xi32> to vector<16xf32>
      %swap3A_110 = arith.constant 5 : i32
      %swap3A_111 = arith.index_cast %swap3A_110 : i32 to index
      %swap3A_112 = arith.index_cast %mul3A_94 : i32 to index
      %swap3A_113 = tpu.vector_load %arg11[%swap3A_111, %swap3A_112] {strides = array<i32>} : memref<8x768xf32, #tpu.memory_space<vmem>>, vector<16xf32>,
      tpu.vector_store %arg11[%swap3A_111, %swap3A_112], %bitcast3A_109 {strides = array<i32>} : memref<8x768xf32, #tpu.memory_space<vmem>>, vector<16xf32>,
    }
    %scan3A_40 = arith.constant 48 : i32
    %scan3A_41 = arith.constant 0 : i32
    %scan3A_42 = arith.constant 0 : i32
    %scan3A_43 = arith.constant 48 : i32
    %scan3A_44 = arith.addi %scan3A_42, %scan3A_43 : i32
    %scan3A_45 = arith.constant 1 : i32
    scf.for %scan3A_92 = %scan3A_42 to %scan3A_44 step %scan3A_45  : i32 {
      %mul3A_93 = arith.constant 16 : i32
      %mul3A_94 = arith.muli %scan3A_92, %mul3A_93 : i32
      %get3A = arith.constant 6 : i32
      %get3A_95 = arith.index_cast %get3A : i32 to index
      %get3A_96 = arith.index_cast %mul3A_94 : i32 to index
      %get3A_97 = tpu.vector_load %arg11[%get3A_95, %get3A_96] {strides = array<i32>} : memref<8x768xf32, #tpu.memory_space<vmem>>, vector<16xf32>,
      %bitcast3A = vector.bitcast %get3A_97 : vector<16xf32> to vector<16xi32>
      %shift_right_logical3A = arith.constant 16 : i32
      %shift_right_logical3A_98 = vector.broadcast %shift_right_logical3A : i32 to vector<16xi32>
      %shift_right_logical3A_99 = arith.shrui %bitcast3A, %shift_right_logical3A_98 : vector<16xi32>
      %and3A = arith.constant 1 : i32
      %and3A_100 = vector.broadcast %and3A : i32 to vector<16xi32>
      %and3A_101 = arith.andi %shift_right_logical3A_99, %and3A_100 : vector<16xi32>
      %add3A_102 = arith.constant 32767 : i32
      %add3A_103 = vector.broadcast %add3A_102 : i32 to vector<16xi32>
      %add3A_104 = arith.addi %bitcast3A, %add3A_103 : vector<16xi32>
      %add3A_105 = arith.addi %add3A_104, %and3A_101 : vector<16xi32>
      %and3A_106 = arith.constant -65536 : i32
      %and3A_107 = vector.broadcast %and3A_106 : i32 to vector<16xi32>
      %and3A_108 = arith.andi %add3A_105, %and3A_107 : vector<16xi32>
      %bitcast3A_109 = vector.bitcast %and3A_108 : vector<16xi32> to vector<16xf32>
      %swap3A_110 = arith.constant 6 : i32
      %swap3A_111 = arith.index_cast %swap3A_110 : i32 to index
      %swap3A_112 = arith.index_cast %mul3A_94 : i32 to index
      %swap3A_113 = tpu.vector_load %arg11[%swap3A_111, %swap3A_112] {strides = array<i32>} : memref<8x768xf32, #tpu.memory_space<vmem>>, vector<16xf32>,
      tpu.vector_store %arg11[%swap3A_111, %swap3A_112], %bitcast3A_109 {strides = array<i32>} : memref<8x768xf32, #tpu.memory_space<vmem>>, vector<16xf32>,
    }
    %scan3A_46 = arith.constant 48 : i32
    %scan3A_47 = arith.constant 0 : i32
    %scan3A_48 = arith.constant 0 : i32
    %scan3A_49 = arith.constant 48 : i32
    %scan3A_50 = arith.addi %scan3A_48, %scan3A_49 : i32
    %scan3A_51 = arith.constant 1 : i32
    scf.for %scan3A_92 = %scan3A_48 to %scan3A_50 step %scan3A_51  : i32 {
      %mul3A_93 = arith.constant 16 : i32
      %mul3A_94 = arith.muli %scan3A_92, %mul3A_93 : i32
      %get3A = arith.constant 7 : i32
      %get3A_95 = arith.index_cast %get3A : i32 to index
      %get3A_96 = arith.index_cast %mul3A_94 : i32 to index
      %get3A_97 = tpu.vector_load %arg11[%get3A_95, %get3A_96] {strides = array<i32>} : memref<8x768xf32, #tpu.memory_space<vmem>>, vector<16xf32>,
      %bitcast3A = vector.bitcast %get3A_97 : vector<16xf32> to vector<16xi32>
      %shift_right_logical3A = arith.constant 16 : i32
      %shift_right_logical3A_98 = vector.broadcast %shift_right_logical3A : i32 to vector<16xi32>
      %shift_right_logical3A_99 = arith.shrui %bitcast3A, %shift_right_logical3A_98 : vector<16xi32>
      %and3A = arith.constant 1 : i32
      %and3A_100 = vector.broadcast %and3A : i32 to vector<16xi32>
      %and3A_101 = arith.andi %shift_right_logical3A_99, %and3A_100 : vector<16xi32>
      %add3A_102 = arith.constant 32767 : i32
      %add3A_103 = vector.broadcast %add3A_102 : i32 to vector<16xi32>
      %add3A_104 = arith.addi %bitcast3A, %add3A_103 : vector<16xi32>
      %add3A_105 = arith.addi %add3A_104, %and3A_101 : vector<16xi32>
      %and3A_106 = arith.constant -65536 : i32
      %and3A_107 = vector.broadcast %and3A_106 : i32 to vector<16xi32>
      %and3A_108 = arith.andi %add3A_105, %and3A_107 : vector<16xi32>
      %bitcast3A_109 = vector.bitcast %and3A_108 : vector<16xi32> to vector<16xf32>
      %swap3A_110 = arith.constant 7 : i32
      %swap3A_111 = arith.index_cast %swap3A_110 : i32 to index
      %swap3A_112 = arith.index_cast %mul3A_94 : i32 to index
      %swap3A_113 = tpu.vector_load %arg11[%swap3A_111, %swap3A_112] {strides = array<i32>} : memref<8x768xf32, #tpu.memory_space<vmem>>, vector<16xf32>,
      tpu.vector_store %arg11[%swap3A_111, %swap3A_112], %bitcast3A_109 {strides = array<i32>} : memref<8x768xf32, #tpu.memory_space<vmem>>, vector<16xf32>,
    }
    %scan3A_52 = arith.constant 48 : i32
    %swap3A = arith.constant 0 : i32
    %swap3A_53 = arith.index_cast %swap3A : i32 to index
    %swap3A_54 = arith.constant 0 : index
    %swap3A_55 = tpu.vector_load %arg20[%swap3A_53, %swap3A_54] {strides = array<i32>} : memref<8x16xf32, #tpu.memory_space<vmem>>, vector<16xf32>,
    tpu.vector_store %arg20[%swap3A_53, %swap3A_54], %broadcast_in_dim3A_5 {strides = array<i32>} : memref<8x16xf32, #tpu.memory_space<vmem>>, vector<16xf32>,
    %swap3A_56 = arith.constant 1 : i32
    %swap3A_57 = arith.index_cast %swap3A_56 : i32 to index
    %swap3A_58 = arith.constant 0 : index
    %swap3A_59 = tpu.vector_load %arg20[%swap3A_57, %swap3A_58] {strides = array<i32>} : memref<8x16xf32, #tpu.memory_space<vmem>>, vector<16xf32>,
    tpu.vector_store %arg20[%swap3A_57, %swap3A_58], %broadcast_in_dim3A_5 {strides = array<i32>} : memref<8x16xf32, #tpu.memory_space<vmem>>, vector<16xf32>,
    %swap3A_60 = arith.constant 2 : i32
    %swap3A_61 = arith.index_cast %swap3A_60 : i32 to index
    %swap3A_62 = arith.constant 0 : index
    %swap3A_63 = tpu.vector_load %arg20[%swap3A_61, %swap3A_62] {strides = array<i32>} : memref<8x16xf32, #tpu.memory_space<vmem>>, vector<16xf32>,
    tpu.vector_store %arg20[%swap3A_61, %swap3A_62], %broadcast_in_dim3A_5 {strides = array<i32>} : memref<8x16xf32, #tpu.memory_space<vmem>>, vector<16xf32>,
    %swap3A_64 = arith.constant 3 : i32
    %swap3A_65 = arith.index_cast %swap3A_64 : i32 to index
    %swap3A_66 = arith.constant 0 : index
    %swap3A_67 = tpu.vector_load %arg20[%swap3A_65, %swap3A_66] {strides = array<i32>} : memref<8x16xf32, #tpu.memory_space<vmem>>, vector<16xf32>,
    tpu.vector_store %arg20[%swap3A_65, %swap3A_66], %broadcast_in_dim3A_5 {strides = array<i32>} : memref<8x16xf32, #tpu.memory_space<vmem>>, vector<16xf32>,
    %swap3A_68 = arith.constant 4 : i32
    %swap3A_69 = arith.index_cast %swap3A_68 : i32 to index
    %swap3A_70 = arith.constant 0 : index
    %swap3A_71 = tpu.vector_load %arg20[%swap3A_69, %swap3A_70] {strides = array<i32>} : memref<8x16xf32, #tpu.memory_space<vmem>>, vector<16xf32>,
    tpu.vector_store %arg20[%swap3A_69, %swap3A_70], %broadcast_in_dim3A_5 {strides = array<i32>} : memref<8x16xf32, #tpu.memory_space<vmem>>, vector<16xf32>,
    %swap3A_72 = arith.constant 5 : i32
    %swap3A_73 = arith.index_cast %swap3A_72 : i32 to index
    %swap3A_74 = arith.constant 0 : index
    %swap3A_75 = tpu.vector_load %arg20[%swap3A_73, %swap3A_74] {strides = array<i32>} : memref<8x16xf32, #tpu.memory_space<vmem>>, vector<16xf32>,
    tpu.vector_store %arg20[%swap3A_73, %swap3A_74], %broadcast_in_dim3A_5 {strides = array<i32>} : memref<8x16xf32, #tpu.memory_space<vmem>>, vector<16xf32>,
    %swap3A_76 = arith.constant 6 : i32
    %swap3A_77 = arith.index_cast %swap3A_76 : i32 to index
    %swap3A_78 = arith.constant 0 : index
    %swap3A_79 = tpu.vector_load %arg20[%swap3A_77, %swap3A_78] {strides = array<i32>} : memref<8x16xf32, #tpu.memory_space<vmem>>, vector<16xf32>,
    tpu.vector_store %arg20[%swap3A_77, %swap3A_78], %broadcast_in_dim3A_5 {strides = array<i32>} : memref<8x16xf32, #tpu.memory_space<vmem>>, vector<16xf32>,
    %swap3A_80 = arith.constant 7 : i32
    %swap3A_81 = arith.index_cast %swap3A_80 : i32 to index
    %swap3A_82 = arith.constant 0 : index
    %swap3A_83 = tpu.vector_load %arg20[%swap3A_81, %swap3A_82] {strides = array<i32>} : memref<8x16xf32, #tpu.memory_space<vmem>>, vector<16xf32>,
    tpu.vector_store %arg20[%swap3A_81, %swap3A_82], %broadcast_in_dim3A_5 {strides = array<i32>} : memref<8x16xf32, #tpu.memory_space<vmem>>, vector<16xf32>,
    %scan3A_84 = arith.constant 0 : i32
    %scan3A_85 = arith.constant 0 : i32
    %scan3A_86 = arith.constant 8 : i32
    %scan3A_87 = arith.addi %scan3A_85, %scan3A_86 : i32
    %scan3A_88 = arith.constant 1 : i32
    scf.for %scan3A_92 = %scan3A_85 to %scan3A_87 step %scan3A_88  : i32 {
      %mul3A_93 = arith.constant 16 : i32
      %mul3A_94 = arith.muli %scan3A_92, %mul3A_93 : i32
      %add3A_95 = arith.addi %add3A_4, %mul3A_94 : i32
      "tpu.region"() ({
        %run_scoped3A = tpu.sem_alloc : memref<!tpu.dma_semaphore, #tpu.memory_space<semaphore_mem>>
        %dma_start3A = arith.constant 0 : i32
        %dma_start3A_1285 = tpu.memref_slice %arg2[%add3A_95, %dma_start3A] : memref<32768x768xf32, #tpu.memory_space<hbm>> -> memref<16x768xf32, #tpu.memory_space<hbm>>
        %dma_start3A_1286 = arith.constant 0 : i32
        %dma_start3A_1287 = tpu.memref_slice %arg2[%add3A_95, %dma_start3A_1286] : memref<32768x768xf32, #tpu.memory_space<hbm>> -> memref<16x768xf32, #tpu.memory_space<hbm>>
        tpu.enqueue_dma source(%dma_start3A_1287 : memref<16x768xf32, #tpu.memory_space<hbm>>) target(%arg12 : memref<16x768xf32, #tpu.memory_space<vmem>>) target_semaphore(%run_scoped3A : memref<!tpu.dma_semaphore, #tpu.memory_space<semaphore_mem>>)
        %dma_wait3A = arith.constant 0 : i32
        %dma_wait3A_1288 = tpu.memref_slice %arg2[%add3A_95, %dma_wait3A] : memref<32768x768xf32, #tpu.memory_space<hbm>> -> memref<16x768xf32, #tpu.memory_space<hbm>>
        %dma_wait3A_1289 = arith.constant 0 : i32
        %dma_wait3A_1290 = tpu.memref_slice %arg2[%add3A_95, %dma_wait3A_1289] : memref<32768x768xf32, #tpu.memory_space<hbm>> -> memref<16x768xf32, #tpu.memory_space<hbm>>
        tpu.wait_dma2 semaphore(%run_scoped3A : memref<!tpu.dma_semaphore, #tpu.memory_space<semaphore_mem>>) src(%dma_wait3A_1290 : memref<16x768xf32, #tpu.memory_space<hbm>>) dst(%arg12 : memref<16x768xf32, #tpu.memory_space<vmem>>)
        tpu.yield
      }) : () -> ()
      %scan3A_96 = arith.constant 0 : i32
      %scan3A_97 = arith.constant 48 : i32
      %scan3A_98 = arith.addi %scan3A_96, %scan3A_97 : i32
      %scan3A_99 = arith.constant 1 : i32
      %scan3A_100:32 = scf.for %scan3A_1285 = %scan3A_96 to %scan3A_98 step %scan3A_99 iter_args(%scan3A_1286 = %broadcast_in_dim3A_5, %scan3A_1287 = %broadcast_in_dim3A_5, %scan3A_1288 = %broadcast_in_dim3A_5, %scan3A_1289 = %broadcast_in_dim3A_5, %scan3A_1290 = %broadcast_in_dim3A_5, %scan3A_1291 = %broadcast_in_dim3A_5, %scan3A_1292 = %broadcast_in_dim3A_5, %scan3A_1293 = %broadcast_in_dim3A_5, %scan3A_1294 = %broadcast_in_dim3A_5, %scan3A_1295 = %broadcast_in_dim3A_5, %scan3A_1296 = %broadcast_in_dim3A_5, %scan3A_1297 = %broadcast_in_dim3A_5, %scan3A_1298 = %broadcast_in_dim3A_5, %scan3A_1299 = %broadcast_in_dim3A_5, %scan3A_1300 = %broadcast_in_dim3A_5, %scan3A_1301 = %broadcast_in_dim3A_5, %scan3A_1302 = %broadcast_in_dim3A_5, %scan3A_1303 = %broadcast_in_dim3A_5, %scan3A_1304 = %broadcast_in_dim3A_5, %scan3A_1305 = %broadcast_in_dim3A_5, %scan3A_1306 = %broadcast_in_dim3A_5, %scan3A_1307 = %broadcast_in_dim3A_5, %scan3A_1308 = %broadcast_in_dim3A_5, %scan3A_1309 = %broadcast_in_dim3A_5, %scan3A_1310 = %broadcast_in_dim3A_5, %scan3A_1311 = %broadcast_in_dim3A_5, %scan3A_1312 = %broadcast_in_dim3A_5, %scan3A_1313 = %broadcast_in_dim3A_5, %scan3A_1314 = %broadcast_in_dim3A_5, %scan3A_1315 = %broadcast_in_dim3A_5, %scan3A_1316 = %broadcast_in_dim3A_5, %scan3A_1317 = %broadcast_in_dim3A_5) -> (vector<16xf32>, vector<16xf32>, vector<16xf32>, vector<16xf32>, vector<16xf32>, vector<16xf32>, vector<16xf32>, vector<16xf32>, vector<16xf32>, vector<16xf32>, vector<16xf32>, vector<16xf32>, vector<16xf32>, vector<16xf32>, vector<16xf32>, vector<16xf32>, vector<16xf32>, vector<16xf32>, vector<16xf32>, vector<16xf32>, vector<16xf32>, vector<16xf32>, vector<16xf32>, vector<16xf32>, vector<16xf32>, vector<16xf32>, vector<16xf32>, vector<16xf32>, vector<16xf32>, vector<16xf32>, vector<16xf32>, vector<16xf32>)  : i32 {
        %mul3A_1318 = arith.constant 16 : i32
        %mul3A_1319 = arith.muli %scan3A_1285, %mul3A_1318 : i32
        %get3A_1320 = arith.constant 0 : i32
        %get3A_1321 = arith.index_cast %get3A_1320 : i32 to index
        %get3A_1322 = arith.index_cast %mul3A_1319 : i32 to index
        %get3A_1323 = tpu.vector_load %arg12[%get3A_1321, %get3A_1322] {strides = array<i32>} : memref<16x768xf32, #tpu.memory_space<vmem>>, vector<16xf32>,
        %bitcast3A = vector.bitcast %get3A_1323 : vector<16xf32> to vector<16xi32>
        %shift_right_logical3A = arith.constant 16 : i32
        %shift_right_logical3A_1324 = vector.broadcast %shift_right_logical3A : i32 to vector<16xi32>
        %shift_right_logical3A_1325 = arith.shrui %bitcast3A, %shift_right_logical3A_1324 : vector<16xi32>
        %and3A = arith.constant 1 : i32
        %and3A_1326 = vector.broadcast %and3A : i32 to vector<16xi32>
        %and3A_1327 = arith.andi %shift_right_logical3A_1325, %and3A_1326 : vector<16xi32>
        %add3A_1328 = arith.constant 32767 : i32
        %add3A_1329 = vector.broadcast %add3A_1328 : i32 to vector<16xi32>
        %add3A_1330 = arith.addi %bitcast3A, %add3A_1329 : vector<16xi32>
        %add3A_1331 = arith.addi %add3A_1330, %and3A_1327 : vector<16xi32>
        %and3A_1332 = arith.constant -65536 : i32
        %and3A_1333 = vector.broadcast %and3A_1332 : i32 to vector<16xi32>
        %and3A_1334 = arith.andi %add3A_1331, %and3A_1333 : vector<16xi32>
        %bitcast3A_1335 = vector.bitcast %and3A_1334 : vector<16xi32> to vector<16xf32>
        %get3A_1336 = arith.constant 1 : i32
        %get3A_1337 = arith.index_cast %get3A_1336 : i32 to index
        %get3A_1338 = arith.index_cast %mul3A_1319 : i32 to index
        %get3A_1339 = tpu.vector_load %arg12[%get3A_1337, %get3A_1338] {strides = array<i32>} : memref<16x768xf32, #tpu.memory_space<vmem>>, vector<16xf32>,
        %bitcast3A_1340 = vector.bitcast %get3A_1339 : vector<16xf32> to vector<16xi32>
        %shift_right_logical3A_1341 = arith.constant 16 : i32
        %shift_right_logical3A_1342 = vector.broadcast %shift_right_logical3A_1341 : i32 to vector<16xi32>
        %shift_right_logical3A_1343 = arith.shrui %bitcast3A_1340, %shift_right_logical3A_1342 : vector<16xi32>
        %and3A_1344 = arith.constant 1 : i32
        %and3A_1345 = vector.broadcast %and3A_1344 : i32 to vector<16xi32>
        %and3A_1346 = arith.andi %shift_right_logical3A_1343, %and3A_1345 : vector<16xi32>
        %add3A_1347 = arith.constant 32767 : i32
        %add3A_1348 = vector.broadcast %add3A_1347 : i32 to vector<16xi32>
        %add3A_1349 = arith.addi %bitcast3A_1340, %add3A_1348 : vector<16xi32>
        %add3A_1350 = arith.addi %add3A_1349, %and3A_1346 : vector<16xi32>
        %and3A_1351 = arith.constant -65536 : i32
        %and3A_1352 = vector.broadcast %and3A_1351 : i32 to vector<16xi32>
        %and3A_1353 = arith.andi %add3A_1350, %and3A_1352 : vector<16xi32>
        %bitcast3A_1354 = vector.bitcast %and3A_1353 : vector<16xi32> to vector<16xf32>
        %get3A_1355 = arith.constant 2 : i32
        %get3A_1356 = arith.index_cast %get3A_1355 : i32 to index
        %get3A_1357 = arith.index_cast %mul3A_1319 : i32 to index
        %get3A_1358 = tpu.vector_load %arg12[%get3A_1356, %get3A_1357] {strides = array<i32>} : memref<16x768xf32, #tpu.memory_space<vmem>>, vector<16xf32>,
        %bitcast3A_1359 = vector.bitcast %get3A_1358 : vector<16xf32> to vector<16xi32>
        %shift_right_logical3A_1360 = arith.constant 16 : i32
        %shift_right_logical3A_1361 = vector.broadcast %shift_right_logical3A_1360 : i32 to vector<16xi32>
        %shift_right_logical3A_1362 = arith.shrui %bitcast3A_1359, %shift_right_logical3A_1361 : vector<16xi32>
        %and3A_1363 = arith.constant 1 : i32
        %and3A_1364 = vector.broadcast %and3A_1363 : i32 to vector<16xi32>
        %and3A_1365 = arith.andi %shift_right_logical3A_1362, %and3A_1364 : vector<16xi32>
        %add3A_1366 = arith.constant 32767 : i32
        %add3A_1367 = vector.broadcast %add3A_1366 : i32 to vector<16xi32>
        %add3A_1368 = arith.addi %bitcast3A_1359, %add3A_1367 : vector<16xi32>
        %add3A_1369 = arith.addi %add3A_1368, %and3A_1365 : vector<16xi32>
        %and3A_1370 = arith.constant -65536 : i32
        %and3A_1371 = vector.broadcast %and3A_1370 : i32 to vector<16xi32>
        %and3A_1372 = arith.andi %add3A_1369, %and3A_1371 : vector<16xi32>
        %bitcast3A_1373 = vector.bitcast %and3A_1372 : vector<16xi32> to vector<16xf32>
        %get3A_1374 = arith.constant 3 : i32
        %get3A_1375 = arith.index_cast %get3A_1374 : i32 to index
        %get3A_1376 = arith.index_cast %mul3A_1319 : i32 to index
        %get3A_1377 = tpu.vector_load %arg12[%get3A_1375, %get3A_1376] {strides = array<i32>} : memref<16x768xf32, #tpu.memory_space<vmem>>, vector<16xf32>,
        %bitcast3A_1378 = vector.bitcast %get3A_1377 : vector<16xf32> to vector<16xi32>
        %shift_right_logical3A_1379 = arith.constant 16 : i32
        %shift_right_logical3A_1380 = vector.broadcast %shift_right_logical3A_1379 : i32 to vector<16xi32>
        %shift_right_logical3A_1381 = arith.shrui %bitcast3A_1378, %shift_right_logical3A_1380 : vector<16xi32>
        %and3A_1382 = arith.constant 1 : i32
        %and3A_1383 = vector.broadcast %and3A_1382 : i32 to vector<16xi32>
        %and3A_1384 = arith.andi %shift_right_logical3A_1381, %and3A_1383 : vector<16xi32>
        %add3A_1385 = arith.constant 32767 : i32
        %add3A_1386 = vector.broadcast %add3A_1385 : i32 to vector<16xi32>
        %add3A_1387 = arith.addi %bitcast3A_1378, %add3A_1386 : vector<16xi32>
        %add3A_1388 = arith.addi %add3A_1387, %and3A_1384 : vector<16xi32>
        %and3A_1389 = arith.constant -65536 : i32
        %and3A_1390 = vector.broadcast %and3A_1389 : i32 to vector<16xi32>
        %and3A_1391 = arith.andi %add3A_1388, %and3A_1390 : vector<16xi32>
        %bitcast3A_1392 = vector.bitcast %and3A_1391 : vector<16xi32> to vector<16xf32>
        %get3A_1393 = arith.constant 0 : i32
        %get3A_1394 = arith.index_cast %get3A_1393 : i32 to index
        %get3A_1395 = arith.index_cast %mul3A_1319 : i32 to index
        %get3A_1396 = tpu.vector_load %arg11[%get3A_1394, %get3A_1395] {strides = array<i32>} : memref<8x768xf32, #tpu.memory_space<vmem>>, vector<16xf32>,
        %get3A_1397 = arith.constant 1 : i32
        %get3A_1398 = arith.index_cast %get3A_1397 : i32 to index
        %get3A_1399 = arith.index_cast %mul3A_1319 : i32 to index
        %get3A_1400 = tpu.vector_load %arg11[%get3A_1398, %get3A_1399] {strides = array<i32>} : memref<8x768xf32, #tpu.memory_space<vmem>>, vector<16xf32>,
        %get3A_1401 = arith.constant 2 : i32
        %get3A_1402 = arith.index_cast %get3A_1401 : i32 to index
        %get3A_1403 = arith.index_cast %mul3A_1319 : i32 to index
        %get3A_1404 = tpu.vector_load %arg11[%get3A_1402, %get3A_1403] {strides = array<i32>} : memref<8x768xf32, #tpu.memory_space<vmem>>, vector<16xf32>,
        %get3A_1405 = arith.constant 3 : i32
        %get3A_1406 = arith.index_cast %get3A_1405 : i32 to index
        %get3A_1407 = arith.index_cast %mul3A_1319 : i32 to index
        %get3A_1408 = tpu.vector_load %arg11[%get3A_1406, %get3A_1407] {strides = array<i32>} : memref<8x768xf32, #tpu.memory_space<vmem>>, vector<16xf32>,
        %get3A_1409 = arith.constant 4 : i32
        %get3A_1410 = arith.index_cast %get3A_1409 : i32 to index
        %get3A_1411 = arith.index_cast %mul3A_1319 : i32 to index
        %get3A_1412 = tpu.vector_load %arg11[%get3A_1410, %get3A_1411] {strides = array<i32>} : memref<8x768xf32, #tpu.memory_space<vmem>>, vector<16xf32>,
        %get3A_1413 = arith.constant 5 : i32
        %get3A_1414 = arith.index_cast %get3A_1413 : i32 to index
        %get3A_1415 = arith.index_cast %mul3A_1319 : i32 to index
        %get3A_1416 = tpu.vector_load %arg11[%get3A_1414, %get3A_1415] {strides = array<i32>} : memref<8x768xf32, #tpu.memory_space<vmem>>, vector<16xf32>,
        %get3A_1417 = arith.constant 6 : i32
        %get3A_1418 = arith.index_cast %get3A_1417 : i32 to index
        %get3A_1419 = arith.index_cast %mul3A_1319 : i32 to index
        %get3A_1420 = tpu.vector_load %arg11[%get3A_1418, %get3A_1419] {strides = array<i32>} : memref<8x768xf32, #tpu.memory_space<vmem>>, vector<16xf32>,
        %get3A_1421 = arith.constant 7 : i32
        %get3A_1422 = arith.index_cast %get3A_1421 : i32 to index
        %get3A_1423 = arith.index_cast %mul3A_1319 : i32 to index
        %get3A_1424 = tpu.vector_load %arg11[%get3A_1422, %get3A_1423] {strides = array<i32>} : memref<8x768xf32, #tpu.memory_space<vmem>>, vector<16xf32>,
        %mul3A_1425 = arith.mulf %bitcast3A_1335, %get3A_1396 : vector<16xf32>
        %add3A_1426 = arith.addf %scan3A_1286, %mul3A_1425 : vector<16xf32>
        %mul3A_1427 = arith.mulf %bitcast3A_1335, %get3A_1400 : vector<16xf32>
        %add3A_1428 = arith.addf %scan3A_1287, %mul3A_1427 : vector<16xf32>
        %mul3A_1429 = arith.mulf %bitcast3A_1335, %get3A_1404 : vector<16xf32>
        %add3A_1430 = arith.addf %scan3A_1288, %mul3A_1429 : vector<16xf32>
        %mul3A_1431 = arith.mulf %bitcast3A_1335, %get3A_1408 : vector<16xf32>
        %add3A_1432 = arith.addf %scan3A_1289, %mul3A_1431 : vector<16xf32>
        %mul3A_1433 = arith.mulf %bitcast3A_1335, %get3A_1412 : vector<16xf32>
        %add3A_1434 = arith.addf %scan3A_1290, %mul3A_1433 : vector<16xf32>
        %mul3A_1435 = arith.mulf %bitcast3A_1335, %get3A_1416 : vector<16xf32>
        %add3A_1436 = arith.addf %scan3A_1291, %mul3A_1435 : vector<16xf32>
        %mul3A_1437 = arith.mulf %bitcast3A_1335, %get3A_1420 : vector<16xf32>
        %add3A_1438 = arith.addf %scan3A_1292, %mul3A_1437 : vector<16xf32>
        %mul3A_1439 = arith.mulf %bitcast3A_1335, %get3A_1424 : vector<16xf32>
        %add3A_1440 = arith.addf %scan3A_1293, %mul3A_1439 : vector<16xf32>
        %mul3A_1441 = arith.mulf %bitcast3A_1354, %get3A_1396 : vector<16xf32>
        %add3A_1442 = arith.addf %scan3A_1294, %mul3A_1441 : vector<16xf32>
        %mul3A_1443 = arith.mulf %bitcast3A_1354, %get3A_1400 : vector<16xf32>
        %add3A_1444 = arith.addf %scan3A_1295, %mul3A_1443 : vector<16xf32>
        %mul3A_1445 = arith.mulf %bitcast3A_1354, %get3A_1404 : vector<16xf32>
        %add3A_1446 = arith.addf %scan3A_1296, %mul3A_1445 : vector<16xf32>
        %mul3A_1447 = arith.mulf %bitcast3A_1354, %get3A_1408 : vector<16xf32>
        %add3A_1448 = arith.addf %scan3A_1297, %mul3A_1447 : vector<16xf32>
        %mul3A_1449 = arith.mulf %bitcast3A_1354, %get3A_1412 : vector<16xf32>
        %add3A_1450 = arith.addf %scan3A_1298, %mul3A_1449 : vector<16xf32>
        %mul3A_1451 = arith.mulf %bitcast3A_1354, %get3A_1416 : vector<16xf32>
        %add3A_1452 = arith.addf %scan3A_1299, %mul3A_1451 : vector<16xf32>
        %mul3A_1453 = arith.mulf %bitcast3A_1354, %get3A_1420 : vector<16xf32>
        %add3A_1454 = arith.addf %scan3A_1300, %mul3A_1453 : vector<16xf32>
        %mul3A_1455 = arith.mulf %bitcast3A_1354, %get3A_1424 : vector<16xf32>
        %add3A_1456 = arith.addf %scan3A_1301, %mul3A_1455 : vector<16xf32>
        %mul3A_1457 = arith.mulf %bitcast3A_1373, %get3A_1396 : vector<16xf32>
        %add3A_1458 = arith.addf %scan3A_1302, %mul3A_1457 : vector<16xf32>
        %mul3A_1459 = arith.mulf %bitcast3A_1373, %get3A_1400 : vector<16xf32>
        %add3A_1460 = arith.addf %scan3A_1303, %mul3A_1459 : vector<16xf32>
        %mul3A_1461 = arith.mulf %bitcast3A_1373, %get3A_1404 : vector<16xf32>
        %add3A_1462 = arith.addf %scan3A_1304, %mul3A_1461 : vector<16xf32>
        %mul3A_1463 = arith.mulf %bitcast3A_1373, %get3A_1408 : vector<16xf32>
        %add3A_1464 = arith.addf %scan3A_1305, %mul3A_1463 : vector<16xf32>
        %mul3A_1465 = arith.mulf %bitcast3A_1373, %get3A_1412 : vector<16xf32>
        %add3A_1466 = arith.addf %scan3A_1306, %mul3A_1465 : vector<16xf32>
        %mul3A_1467 = arith.mulf %bitcast3A_1373, %get3A_1416 : vector<16xf32>
        %add3A_1468 = arith.addf %scan3A_1307, %mul3A_1467 : vector<16xf32>
        %mul3A_1469 = arith.mulf %bitcast3A_1373, %get3A_1420 : vector<16xf32>
        %add3A_1470 = arith.addf %scan3A_1308, %mul3A_1469 : vector<16xf32>
        %mul3A_1471 = arith.mulf %bitcast3A_1373, %get3A_1424 : vector<16xf32>
        %add3A_1472 = arith.addf %scan3A_1309, %mul3A_1471 : vector<16xf32>
        %mul3A_1473 = arith.mulf %bitcast3A_1392, %get3A_1396 : vector<16xf32>
        %add3A_1474 = arith.addf %scan3A_1310, %mul3A_1473 : vector<16xf32>
        %mul3A_1475 = arith.mulf %bitcast3A_1392, %get3A_1400 : vector<16xf32>
        %add3A_1476 = arith.addf %scan3A_1311, %mul3A_1475 : vector<16xf32>
        %mul3A_1477 = arith.mulf %bitcast3A_1392, %get3A_1404 : vector<16xf32>
        %add3A_1478 = arith.addf %scan3A_1312, %mul3A_1477 : vector<16xf32>
        %mul3A_1479 = arith.mulf %bitcast3A_1392, %get3A_1408 : vector<16xf32>
        %add3A_1480 = arith.addf %scan3A_1313, %mul3A_1479 : vector<16xf32>
        %mul3A_1481 = arith.mulf %bitcast3A_1392, %get3A_1412 : vector<16xf32>
        %add3A_1482 = arith.addf %scan3A_1314, %mul3A_1481 : vector<16xf32>
        %mul3A_1483 = arith.mulf %bitcast3A_1392, %get3A_1416 : vector<16xf32>
        %add3A_1484 = arith.addf %scan3A_1315, %mul3A_1483 : vector<16xf32>
        %mul3A_1485 = arith.mulf %bitcast3A_1392, %get3A_1420 : vector<16xf32>
        %add3A_1486 = arith.addf %scan3A_1316, %mul3A_1485 : vector<16xf32>
        %mul3A_1487 = arith.mulf %bitcast3A_1392, %get3A_1424 : vector<16xf32>
        %add3A_1488 = arith.addf %scan3A_1317, %mul3A_1487 : vector<16xf32>
        scf.yield %add3A_1426, %add3A_1428, %add3A_1430, %add3A_1432, %add3A_1434, %add3A_1436, %add3A_1438, %add3A_1440, %add3A_1442, %add3A_1444, %add3A_1446, %add3A_1448, %add3A_1450, %add3A_1452, %add3A_1454, %add3A_1456, %add3A_1458, %add3A_1460, %add3A_1462, %add3A_1464, %add3A_1466, %add3A_1468, %add3A_1470, %add3A_1472, %add3A_1474, %add3A_1476, %add3A_1478, %add3A_1480, %add3A_1482, %add3A_1484, %add3A_1486, %add3A_1488 : vector<16xf32>, vector<16xf32>, vector<16xf32>, vector<16xf32>, vector<16xf32>, vector<16xf32>, vector<16xf32>, vector<16xf32>, vector<16xf32>, vector<16xf32>, vector<16xf32>, vector<16xf32>, vector<16xf32>, vector<16xf32>, vector<16xf32>, vector<16xf32>, vector<16xf32>, vector<16xf32>, vector<16xf32>, vector<16xf32>, vector<16xf32>, vector<16xf32>, vector<16xf32>, vector<16xf32>, vector<16xf32>, vector<16xf32>, vector<16xf32>, vector<16xf32>, vector<16xf32>, vector<16xf32>, vector<16xf32>, vector<16xf32>
      }
      %scan3A_101 = arith.constant 48 : i32
      %swap3A_102 = arith.constant 0 : index
      %swap3A_103 = tpu.vector_load %arg13[%swap3A_102] {strides = array<i32>} : memref<2048xf32, #tpu.memory_space<vmem>>, vector<16xf32>,
      tpu.vector_store %arg13[%swap3A_102], %scan3A_100#0 {strides = array<i32>} : memref<2048xf32, #tpu.memory_space<vmem>>, vector<16xf32>,
      %swap3A_104 = arith.constant 256 : index
      %swap3A_105 = tpu.vector_load %arg13[%swap3A_104] {strides = array<i32>} : memref<2048xf32, #tpu.memory_space<vmem>>, vector<16xf32>,
      tpu.vector_store %arg13[%swap3A_104], %scan3A_100#1 {strides = array<i32>} : memref<2048xf32, #tpu.memory_space<vmem>>, vector<16xf32>,
      %swap3A_106 = arith.constant 512 : index
      %swap3A_107 = tpu.vector_load %arg13[%swap3A_106] {strides = array<i32>} : memref<2048xf32, #tpu.memory_space<vmem>>, vector<16xf32>,
      tpu.vector_store %arg13[%swap3A_106], %scan3A_100#2 {strides = array<i32>} : memref<2048xf32, #tpu.memory_space<vmem>>, vector<16xf32>,
      %swap3A_108 = arith.constant 768 : index
      %swap3A_109 = tpu.vector_load %arg13[%swap3A_108] {strides = array<i32>} : memref<2048xf32, #tpu.memory_space<vmem>>, vector<16xf32>,
      tpu.vector_store %arg13[%swap3A_108], %scan3A_100#3 {strides = array<i32>} : memref<2048xf32, #tpu.memory_space<vmem>>, vector<16xf32>,
      %swap3A_110 = arith.constant 1024 : index
      %swap3A_111 = tpu.vector_load %arg13[%swap3A_110] {strides = array<i32>} : memref<2048xf32, #tpu.memory_space<vmem>>, vector<16xf32>,
      tpu.vector_store %arg13[%swap3A_110], %scan3A_100#4 {strides = array<i32>} : memref<2048xf32, #tpu.memory_space<vmem>>, vector<16xf32>,
      %swap3A_112 = arith.constant 1280 : index
      %swap3A_113 = tpu.vector_load %arg13[%swap3A_112] {strides = array<i32>} : memref<2048xf32, #tpu.memory_space<vmem>>, vector<16xf32>,
      tpu.vector_store %arg13[%swap3A_112], %scan3A_100#5 {strides = array<i32>} : memref<2048xf32, #tpu.memory_space<vmem>>, vector<16xf32>,
      %swap3A_114 = arith.constant 1536 : index
      %swap3A_115 = tpu.vector_load %arg13[%swap3A_114] {strides = array<i32>} : memref<2048xf32, #tpu.memory_space<vmem>>, vector<16xf32>,
      tpu.vector_store %arg13[%swap3A_114], %scan3A_100#6 {strides = array<i32>} : memref<2048xf32, #tpu.memory_space<vmem>>, vector<16xf32>,
      %swap3A_116 = arith.constant 1792 : index
      %swap3A_117 = tpu.vector_load %arg13[%swap3A_116] {strides = array<i32>} : memref<2048xf32, #tpu.memory_space<vmem>>, vector<16xf32>,
      tpu.vector_store %arg13[%swap3A_116], %scan3A_100#7 {strides = array<i32>} : memref<2048xf32, #tpu.memory_space<vmem>>, vector<16xf32>,
      %swap3A_118 = arith.constant 16 : index
      %swap3A_119 = tpu.vector_load %arg13[%swap3A_118] {strides = array<i32>} : memref<2048xf32, #tpu.memory_space<vmem>>, vector<16xf32>,
      tpu.vector_store %arg13[%swap3A_118], %scan3A_100#8 {strides = array<i32>} : memref<2048xf32, #tpu.memory_space<vmem>>, vector<16xf32>,
      %swap3A_120 = arith.constant 272 : index
      %swap3A_121 = tpu.vector_load %arg13[%swap3A_120] {strides = array<i32>} : memref<2048xf32, #tpu.memory_space<vmem>>, vector<16xf32>,
      tpu.vector_store %arg13[%swap3A_120], %scan3A_100#9 {strides = array<i32>} : memref<2048xf32, #tpu.memory_space<vmem>>, vector<16xf32>,
      %swap3A_122 = arith.constant 528 : index
      %swap3A_123 = tpu.vector_load %arg13[%swap3A_122] {strides = array<i32>} : memref<2048xf32, #tpu.memory_space<vmem>>, vector<16xf32>,
      tpu.vector_store %arg13[%swap3A_122], %scan3A_100#10 {strides = array<i32>} : memref<2048xf32, #tpu.memory_space<vmem>>, vector<16xf32>,
      %swap3A_124 = arith.constant 784 : index
      %swap3A_125 = tpu.vector_load %arg13[%swap3A_124] {strides = array<i32>} : memref<2048xf32, #tpu.memory_space<vmem>>, vector<16xf32>,
      tpu.vector_store %arg13[%swap3A_124], %scan3A_100#11 {strides = array<i32>} : memref<2048xf32, #tpu.memory_space<vmem>>, vector<16xf32>,
      %swap3A_126 = arith.constant 1040 : index
      %swap3A_127 = tpu.vector_load %arg13[%swap3A_126] {strides = array<i32>} : memref<2048xf32, #tpu.memory_space<vmem>>, vector<16xf32>,
      tpu.vector_store %arg13[%swap3A_126], %scan3A_100#12 {strides = array<i32>} : memref<2048xf32, #tpu.memory_space<vmem>>, vector<16xf32>,
      %swap3A_128 = arith.constant 1296 : index
      %swap3A_129 = tpu.vector_load %arg13[%swap3A_128] {strides = array<i32>} : memref<2048xf32, #tpu.memory_space<vmem>>, vector<16xf32>,
      tpu.vector_store %arg13[%swap3A_128], %scan3A_100#13 {strides = array<i32>} : memref<2048xf32, #tpu.memory_space<vmem>>, vector<16xf32>,
      %swap3A_130 = arith.constant 1552 : index
      %swap3A_131 = tpu.vector_load %arg13[%swap3A_130] {strides = array<i32>} : memref<2048xf32, #tpu.memory_space<vmem>>, vector<16xf32>,
      tpu.vector_store %arg13[%swap3A_130], %scan3A_100#14 {strides = array<i32>} : memref<2048xf32, #tpu.memory_space<vmem>>, vector<16xf32>,
      %swap3A_132 = arith.constant 1808 : index
      %swap3A_133 = tpu.vector_load %arg13[%swap3A_132] {strides = array<i32>} : memref<2048xf32, #tpu.memory_space<vmem>>, vector<16xf32>,
      tpu.vector_store %arg13[%swap3A_132], %scan3A_100#15 {strides = array<i32>} : memref<2048xf32, #tpu.memory_space<vmem>>, vector<16xf32>,
      %swap3A_134 = arith.constant 32 : index
      %swap3A_135 = tpu.vector_load %arg13[%swap3A_134] {strides = array<i32>} : memref<2048xf32, #tpu.memory_space<vmem>>, vector<16xf32>,
      tpu.vector_store %arg13[%swap3A_134], %scan3A_100#16 {strides = array<i32>} : memref<2048xf32, #tpu.memory_space<vmem>>, vector<16xf32>,
      %swap3A_136 = arith.constant 288 : index
      %swap3A_137 = tpu.vector_load %arg13[%swap3A_136] {strides = array<i32>} : memref<2048xf32, #tpu.memory_space<vmem>>, vector<16xf32>,
      tpu.vector_store %arg13[%swap3A_136], %scan3A_100#17 {strides = array<i32>} : memref<2048xf32, #tpu.memory_space<vmem>>, vector<16xf32>,
      %swap3A_138 = arith.constant 544 : index
      %swap3A_139 = tpu.vector_load %arg13[%swap3A_138] {strides = array<i32>} : memref<2048xf32, #tpu.memory_space<vmem>>, vector<16xf32>,
      tpu.vector_store %arg13[%swap3A_138], %scan3A_100#18 {strides = array<i32>} : memref<2048xf32, #tpu.memory_space<vmem>>, vector<16xf32>,
      %swap3A_140 = arith.constant 800 : index
      %swap3A_141 = tpu.vector_load %arg13[%swap3A_140] {strides = array<i32>} : memref<2048xf32, #tpu.memory_space<vmem>>, vector<16xf32>,
      tpu.vector_store %arg13[%swap3A_140], %scan3A_100#19 {strides = array<i32>} : memref<2048xf32, #tpu.memory_space<vmem>>, vector<16xf32>,
      %swap3A_142 = arith.constant 1056 : index
      %swap3A_143 = tpu.vector_load %arg13[%swap3A_142] {strides = array<i32>} : memref<2048xf32, #tpu.memory_space<vmem>>, vector<16xf32>,
      tpu.vector_store %arg13[%swap3A_142], %scan3A_100#20 {strides = array<i32>} : memref<2048xf32, #tpu.memory_space<vmem>>, vector<16xf32>,
      %swap3A_144 = arith.constant 1312 : index
      %swap3A_145 = tpu.vector_load %arg13[%swap3A_144] {strides = array<i32>} : memref<2048xf32, #tpu.memory_space<vmem>>, vector<16xf32>,
      tpu.vector_store %arg13[%swap3A_144], %scan3A_100#21 {strides = array<i32>} : memref<2048xf32, #tpu.memory_space<vmem>>, vector<16xf32>,
      %swap3A_146 = arith.constant 1568 : index
      %swap3A_147 = tpu.vector_load %arg13[%swap3A_146] {strides = array<i32>} : memref<2048xf32, #tpu.memory_space<vmem>>, vector<16xf32>,
      tpu.vector_store %arg13[%swap3A_146], %scan3A_100#22 {strides = array<i32>} : memref<2048xf32, #tpu.memory_space<vmem>>, vector<16xf32>,
      %swap3A_148 = arith.constant 1824 : index
      %swap3A_149 = tpu.vector_load %arg13[%swap3A_148] {strides = array<i32>} : memref<2048xf32, #tpu.memory_space<vmem>>, vector<16xf32>,
      tpu.vector_store %arg13[%swap3A_148], %scan3A_100#23 {strides = array<i32>} : memref<2048xf32, #tpu.memory_space<vmem>>, vector<16xf32>,
      %swap3A_150 = arith.constant 48 : index
      %swap3A_151 = tpu.vector_load %arg13[%swap3A_150] {strides = array<i32>} : memref<2048xf32, #tpu.memory_space<vmem>>, vector<16xf32>,
      tpu.vector_store %arg13[%swap3A_150], %scan3A_100#24 {strides = array<i32>} : memref<2048xf32, #tpu.memory_space<vmem>>, vector<16xf32>,
      %swap3A_152 = arith.constant 304 : index
      %swap3A_153 = tpu.vector_load %arg13[%swap3A_152] {strides = array<i32>} : memref<2048xf32, #tpu.memory_space<vmem>>, vector<16xf32>,
      tpu.vector_store %arg13[%swap3A_152], %scan3A_100#25 {strides = array<i32>} : memref<2048xf32, #tpu.memory_space<vmem>>, vector<16xf32>,
      %swap3A_154 = arith.constant 560 : index
      %swap3A_155 = tpu.vector_load %arg13[%swap3A_154] {strides = array<i32>} : memref<2048xf32, #tpu.memory_space<vmem>>, vector<16xf32>,
      tpu.vector_store %arg13[%swap3A_154], %scan3A_100#26 {strides = array<i32>} : memref<2048xf32, #tpu.memory_space<vmem>>, vector<16xf32>,
      %swap3A_156 = arith.constant 816 : index
      %swap3A_157 = tpu.vector_load %arg13[%swap3A_156] {strides = array<i32>} : memref<2048xf32, #tpu.memory_space<vmem>>, vector<16xf32>,
      tpu.vector_store %arg13[%swap3A_156], %scan3A_100#27 {strides = array<i32>} : memref<2048xf32, #tpu.memory_space<vmem>>, vector<16xf32>,
      %swap3A_158 = arith.constant 1072 : index
      %swap3A_159 = tpu.vector_load %arg13[%swap3A_158] {strides = array<i32>} : memref<2048xf32, #tpu.memory_space<vmem>>, vector<16xf32>,
      tpu.vector_store %arg13[%swap3A_158], %scan3A_100#28 {strides = array<i32>} : memref<2048xf32, #tpu.memory_space<vmem>>, vector<16xf32>,
      %swap3A_160 = arith.constant 1328 : index
      %swap3A_161 = tpu.vector_load %arg13[%swap3A_160] {strides = array<i32>} : memref<2048xf32, #tpu.memory_space<vmem>>, vector<16xf32>,
      tpu.vector_store %arg13[%swap3A_160], %scan3A_100#29 {strides = array<i32>} : memref<2048xf32, #tpu.memory_space<vmem>>, vector<16xf32>,
      %swap3A_162 = arith.constant 1584 : index
      %swap3A_163 = tpu.vector_load %arg13[%swap3A_162] {strides = array<i32>} : memref<2048xf32, #tpu.memory_space<vmem>>, vector<16xf32>,
      tpu.vector_store %arg13[%swap3A_162], %scan3A_100#30 {strides = array<i32>} : memref<2048xf32, #tpu.memory_space<vmem>>, vector<16xf32>,
      %swap3A_164 = arith.constant 1840 : index
      %swap3A_165 = tpu.vector_load %arg13[%swap3A_164] {strides = array<i32>} : memref<2048xf32, #tpu.memory_space<vmem>>, vector<16xf32>,
      tpu.vector_store %arg13[%swap3A_164], %scan3A_100#31 {strides = array<i32>} : memref<2048xf32, #tpu.memory_space<vmem>>, vector<16xf32>,
      %scan3A_166 = arith.constant 0 : i32
      %scan3A_167 = arith.constant 48 : i32
      %scan3A_168 = arith.addi %scan3A_166, %scan3A_167 : i32
      %scan3A_169 = arith.constant 1 : i32
      %scan3A_170:32 = scf.for %scan3A_1285 = %scan3A_166 to %scan3A_168 step %scan3A_169 iter_args(%scan3A_1286 = %broadcast_in_dim3A_5, %scan3A_1287 = %broadcast_in_dim3A_5, %scan3A_1288 = %broadcast_in_dim3A_5, %scan3A_1289 = %broadcast_in_dim3A_5, %scan3A_1290 = %broadcast_in_dim3A_5, %scan3A_1291 = %broadcast_in_dim3A_5, %scan3A_1292 = %broadcast_in_dim3A_5, %scan3A_1293 = %broadcast_in_dim3A_5, %scan3A_1294 = %broadcast_in_dim3A_5, %scan3A_1295 = %broadcast_in_dim3A_5, %scan3A_1296 = %broadcast_in_dim3A_5, %scan3A_1297 = %broadcast_in_dim3A_5, %scan3A_1298 = %broadcast_in_dim3A_5, %scan3A_1299 = %broadcast_in_dim3A_5, %scan3A_1300 = %broadcast_in_dim3A_5, %scan3A_1301 = %broadcast_in_dim3A_5, %scan3A_1302 = %broadcast_in_dim3A_5, %scan3A_1303 = %broadcast_in_dim3A_5, %scan3A_1304 = %broadcast_in_dim3A_5, %scan3A_1305 = %broadcast_in_dim3A_5, %scan3A_1306 = %broadcast_in_dim3A_5, %scan3A_1307 = %broadcast_in_dim3A_5, %scan3A_1308 = %broadcast_in_dim3A_5, %scan3A_1309 = %broadcast_in_dim3A_5, %scan3A_1310 = %broadcast_in_dim3A_5, %scan3A_1311 = %broadcast_in_dim3A_5, %scan3A_1312 = %broadcast_in_dim3A_5, %scan3A_1313 = %broadcast_in_dim3A_5, %scan3A_1314 = %broadcast_in_dim3A_5, %scan3A_1315 = %broadcast_in_dim3A_5, %scan3A_1316 = %broadcast_in_dim3A_5, %scan3A_1317 = %broadcast_in_dim3A_5) -> (vector<16xf32>, vector<16xf32>, vector<16xf32>, vector<16xf32>, vector<16xf32>, vector<16xf32>, vector<16xf32>, vector<16xf32>, vector<16xf32>, vector<16xf32>, vector<16xf32>, vector<16xf32>, vector<16xf32>, vector<16xf32>, vector<16xf32>, vector<16xf32>, vector<16xf32>, vector<16xf32>, vector<16xf32>, vector<16xf32>, vector<16xf32>, vector<16xf32>, vector<16xf32>, vector<16xf32>, vector<16xf32>, vector<16xf32>, vector<16xf32>, vector<16xf32>, vector<16xf32>, vector<16xf32>, vector<16xf32>, vector<16xf32>)  : i32 {
        %mul3A_1318 = arith.constant 16 : i32
        %mul3A_1319 = arith.muli %scan3A_1285, %mul3A_1318 : i32
        %get3A_1320 = arith.constant 4 : i32
        %get3A_1321 = arith.index_cast %get3A_1320 : i32 to index
        %get3A_1322 = arith.index_cast %mul3A_1319 : i32 to index
        %get3A_1323 = tpu.vector_load %arg12[%get3A_1321, %get3A_1322] {strides = array<i32>} : memref<16x768xf32, #tpu.memory_space<vmem>>, vector<16xf32>,
        %bitcast3A = vector.bitcast %get3A_1323 : vector<16xf32> to vector<16xi32>
        %shift_right_logical3A = arith.constant 16 : i32
        %shift_right_logical3A_1324 = vector.broadcast %shift_right_logical3A : i32 to vector<16xi32>
        %shift_right_logical3A_1325 = arith.shrui %bitcast3A, %shift_right_logical3A_1324 : vector<16xi32>
        %and3A = arith.constant 1 : i32
        %and3A_1326 = vector.broadcast %and3A : i32 to vector<16xi32>
        %and3A_1327 = arith.andi %shift_right_logical3A_1325, %and3A_1326 : vector<16xi32>
        %add3A_1328 = arith.constant 32767 : i32
        %add3A_1329 = vector.broadcast %add3A_1328 : i32 to vector<16xi32>
        %add3A_1330 = arith.addi %bitcast3A, %add3A_1329 : vector<16xi32>
        %add3A_1331 = arith.addi %add3A_1330, %and3A_1327 : vector<16xi32>
        %and3A_1332 = arith.constant -65536 : i32
        %and3A_1333 = vector.broadcast %and3A_1332 : i32 to vector<16xi32>
        %and3A_1334 = arith.andi %add3A_1331, %and3A_1333 : vector<16xi32>
        %bitcast3A_1335 = vector.bitcast %and3A_1334 : vector<16xi32> to vector<16xf32>
        %get3A_1336 = arith.constant 5 : i32
        %get3A_1337 = arith.index_cast %get3A_1336 : i32 to index
        %get3A_1338 = arith.index_cast %mul3A_1319 : i32 to index
        %get3A_1339 = tpu.vector_load %arg12[%get3A_1337, %get3A_1338] {strides = array<i32>} : memref<16x768xf32, #tpu.memory_space<vmem>>, vector<16xf32>,
        %bitcast3A_1340 = vector.bitcast %get3A_1339 : vector<16xf32> to vector<16xi32>
        %shift_right_logical3A_1341 = arith.constant 16 : i32
        %shift_right_logical3A_1342 = vector.broadcast %shift_right_logical3A_1341 : i32 to vector<16xi32>
        %shift_right_logical3A_1343 = arith.shrui %bitcast3A_1340, %shift_right_logical3A_1342 : vector<16xi32>
        %and3A_1344 = arith.constant 1 : i32
        %and3A_1345 = vector.broadcast %and3A_1344 : i32 to vector<16xi32>
        %and3A_1346 = arith.andi %shift_right_logical3A_1343, %and3A_1345 : vector<16xi32>
        %add3A_1347 = arith.constant 32767 : i32
        %add3A_1348 = vector.broadcast %add3A_1347 : i32 to vector<16xi32>
        %add3A_1349 = arith.addi %bitcast3A_1340, %add3A_1348 : vector<16xi32>
        %add3A_1350 = arith.addi %add3A_1349, %and3A_1346 : vector<16xi32>
        %and3A_1351 = arith.constant -65536 : i32
        %and3A_1352 = vector.broadcast %and3A_1351 : i32 to vector<16xi32>
        %and3A_1353 = arith.andi %add3A_1350, %and3A_1352 : vector<16xi32>
        %bitcast3A_1354 = vector.bitcast %and3A_1353 : vector<16xi32> to vector<16xf32>
        %get3A_1355 = arith.constant 6 : i32
        %get3A_1356 = arith.index_cast %get3A_1355 : i32 to index
        %get3A_1357 = arith.index_cast %mul3A_1319 : i32 to index
        %get3A_1358 = tpu.vector_load %arg12[%get3A_1356, %get3A_1357] {strides = array<i32>} : memref<16x768xf32, #tpu.memory_space<vmem>>, vector<16xf32>,
        %bitcast3A_1359 = vector.bitcast %get3A_1358 : vector<16xf32> to vector<16xi32>
        %shift_right_logical3A_1360 = arith.constant 16 : i32
        %shift_right_logical3A_1361 = vector.broadcast %shift_right_logical3A_1360 : i32 to vector<16xi32>
        %shift_right_logical3A_1362 = arith.shrui %bitcast3A_1359, %shift_right_logical3A_1361 : vector<16xi32>
        %and3A_1363 = arith.constant 1 : i32
        %and3A_1364 = vector.broadcast %and3A_1363 : i32 to vector<16xi32>
        %and3A_1365 = arith.andi %shift_right_logical3A_1362, %and3A_1364 : vector<16xi32>
        %add3A_1366 = arith.constant 32767 : i32
        %add3A_1367 = vector.broadcast %add3A_1366 : i32 to vector<16xi32>
        %add3A_1368 = arith.addi %bitcast3A_1359, %add3A_1367 : vector<16xi32>
        %add3A_1369 = arith.addi %add3A_1368, %and3A_1365 : vector<16xi32>
        %and3A_1370 = arith.constant -65536 : i32
        %and3A_1371 = vector.broadcast %and3A_1370 : i32 to vector<16xi32>
        %and3A_1372 = arith.andi %add3A_1369, %and3A_1371 : vector<16xi32>
        %bitcast3A_1373 = vector.bitcast %and3A_1372 : vector<16xi32> to vector<16xf32>
        %get3A_1374 = arith.constant 7 : i32
        %get3A_1375 = arith.index_cast %get3A_1374 : i32 to index
        %get3A_1376 = arith.index_cast %mul3A_1319 : i32 to index
        %get3A_1377 = tpu.vector_load %arg12[%get3A_1375, %get3A_1376] {strides = array<i32>} : memref<16x768xf32, #tpu.memory_space<vmem>>, vector<16xf32>,
        %bitcast3A_1378 = vector.bitcast %get3A_1377 : vector<16xf32> to vector<16xi32>
        %shift_right_logical3A_1379 = arith.constant 16 : i32
        %shift_right_logical3A_1380 = vector.broadcast %shift_right_logical3A_1379 : i32 to vector<16xi32>
        %shift_right_logical3A_1381 = arith.shrui %bitcast3A_1378, %shift_right_logical3A_1380 : vector<16xi32>
        %and3A_1382 = arith.constant 1 : i32
        %and3A_1383 = vector.broadcast %and3A_1382 : i32 to vector<16xi32>
        %and3A_1384 = arith.andi %shift_right_logical3A_1381, %and3A_1383 : vector<16xi32>
        %add3A_1385 = arith.constant 32767 : i32
        %add3A_1386 = vector.broadcast %add3A_1385 : i32 to vector<16xi32>
        %add3A_1387 = arith.addi %bitcast3A_1378, %add3A_1386 : vector<16xi32>
        %add3A_1388 = arith.addi %add3A_1387, %and3A_1384 : vector<16xi32>
        %and3A_1389 = arith.constant -65536 : i32
        %and3A_1390 = vector.broadcast %and3A_1389 : i32 to vector<16xi32>
        %and3A_1391 = arith.andi %add3A_1388, %and3A_1390 : vector<16xi32>
        %bitcast3A_1392 = vector.bitcast %and3A_1391 : vector<16xi32> to vector<16xf32>
        %get3A_1393 = arith.constant 0 : i32
        %get3A_1394 = arith.index_cast %get3A_1393 : i32 to index
        %get3A_1395 = arith.index_cast %mul3A_1319 : i32 to index
        %get3A_1396 = tpu.vector_load %arg11[%get3A_1394, %get3A_1395] {strides = array<i32>} : memref<8x768xf32, #tpu.memory_space<vmem>>, vector<16xf32>,
        %get3A_1397 = arith.constant 1 : i32
        %get3A_1398 = arith.index_cast %get3A_1397 : i32 to index
        %get3A_1399 = arith.index_cast %mul3A_1319 : i32 to index
        %get3A_1400 = tpu.vector_load %arg11[%get3A_1398, %get3A_1399] {strides = array<i32>} : memref<8x768xf32, #tpu.memory_space<vmem>>, vector<16xf32>,
        %get3A_1401 = arith.constant 2 : i32
        %get3A_1402 = arith.index_cast %get3A_1401 : i32 to index
        %get3A_1403 = arith.index_cast %mul3A_1319 : i32 to index
        %get3A_1404 = tpu.vector_load %arg11[%get3A_1402, %get3A_1403] {strides = array<i32>} : memref<8x768xf32, #tpu.memory_space<vmem>>, vector<16xf32>,
        %get3A_1405 = arith.constant 3 : i32
        %get3A_1406 = arith.index_cast %get3A_1405 : i32 to index
        %get3A_1407 = arith.index_cast %mul3A_1319 : i32 to index
        %get3A_1408 = tpu.vector_load %arg11[%get3A_1406, %get3A_1407] {strides = array<i32>} : memref<8x768xf32, #tpu.memory_space<vmem>>, vector<16xf32>,
        %get3A_1409 = arith.constant 4 : i32
        %get3A_1410 = arith.index_cast %get3A_1409 : i32 to index
        %get3A_1411 = arith.index_cast %mul3A_1319 : i32 to index
        %get3A_1412 = tpu.vector_load %arg11[%get3A_1410, %get3A_1411] {strides = array<i32>} : memref<8x768xf32, #tpu.memory_space<vmem>>, vector<16xf32>,
        %get3A_1413 = arith.constant 5 : i32
        %get3A_1414 = arith.index_cast %get3A_1413 : i32 to index
        %get3A_1415 = arith.index_cast %mul3A_1319 : i32 to index
        %get3A_1416 = tpu.vector_load %arg11[%get3A_1414, %get3A_1415] {strides = array<i32>} : memref<8x768xf32, #tpu.memory_space<vmem>>, vector<16xf32>,
        %get3A_1417 = arith.constant 6 : i32
        %get3A_1418 = arith.index_cast %get3A_1417 : i32 to index
        %get3A_1419 = arith.index_cast %mul3A_1319 : i32 to index
        %get3A_1420 = tpu.vector_load %arg11[%get3A_1418, %get3A_1419] {strides = array<i32>} : memref<8x768xf32, #tpu.memory_space<vmem>>, vector<16xf32>,
        %get3A_1421 = arith.constant 7 : i32
        %get3A_1422 = arith.index_cast %get3A_1421 : i32 to index
        %get3A_1423 = arith.index_cast %mul3A_1319 : i32 to index
        %get3A_1424 = tpu.vector_load %arg11[%get3A_1422, %get3A_1423] {strides = array<i32>} : memref<8x768xf32, #tpu.memory_space<vmem>>, vector<16xf32>,
        %mul3A_1425 = arith.mulf %bitcast3A_1335, %get3A_1396 : vector<16xf32>
        %add3A_1426 = arith.addf %scan3A_1286, %mul3A_1425 : vector<16xf32>
        %mul3A_1427 = arith.mulf %bitcast3A_1335, %get3A_1400 : vector<16xf32>
        %add3A_1428 = arith.addf %scan3A_1287, %mul3A_1427 : vector<16xf32>
        %mul3A_1429 = arith.mulf %bitcast3A_1335, %get3A_1404 : vector<16xf32>
        %add3A_1430 = arith.addf %scan3A_1288, %mul3A_1429 : vector<16xf32>
        %mul3A_1431 = arith.mulf %bitcast3A_1335, %get3A_1408 : vector<16xf32>
        %add3A_1432 = arith.addf %scan3A_1289, %mul3A_1431 : vector<16xf32>
        %mul3A_1433 = arith.mulf %bitcast3A_1335, %get3A_1412 : vector<16xf32>
        %add3A_1434 = arith.addf %scan3A_1290, %mul3A_1433 : vector<16xf32>
        %mul3A_1435 = arith.mulf %bitcast3A_1335, %get3A_1416 : vector<16xf32>
        %add3A_1436 = arith.addf %scan3A_1291, %mul3A_1435 : vector<16xf32>
        %mul3A_1437 = arith.mulf %bitcast3A_1335, %get3A_1420 : vector<16xf32>
        %add3A_1438 = arith.addf %scan3A_1292, %mul3A_1437 : vector<16xf32>
        %mul3A_1439 = arith.mulf %bitcast3A_1335, %get3A_1424 : vector<16xf32>
        %add3A_1440 = arith.addf %scan3A_1293, %mul3A_1439 : vector<16xf32>
        %mul3A_1441 = arith.mulf %bitcast3A_1354, %get3A_1396 : vector<16xf32>
        %add3A_1442 = arith.addf %scan3A_1294, %mul3A_1441 : vector<16xf32>
        %mul3A_1443 = arith.mulf %bitcast3A_1354, %get3A_1400 : vector<16xf32>
        %add3A_1444 = arith.addf %scan3A_1295, %mul3A_1443 : vector<16xf32>
        %mul3A_1445 = arith.mulf %bitcast3A_1354, %get3A_1404 : vector<16xf32>
        %add3A_1446 = arith.addf %scan3A_1296, %mul3A_1445 : vector<16xf32>
        %mul3A_1447 = arith.mulf %bitcast3A_1354, %get3A_1408 : vector<16xf32>
        %add3A_1448 = arith.addf %scan3A_1297, %mul3A_1447 : vector<16xf32>
        %mul3A_1449 = arith.mulf %bitcast3A_1354, %get3A_1412 : vector<16xf32>
        %add3A_1450 = arith.addf %scan3A_1298, %mul3A_1449 : vector<16xf32>
        %mul3A_1451 = arith.mulf %bitcast3A_1354, %get3A_1416 : vector<16xf32>
        %add3A_1452 = arith.addf %scan3A_1299, %mul3A_1451 : vector<16xf32>
        %mul3A_1453 = arith.mulf %bitcast3A_1354, %get3A_1420 : vector<16xf32>
        %add3A_1454 = arith.addf %scan3A_1300, %mul3A_1453 : vector<16xf32>
        %mul3A_1455 = arith.mulf %bitcast3A_1354, %get3A_1424 : vector<16xf32>
        %add3A_1456 = arith.addf %scan3A_1301, %mul3A_1455 : vector<16xf32>
        %mul3A_1457 = arith.mulf %bitcast3A_1373, %get3A_1396 : vector<16xf32>
        %add3A_1458 = arith.addf %scan3A_1302, %mul3A_1457 : vector<16xf32>
        %mul3A_1459 = arith.mulf %bitcast3A_1373, %get3A_1400 : vector<16xf32>
        %add3A_1460 = arith.addf %scan3A_1303, %mul3A_1459 : vector<16xf32>
        %mul3A_1461 = arith.mulf %bitcast3A_1373, %get3A_1404 : vector<16xf32>
        %add3A_1462 = arith.addf %scan3A_1304, %mul3A_1461 : vector<16xf32>
        %mul3A_1463 = arith.mulf %bitcast3A_1373, %get3A_1408 : vector<16xf32>
        %add3A_1464 = arith.addf %scan3A_1305, %mul3A_1463 : vector<16xf32>
        %mul3A_1465 = arith.mulf %bitcast3A_1373, %get3A_1412 : vector<16xf32>
        %add3A_1466 = arith.addf %scan3A_1306, %mul3A_1465 : vector<16xf32>
        %mul3A_1467 = arith.mulf %bitcast3A_1373, %get3A_1416 : vector<16xf32>
        %add3A_1468 = arith.addf %scan3A_1307, %mul3A_1467 : vector<16xf32>
        %mul3A_1469 = arith.mulf %bitcast3A_1373, %get3A_1420 : vector<16xf32>
        %add3A_1470 = arith.addf %scan3A_1308, %mul3A_1469 : vector<16xf32>
        %mul3A_1471 = arith.mulf %bitcast3A_1373, %get3A_1424 : vector<16xf32>
        %add3A_1472 = arith.addf %scan3A_1309, %mul3A_1471 : vector<16xf32>
        %mul3A_1473 = arith.mulf %bitcast3A_1392, %get3A_1396 : vector<16xf32>
        %add3A_1474 = arith.addf %scan3A_1310, %mul3A_1473 : vector<16xf32>
        %mul3A_1475 = arith.mulf %bitcast3A_1392, %get3A_1400 : vector<16xf32>
        %add3A_1476 = arith.addf %scan3A_1311, %mul3A_1475 : vector<16xf32>
        %mul3A_1477 = arith.mulf %bitcast3A_1392, %get3A_1404 : vector<16xf32>
        %add3A_1478 = arith.addf %scan3A_1312, %mul3A_1477 : vector<16xf32>
        %mul3A_1479 = arith.mulf %bitcast3A_1392, %get3A_1408 : vector<16xf32>
        %add3A_1480 = arith.addf %scan3A_1313, %mul3A_1479 : vector<16xf32>
        %mul3A_1481 = arith.mulf %bitcast3A_1392, %get3A_1412 : vector<16xf32>
        %add3A_1482 = arith.addf %scan3A_1314, %mul3A_1481 : vector<16xf32>
        %mul3A_1483 = arith.mulf %bitcast3A_1392, %get3A_1416 : vector<16xf32>
        %add3A_1484 = arith.addf %scan3A_1315, %mul3A_1483 : vector<16xf32>
        %mul3A_1485 = arith.mulf %bitcast3A_1392, %get3A_1420 : vector<16xf32>
        %add3A_1486 = arith.addf %scan3A_1316, %mul3A_1485 : vector<16xf32>
        %mul3A_1487 = arith.mulf %bitcast3A_1392, %get3A_1424 : vector<16xf32>
        %add3A_1488 = arith.addf %scan3A_1317, %mul3A_1487 : vector<16xf32>
        scf.yield %add3A_1426, %add3A_1428, %add3A_1430, %add3A_1432, %add3A_1434, %add3A_1436, %add3A_1438, %add3A_1440, %add3A_1442, %add3A_1444, %add3A_1446, %add3A_1448, %add3A_1450, %add3A_1452, %add3A_1454, %add3A_1456, %add3A_1458, %add3A_1460, %add3A_1462, %add3A_1464, %add3A_1466, %add3A_1468, %add3A_1470, %add3A_1472, %add3A_1474, %add3A_1476, %add3A_1478, %add3A_1480, %add3A_1482, %add3A_1484, %add3A_1486, %add3A_1488 : vector<16xf32>, vector<16xf32>, vector<16xf32>, vector<16xf32>, vector<16xf32>, vector<16xf32>, vector<16xf32>, vector<16xf32>, vector<16xf32>, vector<16xf32>, vector<16xf32>, vector<16xf32>, vector<16xf32>, vector<16xf32>, vector<16xf32>, vector<16xf32>, vector<16xf32>, vector<16xf32>, vector<16xf32>, vector<16xf32>, vector<16xf32>, vector<16xf32>, vector<16xf32>, vector<16xf32>, vector<16xf32>, vector<16xf32>, vector<16xf32>, vector<16xf32>, vector<16xf32>, vector<16xf32>, vector<16xf32>, vector<16xf32>
      }
      %scan3A_171 = arith.constant 48 : i32
      %swap3A_172 = arith.constant 64 : index
      %swap3A_173 = tpu.vector_load %arg13[%swap3A_172] {strides = array<i32>} : memref<2048xf32, #tpu.memory_space<vmem>>, vector<16xf32>,
      tpu.vector_store %arg13[%swap3A_172], %scan3A_170#0 {strides = array<i32>} : memref<2048xf32, #tpu.memory_space<vmem>>, vector<16xf32>,
      %swap3A_174 = arith.constant 320 : index
      %swap3A_175 = tpu.vector_load %arg13[%swap3A_174] {strides = array<i32>} : memref<2048xf32, #tpu.memory_space<vmem>>, vector<16xf32>,
      tpu.vector_store %arg13[%swap3A_174], %scan3A_170#1 {strides = array<i32>} : memref<2048xf32, #tpu.memory_space<vmem>>, vector<16xf32>,
      %swap3A_176 = arith.constant 576 : index
      %swap3A_177 = tpu.vector_load %arg13[%swap3A_176] {strides = array<i32>} : memref<2048xf32, #tpu.memory_space<vmem>>, vector<16xf32>,
      tpu.vector_store %arg13[%swap3A_176], %scan3A_170#2 {strides = array<i32>} : memref<2048xf32, #tpu.memory_space<vmem>>, vector<16xf32>,
      %swap3A_178 = arith.constant 832 : index
      %swap3A_179 = tpu.vector_load %arg13[%swap3A_178] {strides = array<i32>} : memref<2048xf32, #tpu.memory_space<vmem>>, vector<16xf32>,
      tpu.vector_store %arg13[%swap3A_178], %scan3A_170#3 {strides = array<i32>} : memref<2048xf32, #tpu.memory_space<vmem>>, vector<16xf32>,
      %swap3A_180 = arith.constant 1088 : index
      %swap3A_181 = tpu.vector_load %arg13[%swap3A_180] {strides = array<i32>} : memref<2048xf32, #tpu.memory_space<vmem>>, vector<16xf32>,
      tpu.vector_store %arg13[%swap3A_180], %scan3A_170#4 {strides = array<i32>} : memref<2048xf32, #tpu.memory_space<vmem>>, vector<16xf32>,
      %swap3A_182 = arith.constant 1344 : index
      %swap3A_183 = tpu.vector_load %arg13[%swap3A_182] {strides = array<i32>} : memref<2048xf32, #tpu.memory_space<vmem>>, vector<16xf32>,
      tpu.vector_store %arg13[%swap3A_182], %scan3A_170#5 {strides = array<i32>} : memref<2048xf32, #tpu.memory_space<vmem>>, vector<16xf32>,
      %swap3A_184 = arith.constant 1600 : index
      %swap3A_185 = tpu.vector_load %arg13[%swap3A_184] {strides = array<i32>} : memref<2048xf32, #tpu.memory_space<vmem>>, vector<16xf32>,
      tpu.vector_store %arg13[%swap3A_184], %scan3A_170#6 {strides = array<i32>} : memref<2048xf32, #tpu.memory_space<vmem>>, vector<16xf32>,
      %swap3A_186 = arith.constant 1856 : index
      %swap3A_187 = tpu.vector_load %arg13[%swap3A_186] {strides = array<i32>} : memref<2048xf32, #tpu.memory_space<vmem>>, vector<16xf32>,
      tpu.vector_store %arg13[%swap3A_186], %scan3A_170#7 {strides = array<i32>} : memref<2048xf32, #tpu.memory_space<vmem>>, vector<16xf32>,
      %swap3A_188 = arith.constant 80 : index
      %swap3A_189 = tpu.vector_load %arg13[%swap3A_188] {strides = array<i32>} : memref<2048xf32, #tpu.memory_space<vmem>>, vector<16xf32>,
      tpu.vector_store %arg13[%swap3A_188], %scan3A_170#8 {strides = array<i32>} : memref<2048xf32, #tpu.memory_space<vmem>>, vector<16xf32>,
      %swap3A_190 = arith.constant 336 : index
      %swap3A_191 = tpu.vector_load %arg13[%swap3A_190] {strides = array<i32>} : memref<2048xf32, #tpu.memory_space<vmem>>, vector<16xf32>,
      tpu.vector_store %arg13[%swap3A_190], %scan3A_170#9 {strides = array<i32>} : memref<2048xf32, #tpu.memory_space<vmem>>, vector<16xf32>,
      %swap3A_192 = arith.constant 592 : index
      %swap3A_193 = tpu.vector_load %arg13[%swap3A_192] {strides = array<i32>} : memref<2048xf32, #tpu.memory_space<vmem>>, vector<16xf32>,
      tpu.vector_store %arg13[%swap3A_192], %scan3A_170#10 {strides = array<i32>} : memref<2048xf32, #tpu.memory_space<vmem>>, vector<16xf32>,
      %swap3A_194 = arith.constant 848 : index
      %swap3A_195 = tpu.vector_load %arg13[%swap3A_194] {strides = array<i32>} : memref<2048xf32, #tpu.memory_space<vmem>>, vector<16xf32>,
      tpu.vector_store %arg13[%swap3A_194], %scan3A_170#11 {strides = array<i32>} : memref<2048xf32, #tpu.memory_space<vmem>>, vector<16xf32>,
      %swap3A_196 = arith.constant 1104 : index
      %swap3A_197 = tpu.vector_load %arg13[%swap3A_196] {strides = array<i32>} : memref<2048xf32, #tpu.memory_space<vmem>>, vector<16xf32>,
      tpu.vector_store %arg13[%swap3A_196], %scan3A_170#12 {strides = array<i32>} : memref<2048xf32, #tpu.memory_space<vmem>>, vector<16xf32>,
      %swap3A_198 = arith.constant 1360 : index
      %swap3A_199 = tpu.vector_load %arg13[%swap3A_198] {strides = array<i32>} : memref<2048xf32, #tpu.memory_space<vmem>>, vector<16xf32>,
      tpu.vector_store %arg13[%swap3A_198], %scan3A_170#13 {strides = array<i32>} : memref<2048xf32, #tpu.memory_space<vmem>>, vector<16xf32>,
      %swap3A_200 = arith.constant 1616 : index
      %swap3A_201 = tpu.vector_load %arg13[%swap3A_200] {strides = array<i32>} : memref<2048xf32, #tpu.memory_space<vmem>>, vector<16xf32>,
      tpu.vector_store %arg13[%swap3A_200], %scan3A_170#14 {strides = array<i32>} : memref<2048xf32, #tpu.memory_space<vmem>>, vector<16xf32>,
      %swap3A_202 = arith.constant 1872 : index
      %swap3A_203 = tpu.vector_load %arg13[%swap3A_202] {strides = array<i32>} : memref<2048xf32, #tpu.memory_space<vmem>>, vector<16xf32>,
      tpu.vector_store %arg13[%swap3A_202], %scan3A_170#15 {strides = array<i32>} : memref<2048xf32, #tpu.memory_space<vmem>>, vector<16xf32>,
      %swap3A_204 = arith.constant 96 : index
      %swap3A_205 = tpu.vector_load %arg13[%swap3A_204] {strides = array<i32>} : memref<2048xf32, #tpu.memory_space<vmem>>, vector<16xf32>,
      tpu.vector_store %arg13[%swap3A_204], %scan3A_170#16 {strides = array<i32>} : memref<2048xf32, #tpu.memory_space<vmem>>, vector<16xf32>,
      %swap3A_206 = arith.constant 352 : index
      %swap3A_207 = tpu.vector_load %arg13[%swap3A_206] {strides = array<i32>} : memref<2048xf32, #tpu.memory_space<vmem>>, vector<16xf32>,
      tpu.vector_store %arg13[%swap3A_206], %scan3A_170#17 {strides = array<i32>} : memref<2048xf32, #tpu.memory_space<vmem>>, vector<16xf32>,
      %swap3A_208 = arith.constant 608 : index
      %swap3A_209 = tpu.vector_load %arg13[%swap3A_208] {strides = array<i32>} : memref<2048xf32, #tpu.memory_space<vmem>>, vector<16xf32>,
      tpu.vector_store %arg13[%swap3A_208], %scan3A_170#18 {strides = array<i32>} : memref<2048xf32, #tpu.memory_space<vmem>>, vector<16xf32>,
      %swap3A_210 = arith.constant 864 : index
      %swap3A_211 = tpu.vector_load %arg13[%swap3A_210] {strides = array<i32>} : memref<2048xf32, #tpu.memory_space<vmem>>, vector<16xf32>,
      tpu.vector_store %arg13[%swap3A_210], %scan3A_170#19 {strides = array<i32>} : memref<2048xf32, #tpu.memory_space<vmem>>, vector<16xf32>,
      %swap3A_212 = arith.constant 1120 : index
      %swap3A_213 = tpu.vector_load %arg13[%swap3A_212] {strides = array<i32>} : memref<2048xf32, #tpu.memory_space<vmem>>, vector<16xf32>,
      tpu.vector_store %arg13[%swap3A_212], %scan3A_170#20 {strides = array<i32>} : memref<2048xf32, #tpu.memory_space<vmem>>, vector<16xf32>,
      %swap3A_214 = arith.constant 1376 : index
      %swap3A_215 = tpu.vector_load %arg13[%swap3A_214] {strides = array<i32>} : memref<2048xf32, #tpu.memory_space<vmem>>, vector<16xf32>,
      tpu.vector_store %arg13[%swap3A_214], %scan3A_170#21 {strides = array<i32>} : memref<2048xf32, #tpu.memory_space<vmem>>, vector<16xf32>,
      %swap3A_216 = arith.constant 1632 : index
      %swap3A_217 = tpu.vector_load %arg13[%swap3A_216] {strides = array<i32>} : memref<2048xf32, #tpu.memory_space<vmem>>, vector<16xf32>,
      tpu.vector_store %arg13[%swap3A_216], %scan3A_170#22 {strides = array<i32>} : memref<2048xf32, #tpu.memory_space<vmem>>, vector<16xf32>,
      %swap3A_218 = arith.constant 1888 : index
      %swap3A_219 = tpu.vector_load %arg13[%swap3A_218] {strides = array<i32>} : memref<2048xf32, #tpu.memory_space<vmem>>, vector<16xf32>,
      tpu.vector_store %arg13[%swap3A_218], %scan3A_170#23 {strides = array<i32>} : memref<2048xf32, #tpu.memory_space<vmem>>, vector<16xf32>,
      %swap3A_220 = arith.constant 112 : index
      %swap3A_221 = tpu.vector_load %arg13[%swap3A_220] {strides = array<i32>} : memref<2048xf32, #tpu.memory_space<vmem>>, vector<16xf32>,
      tpu.vector_store %arg13[%swap3A_220], %scan3A_170#24 {strides = array<i32>} : memref<2048xf32, #tpu.memory_space<vmem>>, vector<16xf32>,
      %swap3A_222 = arith.constant 368 : index
      %swap3A_223 = tpu.vector_load %arg13[%swap3A_222] {strides = array<i32>} : memref<2048xf32, #tpu.memory_space<vmem>>, vector<16xf32>,
      tpu.vector_store %arg13[%swap3A_222], %scan3A_170#25 {strides = array<i32>} : memref<2048xf32, #tpu.memory_space<vmem>>, vector<16xf32>,
      %swap3A_224 = arith.constant 624 : index
      %swap3A_225 = tpu.vector_load %arg13[%swap3A_224] {strides = array<i32>} : memref<2048xf32, #tpu.memory_space<vmem>>, vector<16xf32>,
      tpu.vector_store %arg13[%swap3A_224], %scan3A_170#26 {strides = array<i32>} : memref<2048xf32, #tpu.memory_space<vmem>>, vector<16xf32>,
      %swap3A_226 = arith.constant 880 : index
      %swap3A_227 = tpu.vector_load %arg13[%swap3A_226] {strides = array<i32>} : memref<2048xf32, #tpu.memory_space<vmem>>, vector<16xf32>,
      tpu.vector_store %arg13[%swap3A_226], %scan3A_170#27 {strides = array<i32>} : memref<2048xf32, #tpu.memory_space<vmem>>, vector<16xf32>,
      %swap3A_228 = arith.constant 1136 : index
      %swap3A_229 = tpu.vector_load %arg13[%swap3A_228] {strides = array<i32>} : memref<2048xf32, #tpu.memory_space<vmem>>, vector<16xf32>,
      tpu.vector_store %arg13[%swap3A_228], %scan3A_170#28 {strides = array<i32>} : memref<2048xf32, #tpu.memory_space<vmem>>, vector<16xf32>,
      %swap3A_230 = arith.constant 1392 : index
      %swap3A_231 = tpu.vector_load %arg13[%swap3A_230] {strides = array<i32>} : memref<2048xf32, #tpu.memory_space<vmem>>, vector<16xf32>,
      tpu.vector_store %arg13[%swap3A_230], %scan3A_170#29 {strides = array<i32>} : memref<2048xf32, #tpu.memory_space<vmem>>, vector<16xf32>,
      %swap3A_232 = arith.constant 1648 : index
      %swap3A_233 = tpu.vector_load %arg13[%swap3A_232] {strides = array<i32>} : memref<2048xf32, #tpu.memory_space<vmem>>, vector<16xf32>,
      tpu.vector_store %arg13[%swap3A_232], %scan3A_170#30 {strides = array<i32>} : memref<2048xf32, #tpu.memory_space<vmem>>, vector<16xf32>,
      %swap3A_234 = arith.constant 1904 : index
      %swap3A_235 = tpu.vector_load %arg13[%swap3A_234] {strides = array<i32>} : memref<2048xf32, #tpu.memory_space<vmem>>, vector<16xf32>,
      tpu.vector_store %arg13[%swap3A_234], %scan3A_170#31 {strides = array<i32>} : memref<2048xf32, #tpu.memory_space<vmem>>, vector<16xf32>,
      %scan3A_236 = arith.constant 0 : i32
      %scan3A_237 = arith.constant 48 : i32
      %scan3A_238 = arith.addi %scan3A_236, %scan3A_237 : i32
      %scan3A_239 = arith.constant 1 : i32
      %scan3A_240:32 = scf.for %scan3A_1285 = %scan3A_236 to %scan3A_238 step %scan3A_239 iter_args(%scan3A_1286 = %broadcast_in_dim3A_5, %scan3A_1287 = %broadcast_in_dim3A_5, %scan3A_1288 = %broadcast_in_dim3A_5, %scan3A_1289 = %broadcast_in_dim3A_5, %scan3A_1290 = %broadcast_in_dim3A_5, %scan3A_1291 = %broadcast_in_dim3A_5, %scan3A_1292 = %broadcast_in_dim3A_5, %scan3A_1293 = %broadcast_in_dim3A_5, %scan3A_1294 = %broadcast_in_dim3A_5, %scan3A_1295 = %broadcast_in_dim3A_5, %scan3A_1296 = %broadcast_in_dim3A_5, %scan3A_1297 = %broadcast_in_dim3A_5, %scan3A_1298 = %broadcast_in_dim3A_5, %scan3A_1299 = %broadcast_in_dim3A_5, %scan3A_1300 = %broadcast_in_dim3A_5, %scan3A_1301 = %broadcast_in_dim3A_5, %scan3A_1302 = %broadcast_in_dim3A_5, %scan3A_1303 = %broadcast_in_dim3A_5, %scan3A_1304 = %broadcast_in_dim3A_5, %scan3A_1305 = %broadcast_in_dim3A_5, %scan3A_1306 = %broadcast_in_dim3A_5, %scan3A_1307 = %broadcast_in_dim3A_5, %scan3A_1308 = %broadcast_in_dim3A_5, %scan3A_1309 = %broadcast_in_dim3A_5, %scan3A_1310 = %broadcast_in_dim3A_5, %scan3A_1311 = %broadcast_in_dim3A_5, %scan3A_1312 = %broadcast_in_dim3A_5, %scan3A_1313 = %broadcast_in_dim3A_5, %scan3A_1314 = %broadcast_in_dim3A_5, %scan3A_1315 = %broadcast_in_dim3A_5, %scan3A_1316 = %broadcast_in_dim3A_5, %scan3A_1317 = %broadcast_in_dim3A_5) -> (vector<16xf32>, vector<16xf32>, vector<16xf32>, vector<16xf32>, vector<16xf32>, vector<16xf32>, vector<16xf32>, vector<16xf32>, vector<16xf32>, vector<16xf32>, vector<16xf32>, vector<16xf32>, vector<16xf32>, vector<16xf32>, vector<16xf32>, vector<16xf32>, vector<16xf32>, vector<16xf32>, vector<16xf32>, vector<16xf32>, vector<16xf32>, vector<16xf32>, vector<16xf32>, vector<16xf32>, vector<16xf32>, vector<16xf32>, vector<16xf32>, vector<16xf32>, vector<16xf32>, vector<16xf32>, vector<16xf32>, vector<16xf32>)  : i32 {
        %mul3A_1318 = arith.constant 16 : i32
        %mul3A_1319 = arith.muli %scan3A_1285, %mul3A_1318 : i32
        %get3A_1320 = arith.constant 8 : i32
        %get3A_1321 = arith.index_cast %get3A_1320 : i32 to index
        %get3A_1322 = arith.index_cast %mul3A_1319 : i32 to index
        %get3A_1323 = tpu.vector_load %arg12[%get3A_1321, %get3A_1322] {strides = array<i32>} : memref<16x768xf32, #tpu.memory_space<vmem>>, vector<16xf32>,
        %bitcast3A = vector.bitcast %get3A_1323 : vector<16xf32> to vector<16xi32>
        %shift_right_logical3A = arith.constant 16 : i32
        %shift_right_logical3A_1324 = vector.broadcast %shift_right_logical3A : i32 to vector<16xi32>
        %shift_right_logical3A_1325 = arith.shrui %bitcast3A, %shift_right_logical3A_1324 : vector<16xi32>
        %and3A = arith.constant 1 : i32
        %and3A_1326 = vector.broadcast %and3A : i32 to vector<16xi32>
        %and3A_1327 = arith.andi %shift_right_logical3A_1325, %and3A_1326 : vector<16xi32>
        %add3A_1328 = arith.constant 32767 : i32
        %add3A_1329 = vector.broadcast %add3A_1328 : i32 to vector<16xi32>
        %add3A_1330 = arith.addi %bitcast3A, %add3A_1329 : vector<16xi32>
        %add3A_1331 = arith.addi %add3A_1330, %and3A_1327 : vector<16xi32>
        %and3A_1332 = arith.constant -65536 : i32
        %and3A_1333 = vector.broadcast %and3A_1332 : i32 to vector<16xi32>
        %and3A_1334 = arith.andi %add3A_1331, %and3A_1333 : vector<16xi32>
        %bitcast3A_1335 = vector.bitcast %and3A_1334 : vector<16xi32> to vector<16xf32>
        %get3A_1336 = arith.constant 9 : i32
        %get3A_1337 = arith.index_cast %get3A_1336 : i32 to index
        %get3A_1338 = arith.index_cast %mul3A_1319 : i32 to index
        %get3A_1339 = tpu.vector_load %arg12[%get3A_1337, %get3A_1338] {strides = array<i32>} : memref<16x768xf32, #tpu.memory_space<vmem>>, vector<16xf32>,
        %bitcast3A_1340 = vector.bitcast %get3A_1339 : vector<16xf32> to vector<16xi32>
        %shift_right_logical3A_1341 = arith.constant 16 : i32
        %shift_right_logical3A_1342 = vector.broadcast %shift_right_logical3A_1341 : i32 to vector<16xi32>
        %shift_right_logical3A_1343 = arith.shrui %bitcast3A_1340, %shift_right_logical3A_1342 : vector<16xi32>
        %and3A_1344 = arith.constant 1 : i32
        %and3A_1345 = vector.broadcast %and3A_1344 : i32 to vector<16xi32>
        %and3A_1346 = arith.andi %shift_right_logical3A_1343, %and3A_1345 : vector<16xi32>
        %add3A_1347 = arith.constant 32767 : i32
        %add3A_1348 = vector.broadcast %add3A_1347 : i32 to vector<16xi32>
        %add3A_1349 = arith.addi %bitcast3A_1340, %add3A_1348 : vector<16xi32>
        %add3A_1350 = arith.addi %add3A_1349, %and3A_1346 : vector<16xi32>
        %and3A_1351 = arith.constant -65536 : i32
        %and3A_1352 = vector.broadcast %and3A_1351 : i32 to vector<16xi32>
        %and3A_1353 = arith.andi %add3A_1350, %and3A_1352 : vector<16xi32>
        %bitcast3A_1354 = vector.bitcast %and3A_1353 : vector<16xi32> to vector<16xf32>
        %get3A_1355 = arith.constant 10 : i32
        %get3A_1356 = arith.index_cast %get3A_1355 : i32 to index
        %get3A_1357 = arith.index_cast %mul3A_1319 : i32 to index
        %get3A_1358 = tpu.vector_load %arg12[%get3A_1356, %get3A_1357] {strides = array<i32>} : memref<16x768xf32, #tpu.memory_space<vmem>>, vector<16xf32>,
        %bitcast3A_1359 = vector.bitcast %get3A_1358 : vector<16xf32> to vector<16xi32>
        %shift_right_logical3A_1360 = arith.constant 16 : i32
        %shift_right_logical3A_1361 = vector.broadcast %shift_right_logical3A_1360 : i32 to vector<16xi32>
        %shift_right_logical3A_1362 = arith.shrui %bitcast3A_1359, %shift_right_logical3A_1361 : vector<16xi32>
        %and3A_1363 = arith.constant 1 : i32
        %and3A_1364 = vector.broadcast %and3A_1363 : i32 to vector<16xi32>
        %and3A_1365 = arith.andi %shift_right_logical3A_1362, %and3A_1364 : vector<16xi32>
        %add3A_1366 = arith.constant 32767 : i32
        %add3A_1367 = vector.broadcast %add3A_1366 : i32 to vector<16xi32>
        %add3A_1368 = arith.addi %bitcast3A_1359, %add3A_1367 : vector<16xi32>
        %add3A_1369 = arith.addi %add3A_1368, %and3A_1365 : vector<16xi32>
        %and3A_1370 = arith.constant -65536 : i32
        %and3A_1371 = vector.broadcast %and3A_1370 : i32 to vector<16xi32>
        %and3A_1372 = arith.andi %add3A_1369, %and3A_1371 : vector<16xi32>
        %bitcast3A_1373 = vector.bitcast %and3A_1372 : vector<16xi32> to vector<16xf32>
        %get3A_1374 = arith.constant 11 : i32
        %get3A_1375 = arith.index_cast %get3A_1374 : i32 to index
        %get3A_1376 = arith.index_cast %mul3A_1319 : i32 to index
        %get3A_1377 = tpu.vector_load %arg12[%get3A_1375, %get3A_1376] {strides = array<i32>} : memref<16x768xf32, #tpu.memory_space<vmem>>, vector<16xf32>,
        %bitcast3A_1378 = vector.bitcast %get3A_1377 : vector<16xf32> to vector<16xi32>
        %shift_right_logical3A_1379 = arith.constant 16 : i32
        %shift_right_logical3A_1380 = vector.broadcast %shift_right_logical3A_1379 : i32 to vector<16xi32>
        %shift_right_logical3A_1381 = arith.shrui %bitcast3A_1378, %shift_right_logical3A_1380 : vector<16xi32>
        %and3A_1382 = arith.constant 1 : i32
        %and3A_1383 = vector.broadcast %and3A_1382 : i32 to vector<16xi32>
        %and3A_1384 = arith.andi %shift_right_logical3A_1381, %and3A_1383 : vector<16xi32>
        %add3A_1385 = arith.constant 32767 : i32
        %add3A_1386 = vector.broadcast %add3A_1385 : i32 to vector<16xi32>
        %add3A_1387 = arith.addi %bitcast3A_1378, %add3A_1386 : vector<16xi32>
        %add3A_1388 = arith.addi %add3A_1387, %and3A_1384 : vector<16xi32>
        %and3A_1389 = arith.constant -65536 : i32
        %and3A_1390 = vector.broadcast %and3A_1389 : i32 to vector<16xi32>
        %and3A_1391 = arith.andi %add3A_1388, %and3A_1390 : vector<16xi32>
        %bitcast3A_1392 = vector.bitcast %and3A_1391 : vector<16xi32> to vector<16xf32>
        %get3A_1393 = arith.constant 0 : i32
        %get3A_1394 = arith.index_cast %get3A_1393 : i32 to index
        %get3A_1395 = arith.index_cast %mul3A_1319 : i32 to index
        %get3A_1396 = tpu.vector_load %arg11[%get3A_1394, %get3A_1395] {strides = array<i32>} : memref<8x768xf32, #tpu.memory_space<vmem>>, vector<16xf32>,
        %get3A_1397 = arith.constant 1 : i32
        %get3A_1398 = arith.index_cast %get3A_1397 : i32 to index
        %get3A_1399 = arith.index_cast %mul3A_1319 : i32 to index
        %get3A_1400 = tpu.vector_load %arg11[%get3A_1398, %get3A_1399] {strides = array<i32>} : memref<8x768xf32, #tpu.memory_space<vmem>>, vector<16xf32>,
        %get3A_1401 = arith.constant 2 : i32
        %get3A_1402 = arith.index_cast %get3A_1401 : i32 to index
        %get3A_1403 = arith.index_cast %mul3A_1319 : i32 to index
        %get3A_1404 = tpu.vector_load %arg11[%get3A_1402, %get3A_1403] {strides = array<i32>} : memref<8x768xf32, #tpu.memory_space<vmem>>, vector<16xf32>,
        %get3A_1405 = arith.constant 3 : i32
        %get3A_1406 = arith.index_cast %get3A_1405 : i32 to index
        %get3A_1407 = arith.index_cast %mul3A_1319 : i32 to index
        %get3A_1408 = tpu.vector_load %arg11[%get3A_1406, %get3A_1407] {strides = array<i32>} : memref<8x768xf32, #tpu.memory_space<vmem>>, vector<16xf32>,
        %get3A_1409 = arith.constant 4 : i32
        %get3A_1410 = arith.index_cast %get3A_1409 : i32 to index
        %get3A_1411 = arith.index_cast %mul3A_1319 : i32 to index
        %get3A_1412 = tpu.vector_load %arg11[%get3A_1410, %get3A_1411] {strides = array<i32>} : memref<8x768xf32, #tpu.memory_space<vmem>>, vector<16xf32>,
        %get3A_1413 = arith.constant 5 : i32
        %get3A_1414 = arith.index_cast %get3A_1413 : i32 to index
        %get3A_1415 = arith.index_cast %mul3A_1319 : i32 to index
        %get3A_1416 = tpu.vector_load %arg11[%get3A_1414, %get3A_1415] {strides = array<i32>} : memref<8x768xf32, #tpu.memory_space<vmem>>, vector<16xf32>,
        %get3A_1417 = arith.constant 6 : i32
        %get3A_1418 = arith.index_cast %get3A_1417 : i32 to index
        %get3A_1419 = arith.index_cast %mul3A_1319 : i32 to index
        %get3A_1420 = tpu.vector_load %arg11[%get3A_1418, %get3A_1419] {strides = array<i32>} : memref<8x768xf32, #tpu.memory_space<vmem>>, vector<16xf32>,
        %get3A_1421 = arith.constant 7 : i32
        %get3A_1422 = arith.index_cast %get3A_1421 : i32 to index
        %get3A_1423 = arith.index_cast %mul3A_1319 : i32 to index
        %get3A_1424 = tpu.vector_load %arg11[%get3A_1422, %get3A_1423] {strides = array<i32>} : memref<8x768xf32, #tpu.memory_space<vmem>>, vector<16xf32>,
        %mul3A_1425 = arith.mulf %bitcast3A_1335, %get3A_1396 : vector<16xf32>
        %add3A_1426 = arith.addf %scan3A_1286, %mul3A_1425 : vector<16xf32>
        %mul3A_1427 = arith.mulf %bitcast3A_1335, %get3A_1400 : vector<16xf32>
        %add3A_1428 = arith.addf %scan3A_1287, %mul3A_1427 : vector<16xf32>
        %mul3A_1429 = arith.mulf %bitcast3A_1335, %get3A_1404 : vector<16xf32>
        %add3A_1430 = arith.addf %scan3A_1288, %mul3A_1429 : vector<16xf32>
        %mul3A_1431 = arith.mulf %bitcast3A_1335, %get3A_1408 : vector<16xf32>
        %add3A_1432 = arith.addf %scan3A_1289, %mul3A_1431 : vector<16xf32>
        %mul3A_1433 = arith.mulf %bitcast3A_1335, %get3A_1412 : vector<16xf32>
        %add3A_1434 = arith.addf %scan3A_1290, %mul3A_1433 : vector<16xf32>
        %mul3A_1435 = arith.mulf %bitcast3A_1335, %get3A_1416 : vector<16xf32>
        %add3A_1436 = arith.addf %scan3A_1291, %mul3A_1435 : vector<16xf32>
        %mul3A_1437 = arith.mulf %bitcast3A_1335, %get3A_1420 : vector<16xf32>
        %add3A_1438 = arith.addf %scan3A_1292, %mul3A_1437 : vector<16xf32>
        %mul3A_1439 = arith.mulf %bitcast3A_1335, %get3A_1424 : vector<16xf32>
        %add3A_1440 = arith.addf %scan3A_1293, %mul3A_1439 : vector<16xf32>
        %mul3A_1441 = arith.mulf %bitcast3A_1354, %get3A_1396 : vector<16xf32>
        %add3A_1442 = arith.addf %scan3A_1294, %mul3A_1441 : vector<16xf32>
        %mul3A_1443 = arith.mulf %bitcast3A_1354, %get3A_1400 : vector<16xf32>
        %add3A_1444 = arith.addf %scan3A_1295, %mul3A_1443 : vector<16xf32>
        %mul3A_1445 = arith.mulf %bitcast3A_1354, %get3A_1404 : vector<16xf32>
        %add3A_1446 = arith.addf %scan3A_1296, %mul3A_1445 : vector<16xf32>
        %mul3A_1447 = arith.mulf %bitcast3A_1354, %get3A_1408 : vector<16xf32>
        %add3A_1448 = arith.addf %scan3A_1297, %mul3A_1447 : vector<16xf32>
        %mul3A_1449 = arith.mulf %bitcast3A_1354, %get3A_1412 : vector<16xf32>
        %add3A_1450 = arith.addf %scan3A_1298, %mul3A_1449 : vector<16xf32>
        %mul3A_1451 = arith.mulf %bitcast3A_1354, %get3A_1416 : vector<16xf32>
        %add3A_1452 = arith.addf %scan3A_1299, %mul3A_1451 : vector<16xf32>
        %mul3A_1453 = arith.mulf %bitcast3A_1354, %get3A_1420 : vector<16xf32>
        %add3A_1454 = arith.addf %scan3A_1300, %mul3A_1453 : vector<16xf32>
        %mul3A_1455 = arith.mulf %bitcast3A_1354, %get3A_1424 : vector<16xf32>
        %add3A_1456 = arith.addf %scan3A_1301, %mul3A_1455 : vector<16xf32>
        %mul3A_1457 = arith.mulf %bitcast3A_1373, %get3A_1396 : vector<16xf32>
        %add3A_1458 = arith.addf %scan3A_1302, %mul3A_1457 : vector<16xf32>
        %mul3A_1459 = arith.mulf %bitcast3A_1373, %get3A_1400 : vector<16xf32>
        %add3A_1460 = arith.addf %scan3A_1303, %mul3A_1459 : vector<16xf32>
        %mul3A_1461 = arith.mulf %bitcast3A_1373, %get3A_1404 : vector<16xf32>
        %add3A_1462 = arith.addf %scan3A_1304, %mul3A_1461 : vector<16xf32>
        %mul3A_1463 = arith.mulf %bitcast3A_1373, %get3A_1408 : vector<16xf32>
        %add3A_1464 = arith.addf %scan3A_1305, %mul3A_1463 : vector<16xf32>
        %mul3A_1465 = arith.mulf %bitcast3A_1373, %get3A_1412 : vector<16xf32>
        %add3A_1466 = arith.addf %scan3A_1306, %mul3A_1465 : vector<16xf32>
        %mul3A_1467 = arith.mulf %bitcast3A_1373, %get3A_1416 : vector<16xf32>
        %add3A_1468 = arith.addf %scan3A_1307, %mul3A_1467 : vector<16xf32>
        %mul3A_1469 = arith.mulf %bitcast3A_1373, %get3A_1420 : vector<16xf32>
        %add3A_1470 = arith.addf %scan3A_1308, %mul3A_1469 : vector<16xf32>
        %mul3A_1471 = arith.mulf %bitcast3A_1373, %get3A_1424 : vector<16xf32>
        %add3A_1472 = arith.addf %scan3A_1309, %mul3A_1471 : vector<16xf32>
        %mul3A_1473 = arith.mulf %bitcast3A_1392, %get3A_1396 : vector<16xf32>
        %add3A_1474 = arith.addf %scan3A_1310, %mul3A_1473 : vector<16xf32>
        %mul3A_1475 = arith.mulf %bitcast3A_1392, %get3A_1400 : vector<16xf32>
        %add3A_1476 = arith.addf %scan3A_1311, %mul3A_1475 : vector<16xf32>
        %mul3A_1477 = arith.mulf %bitcast3A_1392, %get3A_1404 : vector<16xf32>
        %add3A_1478 = arith.addf %scan3A_1312, %mul3A_1477 : vector<16xf32>
        %mul3A_1479 = arith.mulf %bitcast3A_1392, %get3A_1408 : vector<16xf32>
        %add3A_1480 = arith.addf %scan3A_1313, %mul3A_1479 : vector<16xf32>
        %mul3A_1481 = arith.mulf %bitcast3A_1392, %get3A_1412 : vector<16xf32>
        %add3A_1482 = arith.addf %scan3A_1314, %mul3A_1481 : vector<16xf32>
        %mul3A_1483 = arith.mulf %bitcast3A_1392, %get3A_1416 : vector<16xf32>
        %add3A_1484 = arith.addf %scan3A_1315, %mul3A_1483 : vector<16xf32>
        %mul3A_1485 = arith.mulf %bitcast3A_1392, %get3A_1420 : vector<16xf32>
        %add3A_1486 = arith.addf %scan3A_1316, %mul3A_1485 : vector<16xf32>
        %mul3A_1487 = arith.mulf %bitcast3A_1392, %get3A_1424 : vector<16xf32>
        %add3A_1488 = arith.addf %scan3A_1317, %mul3A_1487 : vector<16xf32>
        scf.yield %add3A_1426, %add3A_1428, %add3A_1430, %add3A_1432, %add3A_1434, %add3A_1436, %add3A_1438, %add3A_1440, %add3A_1442, %add3A_1444, %add3A_1446, %add3A_1448, %add3A_1450, %add3A_1452, %add3A_1454, %add3A_1456, %add3A_1458, %add3A_1460, %add3A_1462, %add3A_1464, %add3A_1466, %add3A_1468, %add3A_1470, %add3A_1472, %add3A_1474, %add3A_1476, %add3A_1478, %add3A_1480, %add3A_1482, %add3A_1484, %add3A_1486, %add3A_1488 : vector<16xf32>, vector<16xf32>, vector<16xf32>, vector<16xf32>, vector<16xf32>, vector<16xf32>, vector<16xf32>, vector<16xf32>, vector<16xf32>, vector<16xf32>, vector<16xf32>, vector<16xf32>, vector<16xf32>, vector<16xf32>, vector<16xf32>, vector<16xf32>, vector<16xf32>, vector<16xf32>, vector<16xf32>, vector<16xf32>, vector<16xf32>, vector<16xf32>, vector<16xf32>, vector<16xf32>, vector<16xf32>, vector<16xf32>, vector<16xf32>, vector<16xf32>, vector<16xf32>, vector<16xf32>, vector<16xf32>, vector<16xf32>
      }
      %scan3A_241 = arith.constant 48 : i32
      %swap3A_242 = arith.constant 128 : index
      %swap3A_243 = tpu.vector_load %arg13[%swap3A_242] {strides = array<i32>} : memref<2048xf32, #tpu.memory_space<vmem>>, vector<16xf32>,
      tpu.vector_store %arg13[%swap3A_242], %scan3A_240#0 {strides = array<i32>} : memref<2048xf32, #tpu.memory_space<vmem>>, vector<16xf32>,
      %swap3A_244 = arith.constant 384 : index
      %swap3A_245 = tpu.vector_load %arg13[%swap3A_244] {strides = array<i32>} : memref<2048xf32, #tpu.memory_space<vmem>>, vector<16xf32>,
      tpu.vector_store %arg13[%swap3A_244], %scan3A_240#1 {strides = array<i32>} : memref<2048xf32, #tpu.memory_space<vmem>>, vector<16xf32>,
      %swap3A_246 = arith.constant 640 : index
      %swap3A_247 = tpu.vector_load %arg13[%swap3A_246] {strides = array<i32>} : memref<2048xf32, #tpu.memory_space<vmem>>, vector<16xf32>,
      tpu.vector_store %arg13[%swap3A_246], %scan3A_240#2 {strides = array<i32>} : memref<2048xf32, #tpu.memory_space<vmem>>, vector<16xf32>,
      %swap3A_248 = arith.constant 896 : index
      %swap3A_249 = tpu.vector_load %arg13[%swap3A_248] {strides = array<i32>} : memref<2048xf32, #tpu.memory_space<vmem>>, vector<16xf32>,
      tpu.vector_store %arg13[%swap3A_248], %scan3A_240#3 {strides = array<i32>} : memref<2048xf32, #tpu.memory_space<vmem>>, vector<16xf32>,
      %swap3A_250 = arith.constant 1152 : index
      %swap3A_251 = tpu.vector_load %arg13[%swap3A_250] {strides = array<i32>} : memref<2048xf32, #tpu.memory_space<vmem>>, vector<16xf32>,
      tpu.vector_store %arg13[%swap3A_250], %scan3A_240#4 {strides = array<i32>} : memref<2048xf32, #tpu.memory_space<vmem>>, vector<16xf32>,
      %swap3A_252 = arith.constant 1408 : index
      %swap3A_253 = tpu.vector_load %arg13[%swap3A_252] {strides = array<i32>} : memref<2048xf32, #tpu.memory_space<vmem>>, vector<16xf32>,
      tpu.vector_store %arg13[%swap3A_252], %scan3A_240#5 {strides = array<i32>} : memref<2048xf32, #tpu.memory_space<vmem>>, vector<16xf32>,
      %swap3A_254 = arith.constant 1664 : index
      %swap3A_255 = tpu.vector_load %arg13[%swap3A_254] {strides = array<i32>} : memref<2048xf32, #tpu.memory_space<vmem>>, vector<16xf32>,
      tpu.vector_store %arg13[%swap3A_254], %scan3A_240#6 {strides = array<i32>} : memref<2048xf32, #tpu.memory_space<vmem>>, vector<16xf32>,
      %swap3A_256 = arith.constant 1920 : index
      %swap3A_257 = tpu.vector_load %arg13[%swap3A_256] {strides = array<i32>} : memref<2048xf32, #tpu.memory_space<vmem>>, vector<16xf32>,
      tpu.vector_store %arg13[%swap3A_256], %scan3A_240#7 {strides = array<i32>} : memref<2048xf32, #tpu.memory_space<vmem>>, vector<16xf32>,
      %swap3A_258 = arith.constant 144 : index
      %swap3A_259 = tpu.vector_load %arg13[%swap3A_258] {strides = array<i32>} : memref<2048xf32, #tpu.memory_space<vmem>>, vector<16xf32>,
      tpu.vector_store %arg13[%swap3A_258], %scan3A_240#8 {strides = array<i32>} : memref<2048xf32, #tpu.memory_space<vmem>>, vector<16xf32>,
      %swap3A_260 = arith.constant 400 : index
      %swap3A_261 = tpu.vector_load %arg13[%swap3A_260] {strides = array<i32>} : memref<2048xf32, #tpu.memory_space<vmem>>, vector<16xf32>,
      tpu.vector_store %arg13[%swap3A_260], %scan3A_240#9 {strides = array<i32>} : memref<2048xf32, #tpu.memory_space<vmem>>, vector<16xf32>,
      %swap3A_262 = arith.constant 656 : index
      %swap3A_263 = tpu.vector_load %arg13[%swap3A_262] {strides = array<i32>} : memref<2048xf32, #tpu.memory_space<vmem>>, vector<16xf32>,
      tpu.vector_store %arg13[%swap3A_262], %scan3A_240#10 {strides = array<i32>} : memref<2048xf32, #tpu.memory_space<vmem>>, vector<16xf32>,
      %swap3A_264 = arith.constant 912 : index
      %swap3A_265 = tpu.vector_load %arg13[%swap3A_264] {strides = array<i32>} : memref<2048xf32, #tpu.memory_space<vmem>>, vector<16xf32>,
      tpu.vector_store %arg13[%swap3A_264], %scan3A_240#11 {strides = array<i32>} : memref<2048xf32, #tpu.memory_space<vmem>>, vector<16xf32>,
      %swap3A_266 = arith.constant 1168 : index
      %swap3A_267 = tpu.vector_load %arg13[%swap3A_266] {strides = array<i32>} : memref<2048xf32, #tpu.memory_space<vmem>>, vector<16xf32>,
      tpu.vector_store %arg13[%swap3A_266], %scan3A_240#12 {strides = array<i32>} : memref<2048xf32, #tpu.memory_space<vmem>>, vector<16xf32>,
      %swap3A_268 = arith.constant 1424 : index
      %swap3A_269 = tpu.vector_load %arg13[%swap3A_268] {strides = array<i32>} : memref<2048xf32, #tpu.memory_space<vmem>>, vector<16xf32>,
      tpu.vector_store %arg13[%swap3A_268], %scan3A_240#13 {strides = array<i32>} : memref<2048xf32, #tpu.memory_space<vmem>>, vector<16xf32>,
      %swap3A_270 = arith.constant 1680 : index
      %swap3A_271 = tpu.vector_load %arg13[%swap3A_270] {strides = array<i32>} : memref<2048xf32, #tpu.memory_space<vmem>>, vector<16xf32>,
      tpu.vector_store %arg13[%swap3A_270], %scan3A_240#14 {strides = array<i32>} : memref<2048xf32, #tpu.memory_space<vmem>>, vector<16xf32>,
      %swap3A_272 = arith.constant 1936 : index
      %swap3A_273 = tpu.vector_load %arg13[%swap3A_272] {strides = array<i32>} : memref<2048xf32, #tpu.memory_space<vmem>>, vector<16xf32>,
      tpu.vector_store %arg13[%swap3A_272], %scan3A_240#15 {strides = array<i32>} : memref<2048xf32, #tpu.memory_space<vmem>>, vector<16xf32>,
      %swap3A_274 = arith.constant 160 : index
      %swap3A_275 = tpu.vector_load %arg13[%swap3A_274] {strides = array<i32>} : memref<2048xf32, #tpu.memory_space<vmem>>, vector<16xf32>,
      tpu.vector_store %arg13[%swap3A_274], %scan3A_240#16 {strides = array<i32>} : memref<2048xf32, #tpu.memory_space<vmem>>, vector<16xf32>,
      %swap3A_276 = arith.constant 416 : index
      %swap3A_277 = tpu.vector_load %arg13[%swap3A_276] {strides = array<i32>} : memref<2048xf32, #tpu.memory_space<vmem>>, vector<16xf32>,
      tpu.vector_store %arg13[%swap3A_276], %scan3A_240#17 {strides = array<i32>} : memref<2048xf32, #tpu.memory_space<vmem>>, vector<16xf32>,
      %swap3A_278 = arith.constant 672 : index
      %swap3A_279 = tpu.vector_load %arg13[%swap3A_278] {strides = array<i32>} : memref<2048xf32, #tpu.memory_space<vmem>>, vector<16xf32>,
      tpu.vector_store %arg13[%swap3A_278], %scan3A_240#18 {strides = array<i32>} : memref<2048xf32, #tpu.memory_space<vmem>>, vector<16xf32>,
      %swap3A_280 = arith.constant 928 : index
      %swap3A_281 = tpu.vector_load %arg13[%swap3A_280] {strides = array<i32>} : memref<2048xf32, #tpu.memory_space<vmem>>, vector<16xf32>,
      tpu.vector_store %arg13[%swap3A_280], %scan3A_240#19 {strides = array<i32>} : memref<2048xf32, #tpu.memory_space<vmem>>, vector<16xf32>,
      %swap3A_282 = arith.constant 1184 : index
      %swap3A_283 = tpu.vector_load %arg13[%swap3A_282] {strides = array<i32>} : memref<2048xf32, #tpu.memory_space<vmem>>, vector<16xf32>,
      tpu.vector_store %arg13[%swap3A_282], %scan3A_240#20 {strides = array<i32>} : memref<2048xf32, #tpu.memory_space<vmem>>, vector<16xf32>,
      %swap3A_284 = arith.constant 1440 : index
      %swap3A_285 = tpu.vector_load %arg13[%swap3A_284] {strides = array<i32>} : memref<2048xf32, #tpu.memory_space<vmem>>, vector<16xf32>,
      tpu.vector_store %arg13[%swap3A_284], %scan3A_240#21 {strides = array<i32>} : memref<2048xf32, #tpu.memory_space<vmem>>, vector<16xf32>,
      %swap3A_286 = arith.constant 1696 : index
      %swap3A_287 = tpu.vector_load %arg13[%swap3A_286] {strides = array<i32>} : memref<2048xf32, #tpu.memory_space<vmem>>, vector<16xf32>,
      tpu.vector_store %arg13[%swap3A_286], %scan3A_240#22 {strides = array<i32>} : memref<2048xf32, #tpu.memory_space<vmem>>, vector<16xf32>,
      %swap3A_288 = arith.constant 1952 : index
      %swap3A_289 = tpu.vector_load %arg13[%swap3A_288] {strides = array<i32>} : memref<2048xf32, #tpu.memory_space<vmem>>, vector<16xf32>,
      tpu.vector_store %arg13[%swap3A_288], %scan3A_240#23 {strides = array<i32>} : memref<2048xf32, #tpu.memory_space<vmem>>, vector<16xf32>,
      %swap3A_290 = arith.constant 176 : index
      %swap3A_291 = tpu.vector_load %arg13[%swap3A_290] {strides = array<i32>} : memref<2048xf32, #tpu.memory_space<vmem>>, vector<16xf32>,
      tpu.vector_store %arg13[%swap3A_290], %scan3A_240#24 {strides = array<i32>} : memref<2048xf32, #tpu.memory_space<vmem>>, vector<16xf32>,
      %swap3A_292 = arith.constant 432 : index
      %swap3A_293 = tpu.vector_load %arg13[%swap3A_292] {strides = array<i32>} : memref<2048xf32, #tpu.memory_space<vmem>>, vector<16xf32>,
      tpu.vector_store %arg13[%swap3A_292], %scan3A_240#25 {strides = array<i32>} : memref<2048xf32, #tpu.memory_space<vmem>>, vector<16xf32>,
      %swap3A_294 = arith.constant 688 : index
      %swap3A_295 = tpu.vector_load %arg13[%swap3A_294] {strides = array<i32>} : memref<2048xf32, #tpu.memory_space<vmem>>, vector<16xf32>,
      tpu.vector_store %arg13[%swap3A_294], %scan3A_240#26 {strides = array<i32>} : memref<2048xf32, #tpu.memory_space<vmem>>, vector<16xf32>,
      %swap3A_296 = arith.constant 944 : index
      %swap3A_297 = tpu.vector_load %arg13[%swap3A_296] {strides = array<i32>} : memref<2048xf32, #tpu.memory_space<vmem>>, vector<16xf32>,
      tpu.vector_store %arg13[%swap3A_296], %scan3A_240#27 {strides = array<i32>} : memref<2048xf32, #tpu.memory_space<vmem>>, vector<16xf32>,
      %swap3A_298 = arith.constant 1200 : index
      %swap3A_299 = tpu.vector_load %arg13[%swap3A_298] {strides = array<i32>} : memref<2048xf32, #tpu.memory_space<vmem>>, vector<16xf32>,
      tpu.vector_store %arg13[%swap3A_298], %scan3A_240#28 {strides = array<i32>} : memref<2048xf32, #tpu.memory_space<vmem>>, vector<16xf32>,
      %swap3A_300 = arith.constant 1456 : index
      %swap3A_301 = tpu.vector_load %arg13[%swap3A_300] {strides = array<i32>} : memref<2048xf32, #tpu.memory_space<vmem>>, vector<16xf32>,
      tpu.vector_store %arg13[%swap3A_300], %scan3A_240#29 {strides = array<i32>} : memref<2048xf32, #tpu.memory_space<vmem>>, vector<16xf32>,
      %swap3A_302 = arith.constant 1712 : index
      %swap3A_303 = tpu.vector_load %arg13[%swap3A_302] {strides = array<i32>} : memref<2048xf32, #tpu.memory_space<vmem>>, vector<16xf32>,
      tpu.vector_store %arg13[%swap3A_302], %scan3A_240#30 {strides = array<i32>} : memref<2048xf32, #tpu.memory_space<vmem>>, vector<16xf32>,
      %swap3A_304 = arith.constant 1968 : index
      %swap3A_305 = tpu.vector_load %arg13[%swap3A_304] {strides = array<i32>} : memref<2048xf32, #tpu.memory_space<vmem>>, vector<16xf32>,
      tpu.vector_store %arg13[%swap3A_304], %scan3A_240#31 {strides = array<i32>} : memref<2048xf32, #tpu.memory_space<vmem>>, vector<16xf32>,
      %scan3A_306 = arith.constant 0 : i32
      %scan3A_307 = arith.constant 48 : i32
      %scan3A_308 = arith.addi %scan3A_306, %scan3A_307 : i32
      %scan3A_309 = arith.constant 1 : i32
      %scan3A_310:32 = scf.for %scan3A_1285 = %scan3A_306 to %scan3A_308 step %scan3A_309 iter_args(%scan3A_1286 = %broadcast_in_dim3A_5, %scan3A_1287 = %broadcast_in_dim3A_5, %scan3A_1288 = %broadcast_in_dim3A_5, %scan3A_1289 = %broadcast_in_dim3A_5, %scan3A_1290 = %broadcast_in_dim3A_5, %scan3A_1291 = %broadcast_in_dim3A_5, %scan3A_1292 = %broadcast_in_dim3A_5, %scan3A_1293 = %broadcast_in_dim3A_5, %scan3A_1294 = %broadcast_in_dim3A_5, %scan3A_1295 = %broadcast_in_dim3A_5, %scan3A_1296 = %broadcast_in_dim3A_5, %scan3A_1297 = %broadcast_in_dim3A_5, %scan3A_1298 = %broadcast_in_dim3A_5, %scan3A_1299 = %broadcast_in_dim3A_5, %scan3A_1300 = %broadcast_in_dim3A_5, %scan3A_1301 = %broadcast_in_dim3A_5, %scan3A_1302 = %broadcast_in_dim3A_5, %scan3A_1303 = %broadcast_in_dim3A_5, %scan3A_1304 = %broadcast_in_dim3A_5, %scan3A_1305 = %broadcast_in_dim3A_5, %scan3A_1306 = %broadcast_in_dim3A_5, %scan3A_1307 = %broadcast_in_dim3A_5, %scan3A_1308 = %broadcast_in_dim3A_5, %scan3A_1309 = %broadcast_in_dim3A_5, %scan3A_1310 = %broadcast_in_dim3A_5, %scan3A_1311 = %broadcast_in_dim3A_5, %scan3A_1312 = %broadcast_in_dim3A_5, %scan3A_1313 = %broadcast_in_dim3A_5, %scan3A_1314 = %broadcast_in_dim3A_5, %scan3A_1315 = %broadcast_in_dim3A_5, %scan3A_1316 = %broadcast_in_dim3A_5, %scan3A_1317 = %broadcast_in_dim3A_5) -> (vector<16xf32>, vector<16xf32>, vector<16xf32>, vector<16xf32>, vector<16xf32>, vector<16xf32>, vector<16xf32>, vector<16xf32>, vector<16xf32>, vector<16xf32>, vector<16xf32>, vector<16xf32>, vector<16xf32>, vector<16xf32>, vector<16xf32>, vector<16xf32>, vector<16xf32>, vector<16xf32>, vector<16xf32>, vector<16xf32>, vector<16xf32>, vector<16xf32>, vector<16xf32>, vector<16xf32>, vector<16xf32>, vector<16xf32>, vector<16xf32>, vector<16xf32>, vector<16xf32>, vector<16xf32>, vector<16xf32>, vector<16xf32>)  : i32 {
        %mul3A_1318 = arith.constant 16 : i32
        %mul3A_1319 = arith.muli %scan3A_1285, %mul3A_1318 : i32
        %get3A_1320 = arith.constant 12 : i32
        %get3A_1321 = arith.index_cast %get3A_1320 : i32 to index
        %get3A_1322 = arith.index_cast %mul3A_1319 : i32 to index
        %get3A_1323 = tpu.vector_load %arg12[%get3A_1321, %get3A_1322] {strides = array<i32>} : memref<16x768xf32, #tpu.memory_space<vmem>>, vector<16xf32>,
        %bitcast3A = vector.bitcast %get3A_1323 : vector<16xf32> to vector<16xi32>
        %shift_right_logical3A = arith.constant 16 : i32
        %shift_right_logical3A_1324 = vector.broadcast %shift_right_logical3A : i32 to vector<16xi32>
        %shift_right_logical3A_1325 = arith.shrui %bitcast3A, %shift_right_logical3A_1324 : vector<16xi32>
        %and3A = arith.constant 1 : i32
        %and3A_1326 = vector.broadcast %and3A : i32 to vector<16xi32>
        %and3A_1327 = arith.andi %shift_right_logical3A_1325, %and3A_1326 : vector<16xi32>
        %add3A_1328 = arith.constant 32767 : i32
        %add3A_1329 = vector.broadcast %add3A_1328 : i32 to vector<16xi32>
        %add3A_1330 = arith.addi %bitcast3A, %add3A_1329 : vector<16xi32>
        %add3A_1331 = arith.addi %add3A_1330, %and3A_1327 : vector<16xi32>
        %and3A_1332 = arith.constant -65536 : i32
        %and3A_1333 = vector.broadcast %and3A_1332 : i32 to vector<16xi32>
        %and3A_1334 = arith.andi %add3A_1331, %and3A_1333 : vector<16xi32>
        %bitcast3A_1335 = vector.bitcast %and3A_1334 : vector<16xi32> to vector<16xf32>
        %get3A_1336 = arith.constant 13 : i32
        %get3A_1337 = arith.index_cast %get3A_1336 : i32 to index
        %get3A_1338 = arith.index_cast %mul3A_1319 : i32 to index
        %get3A_1339 = tpu.vector_load %arg12[%get3A_1337, %get3A_1338] {strides = array<i32>} : memref<16x768xf32, #tpu.memory_space<vmem>>, vector<16xf32>,
        %bitcast3A_1340 = vector.bitcast %get3A_1339 : vector<16xf32> to vector<16xi32>
        %shift_right_logical3A_1341 = arith.constant 16 : i32
        %shift_right_logical3A_1342 = vector.broadcast %shift_right_logical3A_1341 : i32 to vector<16xi32>
        %shift_right_logical3A_1343 = arith.shrui %bitcast3A_1340, %shift_right_logical3A_1342 : vector<16xi32>
        %and3A_1344 = arith.constant 1 : i32
        %and3A_1345 = vector.broadcast %and3A_1344 : i32 to vector<16xi32>
        %and3A_1346 = arith.andi %shift_right_logical3A_1343, %and3A_1345 : vector<16xi32>
        %add3A_1347 = arith.constant 32767 : i32
        %add3A_1348 = vector.broadcast %add3A_1347 : i32 to vector<16xi32>
        %add3A_1349 = arith.addi %bitcast3A_1340, %add3A_1348 : vector<16xi32>
        %add3A_1350 = arith.addi %add3A_1349, %and3A_1346 : vector<16xi32>
        %and3A_1351 = arith.constant -65536 : i32
        %and3A_1352 = vector.broadcast %and3A_1351 : i32 to vector<16xi32>
        %and3A_1353 = arith.andi %add3A_1350, %and3A_1352 : vector<16xi32>
        %bitcast3A_1354 = vector.bitcast %and3A_1353 : vector<16xi32> to vector<16xf32>
        %get3A_1355 = arith.constant 14 : i32
        %get3A_1356 = arith.index_cast %get3A_1355 : i32 to index
        %get3A_1357 = arith.index_cast %mul3A_1319 : i32 to index
        %get3A_1358 = tpu.vector_load %arg12[%get3A_1356, %get3A_1357] {strides = array<i32>} : memref<16x768xf32, #tpu.memory_space<vmem>>, vector<16xf32>,
        %bitcast3A_1359 = vector.bitcast %get3A_1358 : vector<16xf32> to vector<16xi32>
        %shift_right_logical3A_1360 = arith.constant 16 : i32
        %shift_right_logical3A_1361 = vector.broadcast %shift_right_logical3A_1360 : i32 to vector<16xi32>
        %shift_right_logical3A_1362 = arith.shrui %bitcast3A_1359, %shift_right_logical3A_1361 : vector<16xi32>
        %and3A_1363 = arith.constant 1 : i32
        %and3A_1364 = vector.broadcast %and3A_1363 : i32 to vector<16xi32>
        %and3A_1365 = arith.andi %shift_right_logical3A_1362, %and3A_1364 : vector<16xi32>
        %add3A_1366 = arith.constant 32767 : i32
        %add3A_1367 = vector.broadcast %add3A_1366 : i32 to vector<16xi32>
        %add3A_1368 = arith.addi %bitcast3A_1359, %add3A_1367 : vector<16xi32>
        %add3A_1369 = arith.addi %add3A_1368, %and3A_1365 : vector<16xi32>
        %and3A_1370 = arith.constant -65536 : i32
        %and3A_1371 = vector.broadcast %and3A_1370 : i32 to vector<16xi32>
        %and3A_1372 = arith.andi %add3A_1369, %and3A_1371 : vector<16xi32>
        %bitcast3A_1373 = vector.bitcast %and3A_1372 : vector<16xi32> to vector<16xf32>
        %get3A_1374 = arith.constant 15 : i32
        %get3A_1375 = arith.index_cast %get3A_1374 : i32 to index
        %get3A_1376 = arith.index_cast %mul3A_1319 : i32 to index
        %get3A_1377 = tpu.vector_load %arg12[%get3A_1375, %get3A_1376] {strides = array<i32>} : memref<16x768xf32, #tpu.memory_space<vmem>>, vector<16xf32>,
        %bitcast3A_1378 = vector.bitcast %get3A_1377 : vector<16xf32> to vector<16xi32>
        %shift_right_logical3A_1379 = arith.constant 16 : i32
        %shift_right_logical3A_1380 = vector.broadcast %shift_right_logical3A_1379 : i32 to vector<16xi32>
        %shift_right_logical3A_1381 = arith.shrui %bitcast3A_1378, %shift_right_logical3A_1380 : vector<16xi32>
        %and3A_1382 = arith.constant 1 : i32
        %and3A_1383 = vector.broadcast %and3A_1382 : i32 to vector<16xi32>
        %and3A_1384 = arith.andi %shift_right_logical3A_1381, %and3A_1383 : vector<16xi32>
        %add3A_1385 = arith.constant 32767 : i32
        %add3A_1386 = vector.broadcast %add3A_1385 : i32 to vector<16xi32>
        %add3A_1387 = arith.addi %bitcast3A_1378, %add3A_1386 : vector<16xi32>
        %add3A_1388 = arith.addi %add3A_1387, %and3A_1384 : vector<16xi32>
        %and3A_1389 = arith.constant -65536 : i32
        %and3A_1390 = vector.broadcast %and3A_1389 : i32 to vector<16xi32>
        %and3A_1391 = arith.andi %add3A_1388, %and3A_1390 : vector<16xi32>
        %bitcast3A_1392 = vector.bitcast %and3A_1391 : vector<16xi32> to vector<16xf32>
        %get3A_1393 = arith.constant 0 : i32
        %get3A_1394 = arith.index_cast %get3A_1393 : i32 to index
        %get3A_1395 = arith.index_cast %mul3A_1319 : i32 to index
        %get3A_1396 = tpu.vector_load %arg11[%get3A_1394, %get3A_1395] {strides = array<i32>} : memref<8x768xf32, #tpu.memory_space<vmem>>, vector<16xf32>,
        %get3A_1397 = arith.constant 1 : i32
        %get3A_1398 = arith.index_cast %get3A_1397 : i32 to index
        %get3A_1399 = arith.index_cast %mul3A_1319 : i32 to index
        %get3A_1400 = tpu.vector_load %arg11[%get3A_1398, %get3A_1399] {strides = array<i32>} : memref<8x768xf32, #tpu.memory_space<vmem>>, vector<16xf32>,
        %get3A_1401 = arith.constant 2 : i32
        %get3A_1402 = arith.index_cast %get3A_1401 : i32 to index
        %get3A_1403 = arith.index_cast %mul3A_1319 : i32 to index
        %get3A_1404 = tpu.vector_load %arg11[%get3A_1402, %get3A_1403] {strides = array<i32>} : memref<8x768xf32, #tpu.memory_space<vmem>>, vector<16xf32>,
        %get3A_1405 = arith.constant 3 : i32
        %get3A_1406 = arith.index_cast %get3A_1405 : i32 to index
        %get3A_1407 = arith.index_cast %mul3A_1319 : i32 to index
        %get3A_1408 = tpu.vector_load %arg11[%get3A_1406, %get3A_1407] {strides = array<i32>} : memref<8x768xf32, #tpu.memory_space<vmem>>, vector<16xf32>,
        %get3A_1409 = arith.constant 4 : i32
        %get3A_1410 = arith.index_cast %get3A_1409 : i32 to index
        %get3A_1411 = arith.index_cast %mul3A_1319 : i32 to index
        %get3A_1412 = tpu.vector_load %arg11[%get3A_1410, %get3A_1411] {strides = array<i32>} : memref<8x768xf32, #tpu.memory_space<vmem>>, vector<16xf32>,
        %get3A_1413 = arith.constant 5 : i32
        %get3A_1414 = arith.index_cast %get3A_1413 : i32 to index
        %get3A_1415 = arith.index_cast %mul3A_1319 : i32 to index
        %get3A_1416 = tpu.vector_load %arg11[%get3A_1414, %get3A_1415] {strides = array<i32>} : memref<8x768xf32, #tpu.memory_space<vmem>>, vector<16xf32>,
        %get3A_1417 = arith.constant 6 : i32
        %get3A_1418 = arith.index_cast %get3A_1417 : i32 to index
        %get3A_1419 = arith.index_cast %mul3A_1319 : i32 to index
        %get3A_1420 = tpu.vector_load %arg11[%get3A_1418, %get3A_1419] {strides = array<i32>} : memref<8x768xf32, #tpu.memory_space<vmem>>, vector<16xf32>,
        %get3A_1421 = arith.constant 7 : i32
        %get3A_1422 = arith.index_cast %get3A_1421 : i32 to index
        %get3A_1423 = arith.index_cast %mul3A_1319 : i32 to index
        %get3A_1424 = tpu.vector_load %arg11[%get3A_1422, %get3A_1423] {strides = array<i32>} : memref<8x768xf32, #tpu.memory_space<vmem>>, vector<16xf32>,
        %mul3A_1425 = arith.mulf %bitcast3A_1335, %get3A_1396 : vector<16xf32>
        %add3A_1426 = arith.addf %scan3A_1286, %mul3A_1425 : vector<16xf32>
        %mul3A_1427 = arith.mulf %bitcast3A_1335, %get3A_1400 : vector<16xf32>
        %add3A_1428 = arith.addf %scan3A_1287, %mul3A_1427 : vector<16xf32>
        %mul3A_1429 = arith.mulf %bitcast3A_1335, %get3A_1404 : vector<16xf32>
        %add3A_1430 = arith.addf %scan3A_1288, %mul3A_1429 : vector<16xf32>
        %mul3A_1431 = arith.mulf %bitcast3A_1335, %get3A_1408 : vector<16xf32>
        %add3A_1432 = arith.addf %scan3A_1289, %mul3A_1431 : vector<16xf32>
        %mul3A_1433 = arith.mulf %bitcast3A_1335, %get3A_1412 : vector<16xf32>
        %add3A_1434 = arith.addf %scan3A_1290, %mul3A_1433 : vector<16xf32>
        %mul3A_1435 = arith.mulf %bitcast3A_1335, %get3A_1416 : vector<16xf32>
        %add3A_1436 = arith.addf %scan3A_1291, %mul3A_1435 : vector<16xf32>
        %mul3A_1437 = arith.mulf %bitcast3A_1335, %get3A_1420 : vector<16xf32>
        %add3A_1438 = arith.addf %scan3A_1292, %mul3A_1437 : vector<16xf32>
        %mul3A_1439 = arith.mulf %bitcast3A_1335, %get3A_1424 : vector<16xf32>
        %add3A_1440 = arith.addf %scan3A_1293, %mul3A_1439 : vector<16xf32>
        %mul3A_1441 = arith.mulf %bitcast3A_1354, %get3A_1396 : vector<16xf32>
        %add3A_1442 = arith.addf %scan3A_1294, %mul3A_1441 : vector<16xf32>
        %mul3A_1443 = arith.mulf %bitcast3A_1354, %get3A_1400 : vector<16xf32>
        %add3A_1444 = arith.addf %scan3A_1295, %mul3A_1443 : vector<16xf32>
        %mul3A_1445 = arith.mulf %bitcast3A_1354, %get3A_1404 : vector<16xf32>
        %add3A_1446 = arith.addf %scan3A_1296, %mul3A_1445 : vector<16xf32>
        %mul3A_1447 = arith.mulf %bitcast3A_1354, %get3A_1408 : vector<16xf32>
        %add3A_1448 = arith.addf %scan3A_1297, %mul3A_1447 : vector<16xf32>
        %mul3A_1449 = arith.mulf %bitcast3A_1354, %get3A_1412 : vector<16xf32>
        %add3A_1450 = arith.addf %scan3A_1298, %mul3A_1449 : vector<16xf32>
        %mul3A_1451 = arith.mulf %bitcast3A_1354, %get3A_1416 : vector<16xf32>
        %add3A_1452 = arith.addf %scan3A_1299, %mul3A_1451 : vector<16xf32>
        %mul3A_1453 = arith.mulf %bitcast3A_1354, %get3A_1420 : vector<16xf32>
        %add3A_1454 = arith.addf %scan3A_1300, %mul3A_1453 : vector<16xf32>
        %mul3A_1455 = arith.mulf %bitcast3A_1354, %get3A_1424 : vector<16xf32>
        %add3A_1456 = arith.addf %scan3A_1301, %mul3A_1455 : vector<16xf32>
        %mul3A_1457 = arith.mulf %bitcast3A_1373, %get3A_1396 : vector<16xf32>
        %add3A_1458 = arith.addf %scan3A_1302, %mul3A_1457 : vector<16xf32>
        %mul3A_1459 = arith.mulf %bitcast3A_1373, %get3A_1400 : vector<16xf32>
        %add3A_1460 = arith.addf %scan3A_1303, %mul3A_1459 : vector<16xf32>
        %mul3A_1461 = arith.mulf %bitcast3A_1373, %get3A_1404 : vector<16xf32>
        %add3A_1462 = arith.addf %scan3A_1304, %mul3A_1461 : vector<16xf32>
        %mul3A_1463 = arith.mulf %bitcast3A_1373, %get3A_1408 : vector<16xf32>
        %add3A_1464 = arith.addf %scan3A_1305, %mul3A_1463 : vector<16xf32>
        %mul3A_1465 = arith.mulf %bitcast3A_1373, %get3A_1412 : vector<16xf32>
        %add3A_1466 = arith.addf %scan3A_1306, %mul3A_1465 : vector<16xf32>
        %mul3A_1467 = arith.mulf %bitcast3A_1373, %get3A_1416 : vector<16xf32>
        %add3A_1468 = arith.addf %scan3A_1307, %mul3A_1467 : vector<16xf32>
        %mul3A_1469 = arith.mulf %bitcast3A_1373, %get3A_1420 : vector<16xf32>
        %add3A_1470 = arith.addf %scan3A_1308, %mul3A_1469 : vector<16xf32>
        %mul3A_1471 = arith.mulf %bitcast3A_1373, %get3A_1424 : vector<16xf32>
        %add3A_1472 = arith.addf %scan3A_1309, %mul3A_1471 : vector<16xf32>
        %mul3A_1473 = arith.mulf %bitcast3A_1392, %get3A_1396 : vector<16xf32>
        %add3A_1474 = arith.addf %scan3A_1310, %mul3A_1473 : vector<16xf32>
        %mul3A_1475 = arith.mulf %bitcast3A_1392, %get3A_1400 : vector<16xf32>
        %add3A_1476 = arith.addf %scan3A_1311, %mul3A_1475 : vector<16xf32>
        %mul3A_1477 = arith.mulf %bitcast3A_1392, %get3A_1404 : vector<16xf32>
        %add3A_1478 = arith.addf %scan3A_1312, %mul3A_1477 : vector<16xf32>
        %mul3A_1479 = arith.mulf %bitcast3A_1392, %get3A_1408 : vector<16xf32>
        %add3A_1480 = arith.addf %scan3A_1313, %mul3A_1479 : vector<16xf32>
        %mul3A_1481 = arith.mulf %bitcast3A_1392, %get3A_1412 : vector<16xf32>
        %add3A_1482 = arith.addf %scan3A_1314, %mul3A_1481 : vector<16xf32>
        %mul3A_1483 = arith.mulf %bitcast3A_1392, %get3A_1416 : vector<16xf32>
        %add3A_1484 = arith.addf %scan3A_1315, %mul3A_1483 : vector<16xf32>
        %mul3A_1485 = arith.mulf %bitcast3A_1392, %get3A_1420 : vector<16xf32>
        %add3A_1486 = arith.addf %scan3A_1316, %mul3A_1485 : vector<16xf32>
        %mul3A_1487 = arith.mulf %bitcast3A_1392, %get3A_1424 : vector<16xf32>
        %add3A_1488 = arith.addf %scan3A_1317, %mul3A_1487 : vector<16xf32>
        scf.yield %add3A_1426, %add3A_1428, %add3A_1430, %add3A_1432, %add3A_1434, %add3A_1436, %add3A_1438, %add3A_1440, %add3A_1442, %add3A_1444, %add3A_1446, %add3A_1448, %add3A_1450, %add3A_1452, %add3A_1454, %add3A_1456, %add3A_1458, %add3A_1460, %add3A_1462, %add3A_1464, %add3A_1466, %add3A_1468, %add3A_1470, %add3A_1472, %add3A_1474, %add3A_1476, %add3A_1478, %add3A_1480, %add3A_1482, %add3A_1484, %add3A_1486, %add3A_1488 : vector<16xf32>, vector<16xf32>, vector<16xf32>, vector<16xf32>, vector<16xf32>, vector<16xf32>, vector<16xf32>, vector<16xf32>, vector<16xf32>, vector<16xf32>, vector<16xf32>, vector<16xf32>, vector<16xf32>, vector<16xf32>, vector<16xf32>, vector<16xf32>, vector<16xf32>, vector<16xf32>, vector<16xf32>, vector<16xf32>, vector<16xf32>, vector<16xf32>, vector<16xf32>, vector<16xf32>, vector<16xf32>, vector<16xf32>, vector<16xf32>, vector<16xf32>, vector<16xf32>, vector<16xf32>, vector<16xf32>, vector<16xf32>
      }
      %scan3A_311 = arith.constant 48 : i32
      %swap3A_312 = arith.constant 192 : index
      %swap3A_313 = tpu.vector_load %arg13[%swap3A_312] {strides = array<i32>} : memref<2048xf32, #tpu.memory_space<vmem>>, vector<16xf32>,
      tpu.vector_store %arg13[%swap3A_312], %scan3A_310#0 {strides = array<i32>} : memref<2048xf32, #tpu.memory_space<vmem>>, vector<16xf32>,
      %swap3A_314 = arith.constant 448 : index
      %swap3A_315 = tpu.vector_load %arg13[%swap3A_314] {strides = array<i32>} : memref<2048xf32, #tpu.memory_space<vmem>>, vector<16xf32>,
      tpu.vector_store %arg13[%swap3A_314], %scan3A_310#1 {strides = array<i32>} : memref<2048xf32, #tpu.memory_space<vmem>>, vector<16xf32>,
      %swap3A_316 = arith.constant 704 : index
      %swap3A_317 = tpu.vector_load %arg13[%swap3A_316] {strides = array<i32>} : memref<2048xf32, #tpu.memory_space<vmem>>, vector<16xf32>,
      tpu.vector_store %arg13[%swap3A_316], %scan3A_310#2 {strides = array<i32>} : memref<2048xf32, #tpu.memory_space<vmem>>, vector<16xf32>,
      %swap3A_318 = arith.constant 960 : index
      %swap3A_319 = tpu.vector_load %arg13[%swap3A_318] {strides = array<i32>} : memref<2048xf32, #tpu.memory_space<vmem>>, vector<16xf32>,
      tpu.vector_store %arg13[%swap3A_318], %scan3A_310#3 {strides = array<i32>} : memref<2048xf32, #tpu.memory_space<vmem>>, vector<16xf32>,
      %swap3A_320 = arith.constant 1216 : index
      %swap3A_321 = tpu.vector_load %arg13[%swap3A_320] {strides = array<i32>} : memref<2048xf32, #tpu.memory_space<vmem>>, vector<16xf32>,
      tpu.vector_store %arg13[%swap3A_320], %scan3A_310#4 {strides = array<i32>} : memref<2048xf32, #tpu.memory_space<vmem>>, vector<16xf32>,
      %swap3A_322 = arith.constant 1472 : index
      %swap3A_323 = tpu.vector_load %arg13[%swap3A_322] {strides = array<i32>} : memref<2048xf32, #tpu.memory_space<vmem>>, vector<16xf32>,
      tpu.vector_store %arg13[%swap3A_322], %scan3A_310#5 {strides = array<i32>} : memref<2048xf32, #tpu.memory_space<vmem>>, vector<16xf32>,
      %swap3A_324 = arith.constant 1728 : index
      %swap3A_325 = tpu.vector_load %arg13[%swap3A_324] {strides = array<i32>} : memref<2048xf32, #tpu.memory_space<vmem>>, vector<16xf32>,
      tpu.vector_store %arg13[%swap3A_324], %scan3A_310#6 {strides = array<i32>} : memref<2048xf32, #tpu.memory_space<vmem>>, vector<16xf32>,
      %swap3A_326 = arith.constant 1984 : index
      %swap3A_327 = tpu.vector_load %arg13[%swap3A_326] {strides = array<i32>} : memref<2048xf32, #tpu.memory_space<vmem>>, vector<16xf32>,
      tpu.vector_store %arg13[%swap3A_326], %scan3A_310#7 {strides = array<i32>} : memref<2048xf32, #tpu.memory_space<vmem>>, vector<16xf32>,
      %swap3A_328 = arith.constant 208 : index
      %swap3A_329 = tpu.vector_load %arg13[%swap3A_328] {strides = array<i32>} : memref<2048xf32, #tpu.memory_space<vmem>>, vector<16xf32>,
      tpu.vector_store %arg13[%swap3A_328], %scan3A_310#8 {strides = array<i32>} : memref<2048xf32, #tpu.memory_space<vmem>>, vector<16xf32>,
      %swap3A_330 = arith.constant 464 : index
      %swap3A_331 = tpu.vector_load %arg13[%swap3A_330] {strides = array<i32>} : memref<2048xf32, #tpu.memory_space<vmem>>, vector<16xf32>,
      tpu.vector_store %arg13[%swap3A_330], %scan3A_310#9 {strides = array<i32>} : memref<2048xf32, #tpu.memory_space<vmem>>, vector<16xf32>,
      %swap3A_332 = arith.constant 720 : index
      %swap3A_333 = tpu.vector_load %arg13[%swap3A_332] {strides = array<i32>} : memref<2048xf32, #tpu.memory_space<vmem>>, vector<16xf32>,
      tpu.vector_store %arg13[%swap3A_332], %scan3A_310#10 {strides = array<i32>} : memref<2048xf32, #tpu.memory_space<vmem>>, vector<16xf32>,
      %swap3A_334 = arith.constant 976 : index
      %swap3A_335 = tpu.vector_load %arg13[%swap3A_334] {strides = array<i32>} : memref<2048xf32, #tpu.memory_space<vmem>>, vector<16xf32>,
      tpu.vector_store %arg13[%swap3A_334], %scan3A_310#11 {strides = array<i32>} : memref<2048xf32, #tpu.memory_space<vmem>>, vector<16xf32>,
      %swap3A_336 = arith.constant 1232 : index
      %swap3A_337 = tpu.vector_load %arg13[%swap3A_336] {strides = array<i32>} : memref<2048xf32, #tpu.memory_space<vmem>>, vector<16xf32>,
      tpu.vector_store %arg13[%swap3A_336], %scan3A_310#12 {strides = array<i32>} : memref<2048xf32, #tpu.memory_space<vmem>>, vector<16xf32>,
      %swap3A_338 = arith.constant 1488 : index
      %swap3A_339 = tpu.vector_load %arg13[%swap3A_338] {strides = array<i32>} : memref<2048xf32, #tpu.memory_space<vmem>>, vector<16xf32>,
      tpu.vector_store %arg13[%swap3A_338], %scan3A_310#13 {strides = array<i32>} : memref<2048xf32, #tpu.memory_space<vmem>>, vector<16xf32>,
      %swap3A_340 = arith.constant 1744 : index
      %swap3A_341 = tpu.vector_load %arg13[%swap3A_340] {strides = array<i32>} : memref<2048xf32, #tpu.memory_space<vmem>>, vector<16xf32>,
      tpu.vector_store %arg13[%swap3A_340], %scan3A_310#14 {strides = array<i32>} : memref<2048xf32, #tpu.memory_space<vmem>>, vector<16xf32>,
      %swap3A_342 = arith.constant 2000 : index
      %swap3A_343 = tpu.vector_load %arg13[%swap3A_342] {strides = array<i32>} : memref<2048xf32, #tpu.memory_space<vmem>>, vector<16xf32>,
      tpu.vector_store %arg13[%swap3A_342], %scan3A_310#15 {strides = array<i32>} : memref<2048xf32, #tpu.memory_space<vmem>>, vector<16xf32>,
      %swap3A_344 = arith.constant 224 : index
      %swap3A_345 = tpu.vector_load %arg13[%swap3A_344] {strides = array<i32>} : memref<2048xf32, #tpu.memory_space<vmem>>, vector<16xf32>,
      tpu.vector_store %arg13[%swap3A_344], %scan3A_310#16 {strides = array<i32>} : memref<2048xf32, #tpu.memory_space<vmem>>, vector<16xf32>,
      %swap3A_346 = arith.constant 480 : index
      %swap3A_347 = tpu.vector_load %arg13[%swap3A_346] {strides = array<i32>} : memref<2048xf32, #tpu.memory_space<vmem>>, vector<16xf32>,
      tpu.vector_store %arg13[%swap3A_346], %scan3A_310#17 {strides = array<i32>} : memref<2048xf32, #tpu.memory_space<vmem>>, vector<16xf32>,
      %swap3A_348 = arith.constant 736 : index
      %swap3A_349 = tpu.vector_load %arg13[%swap3A_348] {strides = array<i32>} : memref<2048xf32, #tpu.memory_space<vmem>>, vector<16xf32>,
      tpu.vector_store %arg13[%swap3A_348], %scan3A_310#18 {strides = array<i32>} : memref<2048xf32, #tpu.memory_space<vmem>>, vector<16xf32>,
      %swap3A_350 = arith.constant 992 : index
      %swap3A_351 = tpu.vector_load %arg13[%swap3A_350] {strides = array<i32>} : memref<2048xf32, #tpu.memory_space<vmem>>, vector<16xf32>,
      tpu.vector_store %arg13[%swap3A_350], %scan3A_310#19 {strides = array<i32>} : memref<2048xf32, #tpu.memory_space<vmem>>, vector<16xf32>,
      %swap3A_352 = arith.constant 1248 : index
      %swap3A_353 = tpu.vector_load %arg13[%swap3A_352] {strides = array<i32>} : memref<2048xf32, #tpu.memory_space<vmem>>, vector<16xf32>,
      tpu.vector_store %arg13[%swap3A_352], %scan3A_310#20 {strides = array<i32>} : memref<2048xf32, #tpu.memory_space<vmem>>, vector<16xf32>,
      %swap3A_354 = arith.constant 1504 : index
      %swap3A_355 = tpu.vector_load %arg13[%swap3A_354] {strides = array<i32>} : memref<2048xf32, #tpu.memory_space<vmem>>, vector<16xf32>,
      tpu.vector_store %arg13[%swap3A_354], %scan3A_310#21 {strides = array<i32>} : memref<2048xf32, #tpu.memory_space<vmem>>, vector<16xf32>,
      %swap3A_356 = arith.constant 1760 : index
      %swap3A_357 = tpu.vector_load %arg13[%swap3A_356] {strides = array<i32>} : memref<2048xf32, #tpu.memory_space<vmem>>, vector<16xf32>,
      tpu.vector_store %arg13[%swap3A_356], %scan3A_310#22 {strides = array<i32>} : memref<2048xf32, #tpu.memory_space<vmem>>, vector<16xf32>,
      %swap3A_358 = arith.constant 2016 : index
      %swap3A_359 = tpu.vector_load %arg13[%swap3A_358] {strides = array<i32>} : memref<2048xf32, #tpu.memory_space<vmem>>, vector<16xf32>,
      tpu.vector_store %arg13[%swap3A_358], %scan3A_310#23 {strides = array<i32>} : memref<2048xf32, #tpu.memory_space<vmem>>, vector<16xf32>,
      %swap3A_360 = arith.constant 240 : index
      %swap3A_361 = tpu.vector_load %arg13[%swap3A_360] {strides = array<i32>} : memref<2048xf32, #tpu.memory_space<vmem>>, vector<16xf32>,
      tpu.vector_store %arg13[%swap3A_360], %scan3A_310#24 {strides = array<i32>} : memref<2048xf32, #tpu.memory_space<vmem>>, vector<16xf32>,
      %swap3A_362 = arith.constant 496 : index
      %swap3A_363 = tpu.vector_load %arg13[%swap3A_362] {strides = array<i32>} : memref<2048xf32, #tpu.memory_space<vmem>>, vector<16xf32>,
      tpu.vector_store %arg13[%swap3A_362], %scan3A_310#25 {strides = array<i32>} : memref<2048xf32, #tpu.memory_space<vmem>>, vector<16xf32>,
      %swap3A_364 = arith.constant 752 : index
      %swap3A_365 = tpu.vector_load %arg13[%swap3A_364] {strides = array<i32>} : memref<2048xf32, #tpu.memory_space<vmem>>, vector<16xf32>,
      tpu.vector_store %arg13[%swap3A_364], %scan3A_310#26 {strides = array<i32>} : memref<2048xf32, #tpu.memory_space<vmem>>, vector<16xf32>,
      %swap3A_366 = arith.constant 1008 : index
      %swap3A_367 = tpu.vector_load %arg13[%swap3A_366] {strides = array<i32>} : memref<2048xf32, #tpu.memory_space<vmem>>, vector<16xf32>,
      tpu.vector_store %arg13[%swap3A_366], %scan3A_310#27 {strides = array<i32>} : memref<2048xf32, #tpu.memory_space<vmem>>, vector<16xf32>,
      %swap3A_368 = arith.constant 1264 : index
      %swap3A_369 = tpu.vector_load %arg13[%swap3A_368] {strides = array<i32>} : memref<2048xf32, #tpu.memory_space<vmem>>, vector<16xf32>,
      tpu.vector_store %arg13[%swap3A_368], %scan3A_310#28 {strides = array<i32>} : memref<2048xf32, #tpu.memory_space<vmem>>, vector<16xf32>,
      %swap3A_370 = arith.constant 1520 : index
      %swap3A_371 = tpu.vector_load %arg13[%swap3A_370] {strides = array<i32>} : memref<2048xf32, #tpu.memory_space<vmem>>, vector<16xf32>,
      tpu.vector_store %arg13[%swap3A_370], %scan3A_310#29 {strides = array<i32>} : memref<2048xf32, #tpu.memory_space<vmem>>, vector<16xf32>,
      %swap3A_372 = arith.constant 1776 : index
      %swap3A_373 = tpu.vector_load %arg13[%swap3A_372] {strides = array<i32>} : memref<2048xf32, #tpu.memory_space<vmem>>, vector<16xf32>,
      tpu.vector_store %arg13[%swap3A_372], %scan3A_310#30 {strides = array<i32>} : memref<2048xf32, #tpu.memory_space<vmem>>, vector<16xf32>,
      %swap3A_374 = arith.constant 2032 : index
      %swap3A_375 = tpu.vector_load %arg13[%swap3A_374] {strides = array<i32>} : memref<2048xf32, #tpu.memory_space<vmem>>, vector<16xf32>,
      tpu.vector_store %arg13[%swap3A_374], %scan3A_310#31 {strides = array<i32>} : memref<2048xf32, #tpu.memory_space<vmem>>, vector<16xf32>,
      %mul3A_376 = arith.constant 16 : i32
      %mul3A_377 = vector.broadcast %mul3A_376 : i32 to vector<16xi32>
      %mul3A_378 = arith.muli %iota3A, %mul3A_377 : vector<16xi32>
      %add3A_379 = arith.constant 0 : i32
      %add3A_380 = vector.broadcast %add3A_379 : i32 to vector<16xi32>
      %add3A_381 = arith.addi %mul3A_378, %add3A_380 : vector<16xi32>
      %gather3A = tpu.vector_load_idx %arg13[%add3A_381] : memref<2048xf32, #tpu.memory_space<vmem>>[vector<16xi32>], vector<16xf32>,
      %add3A_382 = arith.addf %broadcast_in_dim3A_5, %gather3A : vector<16xf32>
      %add3A_383 = arith.constant 1 : i32
      %add3A_384 = vector.broadcast %add3A_383 : i32 to vector<16xi32>
      %add3A_385 = arith.addi %mul3A_378, %add3A_384 : vector<16xi32>
      %gather3A_386 = tpu.vector_load_idx %arg13[%add3A_385] : memref<2048xf32, #tpu.memory_space<vmem>>[vector<16xi32>], vector<16xf32>,
      %add3A_387 = arith.addf %add3A_382, %gather3A_386 : vector<16xf32>
      %add3A_388 = arith.constant 2 : i32
      %add3A_389 = vector.broadcast %add3A_388 : i32 to vector<16xi32>
      %add3A_390 = arith.addi %mul3A_378, %add3A_389 : vector<16xi32>
      %gather3A_391 = tpu.vector_load_idx %arg13[%add3A_390] : memref<2048xf32, #tpu.memory_space<vmem>>[vector<16xi32>], vector<16xf32>,
      %add3A_392 = arith.addf %add3A_387, %gather3A_391 : vector<16xf32>
      %add3A_393 = arith.constant 3 : i32
      %add3A_394 = vector.broadcast %add3A_393 : i32 to vector<16xi32>
      %add3A_395 = arith.addi %mul3A_378, %add3A_394 : vector<16xi32>
      %gather3A_396 = tpu.vector_load_idx %arg13[%add3A_395] : memref<2048xf32, #tpu.memory_space<vmem>>[vector<16xi32>], vector<16xf32>,
      %add3A_397 = arith.addf %add3A_392, %gather3A_396 : vector<16xf32>
      %add3A_398 = arith.constant 4 : i32
      %add3A_399 = vector.broadcast %add3A_398 : i32 to vector<16xi32>
      %add3A_400 = arith.addi %mul3A_378, %add3A_399 : vector<16xi32>
      %gather3A_401 = tpu.vector_load_idx %arg13[%add3A_400] : memref<2048xf32, #tpu.memory_space<vmem>>[vector<16xi32>], vector<16xf32>,
      %add3A_402 = arith.addf %add3A_397, %gather3A_401 : vector<16xf32>
      %add3A_403 = arith.constant 5 : i32
      %add3A_404 = vector.broadcast %add3A_403 : i32 to vector<16xi32>
      %add3A_405 = arith.addi %mul3A_378, %add3A_404 : vector<16xi32>
      %gather3A_406 = tpu.vector_load_idx %arg13[%add3A_405] : memref<2048xf32, #tpu.memory_space<vmem>>[vector<16xi32>], vector<16xf32>,
      %add3A_407 = arith.addf %add3A_402, %gather3A_406 : vector<16xf32>
      %add3A_408 = arith.constant 6 : i32
      %add3A_409 = vector.broadcast %add3A_408 : i32 to vector<16xi32>
      %add3A_410 = arith.addi %mul3A_378, %add3A_409 : vector<16xi32>
      %gather3A_411 = tpu.vector_load_idx %arg13[%add3A_410] : memref<2048xf32, #tpu.memory_space<vmem>>[vector<16xi32>], vector<16xf32>,
      %add3A_412 = arith.addf %add3A_407, %gather3A_411 : vector<16xf32>
      %add3A_413 = arith.constant 7 : i32
      %add3A_414 = vector.broadcast %add3A_413 : i32 to vector<16xi32>
      %add3A_415 = arith.addi %mul3A_378, %add3A_414 : vector<16xi32>
      %gather3A_416 = tpu.vector_load_idx %arg13[%add3A_415] : memref<2048xf32, #tpu.memory_space<vmem>>[vector<16xi32>], vector<16xf32>,
      %add3A_417 = arith.addf %add3A_412, %gather3A_416 : vector<16xf32>
      %add3A_418 = arith.constant 8 : i32
      %add3A_419 = vector.broadcast %add3A_418 : i32 to vector<16xi32>
      %add3A_420 = arith.addi %mul3A_378, %add3A_419 : vector<16xi32>
      %gather3A_421 = tpu.vector_load_idx %arg13[%add3A_420] : memref<2048xf32, #tpu.memory_space<vmem>>[vector<16xi32>], vector<16xf32>,
      %add3A_422 = arith.addf %add3A_417, %gather3A_421 : vector<16xf32>
      %add3A_423 = arith.constant 9 : i32
      %add3A_424 = vector.broadcast %add3A_423 : i32 to vector<16xi32>
      %add3A_425 = arith.addi %mul3A_378, %add3A_424 : vector<16xi32>
      %gather3A_426 = tpu.vector_load_idx %arg13[%add3A_425] : memref<2048xf32, #tpu.memory_space<vmem>>[vector<16xi32>], vector<16xf32>,
      %add3A_427 = arith.addf %add3A_422, %gather3A_426 : vector<16xf32>
      %add3A_428 = arith.constant 10 : i32
      %add3A_429 = vector.broadcast %add3A_428 : i32 to vector<16xi32>
      %add3A_430 = arith.addi %mul3A_378, %add3A_429 : vector<16xi32>
      %gather3A_431 = tpu.vector_load_idx %arg13[%add3A_430] : memref<2048xf32, #tpu.memory_space<vmem>>[vector<16xi32>], vector<16xf32>,
      %add3A_432 = arith.addf %add3A_427, %gather3A_431 : vector<16xf32>
      %add3A_433 = arith.constant 11 : i32
      %add3A_434 = vector.broadcast %add3A_433 : i32 to vector<16xi32>
      %add3A_435 = arith.addi %mul3A_378, %add3A_434 : vector<16xi32>
      %gather3A_436 = tpu.vector_load_idx %arg13[%add3A_435] : memref<2048xf32, #tpu.memory_space<vmem>>[vector<16xi32>], vector<16xf32>,
      %add3A_437 = arith.addf %add3A_432, %gather3A_436 : vector<16xf32>
      %add3A_438 = arith.constant 12 : i32
      %add3A_439 = vector.broadcast %add3A_438 : i32 to vector<16xi32>
      %add3A_440 = arith.addi %mul3A_378, %add3A_439 : vector<16xi32>
      %gather3A_441 = tpu.vector_load_idx %arg13[%add3A_440] : memref<2048xf32, #tpu.memory_space<vmem>>[vector<16xi32>], vector<16xf32>,
      %add3A_442 = arith.addf %add3A_437, %gather3A_441 : vector<16xf32>
      %add3A_443 = arith.constant 13 : i32
      %add3A_444 = vector.broadcast %add3A_443 : i32 to vector<16xi32>
      %add3A_445 = arith.addi %mul3A_378, %add3A_444 : vector<16xi32>
      %gather3A_446 = tpu.vector_load_idx %arg13[%add3A_445] : memref<2048xf32, #tpu.memory_space<vmem>>[vector<16xi32>], vector<16xf32>,
      %add3A_447 = arith.addf %add3A_442, %gather3A_446 : vector<16xf32>
      %add3A_448 = arith.constant 14 : i32
      %add3A_449 = vector.broadcast %add3A_448 : i32 to vector<16xi32>
      %add3A_450 = arith.addi %mul3A_378, %add3A_449 : vector<16xi32>
      %gather3A_451 = tpu.vector_load_idx %arg13[%add3A_450] : memref<2048xf32, #tpu.memory_space<vmem>>[vector<16xi32>], vector<16xf32>,
      %add3A_452 = arith.addf %add3A_447, %gather3A_451 : vector<16xf32>
      %add3A_453 = arith.constant 15 : i32
      %add3A_454 = vector.broadcast %add3A_453 : i32 to vector<16xi32>
      %add3A_455 = arith.addi %mul3A_378, %add3A_454 : vector<16xi32>
      %gather3A_456 = tpu.vector_load_idx %arg13[%add3A_455] : memref<2048xf32, #tpu.memory_space<vmem>>[vector<16xi32>], vector<16xf32>,
      %add3A_457 = arith.addf %add3A_452, %gather3A_456 : vector<16xf32>
      %add3A_458 = arith.constant 256 : i32
      %add3A_459 = vector.broadcast %add3A_458 : i32 to vector<16xi32>
      %add3A_460 = arith.addi %mul3A_378, %add3A_459 : vector<16xi32>
      %gather3A_461 = tpu.vector_load_idx %arg13[%add3A_460] : memref<2048xf32, #tpu.memory_space<vmem>>[vector<16xi32>], vector<16xf32>,
      %add3A_462 = arith.addf %broadcast_in_dim3A_5, %gather3A_461 : vector<16xf32>
      %add3A_463 = arith.constant 257 : i32
      %add3A_464 = vector.broadcast %add3A_463 : i32 to vector<16xi32>
      %add3A_465 = arith.addi %mul3A_378, %add3A_464 : vector<16xi32>
      %gather3A_466 = tpu.vector_load_idx %arg13[%add3A_465] : memref<2048xf32, #tpu.memory_space<vmem>>[vector<16xi32>], vector<16xf32>,
      %add3A_467 = arith.addf %add3A_462, %gather3A_466 : vector<16xf32>
      %add3A_468 = arith.constant 258 : i32
      %add3A_469 = vector.broadcast %add3A_468 : i32 to vector<16xi32>
      %add3A_470 = arith.addi %mul3A_378, %add3A_469 : vector<16xi32>
      %gather3A_471 = tpu.vector_load_idx %arg13[%add3A_470] : memref<2048xf32, #tpu.memory_space<vmem>>[vector<16xi32>], vector<16xf32>,
      %add3A_472 = arith.addf %add3A_467, %gather3A_471 : vector<16xf32>
      %add3A_473 = arith.constant 259 : i32
      %add3A_474 = vector.broadcast %add3A_473 : i32 to vector<16xi32>
      %add3A_475 = arith.addi %mul3A_378, %add3A_474 : vector<16xi32>
      %gather3A_476 = tpu.vector_load_idx %arg13[%add3A_475] : memref<2048xf32, #tpu.memory_space<vmem>>[vector<16xi32>], vector<16xf32>,
      %add3A_477 = arith.addf %add3A_472, %gather3A_476 : vector<16xf32>
      %add3A_478 = arith.constant 260 : i32
      %add3A_479 = vector.broadcast %add3A_478 : i32 to vector<16xi32>
      %add3A_480 = arith.addi %mul3A_378, %add3A_479 : vector<16xi32>
      %gather3A_481 = tpu.vector_load_idx %arg13[%add3A_480] : memref<2048xf32, #tpu.memory_space<vmem>>[vector<16xi32>], vector<16xf32>,
      %add3A_482 = arith.addf %add3A_477, %gather3A_481 : vector<16xf32>
      %add3A_483 = arith.constant 261 : i32
      %add3A_484 = vector.broadcast %add3A_483 : i32 to vector<16xi32>
      %add3A_485 = arith.addi %mul3A_378, %add3A_484 : vector<16xi32>
      %gather3A_486 = tpu.vector_load_idx %arg13[%add3A_485] : memref<2048xf32, #tpu.memory_space<vmem>>[vector<16xi32>], vector<16xf32>,
      %add3A_487 = arith.addf %add3A_482, %gather3A_486 : vector<16xf32>
      %add3A_488 = arith.constant 262 : i32
      %add3A_489 = vector.broadcast %add3A_488 : i32 to vector<16xi32>
      %add3A_490 = arith.addi %mul3A_378, %add3A_489 : vector<16xi32>
      %gather3A_491 = tpu.vector_load_idx %arg13[%add3A_490] : memref<2048xf32, #tpu.memory_space<vmem>>[vector<16xi32>], vector<16xf32>,
      %add3A_492 = arith.addf %add3A_487, %gather3A_491 : vector<16xf32>
      %add3A_493 = arith.constant 263 : i32
      %add3A_494 = vector.broadcast %add3A_493 : i32 to vector<16xi32>
      %add3A_495 = arith.addi %mul3A_378, %add3A_494 : vector<16xi32>
      %gather3A_496 = tpu.vector_load_idx %arg13[%add3A_495] : memref<2048xf32, #tpu.memory_space<vmem>>[vector<16xi32>], vector<16xf32>,
      %add3A_497 = arith.addf %add3A_492, %gather3A_496 : vector<16xf32>
      %add3A_498 = arith.constant 264 : i32
      %add3A_499 = vector.broadcast %add3A_498 : i32 to vector<16xi32>
      %add3A_500 = arith.addi %mul3A_378, %add3A_499 : vector<16xi32>
      %gather3A_501 = tpu.vector_load_idx %arg13[%add3A_500] : memref<2048xf32, #tpu.memory_space<vmem>>[vector<16xi32>], vector<16xf32>,
      %add3A_502 = arith.addf %add3A_497, %gather3A_501 : vector<16xf32>
      %add3A_503 = arith.constant 265 : i32
      %add3A_504 = vector.broadcast %add3A_503 : i32 to vector<16xi32>
      %add3A_505 = arith.addi %mul3A_378, %add3A_504 : vector<16xi32>
      %gather3A_506 = tpu.vector_load_idx %arg13[%add3A_505] : memref<2048xf32, #tpu.memory_space<vmem>>[vector<16xi32>], vector<16xf32>,
      %add3A_507 = arith.addf %add3A_502, %gather3A_506 : vector<16xf32>
      %add3A_508 = arith.constant 266 : i32
      %add3A_509 = vector.broadcast %add3A_508 : i32 to vector<16xi32>
      %add3A_510 = arith.addi %mul3A_378, %add3A_509 : vector<16xi32>
      %gather3A_511 = tpu.vector_load_idx %arg13[%add3A_510] : memref<2048xf32, #tpu.memory_space<vmem>>[vector<16xi32>], vector<16xf32>,
      %add3A_512 = arith.addf %add3A_507, %gather3A_511 : vector<16xf32>
      %add3A_513 = arith.constant 267 : i32
      %add3A_514 = vector.broadcast %add3A_513 : i32 to vector<16xi32>
      %add3A_515 = arith.addi %mul3A_378, %add3A_514 : vector<16xi32>
      %gather3A_516 = tpu.vector_load_idx %arg13[%add3A_515] : memref<2048xf32, #tpu.memory_space<vmem>>[vector<16xi32>], vector<16xf32>,
      %add3A_517 = arith.addf %add3A_512, %gather3A_516 : vector<16xf32>
      %add3A_518 = arith.constant 268 : i32
      %add3A_519 = vector.broadcast %add3A_518 : i32 to vector<16xi32>
      %add3A_520 = arith.addi %mul3A_378, %add3A_519 : vector<16xi32>
      %gather3A_521 = tpu.vector_load_idx %arg13[%add3A_520] : memref<2048xf32, #tpu.memory_space<vmem>>[vector<16xi32>], vector<16xf32>,
      %add3A_522 = arith.addf %add3A_517, %gather3A_521 : vector<16xf32>
      %add3A_523 = arith.constant 269 : i32
      %add3A_524 = vector.broadcast %add3A_523 : i32 to vector<16xi32>
      %add3A_525 = arith.addi %mul3A_378, %add3A_524 : vector<16xi32>
      %gather3A_526 = tpu.vector_load_idx %arg13[%add3A_525] : memref<2048xf32, #tpu.memory_space<vmem>>[vector<16xi32>], vector<16xf32>,
      %add3A_527 = arith.addf %add3A_522, %gather3A_526 : vector<16xf32>
      %add3A_528 = arith.constant 270 : i32
      %add3A_529 = vector.broadcast %add3A_528 : i32 to vector<16xi32>
      %add3A_530 = arith.addi %mul3A_378, %add3A_529 : vector<16xi32>
      %gather3A_531 = tpu.vector_load_idx %arg13[%add3A_530] : memref<2048xf32, #tpu.memory_space<vmem>>[vector<16xi32>], vector<16xf32>,
      %add3A_532 = arith.addf %add3A_527, %gather3A_531 : vector<16xf32>
      %add3A_533 = arith.constant 271 : i32
      %add3A_534 = vector.broadcast %add3A_533 : i32 to vector<16xi32>
      %add3A_535 = arith.addi %mul3A_378, %add3A_534 : vector<16xi32>
      %gather3A_536 = tpu.vector_load_idx %arg13[%add3A_535] : memref<2048xf32, #tpu.memory_space<vmem>>[vector<16xi32>], vector<16xf32>,
      %add3A_537 = arith.addf %add3A_532, %gather3A_536 : vector<16xf32>
      %add3A_538 = arith.constant 512 : i32
      %add3A_539 = vector.broadcast %add3A_538 : i32 to vector<16xi32>
      %add3A_540 = arith.addi %mul3A_378, %add3A_539 : vector<16xi32>
      %gather3A_541 = tpu.vector_load_idx %arg13[%add3A_540] : memref<2048xf32, #tpu.memory_space<vmem>>[vector<16xi32>], vector<16xf32>,
      %add3A_542 = arith.addf %broadcast_in_dim3A_5, %gather3A_541 : vector<16xf32>
      %add3A_543 = arith.constant 513 : i32
      %add3A_544 = vector.broadcast %add3A_543 : i32 to vector<16xi32>
      %add3A_545 = arith.addi %mul3A_378, %add3A_544 : vector<16xi32>
      %gather3A_546 = tpu.vector_load_idx %arg13[%add3A_545] : memref<2048xf32, #tpu.memory_space<vmem>>[vector<16xi32>], vector<16xf32>,
      %add3A_547 = arith.addf %add3A_542, %gather3A_546 : vector<16xf32>
      %add3A_548 = arith.constant 514 : i32
      %add3A_549 = vector.broadcast %add3A_548 : i32 to vector<16xi32>
      %add3A_550 = arith.addi %mul3A_378, %add3A_549 : vector<16xi32>
      %gather3A_551 = tpu.vector_load_idx %arg13[%add3A_550] : memref<2048xf32, #tpu.memory_space<vmem>>[vector<16xi32>], vector<16xf32>,
      %add3A_552 = arith.addf %add3A_547, %gather3A_551 : vector<16xf32>
      %add3A_553 = arith.constant 515 : i32
      %add3A_554 = vector.broadcast %add3A_553 : i32 to vector<16xi32>
      %add3A_555 = arith.addi %mul3A_378, %add3A_554 : vector<16xi32>
      %gather3A_556 = tpu.vector_load_idx %arg13[%add3A_555] : memref<2048xf32, #tpu.memory_space<vmem>>[vector<16xi32>], vector<16xf32>,
      %add3A_557 = arith.addf %add3A_552, %gather3A_556 : vector<16xf32>
      %add3A_558 = arith.constant 516 : i32
      %add3A_559 = vector.broadcast %add3A_558 : i32 to vector<16xi32>
      %add3A_560 = arith.addi %mul3A_378, %add3A_559 : vector<16xi32>
      %gather3A_561 = tpu.vector_load_idx %arg13[%add3A_560] : memref<2048xf32, #tpu.memory_space<vmem>>[vector<16xi32>], vector<16xf32>,
      %add3A_562 = arith.addf %add3A_557, %gather3A_561 : vector<16xf32>
      %add3A_563 = arith.constant 517 : i32
      %add3A_564 = vector.broadcast %add3A_563 : i32 to vector<16xi32>
      %add3A_565 = arith.addi %mul3A_378, %add3A_564 : vector<16xi32>
      %gather3A_566 = tpu.vector_load_idx %arg13[%add3A_565] : memref<2048xf32, #tpu.memory_space<vmem>>[vector<16xi32>], vector<16xf32>,
      %add3A_567 = arith.addf %add3A_562, %gather3A_566 : vector<16xf32>
      %add3A_568 = arith.constant 518 : i32
      %add3A_569 = vector.broadcast %add3A_568 : i32 to vector<16xi32>
      %add3A_570 = arith.addi %mul3A_378, %add3A_569 : vector<16xi32>
      %gather3A_571 = tpu.vector_load_idx %arg13[%add3A_570] : memref<2048xf32, #tpu.memory_space<vmem>>[vector<16xi32>], vector<16xf32>,
      %add3A_572 = arith.addf %add3A_567, %gather3A_571 : vector<16xf32>
      %add3A_573 = arith.constant 519 : i32
      %add3A_574 = vector.broadcast %add3A_573 : i32 to vector<16xi32>
      %add3A_575 = arith.addi %mul3A_378, %add3A_574 : vector<16xi32>
      %gather3A_576 = tpu.vector_load_idx %arg13[%add3A_575] : memref<2048xf32, #tpu.memory_space<vmem>>[vector<16xi32>], vector<16xf32>,
      %add3A_577 = arith.addf %add3A_572, %gather3A_576 : vector<16xf32>
      %add3A_578 = arith.constant 520 : i32
      %add3A_579 = vector.broadcast %add3A_578 : i32 to vector<16xi32>
      %add3A_580 = arith.addi %mul3A_378, %add3A_579 : vector<16xi32>
      %gather3A_581 = tpu.vector_load_idx %arg13[%add3A_580] : memref<2048xf32, #tpu.memory_space<vmem>>[vector<16xi32>], vector<16xf32>,
      %add3A_582 = arith.addf %add3A_577, %gather3A_581 : vector<16xf32>
      %add3A_583 = arith.constant 521 : i32
      %add3A_584 = vector.broadcast %add3A_583 : i32 to vector<16xi32>
      %add3A_585 = arith.addi %mul3A_378, %add3A_584 : vector<16xi32>
      %gather3A_586 = tpu.vector_load_idx %arg13[%add3A_585] : memref<2048xf32, #tpu.memory_space<vmem>>[vector<16xi32>], vector<16xf32>,
      %add3A_587 = arith.addf %add3A_582, %gather3A_586 : vector<16xf32>
      %add3A_588 = arith.constant 522 : i32
      %add3A_589 = vector.broadcast %add3A_588 : i32 to vector<16xi32>
      %add3A_590 = arith.addi %mul3A_378, %add3A_589 : vector<16xi32>
      %gather3A_591 = tpu.vector_load_idx %arg13[%add3A_590] : memref<2048xf32, #tpu.memory_space<vmem>>[vector<16xi32>], vector<16xf32>,
      %add3A_592 = arith.addf %add3A_587, %gather3A_591 : vector<16xf32>
      %add3A_593 = arith.constant 523 : i32
      %add3A_594 = vector.broadcast %add3A_593 : i32 to vector<16xi32>
      %add3A_595 = arith.addi %mul3A_378, %add3A_594 : vector<16xi32>
      %gather3A_596 = tpu.vector_load_idx %arg13[%add3A_595] : memref<2048xf32, #tpu.memory_space<vmem>>[vector<16xi32>], vector<16xf32>,
      %add3A_597 = arith.addf %add3A_592, %gather3A_596 : vector<16xf32>
      %add3A_598 = arith.constant 524 : i32
      %add3A_599 = vector.broadcast %add3A_598 : i32 to vector<16xi32>
      %add3A_600 = arith.addi %mul3A_378, %add3A_599 : vector<16xi32>
      %gather3A_601 = tpu.vector_load_idx %arg13[%add3A_600] : memref<2048xf32, #tpu.memory_space<vmem>>[vector<16xi32>], vector<16xf32>,
      %add3A_602 = arith.addf %add3A_597, %gather3A_601 : vector<16xf32>
      %add3A_603 = arith.constant 525 : i32
      %add3A_604 = vector.broadcast %add3A_603 : i32 to vector<16xi32>
      %add3A_605 = arith.addi %mul3A_378, %add3A_604 : vector<16xi32>
      %gather3A_606 = tpu.vector_load_idx %arg13[%add3A_605] : memref<2048xf32, #tpu.memory_space<vmem>>[vector<16xi32>], vector<16xf32>,
      %add3A_607 = arith.addf %add3A_602, %gather3A_606 : vector<16xf32>
      %add3A_608 = arith.constant 526 : i32
      %add3A_609 = vector.broadcast %add3A_608 : i32 to vector<16xi32>
      %add3A_610 = arith.addi %mul3A_378, %add3A_609 : vector<16xi32>
      %gather3A_611 = tpu.vector_load_idx %arg13[%add3A_610] : memref<2048xf32, #tpu.memory_space<vmem>>[vector<16xi32>], vector<16xf32>,
      %add3A_612 = arith.addf %add3A_607, %gather3A_611 : vector<16xf32>
      %add3A_613 = arith.constant 527 : i32
      %add3A_614 = vector.broadcast %add3A_613 : i32 to vector<16xi32>
      %add3A_615 = arith.addi %mul3A_378, %add3A_614 : vector<16xi32>
      %gather3A_616 = tpu.vector_load_idx %arg13[%add3A_615] : memref<2048xf32, #tpu.memory_space<vmem>>[vector<16xi32>], vector<16xf32>,
      %add3A_617 = arith.addf %add3A_612, %gather3A_616 : vector<16xf32>
      %add3A_618 = arith.constant 768 : i32
      %add3A_619 = vector.broadcast %add3A_618 : i32 to vector<16xi32>
      %add3A_620 = arith.addi %mul3A_378, %add3A_619 : vector<16xi32>
      %gather3A_621 = tpu.vector_load_idx %arg13[%add3A_620] : memref<2048xf32, #tpu.memory_space<vmem>>[vector<16xi32>], vector<16xf32>,
      %add3A_622 = arith.addf %broadcast_in_dim3A_5, %gather3A_621 : vector<16xf32>
      %add3A_623 = arith.constant 769 : i32
      %add3A_624 = vector.broadcast %add3A_623 : i32 to vector<16xi32>
      %add3A_625 = arith.addi %mul3A_378, %add3A_624 : vector<16xi32>
      %gather3A_626 = tpu.vector_load_idx %arg13[%add3A_625] : memref<2048xf32, #tpu.memory_space<vmem>>[vector<16xi32>], vector<16xf32>,
      %add3A_627 = arith.addf %add3A_622, %gather3A_626 : vector<16xf32>
      %add3A_628 = arith.constant 770 : i32
      %add3A_629 = vector.broadcast %add3A_628 : i32 to vector<16xi32>
      %add3A_630 = arith.addi %mul3A_378, %add3A_629 : vector<16xi32>
      %gather3A_631 = tpu.vector_load_idx %arg13[%add3A_630] : memref<2048xf32, #tpu.memory_space<vmem>>[vector<16xi32>], vector<16xf32>,
      %add3A_632 = arith.addf %add3A_627, %gather3A_631 : vector<16xf32>
      %add3A_633 = arith.constant 771 : i32
      %add3A_634 = vector.broadcast %add3A_633 : i32 to vector<16xi32>
      %add3A_635 = arith.addi %mul3A_378, %add3A_634 : vector<16xi32>
      %gather3A_636 = tpu.vector_load_idx %arg13[%add3A_635] : memref<2048xf32, #tpu.memory_space<vmem>>[vector<16xi32>], vector<16xf32>,
      %add3A_637 = arith.addf %add3A_632, %gather3A_636 : vector<16xf32>
      %add3A_638 = arith.constant 772 : i32
      %add3A_639 = vector.broadcast %add3A_638 : i32 to vector<16xi32>
      %add3A_640 = arith.addi %mul3A_378, %add3A_639 : vector<16xi32>
      %gather3A_641 = tpu.vector_load_idx %arg13[%add3A_640] : memref<2048xf32, #tpu.memory_space<vmem>>[vector<16xi32>], vector<16xf32>,
      %add3A_642 = arith.addf %add3A_637, %gather3A_641 : vector<16xf32>
      %add3A_643 = arith.constant 773 : i32
      %add3A_644 = vector.broadcast %add3A_643 : i32 to vector<16xi32>
      %add3A_645 = arith.addi %mul3A_378, %add3A_644 : vector<16xi32>
      %gather3A_646 = tpu.vector_load_idx %arg13[%add3A_645] : memref<2048xf32, #tpu.memory_space<vmem>>[vector<16xi32>], vector<16xf32>,
      %add3A_647 = arith.addf %add3A_642, %gather3A_646 : vector<16xf32>
      %add3A_648 = arith.constant 774 : i32
      %add3A_649 = vector.broadcast %add3A_648 : i32 to vector<16xi32>
      %add3A_650 = arith.addi %mul3A_378, %add3A_649 : vector<16xi32>
      %gather3A_651 = tpu.vector_load_idx %arg13[%add3A_650] : memref<2048xf32, #tpu.memory_space<vmem>>[vector<16xi32>], vector<16xf32>,
      %add3A_652 = arith.addf %add3A_647, %gather3A_651 : vector<16xf32>
      %add3A_653 = arith.constant 775 : i32
      %add3A_654 = vector.broadcast %add3A_653 : i32 to vector<16xi32>
      %add3A_655 = arith.addi %mul3A_378, %add3A_654 : vector<16xi32>
      %gather3A_656 = tpu.vector_load_idx %arg13[%add3A_655] : memref<2048xf32, #tpu.memory_space<vmem>>[vector<16xi32>], vector<16xf32>,
      %add3A_657 = arith.addf %add3A_652, %gather3A_656 : vector<16xf32>
      %add3A_658 = arith.constant 776 : i32
      %add3A_659 = vector.broadcast %add3A_658 : i32 to vector<16xi32>
      %add3A_660 = arith.addi %mul3A_378, %add3A_659 : vector<16xi32>
      %gather3A_661 = tpu.vector_load_idx %arg13[%add3A_660] : memref<2048xf32, #tpu.memory_space<vmem>>[vector<16xi32>], vector<16xf32>,
      %add3A_662 = arith.addf %add3A_657, %gather3A_661 : vector<16xf32>
      %add3A_663 = arith.constant 777 : i32
      %add3A_664 = vector.broadcast %add3A_663 : i32 to vector<16xi32>
      %add3A_665 = arith.addi %mul3A_378, %add3A_664 : vector<16xi32>
      %gather3A_666 = tpu.vector_load_idx %arg13[%add3A_665] : memref<2048xf32, #tpu.memory_space<vmem>>[vector<16xi32>], vector<16xf32>,
      %add3A_667 = arith.addf %add3A_662, %gather3A_666 : vector<16xf32>
      %add3A_668 = arith.constant 778 : i32
      %add3A_669 = vector.broadcast %add3A_668 : i32 to vector<16xi32>
      %add3A_670 = arith.addi %mul3A_378, %add3A_669 : vector<16xi32>
      %gather3A_671 = tpu.vector_load_idx %arg13[%add3A_670] : memref<2048xf32, #tpu.memory_space<vmem>>[vector<16xi32>], vector<16xf32>,
      %add3A_672 = arith.addf %add3A_667, %gather3A_671 : vector<16xf32>
      %add3A_673 = arith.constant 779 : i32
      %add3A_674 = vector.broadcast %add3A_673 : i32 to vector<16xi32>
      %add3A_675 = arith.addi %mul3A_378, %add3A_674 : vector<16xi32>
      %gather3A_676 = tpu.vector_load_idx %arg13[%add3A_675] : memref<2048xf32, #tpu.memory_space<vmem>>[vector<16xi32>], vector<16xf32>,
      %add3A_677 = arith.addf %add3A_672, %gather3A_676 : vector<16xf32>
      %add3A_678 = arith.constant 780 : i32
      %add3A_679 = vector.broadcast %add3A_678 : i32 to vector<16xi32>
      %add3A_680 = arith.addi %mul3A_378, %add3A_679 : vector<16xi32>
      %gather3A_681 = tpu.vector_load_idx %arg13[%add3A_680] : memref<2048xf32, #tpu.memory_space<vmem>>[vector<16xi32>], vector<16xf32>,
      %add3A_682 = arith.addf %add3A_677, %gather3A_681 : vector<16xf32>
      %add3A_683 = arith.constant 781 : i32
      %add3A_684 = vector.broadcast %add3A_683 : i32 to vector<16xi32>
      %add3A_685 = arith.addi %mul3A_378, %add3A_684 : vector<16xi32>
      %gather3A_686 = tpu.vector_load_idx %arg13[%add3A_685] : memref<2048xf32, #tpu.memory_space<vmem>>[vector<16xi32>], vector<16xf32>,
      %add3A_687 = arith.addf %add3A_682, %gather3A_686 : vector<16xf32>
      %add3A_688 = arith.constant 782 : i32
      %add3A_689 = vector.broadcast %add3A_688 : i32 to vector<16xi32>
      %add3A_690 = arith.addi %mul3A_378, %add3A_689 : vector<16xi32>
      %gather3A_691 = tpu.vector_load_idx %arg13[%add3A_690] : memref<2048xf32, #tpu.memory_space<vmem>>[vector<16xi32>], vector<16xf32>,
      %add3A_692 = arith.addf %add3A_687, %gather3A_691 : vector<16xf32>
      %add3A_693 = arith.constant 783 : i32
      %add3A_694 = vector.broadcast %add3A_693 : i32 to vector<16xi32>
      %add3A_695 = arith.addi %mul3A_378, %add3A_694 : vector<16xi32>
      %gather3A_696 = tpu.vector_load_idx %arg13[%add3A_695] : memref<2048xf32, #tpu.memory_space<vmem>>[vector<16xi32>], vector<16xf32>,
      %add3A_697 = arith.addf %add3A_692, %gather3A_696 : vector<16xf32>
      %add3A_698 = arith.constant 1024 : i32
      %add3A_699 = vector.broadcast %add3A_698 : i32 to vector<16xi32>
      %add3A_700 = arith.addi %mul3A_378, %add3A_699 : vector<16xi32>
      %gather3A_701 = tpu.vector_load_idx %arg13[%add3A_700] : memref<2048xf32, #tpu.memory_space<vmem>>[vector<16xi32>], vector<16xf32>,
      %add3A_702 = arith.addf %broadcast_in_dim3A_5, %gather3A_701 : vector<16xf32>
      %add3A_703 = arith.constant 1025 : i32
      %add3A_704 = vector.broadcast %add3A_703 : i32 to vector<16xi32>
      %add3A_705 = arith.addi %mul3A_378, %add3A_704 : vector<16xi32>
      %gather3A_706 = tpu.vector_load_idx %arg13[%add3A_705] : memref<2048xf32, #tpu.memory_space<vmem>>[vector<16xi32>], vector<16xf32>,
      %add3A_707 = arith.addf %add3A_702, %gather3A_706 : vector<16xf32>
      %add3A_708 = arith.constant 1026 : i32
      %add3A_709 = vector.broadcast %add3A_708 : i32 to vector<16xi32>
      %add3A_710 = arith.addi %mul3A_378, %add3A_709 : vector<16xi32>
      %gather3A_711 = tpu.vector_load_idx %arg13[%add3A_710] : memref<2048xf32, #tpu.memory_space<vmem>>[vector<16xi32>], vector<16xf32>,
      %add3A_712 = arith.addf %add3A_707, %gather3A_711 : vector<16xf32>
      %add3A_713 = arith.constant 1027 : i32
      %add3A_714 = vector.broadcast %add3A_713 : i32 to vector<16xi32>
      %add3A_715 = arith.addi %mul3A_378, %add3A_714 : vector<16xi32>
      %gather3A_716 = tpu.vector_load_idx %arg13[%add3A_715] : memref<2048xf32, #tpu.memory_space<vmem>>[vector<16xi32>], vector<16xf32>,
      %add3A_717 = arith.addf %add3A_712, %gather3A_716 : vector<16xf32>
      %add3A_718 = arith.constant 1028 : i32
      %add3A_719 = vector.broadcast %add3A_718 : i32 to vector<16xi32>
      %add3A_720 = arith.addi %mul3A_378, %add3A_719 : vector<16xi32>
      %gather3A_721 = tpu.vector_load_idx %arg13[%add3A_720] : memref<2048xf32, #tpu.memory_space<vmem>>[vector<16xi32>], vector<16xf32>,
      %add3A_722 = arith.addf %add3A_717, %gather3A_721 : vector<16xf32>
      %add3A_723 = arith.constant 1029 : i32
      %add3A_724 = vector.broadcast %add3A_723 : i32 to vector<16xi32>
      %add3A_725 = arith.addi %mul3A_378, %add3A_724 : vector<16xi32>
      %gather3A_726 = tpu.vector_load_idx %arg13[%add3A_725] : memref<2048xf32, #tpu.memory_space<vmem>>[vector<16xi32>], vector<16xf32>,
      %add3A_727 = arith.addf %add3A_722, %gather3A_726 : vector<16xf32>
      %add3A_728 = arith.constant 1030 : i32
      %add3A_729 = vector.broadcast %add3A_728 : i32 to vector<16xi32>
      %add3A_730 = arith.addi %mul3A_378, %add3A_729 : vector<16xi32>
      %gather3A_731 = tpu.vector_load_idx %arg13[%add3A_730] : memref<2048xf32, #tpu.memory_space<vmem>>[vector<16xi32>], vector<16xf32>,
      %add3A_732 = arith.addf %add3A_727, %gather3A_731 : vector<16xf32>
      %add3A_733 = arith.constant 1031 : i32
      %add3A_734 = vector.broadcast %add3A_733 : i32 to vector<16xi32>
      %add3A_735 = arith.addi %mul3A_378, %add3A_734 : vector<16xi32>
      %gather3A_736 = tpu.vector_load_idx %arg13[%add3A_735] : memref<2048xf32, #tpu.memory_space<vmem>>[vector<16xi32>], vector<16xf32>,
      %add3A_737 = arith.addf %add3A_732, %gather3A_736 : vector<16xf32>
      %add3A_738 = arith.constant 1032 : i32
      %add3A_739 = vector.broadcast %add3A_738 : i32 to vector<16xi32>
      %add3A_740 = arith.addi %mul3A_378, %add3A_739 : vector<16xi32>
      %gather3A_741 = tpu.vector_load_idx %arg13[%add3A_740] : memref<2048xf32, #tpu.memory_space<vmem>>[vector<16xi32>], vector<16xf32>,
      %add3A_742 = arith.addf %add3A_737, %gather3A_741 : vector<16xf32>
      %add3A_743 = arith.constant 1033 : i32
      %add3A_744 = vector.broadcast %add3A_743 : i32 to vector<16xi32>
      %add3A_745 = arith.addi %mul3A_378, %add3A_744 : vector<16xi32>
      %gather3A_746 = tpu.vector_load_idx %arg13[%add3A_745] : memref<2048xf32, #tpu.memory_space<vmem>>[vector<16xi32>], vector<16xf32>,
      %add3A_747 = arith.addf %add3A_742, %gather3A_746 : vector<16xf32>
      %add3A_748 = arith.constant 1034 : i32
      %add3A_749 = vector.broadcast %add3A_748 : i32 to vector<16xi32>
      %add3A_750 = arith.addi %mul3A_378, %add3A_749 : vector<16xi32>
      %gather3A_751 = tpu.vector_load_idx %arg13[%add3A_750] : memref<2048xf32, #tpu.memory_space<vmem>>[vector<16xi32>], vector<16xf32>,
      %add3A_752 = arith.addf %add3A_747, %gather3A_751 : vector<16xf32>
      %add3A_753 = arith.constant 1035 : i32
      %add3A_754 = vector.broadcast %add3A_753 : i32 to vector<16xi32>
      %add3A_755 = arith.addi %mul3A_378, %add3A_754 : vector<16xi32>
      %gather3A_756 = tpu.vector_load_idx %arg13[%add3A_755] : memref<2048xf32, #tpu.memory_space<vmem>>[vector<16xi32>], vector<16xf32>,
      %add3A_757 = arith.addf %add3A_752, %gather3A_756 : vector<16xf32>
      %add3A_758 = arith.constant 1036 : i32
      %add3A_759 = vector.broadcast %add3A_758 : i32 to vector<16xi32>
      %add3A_760 = arith.addi %mul3A_378, %add3A_759 : vector<16xi32>
      %gather3A_761 = tpu.vector_load_idx %arg13[%add3A_760] : memref<2048xf32, #tpu.memory_space<vmem>>[vector<16xi32>], vector<16xf32>,
      %add3A_762 = arith.addf %add3A_757, %gather3A_761 : vector<16xf32>
      %add3A_763 = arith.constant 1037 : i32
      %add3A_764 = vector.broadcast %add3A_763 : i32 to vector<16xi32>
      %add3A_765 = arith.addi %mul3A_378, %add3A_764 : vector<16xi32>
      %gather3A_766 = tpu.vector_load_idx %arg13[%add3A_765] : memref<2048xf32, #tpu.memory_space<vmem>>[vector<16xi32>], vector<16xf32>,
      %add3A_767 = arith.addf %add3A_762, %gather3A_766 : vector<16xf32>
      %add3A_768 = arith.constant 1038 : i32
      %add3A_769 = vector.broadcast %add3A_768 : i32 to vector<16xi32>
      %add3A_770 = arith.addi %mul3A_378, %add3A_769 : vector<16xi32>
      %gather3A_771 = tpu.vector_load_idx %arg13[%add3A_770] : memref<2048xf32, #tpu.memory_space<vmem>>[vector<16xi32>], vector<16xf32>,
      %add3A_772 = arith.addf %add3A_767, %gather3A_771 : vector<16xf32>
      %add3A_773 = arith.constant 1039 : i32
      %add3A_774 = vector.broadcast %add3A_773 : i32 to vector<16xi32>
      %add3A_775 = arith.addi %mul3A_378, %add3A_774 : vector<16xi32>
      %gather3A_776 = tpu.vector_load_idx %arg13[%add3A_775] : memref<2048xf32, #tpu.memory_space<vmem>>[vector<16xi32>], vector<16xf32>,
      %add3A_777 = arith.addf %add3A_772, %gather3A_776 : vector<16xf32>
      %add3A_778 = arith.constant 1280 : i32
      %add3A_779 = vector.broadcast %add3A_778 : i32 to vector<16xi32>
      %add3A_780 = arith.addi %mul3A_378, %add3A_779 : vector<16xi32>
      %gather3A_781 = tpu.vector_load_idx %arg13[%add3A_780] : memref<2048xf32, #tpu.memory_space<vmem>>[vector<16xi32>], vector<16xf32>,
      %add3A_782 = arith.addf %broadcast_in_dim3A_5, %gather3A_781 : vector<16xf32>
      %add3A_783 = arith.constant 1281 : i32
      %add3A_784 = vector.broadcast %add3A_783 : i32 to vector<16xi32>
      %add3A_785 = arith.addi %mul3A_378, %add3A_784 : vector<16xi32>
      %gather3A_786 = tpu.vector_load_idx %arg13[%add3A_785] : memref<2048xf32, #tpu.memory_space<vmem>>[vector<16xi32>], vector<16xf32>,
      %add3A_787 = arith.addf %add3A_782, %gather3A_786 : vector<16xf32>
      %add3A_788 = arith.constant 1282 : i32
      %add3A_789 = vector.broadcast %add3A_788 : i32 to vector<16xi32>
      %add3A_790 = arith.addi %mul3A_378, %add3A_789 : vector<16xi32>
      %gather3A_791 = tpu.vector_load_idx %arg13[%add3A_790] : memref<2048xf32, #tpu.memory_space<vmem>>[vector<16xi32>], vector<16xf32>,
      %add3A_792 = arith.addf %add3A_787, %gather3A_791 : vector<16xf32>
      %add3A_793 = arith.constant 1283 : i32
      %add3A_794 = vector.broadcast %add3A_793 : i32 to vector<16xi32>
      %add3A_795 = arith.addi %mul3A_378, %add3A_794 : vector<16xi32>
      %gather3A_796 = tpu.vector_load_idx %arg13[%add3A_795] : memref<2048xf32, #tpu.memory_space<vmem>>[vector<16xi32>], vector<16xf32>,
      %add3A_797 = arith.addf %add3A_792, %gather3A_796 : vector<16xf32>
      %add3A_798 = arith.constant 1284 : i32
      %add3A_799 = vector.broadcast %add3A_798 : i32 to vector<16xi32>
      %add3A_800 = arith.addi %mul3A_378, %add3A_799 : vector<16xi32>
      %gather3A_801 = tpu.vector_load_idx %arg13[%add3A_800] : memref<2048xf32, #tpu.memory_space<vmem>>[vector<16xi32>], vector<16xf32>,
      %add3A_802 = arith.addf %add3A_797, %gather3A_801 : vector<16xf32>
      %add3A_803 = arith.constant 1285 : i32
      %add3A_804 = vector.broadcast %add3A_803 : i32 to vector<16xi32>
      %add3A_805 = arith.addi %mul3A_378, %add3A_804 : vector<16xi32>
      %gather3A_806 = tpu.vector_load_idx %arg13[%add3A_805] : memref<2048xf32, #tpu.memory_space<vmem>>[vector<16xi32>], vector<16xf32>,
      %add3A_807 = arith.addf %add3A_802, %gather3A_806 : vector<16xf32>
      %add3A_808 = arith.constant 1286 : i32
      %add3A_809 = vector.broadcast %add3A_808 : i32 to vector<16xi32>
      %add3A_810 = arith.addi %mul3A_378, %add3A_809 : vector<16xi32>
      %gather3A_811 = tpu.vector_load_idx %arg13[%add3A_810] : memref<2048xf32, #tpu.memory_space<vmem>>[vector<16xi32>], vector<16xf32>,
      %add3A_812 = arith.addf %add3A_807, %gather3A_811 : vector<16xf32>
      %add3A_813 = arith.constant 1287 : i32
      %add3A_814 = vector.broadcast %add3A_813 : i32 to vector<16xi32>
      %add3A_815 = arith.addi %mul3A_378, %add3A_814 : vector<16xi32>
      %gather3A_816 = tpu.vector_load_idx %arg13[%add3A_815] : memref<2048xf32, #tpu.memory_space<vmem>>[vector<16xi32>], vector<16xf32>,
      %add3A_817 = arith.addf %add3A_812, %gather3A_816 : vector<16xf32>
      %add3A_818 = arith.constant 1288 : i32
      %add3A_819 = vector.broadcast %add3A_818 : i32 to vector<16xi32>
      %add3A_820 = arith.addi %mul3A_378, %add3A_819 : vector<16xi32>
      %gather3A_821 = tpu.vector_load_idx %arg13[%add3A_820] : memref<2048xf32, #tpu.memory_space<vmem>>[vector<16xi32>], vector<16xf32>,
      %add3A_822 = arith.addf %add3A_817, %gather3A_821 : vector<16xf32>
      %add3A_823 = arith.constant 1289 : i32
      %add3A_824 = vector.broadcast %add3A_823 : i32 to vector<16xi32>
      %add3A_825 = arith.addi %mul3A_378, %add3A_824 : vector<16xi32>
      %gather3A_826 = tpu.vector_load_idx %arg13[%add3A_825] : memref<2048xf32, #tpu.memory_space<vmem>>[vector<16xi32>], vector<16xf32>,
      %add3A_827 = arith.addf %add3A_822, %gather3A_826 : vector<16xf32>
      %add3A_828 = arith.constant 1290 : i32
      %add3A_829 = vector.broadcast %add3A_828 : i32 to vector<16xi32>
      %add3A_830 = arith.addi %mul3A_378, %add3A_829 : vector<16xi32>
      %gather3A_831 = tpu.vector_load_idx %arg13[%add3A_830] : memref<2048xf32, #tpu.memory_space<vmem>>[vector<16xi32>], vector<16xf32>,
      %add3A_832 = arith.addf %add3A_827, %gather3A_831 : vector<16xf32>
      %add3A_833 = arith.constant 1291 : i32
      %add3A_834 = vector.broadcast %add3A_833 : i32 to vector<16xi32>
      %add3A_835 = arith.addi %mul3A_378, %add3A_834 : vector<16xi32>
      %gather3A_836 = tpu.vector_load_idx %arg13[%add3A_835] : memref<2048xf32, #tpu.memory_space<vmem>>[vector<16xi32>], vector<16xf32>,
      %add3A_837 = arith.addf %add3A_832, %gather3A_836 : vector<16xf32>
      %add3A_838 = arith.constant 1292 : i32
      %add3A_839 = vector.broadcast %add3A_838 : i32 to vector<16xi32>
      %add3A_840 = arith.addi %mul3A_378, %add3A_839 : vector<16xi32>
      %gather3A_841 = tpu.vector_load_idx %arg13[%add3A_840] : memref<2048xf32, #tpu.memory_space<vmem>>[vector<16xi32>], vector<16xf32>,
      %add3A_842 = arith.addf %add3A_837, %gather3A_841 : vector<16xf32>
      %add3A_843 = arith.constant 1293 : i32
      %add3A_844 = vector.broadcast %add3A_843 : i32 to vector<16xi32>
      %add3A_845 = arith.addi %mul3A_378, %add3A_844 : vector<16xi32>
      %gather3A_846 = tpu.vector_load_idx %arg13[%add3A_845] : memref<2048xf32, #tpu.memory_space<vmem>>[vector<16xi32>], vector<16xf32>,
      %add3A_847 = arith.addf %add3A_842, %gather3A_846 : vector<16xf32>
      %add3A_848 = arith.constant 1294 : i32
      %add3A_849 = vector.broadcast %add3A_848 : i32 to vector<16xi32>
      %add3A_850 = arith.addi %mul3A_378, %add3A_849 : vector<16xi32>
      %gather3A_851 = tpu.vector_load_idx %arg13[%add3A_850] : memref<2048xf32, #tpu.memory_space<vmem>>[vector<16xi32>], vector<16xf32>,
      %add3A_852 = arith.addf %add3A_847, %gather3A_851 : vector<16xf32>
      %add3A_853 = arith.constant 1295 : i32
      %add3A_854 = vector.broadcast %add3A_853 : i32 to vector<16xi32>
      %add3A_855 = arith.addi %mul3A_378, %add3A_854 : vector<16xi32>
      %gather3A_856 = tpu.vector_load_idx %arg13[%add3A_855] : memref<2048xf32, #tpu.memory_space<vmem>>[vector<16xi32>], vector<16xf32>,
      %add3A_857 = arith.addf %add3A_852, %gather3A_856 : vector<16xf32>
      %add3A_858 = arith.constant 1536 : i32
      %add3A_859 = vector.broadcast %add3A_858 : i32 to vector<16xi32>
      %add3A_860 = arith.addi %mul3A_378, %add3A_859 : vector<16xi32>
      %gather3A_861 = tpu.vector_load_idx %arg13[%add3A_860] : memref<2048xf32, #tpu.memory_space<vmem>>[vector<16xi32>], vector<16xf32>,
      %add3A_862 = arith.addf %broadcast_in_dim3A_5, %gather3A_861 : vector<16xf32>
      %add3A_863 = arith.constant 1537 : i32
      %add3A_864 = vector.broadcast %add3A_863 : i32 to vector<16xi32>
      %add3A_865 = arith.addi %mul3A_378, %add3A_864 : vector<16xi32>
      %gather3A_866 = tpu.vector_load_idx %arg13[%add3A_865] : memref<2048xf32, #tpu.memory_space<vmem>>[vector<16xi32>], vector<16xf32>,
      %add3A_867 = arith.addf %add3A_862, %gather3A_866 : vector<16xf32>
      %add3A_868 = arith.constant 1538 : i32
      %add3A_869 = vector.broadcast %add3A_868 : i32 to vector<16xi32>
      %add3A_870 = arith.addi %mul3A_378, %add3A_869 : vector<16xi32>
      %gather3A_871 = tpu.vector_load_idx %arg13[%add3A_870] : memref<2048xf32, #tpu.memory_space<vmem>>[vector<16xi32>], vector<16xf32>,
      %add3A_872 = arith.addf %add3A_867, %gather3A_871 : vector<16xf32>
      %add3A_873 = arith.constant 1539 : i32
      %add3A_874 = vector.broadcast %add3A_873 : i32 to vector<16xi32>
      %add3A_875 = arith.addi %mul3A_378, %add3A_874 : vector<16xi32>
      %gather3A_876 = tpu.vector_load_idx %arg13[%add3A_875] : memref<2048xf32, #tpu.memory_space<vmem>>[vector<16xi32>], vector<16xf32>,
      %add3A_877 = arith.addf %add3A_872, %gather3A_876 : vector<16xf32>
      %add3A_878 = arith.constant 1540 : i32
      %add3A_879 = vector.broadcast %add3A_878 : i32 to vector<16xi32>
      %add3A_880 = arith.addi %mul3A_378, %add3A_879 : vector<16xi32>
      %gather3A_881 = tpu.vector_load_idx %arg13[%add3A_880] : memref<2048xf32, #tpu.memory_space<vmem>>[vector<16xi32>], vector<16xf32>,
      %add3A_882 = arith.addf %add3A_877, %gather3A_881 : vector<16xf32>
      %add3A_883 = arith.constant 1541 : i32
      %add3A_884 = vector.broadcast %add3A_883 : i32 to vector<16xi32>
      %add3A_885 = arith.addi %mul3A_378, %add3A_884 : vector<16xi32>
      %gather3A_886 = tpu.vector_load_idx %arg13[%add3A_885] : memref<2048xf32, #tpu.memory_space<vmem>>[vector<16xi32>], vector<16xf32>,
      %add3A_887 = arith.addf %add3A_882, %gather3A_886 : vector<16xf32>
      %add3A_888 = arith.constant 1542 : i32
      %add3A_889 = vector.broadcast %add3A_888 : i32 to vector<16xi32>
      %add3A_890 = arith.addi %mul3A_378, %add3A_889 : vector<16xi32>
      %gather3A_891 = tpu.vector_load_idx %arg13[%add3A_890] : memref<2048xf32, #tpu.memory_space<vmem>>[vector<16xi32>], vector<16xf32>,
      %add3A_892 = arith.addf %add3A_887, %gather3A_891 : vector<16xf32>
      %add3A_893 = arith.constant 1543 : i32
      %add3A_894 = vector.broadcast %add3A_893 : i32 to vector<16xi32>
      %add3A_895 = arith.addi %mul3A_378, %add3A_894 : vector<16xi32>
      %gather3A_896 = tpu.vector_load_idx %arg13[%add3A_895] : memref<2048xf32, #tpu.memory_space<vmem>>[vector<16xi32>], vector<16xf32>,
      %add3A_897 = arith.addf %add3A_892, %gather3A_896 : vector<16xf32>
      %add3A_898 = arith.constant 1544 : i32
      %add3A_899 = vector.broadcast %add3A_898 : i32 to vector<16xi32>
      %add3A_900 = arith.addi %mul3A_378, %add3A_899 : vector<16xi32>
      %gather3A_901 = tpu.vector_load_idx %arg13[%add3A_900] : memref<2048xf32, #tpu.memory_space<vmem>>[vector<16xi32>], vector<16xf32>,
      %add3A_902 = arith.addf %add3A_897, %gather3A_901 : vector<16xf32>
      %add3A_903 = arith.constant 1545 : i32
      %add3A_904 = vector.broadcast %add3A_903 : i32 to vector<16xi32>
      %add3A_905 = arith.addi %mul3A_378, %add3A_904 : vector<16xi32>
      %gather3A_906 = tpu.vector_load_idx %arg13[%add3A_905] : memref<2048xf32, #tpu.memory_space<vmem>>[vector<16xi32>], vector<16xf32>,
      %add3A_907 = arith.addf %add3A_902, %gather3A_906 : vector<16xf32>
      %add3A_908 = arith.constant 1546 : i32
      %add3A_909 = vector.broadcast %add3A_908 : i32 to vector<16xi32>
      %add3A_910 = arith.addi %mul3A_378, %add3A_909 : vector<16xi32>
      %gather3A_911 = tpu.vector_load_idx %arg13[%add3A_910] : memref<2048xf32, #tpu.memory_space<vmem>>[vector<16xi32>], vector<16xf32>,
      %add3A_912 = arith.addf %add3A_907, %gather3A_911 : vector<16xf32>
      %add3A_913 = arith.constant 1547 : i32
      %add3A_914 = vector.broadcast %add3A_913 : i32 to vector<16xi32>
      %add3A_915 = arith.addi %mul3A_378, %add3A_914 : vector<16xi32>
      %gather3A_916 = tpu.vector_load_idx %arg13[%add3A_915] : memref<2048xf32, #tpu.memory_space<vmem>>[vector<16xi32>], vector<16xf32>,
      %add3A_917 = arith.addf %add3A_912, %gather3A_916 : vector<16xf32>
      %add3A_918 = arith.constant 1548 : i32
      %add3A_919 = vector.broadcast %add3A_918 : i32 to vector<16xi32>
      %add3A_920 = arith.addi %mul3A_378, %add3A_919 : vector<16xi32>
      %gather3A_921 = tpu.vector_load_idx %arg13[%add3A_920] : memref<2048xf32, #tpu.memory_space<vmem>>[vector<16xi32>], vector<16xf32>,
      %add3A_922 = arith.addf %add3A_917, %gather3A_921 : vector<16xf32>
      %add3A_923 = arith.constant 1549 : i32
      %add3A_924 = vector.broadcast %add3A_923 : i32 to vector<16xi32>
      %add3A_925 = arith.addi %mul3A_378, %add3A_924 : vector<16xi32>
      %gather3A_926 = tpu.vector_load_idx %arg13[%add3A_925] : memref<2048xf32, #tpu.memory_space<vmem>>[vector<16xi32>], vector<16xf32>,
      %add3A_927 = arith.addf %add3A_922, %gather3A_926 : vector<16xf32>
      %add3A_928 = arith.constant 1550 : i32
      %add3A_929 = vector.broadcast %add3A_928 : i32 to vector<16xi32>
      %add3A_930 = arith.addi %mul3A_378, %add3A_929 : vector<16xi32>
      %gather3A_931 = tpu.vector_load_idx %arg13[%add3A_930] : memref<2048xf32, #tpu.memory_space<vmem>>[vector<16xi32>], vector<16xf32>,
      %add3A_932 = arith.addf %add3A_927, %gather3A_931 : vector<16xf32>
      %add3A_933 = arith.constant 1551 : i32
      %add3A_934 = vector.broadcast %add3A_933 : i32 to vector<16xi32>
      %add3A_935 = arith.addi %mul3A_378, %add3A_934 : vector<16xi32>
      %gather3A_936 = tpu.vector_load_idx %arg13[%add3A_935] : memref<2048xf32, #tpu.memory_space<vmem>>[vector<16xi32>], vector<16xf32>,
      %add3A_937 = arith.addf %add3A_932, %gather3A_936 : vector<16xf32>
      %add3A_938 = arith.constant 1792 : i32
      %add3A_939 = vector.broadcast %add3A_938 : i32 to vector<16xi32>
      %add3A_940 = arith.addi %mul3A_378, %add3A_939 : vector<16xi32>
      %gather3A_941 = tpu.vector_load_idx %arg13[%add3A_940] : memref<2048xf32, #tpu.memory_space<vmem>>[vector<16xi32>], vector<16xf32>,
      %add3A_942 = arith.addf %broadcast_in_dim3A_5, %gather3A_941 : vector<16xf32>
      %add3A_943 = arith.constant 1793 : i32
      %add3A_944 = vector.broadcast %add3A_943 : i32 to vector<16xi32>
      %add3A_945 = arith.addi %mul3A_378, %add3A_944 : vector<16xi32>
      %gather3A_946 = tpu.vector_load_idx %arg13[%add3A_945] : memref<2048xf32, #tpu.memory_space<vmem>>[vector<16xi32>], vector<16xf32>,
      %add3A_947 = arith.addf %add3A_942, %gather3A_946 : vector<16xf32>
      %add3A_948 = arith.constant 1794 : i32
      %add3A_949 = vector.broadcast %add3A_948 : i32 to vector<16xi32>
      %add3A_950 = arith.addi %mul3A_378, %add3A_949 : vector<16xi32>
      %gather3A_951 = tpu.vector_load_idx %arg13[%add3A_950] : memref<2048xf32, #tpu.memory_space<vmem>>[vector<16xi32>], vector<16xf32>,
      %add3A_952 = arith.addf %add3A_947, %gather3A_951 : vector<16xf32>
      %add3A_953 = arith.constant 1795 : i32
      %add3A_954 = vector.broadcast %add3A_953 : i32 to vector<16xi32>
      %add3A_955 = arith.addi %mul3A_378, %add3A_954 : vector<16xi32>
      %gather3A_956 = tpu.vector_load_idx %arg13[%add3A_955] : memref<2048xf32, #tpu.memory_space<vmem>>[vector<16xi32>], vector<16xf32>,
      %add3A_957 = arith.addf %add3A_952, %gather3A_956 : vector<16xf32>
      %add3A_958 = arith.constant 1796 : i32
      %add3A_959 = vector.broadcast %add3A_958 : i32 to vector<16xi32>
      %add3A_960 = arith.addi %mul3A_378, %add3A_959 : vector<16xi32>
      %gather3A_961 = tpu.vector_load_idx %arg13[%add3A_960] : memref<2048xf32, #tpu.memory_space<vmem>>[vector<16xi32>], vector<16xf32>,
      %add3A_962 = arith.addf %add3A_957, %gather3A_961 : vector<16xf32>
      %add3A_963 = arith.constant 1797 : i32
      %add3A_964 = vector.broadcast %add3A_963 : i32 to vector<16xi32>
      %add3A_965 = arith.addi %mul3A_378, %add3A_964 : vector<16xi32>
      %gather3A_966 = tpu.vector_load_idx %arg13[%add3A_965] : memref<2048xf32, #tpu.memory_space<vmem>>[vector<16xi32>], vector<16xf32>,
      %add3A_967 = arith.addf %add3A_962, %gather3A_966 : vector<16xf32>
      %add3A_968 = arith.constant 1798 : i32
      %add3A_969 = vector.broadcast %add3A_968 : i32 to vector<16xi32>
      %add3A_970 = arith.addi %mul3A_378, %add3A_969 : vector<16xi32>
      %gather3A_971 = tpu.vector_load_idx %arg13[%add3A_970] : memref<2048xf32, #tpu.memory_space<vmem>>[vector<16xi32>], vector<16xf32>,
      %add3A_972 = arith.addf %add3A_967, %gather3A_971 : vector<16xf32>
      %add3A_973 = arith.constant 1799 : i32
      %add3A_974 = vector.broadcast %add3A_973 : i32 to vector<16xi32>
      %add3A_975 = arith.addi %mul3A_378, %add3A_974 : vector<16xi32>
      %gather3A_976 = tpu.vector_load_idx %arg13[%add3A_975] : memref<2048xf32, #tpu.memory_space<vmem>>[vector<16xi32>], vector<16xf32>,
      %add3A_977 = arith.addf %add3A_972, %gather3A_976 : vector<16xf32>
      %add3A_978 = arith.constant 1800 : i32
      %add3A_979 = vector.broadcast %add3A_978 : i32 to vector<16xi32>
      %add3A_980 = arith.addi %mul3A_378, %add3A_979 : vector<16xi32>
      %gather3A_981 = tpu.vector_load_idx %arg13[%add3A_980] : memref<2048xf32, #tpu.memory_space<vmem>>[vector<16xi32>], vector<16xf32>,
      %add3A_982 = arith.addf %add3A_977, %gather3A_981 : vector<16xf32>
      %add3A_983 = arith.constant 1801 : i32
      %add3A_984 = vector.broadcast %add3A_983 : i32 to vector<16xi32>
      %add3A_985 = arith.addi %mul3A_378, %add3A_984 : vector<16xi32>
      %gather3A_986 = tpu.vector_load_idx %arg13[%add3A_985] : memref<2048xf32, #tpu.memory_space<vmem>>[vector<16xi32>], vector<16xf32>,
      %add3A_987 = arith.addf %add3A_982, %gather3A_986 : vector<16xf32>
      %add3A_988 = arith.constant 1802 : i32
      %add3A_989 = vector.broadcast %add3A_988 : i32 to vector<16xi32>
      %add3A_990 = arith.addi %mul3A_378, %add3A_989 : vector<16xi32>
      %gather3A_991 = tpu.vector_load_idx %arg13[%add3A_990] : memref<2048xf32, #tpu.memory_space<vmem>>[vector<16xi32>], vector<16xf32>,
      %add3A_992 = arith.addf %add3A_987, %gather3A_991 : vector<16xf32>
      %add3A_993 = arith.constant 1803 : i32
      %add3A_994 = vector.broadcast %add3A_993 : i32 to vector<16xi32>
      %add3A_995 = arith.addi %mul3A_378, %add3A_994 : vector<16xi32>
      %gather3A_996 = tpu.vector_load_idx %arg13[%add3A_995] : memref<2048xf32, #tpu.memory_space<vmem>>[vector<16xi32>], vector<16xf32>,
      %add3A_997 = arith.addf %add3A_992, %gather3A_996 : vector<16xf32>
      %add3A_998 = arith.constant 1804 : i32
      %add3A_999 = vector.broadcast %add3A_998 : i32 to vector<16xi32>
      %add3A_1000 = arith.addi %mul3A_378, %add3A_999 : vector<16xi32>
      %gather3A_1001 = tpu.vector_load_idx %arg13[%add3A_1000] : memref<2048xf32, #tpu.memory_space<vmem>>[vector<16xi32>], vector<16xf32>,
      %add3A_1002 = arith.addf %add3A_997, %gather3A_1001 : vector<16xf32>
      %add3A_1003 = arith.constant 1805 : i32
      %add3A_1004 = vector.broadcast %add3A_1003 : i32 to vector<16xi32>
      %add3A_1005 = arith.addi %mul3A_378, %add3A_1004 : vector<16xi32>
      %gather3A_1006 = tpu.vector_load_idx %arg13[%add3A_1005] : memref<2048xf32, #tpu.memory_space<vmem>>[vector<16xi32>], vector<16xf32>,
      %add3A_1007 = arith.addf %add3A_1002, %gather3A_1006 : vector<16xf32>
      %add3A_1008 = arith.constant 1806 : i32
      %add3A_1009 = vector.broadcast %add3A_1008 : i32 to vector<16xi32>
      %add3A_1010 = arith.addi %mul3A_378, %add3A_1009 : vector<16xi32>
      %gather3A_1011 = tpu.vector_load_idx %arg13[%add3A_1010] : memref<2048xf32, #tpu.memory_space<vmem>>[vector<16xi32>], vector<16xf32>,
      %add3A_1012 = arith.addf %add3A_1007, %gather3A_1011 : vector<16xf32>
      %add3A_1013 = arith.constant 1807 : i32
      %add3A_1014 = vector.broadcast %add3A_1013 : i32 to vector<16xi32>
      %add3A_1015 = arith.addi %mul3A_378, %add3A_1014 : vector<16xi32>
      %gather3A_1016 = tpu.vector_load_idx %arg13[%add3A_1015] : memref<2048xf32, #tpu.memory_space<vmem>>[vector<16xi32>], vector<16xf32>,
      %add3A_1017 = arith.addf %add3A_1012, %gather3A_1016 : vector<16xf32>
      %broadcast_in_dim3A_1018 = arith.constant 0 : i32
      %broadcast_in_dim3A_1019 = vector.broadcast %broadcast_in_dim3A_1018 : i32 to vector<16xi32>
      %broadcast_in_dim3A_1020 = arith.constant 0xFF800000 : f32
      %broadcast_in_dim3A_1021 = vector.broadcast %broadcast_in_dim3A_1020 : f32 to vector<16xf32>
      %broadcast_in_dim3A_1022 = arith.constant 0 : i32
      %broadcast_in_dim3A_1023 = vector.broadcast %broadcast_in_dim3A_1022 : i32 to vector<16xi32>
      %broadcast_in_dim3A_1024 = arith.constant 1 : i32
      %broadcast_in_dim3A_1025 = vector.broadcast %broadcast_in_dim3A_1024 : i32 to vector<16xi32>
      %gt3A = arith.cmpf ogt, %add3A_537, %add3A_457 : vector<16xf32>
      %gt3A_1026 = arith.cmpf ogt, %add3A_537, %broadcast_in_dim3A_1021 : vector<16xf32>
      %select_n3A = arith.select %gt3A_1026, %add3A_537, %broadcast_in_dim3A_1021 : vector<16xi1>, vector<16xf32>
      %select_n3A_1027 = arith.select %gt3A, %add3A_457, %select_n3A : vector<16xi1>, vector<16xf32>
      %select_n3A_1028 = arith.select %gt3A_1026, %broadcast_in_dim3A_1025, %broadcast_in_dim3A_1023 : vector<16xi1>, vector<16xi32>
      %select_n3A_1029 = arith.select %gt3A, %broadcast_in_dim3A_1019, %select_n3A_1028 : vector<16xi1>, vector<16xi32>
      %select_n3A_1030 = arith.select %gt3A, %add3A_537, %add3A_457 : vector<16xi1>, vector<16xf32>
      %select_n3A_1031 = arith.select %gt3A, %broadcast_in_dim3A_1025, %broadcast_in_dim3A_1019 : vector<16xi1>, vector<16xi32>
      %broadcast_in_dim3A_1032 = arith.constant 2 : i32
      %broadcast_in_dim3A_1033 = vector.broadcast %broadcast_in_dim3A_1032 : i32 to vector<16xi32>
      %gt3A_1034 = arith.cmpf ogt, %add3A_617, %select_n3A_1030 : vector<16xf32>
      %gt3A_1035 = arith.cmpf ogt, %add3A_617, %select_n3A_1027 : vector<16xf32>
      %select_n3A_1036 = arith.select %gt3A_1035, %add3A_617, %select_n3A_1027 : vector<16xi1>, vector<16xf32>
      %select_n3A_1037 = arith.select %gt3A_1034, %select_n3A_1030, %select_n3A_1036 : vector<16xi1>, vector<16xf32>
      %select_n3A_1038 = arith.select %gt3A_1035, %broadcast_in_dim3A_1033, %select_n3A_1029 : vector<16xi1>, vector<16xi32>
      %select_n3A_1039 = arith.select %gt3A_1034, %select_n3A_1031, %select_n3A_1038 : vector<16xi1>, vector<16xi32>
      %select_n3A_1040 = arith.select %gt3A_1034, %add3A_617, %select_n3A_1030 : vector<16xi1>, vector<16xf32>
      %select_n3A_1041 = arith.select %gt3A_1034, %broadcast_in_dim3A_1033, %select_n3A_1031 : vector<16xi1>, vector<16xi32>
      %broadcast_in_dim3A_1042 = arith.constant 3 : i32
      %broadcast_in_dim3A_1043 = vector.broadcast %broadcast_in_dim3A_1042 : i32 to vector<16xi32>
      %gt3A_1044 = arith.cmpf ogt, %add3A_697, %select_n3A_1040 : vector<16xf32>
      %gt3A_1045 = arith.cmpf ogt, %add3A_697, %select_n3A_1037 : vector<16xf32>
      %select_n3A_1046 = arith.select %gt3A_1045, %add3A_697, %select_n3A_1037 : vector<16xi1>, vector<16xf32>
      %select_n3A_1047 = arith.select %gt3A_1044, %select_n3A_1040, %select_n3A_1046 : vector<16xi1>, vector<16xf32>
      %select_n3A_1048 = arith.select %gt3A_1045, %broadcast_in_dim3A_1043, %select_n3A_1039 : vector<16xi1>, vector<16xi32>
      %select_n3A_1049 = arith.select %gt3A_1044, %select_n3A_1041, %select_n3A_1048 : vector<16xi1>, vector<16xi32>
      %select_n3A_1050 = arith.select %gt3A_1044, %add3A_697, %select_n3A_1040 : vector<16xi1>, vector<16xf32>
      %select_n3A_1051 = arith.select %gt3A_1044, %broadcast_in_dim3A_1043, %select_n3A_1041 : vector<16xi1>, vector<16xi32>
      %broadcast_in_dim3A_1052 = arith.constant 4 : i32
      %broadcast_in_dim3A_1053 = vector.broadcast %broadcast_in_dim3A_1052 : i32 to vector<16xi32>
      %gt3A_1054 = arith.cmpf ogt, %add3A_777, %select_n3A_1050 : vector<16xf32>
      %gt3A_1055 = arith.cmpf ogt, %add3A_777, %select_n3A_1047 : vector<16xf32>
      %select_n3A_1056 = arith.select %gt3A_1055, %add3A_777, %select_n3A_1047 : vector<16xi1>, vector<16xf32>
      %select_n3A_1057 = arith.select %gt3A_1054, %select_n3A_1050, %select_n3A_1056 : vector<16xi1>, vector<16xf32>
      %select_n3A_1058 = arith.select %gt3A_1055, %broadcast_in_dim3A_1053, %select_n3A_1049 : vector<16xi1>, vector<16xi32>
      %select_n3A_1059 = arith.select %gt3A_1054, %select_n3A_1051, %select_n3A_1058 : vector<16xi1>, vector<16xi32>
      %select_n3A_1060 = arith.select %gt3A_1054, %add3A_777, %select_n3A_1050 : vector<16xi1>, vector<16xf32>
      %select_n3A_1061 = arith.select %gt3A_1054, %broadcast_in_dim3A_1053, %select_n3A_1051 : vector<16xi1>, vector<16xi32>
      %broadcast_in_dim3A_1062 = arith.constant 5 : i32
      %broadcast_in_dim3A_1063 = vector.broadcast %broadcast_in_dim3A_1062 : i32 to vector<16xi32>
      %gt3A_1064 = arith.cmpf ogt, %add3A_857, %select_n3A_1060 : vector<16xf32>
      %gt3A_1065 = arith.cmpf ogt, %add3A_857, %select_n3A_1057 : vector<16xf32>
      %select_n3A_1066 = arith.select %gt3A_1065, %add3A_857, %select_n3A_1057 : vector<16xi1>, vector<16xf32>
      %select_n3A_1067 = arith.select %gt3A_1064, %select_n3A_1060, %select_n3A_1066 : vector<16xi1>, vector<16xf32>
      %select_n3A_1068 = arith.select %gt3A_1065, %broadcast_in_dim3A_1063, %select_n3A_1059 : vector<16xi1>, vector<16xi32>
      %select_n3A_1069 = arith.select %gt3A_1064, %select_n3A_1061, %select_n3A_1068 : vector<16xi1>, vector<16xi32>
      %select_n3A_1070 = arith.select %gt3A_1064, %add3A_857, %select_n3A_1060 : vector<16xi1>, vector<16xf32>
      %select_n3A_1071 = arith.select %gt3A_1064, %broadcast_in_dim3A_1063, %select_n3A_1061 : vector<16xi1>, vector<16xi32>
      %broadcast_in_dim3A_1072 = arith.constant 6 : i32
      %broadcast_in_dim3A_1073 = vector.broadcast %broadcast_in_dim3A_1072 : i32 to vector<16xi32>
      %gt3A_1074 = arith.cmpf ogt, %add3A_937, %select_n3A_1070 : vector<16xf32>
      %gt3A_1075 = arith.cmpf ogt, %add3A_937, %select_n3A_1067 : vector<16xf32>
      %select_n3A_1076 = arith.select %gt3A_1075, %add3A_937, %select_n3A_1067 : vector<16xi1>, vector<16xf32>
      %select_n3A_1077 = arith.select %gt3A_1074, %select_n3A_1070, %select_n3A_1076 : vector<16xi1>, vector<16xf32>
      %select_n3A_1078 = arith.select %gt3A_1075, %broadcast_in_dim3A_1073, %select_n3A_1069 : vector<16xi1>, vector<16xi32>
      %select_n3A_1079 = arith.select %gt3A_1074, %select_n3A_1071, %select_n3A_1078 : vector<16xi1>, vector<16xi32>
      %select_n3A_1080 = arith.select %gt3A_1074, %add3A_937, %select_n3A_1070 : vector<16xi1>, vector<16xf32>
      %select_n3A_1081 = arith.select %gt3A_1074, %broadcast_in_dim3A_1073, %select_n3A_1071 : vector<16xi1>, vector<16xi32>
      %broadcast_in_dim3A_1082 = arith.constant 7 : i32
      %broadcast_in_dim3A_1083 = vector.broadcast %broadcast_in_dim3A_1082 : i32 to vector<16xi32>
      %gt3A_1084 = arith.cmpf ogt, %add3A_1017, %select_n3A_1080 : vector<16xf32>
      %gt3A_1085 = arith.cmpf ogt, %add3A_1017, %select_n3A_1077 : vector<16xf32>
      %select_n3A_1086 = arith.select %gt3A_1085, %add3A_1017, %select_n3A_1077 : vector<16xi1>, vector<16xf32>
      %select_n3A_1087 = arith.select %gt3A_1084, %select_n3A_1080, %select_n3A_1086 : vector<16xi1>, vector<16xf32>
      %select_n3A_1088 = arith.select %gt3A_1085, %broadcast_in_dim3A_1083, %select_n3A_1079 : vector<16xi1>, vector<16xi32>
      %select_n3A_1089 = arith.select %gt3A_1084, %select_n3A_1081, %select_n3A_1088 : vector<16xi1>, vector<16xi32>
      %select_n3A_1090 = arith.select %gt3A_1084, %add3A_1017, %select_n3A_1080 : vector<16xi1>, vector<16xf32>
      %select_n3A_1091 = arith.select %gt3A_1084, %broadcast_in_dim3A_1083, %select_n3A_1081 : vector<16xi1>, vector<16xi32>
      %sub3A = arith.subf %select_n3A_1087, %select_n3A_1090 : vector<16xf32>
      %exp3A = math.exp %sub3A : vector<16xf32>
      %add3A_1092 = arith.constant 1.000000e+00 : f32
      %add3A_1093 = vector.broadcast %add3A_1092 : f32 to vector<16xf32>
      %add3A_1094 = arith.addf %add3A_1093, %exp3A : vector<16xf32>
      %div3A = arith.constant 1.000000e+00 : f32
      %div3A_1095 = vector.broadcast %div3A : f32 to vector<16xf32>
      %div3A_1096 = arith.divf %div3A_1095, %add3A_1094 : vector<16xf32>
      %div3A_1097 = arith.divf %exp3A, %add3A_1094 : vector<16xf32>
      %mul3A_1098 = arith.constant 16 : i32
      %mul3A_1099 = arith.muli %scan3A_92, %mul3A_1098 : i32
      %swap3A_1100 = arith.index_cast %mul3A_1099 : i32 to index
      %swap3A_1101 = tpu.vector_load %arg14[%swap3A_1100] {strides = array<i32>} : memref<128xf32, #tpu.memory_space<vmem>>, vector<16xf32>,
      tpu.vector_store %arg14[%swap3A_1100], %div3A_1096 {strides = array<i32>} : memref<128xf32, #tpu.memory_space<vmem>>, vector<16xf32>,
      %swap3A_1102 = arith.index_cast %mul3A_1099 : i32 to index
      %swap3A_1103 = tpu.vector_load %arg15[%swap3A_1102] {strides = array<i32>} : memref<128xf32, #tpu.memory_space<vmem>>, vector<16xf32>,
      tpu.vector_store %arg15[%swap3A_1102], %div3A_1097 {strides = array<i32>} : memref<128xf32, #tpu.memory_space<vmem>>, vector<16xf32>,
      %swap3A_1104 = arith.index_cast %mul3A_1099 : i32 to index
      %swap3A_1105 = tpu.vector_load %arg16[%swap3A_1104] {strides = array<i32>} : memref<128xi32, #tpu.memory_space<vmem>>, vector<16xi32>,
      tpu.vector_store %arg16[%swap3A_1104], %select_n3A_1091 {strides = array<i32>} : memref<128xi32, #tpu.memory_space<vmem>>, vector<16xi32>,
      %swap3A_1106 = arith.index_cast %mul3A_1099 : i32 to index
      %swap3A_1107 = tpu.vector_load %arg17[%swap3A_1106] {strides = array<i32>} : memref<128xi32, #tpu.memory_space<vmem>>, vector<16xi32>,
      tpu.vector_store %arg17[%swap3A_1106], %select_n3A_1089 {strides = array<i32>} : memref<128xi32, #tpu.memory_space<vmem>>, vector<16xi32>,
      %swap3A_1108 = arith.index_cast %mul3A_1099 : i32 to index
      %swap3A_1109 = tpu.vector_load %arg18[%swap3A_1108] {strides = array<i32>} : memref<128xf32, #tpu.memory_space<vmem>>, vector<16xf32>,
      tpu.vector_store %arg18[%swap3A_1108], %select_n3A_1090 {strides = array<i32>} : memref<128xf32, #tpu.memory_space<vmem>>, vector<16xf32>,
      %swap3A_1110 = arith.index_cast %mul3A_1099 : i32 to index
      %swap3A_1111 = tpu.vector_load %arg19[%swap3A_1110] {strides = array<i32>} : memref<128xf32, #tpu.memory_space<vmem>>, vector<16xf32>,
      tpu.vector_store %arg19[%swap3A_1110], %select_n3A_1087 {strides = array<i32>} : memref<128xf32, #tpu.memory_space<vmem>>, vector<16xf32>,
      %get3A = arith.constant 0 : i32
      %get3A_1112 = arith.index_cast %get3A : i32 to index
      %get3A_1113 = arith.constant 0 : index
      %get3A_1114 = tpu.vector_load %arg20[%get3A_1112, %get3A_1113] {strides = array<i32>} : memref<8x16xf32, #tpu.memory_space<vmem>>, vector<16xf32>,
      %eq3A = arith.constant 0 : i32
      %eq3A_1115 = vector.broadcast %eq3A : i32 to vector<16xi32>
      %eq3A_1116 = arith.cmpi eq, %select_n3A_1091, %eq3A_1115 : vector<16xi32>
      %jit3A = arith.constant 0.000000e+00 : f32
      %broadcast_in_dim3A_1117 = vector.broadcast %jit3A : f32 to vector<16xf32>
      %select_n3A_1118 = arith.select %eq3A_1116, %div3A_1096, %broadcast_in_dim3A_1117 : vector<16xi1>, vector<16xf32>
      %add3A_1119 = arith.addf %get3A_1114, %select_n3A_1118 : vector<16xf32>
      %eq3A_1120 = arith.constant 0 : i32
      %eq3A_1121 = vector.broadcast %eq3A_1120 : i32 to vector<16xi32>
      %eq3A_1122 = arith.cmpi eq, %select_n3A_1089, %eq3A_1121 : vector<16xi32>
      %jit3A_1123 = arith.constant 0.000000e+00 : f32
      %broadcast_in_dim3A_1124 = vector.broadcast %jit3A_1123 : f32 to vector<16xf32>
      %select_n3A_1125 = arith.select %eq3A_1122, %div3A_1097, %broadcast_in_dim3A_1124 : vector<16xi1>, vector<16xf32>
      %add3A_1126 = arith.addf %add3A_1119, %select_n3A_1125 : vector<16xf32>
      %swap3A_1127 = arith.constant 0 : i32
      %swap3A_1128 = arith.index_cast %swap3A_1127 : i32 to index
      %swap3A_1129 = arith.constant 0 : index
      %swap3A_1130 = tpu.vector_load %arg20[%swap3A_1128, %swap3A_1129] {strides = array<i32>} : memref<8x16xf32, #tpu.memory_space<vmem>>, vector<16xf32>,
      tpu.vector_store %arg20[%swap3A_1128, %swap3A_1129], %add3A_1126 {strides = array<i32>} : memref<8x16xf32, #tpu.memory_space<vmem>>, vector<16xf32>,
      %get3A_1131 = arith.constant 1 : i32
      %get3A_1132 = arith.index_cast %get3A_1131 : i32 to index
      %get3A_1133 = arith.constant 0 : index
      %get3A_1134 = tpu.vector_load %arg20[%get3A_1132, %get3A_1133] {strides = array<i32>} : memref<8x16xf32, #tpu.memory_space<vmem>>, vector<16xf32>,
      %eq3A_1135 = arith.constant 1 : i32
      %eq3A_1136 = vector.broadcast %eq3A_1135 : i32 to vector<16xi32>
      %eq3A_1137 = arith.cmpi eq, %select_n3A_1091, %eq3A_1136 : vector<16xi32>
      %jit3A_1138 = arith.constant 0.000000e+00 : f32
      %broadcast_in_dim3A_1139 = vector.broadcast %jit3A_1138 : f32 to vector<16xf32>
      %select_n3A_1140 = arith.select %eq3A_1137, %div3A_1096, %broadcast_in_dim3A_1139 : vector<16xi1>, vector<16xf32>
      %add3A_1141 = arith.addf %get3A_1134, %select_n3A_1140 : vector<16xf32>
      %eq3A_1142 = arith.constant 1 : i32
      %eq3A_1143 = vector.broadcast %eq3A_1142 : i32 to vector<16xi32>
      %eq3A_1144 = arith.cmpi eq, %select_n3A_1089, %eq3A_1143 : vector<16xi32>
      %jit3A_1145 = arith.constant 0.000000e+00 : f32
      %broadcast_in_dim3A_1146 = vector.broadcast %jit3A_1145 : f32 to vector<16xf32>
      %select_n3A_1147 = arith.select %eq3A_1144, %div3A_1097, %broadcast_in_dim3A_1146 : vector<16xi1>, vector<16xf32>
      %add3A_1148 = arith.addf %add3A_1141, %select_n3A_1147 : vector<16xf32>
      %swap3A_1149 = arith.constant 1 : i32
      %swap3A_1150 = arith.index_cast %swap3A_1149 : i32 to index
      %swap3A_1151 = arith.constant 0 : index
      %swap3A_1152 = tpu.vector_load %arg20[%swap3A_1150, %swap3A_1151] {strides = array<i32>} : memref<8x16xf32, #tpu.memory_space<vmem>>, vector<16xf32>,
      tpu.vector_store %arg20[%swap3A_1150, %swap3A_1151], %add3A_1148 {strides = array<i32>} : memref<8x16xf32, #tpu.memory_space<vmem>>, vector<16xf32>,
      %get3A_1153 = arith.constant 2 : i32
      %get3A_1154 = arith.index_cast %get3A_1153 : i32 to index
      %get3A_1155 = arith.constant 0 : index
      %get3A_1156 = tpu.vector_load %arg20[%get3A_1154, %get3A_1155] {strides = array<i32>} : memref<8x16xf32, #tpu.memory_space<vmem>>, vector<16xf32>,
      %eq3A_1157 = arith.constant 2 : i32
      %eq3A_1158 = vector.broadcast %eq3A_1157 : i32 to vector<16xi32>
      %eq3A_1159 = arith.cmpi eq, %select_n3A_1091, %eq3A_1158 : vector<16xi32>
      %jit3A_1160 = arith.constant 0.000000e+00 : f32
      %broadcast_in_dim3A_1161 = vector.broadcast %jit3A_1160 : f32 to vector<16xf32>
      %select_n3A_1162 = arith.select %eq3A_1159, %div3A_1096, %broadcast_in_dim3A_1161 : vector<16xi1>, vector<16xf32>
      %add3A_1163 = arith.addf %get3A_1156, %select_n3A_1162 : vector<16xf32>
      %eq3A_1164 = arith.constant 2 : i32
      %eq3A_1165 = vector.broadcast %eq3A_1164 : i32 to vector<16xi32>
      %eq3A_1166 = arith.cmpi eq, %select_n3A_1089, %eq3A_1165 : vector<16xi32>
      %jit3A_1167 = arith.constant 0.000000e+00 : f32
      %broadcast_in_dim3A_1168 = vector.broadcast %jit3A_1167 : f32 to vector<16xf32>
      %select_n3A_1169 = arith.select %eq3A_1166, %div3A_1097, %broadcast_in_dim3A_1168 : vector<16xi1>, vector<16xf32>
      %add3A_1170 = arith.addf %add3A_1163, %select_n3A_1169 : vector<16xf32>
      %swap3A_1171 = arith.constant 2 : i32
      %swap3A_1172 = arith.index_cast %swap3A_1171 : i32 to index
      %swap3A_1173 = arith.constant 0 : index
      %swap3A_1174 = tpu.vector_load %arg20[%swap3A_1172, %swap3A_1173] {strides = array<i32>} : memref<8x16xf32, #tpu.memory_space<vmem>>, vector<16xf32>,
      tpu.vector_store %arg20[%swap3A_1172, %swap3A_1173], %add3A_1170 {strides = array<i32>} : memref<8x16xf32, #tpu.memory_space<vmem>>, vector<16xf32>,
      %get3A_1175 = arith.constant 3 : i32
      %get3A_1176 = arith.index_cast %get3A_1175 : i32 to index
      %get3A_1177 = arith.constant 0 : index
      %get3A_1178 = tpu.vector_load %arg20[%get3A_1176, %get3A_1177] {strides = array<i32>} : memref<8x16xf32, #tpu.memory_space<vmem>>, vector<16xf32>,
      %eq3A_1179 = arith.constant 3 : i32
      %eq3A_1180 = vector.broadcast %eq3A_1179 : i32 to vector<16xi32>
      %eq3A_1181 = arith.cmpi eq, %select_n3A_1091, %eq3A_1180 : vector<16xi32>
      %jit3A_1182 = arith.constant 0.000000e+00 : f32
      %broadcast_in_dim3A_1183 = vector.broadcast %jit3A_1182 : f32 to vector<16xf32>
      %select_n3A_1184 = arith.select %eq3A_1181, %div3A_1096, %broadcast_in_dim3A_1183 : vector<16xi1>, vector<16xf32>
      %add3A_1185 = arith.addf %get3A_1178, %select_n3A_1184 : vector<16xf32>
      %eq3A_1186 = arith.constant 3 : i32
      %eq3A_1187 = vector.broadcast %eq3A_1186 : i32 to vector<16xi32>
      %eq3A_1188 = arith.cmpi eq, %select_n3A_1089, %eq3A_1187 : vector<16xi32>
      %jit3A_1189 = arith.constant 0.000000e+00 : f32
      %broadcast_in_dim3A_1190 = vector.broadcast %jit3A_1189 : f32 to vector<16xf32>
      %select_n3A_1191 = arith.select %eq3A_1188, %div3A_1097, %broadcast_in_dim3A_1190 : vector<16xi1>, vector<16xf32>
      %add3A_1192 = arith.addf %add3A_1185, %select_n3A_1191 : vector<16xf32>
      %swap3A_1193 = arith.constant 3 : i32
      %swap3A_1194 = arith.index_cast %swap3A_1193 : i32 to index
      %swap3A_1195 = arith.constant 0 : index
      %swap3A_1196 = tpu.vector_load %arg20[%swap3A_1194, %swap3A_1195] {strides = array<i32>} : memref<8x16xf32, #tpu.memory_space<vmem>>, vector<16xf32>,
      tpu.vector_store %arg20[%swap3A_1194, %swap3A_1195], %add3A_1192 {strides = array<i32>} : memref<8x16xf32, #tpu.memory_space<vmem>>, vector<16xf32>,
      %get3A_1197 = arith.constant 4 : i32
      %get3A_1198 = arith.index_cast %get3A_1197 : i32 to index
      %get3A_1199 = arith.constant 0 : index
      %get3A_1200 = tpu.vector_load %arg20[%get3A_1198, %get3A_1199] {strides = array<i32>} : memref<8x16xf32, #tpu.memory_space<vmem>>, vector<16xf32>,
      %eq3A_1201 = arith.constant 4 : i32
      %eq3A_1202 = vector.broadcast %eq3A_1201 : i32 to vector<16xi32>
      %eq3A_1203 = arith.cmpi eq, %select_n3A_1091, %eq3A_1202 : vector<16xi32>
      %jit3A_1204 = arith.constant 0.000000e+00 : f32
      %broadcast_in_dim3A_1205 = vector.broadcast %jit3A_1204 : f32 to vector<16xf32>
      %select_n3A_1206 = arith.select %eq3A_1203, %div3A_1096, %broadcast_in_dim3A_1205 : vector<16xi1>, vector<16xf32>
      %add3A_1207 = arith.addf %get3A_1200, %select_n3A_1206 : vector<16xf32>
      %eq3A_1208 = arith.constant 4 : i32
      %eq3A_1209 = vector.broadcast %eq3A_1208 : i32 to vector<16xi32>
      %eq3A_1210 = arith.cmpi eq, %select_n3A_1089, %eq3A_1209 : vector<16xi32>
      %jit3A_1211 = arith.constant 0.000000e+00 : f32
      %broadcast_in_dim3A_1212 = vector.broadcast %jit3A_1211 : f32 to vector<16xf32>
      %select_n3A_1213 = arith.select %eq3A_1210, %div3A_1097, %broadcast_in_dim3A_1212 : vector<16xi1>, vector<16xf32>
      %add3A_1214 = arith.addf %add3A_1207, %select_n3A_1213 : vector<16xf32>
      %swap3A_1215 = arith.constant 4 : i32
      %swap3A_1216 = arith.index_cast %swap3A_1215 : i32 to index
      %swap3A_1217 = arith.constant 0 : index
      %swap3A_1218 = tpu.vector_load %arg20[%swap3A_1216, %swap3A_1217] {strides = array<i32>} : memref<8x16xf32, #tpu.memory_space<vmem>>, vector<16xf32>,
      tpu.vector_store %arg20[%swap3A_1216, %swap3A_1217], %add3A_1214 {strides = array<i32>} : memref<8x16xf32, #tpu.memory_space<vmem>>, vector<16xf32>,
      %get3A_1219 = arith.constant 5 : i32
      %get3A_1220 = arith.index_cast %get3A_1219 : i32 to index
      %get3A_1221 = arith.constant 0 : index
      %get3A_1222 = tpu.vector_load %arg20[%get3A_1220, %get3A_1221] {strides = array<i32>} : memref<8x16xf32, #tpu.memory_space<vmem>>, vector<16xf32>,
      %eq3A_1223 = arith.constant 5 : i32
      %eq3A_1224 = vector.broadcast %eq3A_1223 : i32 to vector<16xi32>
      %eq3A_1225 = arith.cmpi eq, %select_n3A_1091, %eq3A_1224 : vector<16xi32>
      %jit3A_1226 = arith.constant 0.000000e+00 : f32
      %broadcast_in_dim3A_1227 = vector.broadcast %jit3A_1226 : f32 to vector<16xf32>
      %select_n3A_1228 = arith.select %eq3A_1225, %div3A_1096, %broadcast_in_dim3A_1227 : vector<16xi1>, vector<16xf32>
      %add3A_1229 = arith.addf %get3A_1222, %select_n3A_1228 : vector<16xf32>
      %eq3A_1230 = arith.constant 5 : i32
      %eq3A_1231 = vector.broadcast %eq3A_1230 : i32 to vector<16xi32>
      %eq3A_1232 = arith.cmpi eq, %select_n3A_1089, %eq3A_1231 : vector<16xi32>
      %jit3A_1233 = arith.constant 0.000000e+00 : f32
      %broadcast_in_dim3A_1234 = vector.broadcast %jit3A_1233 : f32 to vector<16xf32>
      %select_n3A_1235 = arith.select %eq3A_1232, %div3A_1097, %broadcast_in_dim3A_1234 : vector<16xi1>, vector<16xf32>
      %add3A_1236 = arith.addf %add3A_1229, %select_n3A_1235 : vector<16xf32>
      %swap3A_1237 = arith.constant 5 : i32
      %swap3A_1238 = arith.index_cast %swap3A_1237 : i32 to index
      %swap3A_1239 = arith.constant 0 : index
      %swap3A_1240 = tpu.vector_load %arg20[%swap3A_1238, %swap3A_1239] {strides = array<i32>} : memref<8x16xf32, #tpu.memory_space<vmem>>, vector<16xf32>,
      tpu.vector_store %arg20[%swap3A_1238, %swap3A_1239], %add3A_1236 {strides = array<i32>} : memref<8x16xf32, #tpu.memory_space<vmem>>, vector<16xf32>,
      %get3A_1241 = arith.constant 6 : i32
      %get3A_1242 = arith.index_cast %get3A_1241 : i32 to index
      %get3A_1243 = arith.constant 0 : index
      %get3A_1244 = tpu.vector_load %arg20[%get3A_1242, %get3A_1243] {strides = array<i32>} : memref<8x16xf32, #tpu.memory_space<vmem>>, vector<16xf32>,
      %eq3A_1245 = arith.constant 6 : i32
      %eq3A_1246 = vector.broadcast %eq3A_1245 : i32 to vector<16xi32>
      %eq3A_1247 = arith.cmpi eq, %select_n3A_1091, %eq3A_1246 : vector<16xi32>
      %jit3A_1248 = arith.constant 0.000000e+00 : f32
      %broadcast_in_dim3A_1249 = vector.broadcast %jit3A_1248 : f32 to vector<16xf32>
      %select_n3A_1250 = arith.select %eq3A_1247, %div3A_1096, %broadcast_in_dim3A_1249 : vector<16xi1>, vector<16xf32>
      %add3A_1251 = arith.addf %get3A_1244, %select_n3A_1250 : vector<16xf32>
      %eq3A_1252 = arith.constant 6 : i32
      %eq3A_1253 = vector.broadcast %eq3A_1252 : i32 to vector<16xi32>
      %eq3A_1254 = arith.cmpi eq, %select_n3A_1089, %eq3A_1253 : vector<16xi32>
      %jit3A_1255 = arith.constant 0.000000e+00 : f32
      %broadcast_in_dim3A_1256 = vector.broadcast %jit3A_1255 : f32 to vector<16xf32>
      %select_n3A_1257 = arith.select %eq3A_1254, %div3A_1097, %broadcast_in_dim3A_1256 : vector<16xi1>, vector<16xf32>
      %add3A_1258 = arith.addf %add3A_1251, %select_n3A_1257 : vector<16xf32>
      %swap3A_1259 = arith.constant 6 : i32
      %swap3A_1260 = arith.index_cast %swap3A_1259 : i32 to index
      %swap3A_1261 = arith.constant 0 : index
      %swap3A_1262 = tpu.vector_load %arg20[%swap3A_1260, %swap3A_1261] {strides = array<i32>} : memref<8x16xf32, #tpu.memory_space<vmem>>, vector<16xf32>,
      tpu.vector_store %arg20[%swap3A_1260, %swap3A_1261], %add3A_1258 {strides = array<i32>} : memref<8x16xf32, #tpu.memory_space<vmem>>, vector<16xf32>,
      %get3A_1263 = arith.constant 7 : i32
      %get3A_1264 = arith.index_cast %get3A_1263 : i32 to index
      %get3A_1265 = arith.constant 0 : index
      %get3A_1266 = tpu.vector_load %arg20[%get3A_1264, %get3A_1265] {strides = array<i32>} : memref<8x16xf32, #tpu.memory_space<vmem>>, vector<16xf32>,
      %eq3A_1267 = arith.constant 7 : i32
      %eq3A_1268 = vector.broadcast %eq3A_1267 : i32 to vector<16xi32>
      %eq3A_1269 = arith.cmpi eq, %select_n3A_1091, %eq3A_1268 : vector<16xi32>
      %jit3A_1270 = arith.constant 0.000000e+00 : f32
      %broadcast_in_dim3A_1271 = vector.broadcast %jit3A_1270 : f32 to vector<16xf32>
      %select_n3A_1272 = arith.select %eq3A_1269, %div3A_1096, %broadcast_in_dim3A_1271 : vector<16xi1>, vector<16xf32>
      %add3A_1273 = arith.addf %get3A_1266, %select_n3A_1272 : vector<16xf32>
      %eq3A_1274 = arith.constant 7 : i32
      %eq3A_1275 = vector.broadcast %eq3A_1274 : i32 to vector<16xi32>
      %eq3A_1276 = arith.cmpi eq, %select_n3A_1089, %eq3A_1275 : vector<16xi32>
      %jit3A_1277 = arith.constant 0.000000e+00 : f32
      %broadcast_in_dim3A_1278 = vector.broadcast %jit3A_1277 : f32 to vector<16xf32>
      %select_n3A_1279 = arith.select %eq3A_1276, %div3A_1097, %broadcast_in_dim3A_1278 : vector<16xi1>, vector<16xf32>
      %add3A_1280 = arith.addf %add3A_1273, %select_n3A_1279 : vector<16xf32>
      %swap3A_1281 = arith.constant 7 : i32
      %swap3A_1282 = arith.index_cast %swap3A_1281 : i32 to index
      %swap3A_1283 = arith.constant 0 : index
      %swap3A_1284 = tpu.vector_load %arg20[%swap3A_1282, %swap3A_1283] {strides = array<i32>} : memref<8x16xf32, #tpu.memory_space<vmem>>, vector<16xf32>,
      tpu.vector_store %arg20[%swap3A_1282, %swap3A_1283], %add3A_1280 {strides = array<i32>} : memref<8x16xf32, #tpu.memory_space<vmem>>, vector<16xf32>,
    }
    %scan3A_89 = arith.constant 8 : i32
    %mul3A_90 = arith.constant 128 : i32
    %mul3A_91 = arith.muli %add3A, %mul3A_90 : i32
    "tpu.region"() ({
      %run_scoped3A = tpu.sem_alloc : memref<!tpu.dma_semaphore, #tpu.memory_space<semaphore_mem>>
      %dma_start3A = tpu.memref_slice %arg4[%mul3A_91] : memref<4096xf32, #tpu.memory_space<hbm>> -> memref<128xf32, #tpu.memory_space<hbm>>
      %dma_start3A_92 = tpu.memref_slice %arg4[%mul3A_91] : memref<4096xf32, #tpu.memory_space<hbm>> -> memref<128xf32, #tpu.memory_space<hbm>>
      tpu.enqueue_dma source(%arg14 : memref<128xf32, #tpu.memory_space<vmem>>) target(%dma_start3A_92 : memref<128xf32, #tpu.memory_space<hbm>>) target_semaphore(%run_scoped3A : memref<!tpu.dma_semaphore, #tpu.memory_space<semaphore_mem>>)
      %dma_wait3A = tpu.memref_slice %arg4[%mul3A_91] : memref<4096xf32, #tpu.memory_space<hbm>> -> memref<128xf32, #tpu.memory_space<hbm>>
      %dma_wait3A_93 = tpu.memref_slice %arg4[%mul3A_91] : memref<4096xf32, #tpu.memory_space<hbm>> -> memref<128xf32, #tpu.memory_space<hbm>>
      tpu.wait_dma2 semaphore(%run_scoped3A : memref<!tpu.dma_semaphore, #tpu.memory_space<semaphore_mem>>) src(%arg14 : memref<128xf32, #tpu.memory_space<vmem>>) dst(%dma_wait3A_93 : memref<128xf32, #tpu.memory_space<hbm>>)
      tpu.yield
    }) : () -> ()
    "tpu.region"() ({
      %run_scoped3A = tpu.sem_alloc : memref<!tpu.dma_semaphore, #tpu.memory_space<semaphore_mem>>
      %dma_start3A = tpu.memref_slice %arg5[%mul3A_91] : memref<4096xf32, #tpu.memory_space<hbm>> -> memref<128xf32, #tpu.memory_space<hbm>>
      %dma_start3A_92 = tpu.memref_slice %arg5[%mul3A_91] : memref<4096xf32, #tpu.memory_space<hbm>> -> memref<128xf32, #tpu.memory_space<hbm>>
      tpu.enqueue_dma source(%arg15 : memref<128xf32, #tpu.memory_space<vmem>>) target(%dma_start3A_92 : memref<128xf32, #tpu.memory_space<hbm>>) target_semaphore(%run_scoped3A : memref<!tpu.dma_semaphore, #tpu.memory_space<semaphore_mem>>)
      %dma_wait3A = tpu.memref_slice %arg5[%mul3A_91] : memref<4096xf32, #tpu.memory_space<hbm>> -> memref<128xf32, #tpu.memory_space<hbm>>
      %dma_wait3A_93 = tpu.memref_slice %arg5[%mul3A_91] : memref<4096xf32, #tpu.memory_space<hbm>> -> memref<128xf32, #tpu.memory_space<hbm>>
      tpu.wait_dma2 semaphore(%run_scoped3A : memref<!tpu.dma_semaphore, #tpu.memory_space<semaphore_mem>>) src(%arg15 : memref<128xf32, #tpu.memory_space<vmem>>) dst(%dma_wait3A_93 : memref<128xf32, #tpu.memory_space<hbm>>)
      tpu.yield
    }) : () -> ()
    "tpu.region"() ({
      %run_scoped3A = tpu.sem_alloc : memref<!tpu.dma_semaphore, #tpu.memory_space<semaphore_mem>>
      %dma_start3A = tpu.memref_slice %arg6[%mul3A_91] : memref<4096xi32, #tpu.memory_space<hbm>> -> memref<128xi32, #tpu.memory_space<hbm>>
      %dma_start3A_92 = tpu.memref_slice %arg6[%mul3A_91] : memref<4096xi32, #tpu.memory_space<hbm>> -> memref<128xi32, #tpu.memory_space<hbm>>
      tpu.enqueue_dma source(%arg16 : memref<128xi32, #tpu.memory_space<vmem>>) target(%dma_start3A_92 : memref<128xi32, #tpu.memory_space<hbm>>) target_semaphore(%run_scoped3A : memref<!tpu.dma_semaphore, #tpu.memory_space<semaphore_mem>>)
      %dma_wait3A = tpu.memref_slice %arg6[%mul3A_91] : memref<4096xi32, #tpu.memory_space<hbm>> -> memref<128xi32, #tpu.memory_space<hbm>>
      %dma_wait3A_93 = tpu.memref_slice %arg6[%mul3A_91] : memref<4096xi32, #tpu.memory_space<hbm>> -> memref<128xi32, #tpu.memory_space<hbm>>
      tpu.wait_dma2 semaphore(%run_scoped3A : memref<!tpu.dma_semaphore, #tpu.memory_space<semaphore_mem>>) src(%arg16 : memref<128xi32, #tpu.memory_space<vmem>>) dst(%dma_wait3A_93 : memref<128xi32, #tpu.memory_space<hbm>>)
      tpu.yield
    }) : () -> ()
    "tpu.region"() ({
      %run_scoped3A = tpu.sem_alloc : memref<!tpu.dma_semaphore, #tpu.memory_space<semaphore_mem>>
      %dma_start3A = tpu.memref_slice %arg7[%mul3A_91] : memref<4096xi32, #tpu.memory_space<hbm>> -> memref<128xi32, #tpu.memory_space<hbm>>
      %dma_start3A_92 = tpu.memref_slice %arg7[%mul3A_91] : memref<4096xi32, #tpu.memory_space<hbm>> -> memref<128xi32, #tpu.memory_space<hbm>>
      tpu.enqueue_dma source(%arg17 : memref<128xi32, #tpu.memory_space<vmem>>) target(%dma_start3A_92 : memref<128xi32, #tpu.memory_space<hbm>>) target_semaphore(%run_scoped3A : memref<!tpu.dma_semaphore, #tpu.memory_space<semaphore_mem>>)
      %dma_wait3A = tpu.memref_slice %arg7[%mul3A_91] : memref<4096xi32, #tpu.memory_space<hbm>> -> memref<128xi32, #tpu.memory_space<hbm>>
      %dma_wait3A_93 = tpu.memref_slice %arg7[%mul3A_91] : memref<4096xi32, #tpu.memory_space<hbm>> -> memref<128xi32, #tpu.memory_space<hbm>>
      tpu.wait_dma2 semaphore(%run_scoped3A : memref<!tpu.dma_semaphore, #tpu.memory_space<semaphore_mem>>) src(%arg17 : memref<128xi32, #tpu.memory_space<vmem>>) dst(%dma_wait3A_93 : memref<128xi32, #tpu.memory_space<hbm>>)
      tpu.yield
    }) : () -> ()
    "tpu.region"() ({
      %run_scoped3A = tpu.sem_alloc : memref<!tpu.dma_semaphore, #tpu.memory_space<semaphore_mem>>
      %dma_start3A = tpu.memref_slice %arg8[%mul3A_91] : memref<4096xf32, #tpu.memory_space<hbm>> -> memref<128xf32, #tpu.memory_space<hbm>>
      %dma_start3A_92 = tpu.memref_slice %arg8[%mul3A_91] : memref<4096xf32, #tpu.memory_space<hbm>> -> memref<128xf32, #tpu.memory_space<hbm>>
      tpu.enqueue_dma source(%arg18 : memref<128xf32, #tpu.memory_space<vmem>>) target(%dma_start3A_92 : memref<128xf32, #tpu.memory_space<hbm>>) target_semaphore(%run_scoped3A : memref<!tpu.dma_semaphore, #tpu.memory_space<semaphore_mem>>)
      %dma_wait3A = tpu.memref_slice %arg8[%mul3A_91] : memref<4096xf32, #tpu.memory_space<hbm>> -> memref<128xf32, #tpu.memory_space<hbm>>
      %dma_wait3A_93 = tpu.memref_slice %arg8[%mul3A_91] : memref<4096xf32, #tpu.memory_space<hbm>> -> memref<128xf32, #tpu.memory_space<hbm>>
      tpu.wait_dma2 semaphore(%run_scoped3A : memref<!tpu.dma_semaphore, #tpu.memory_space<semaphore_mem>>) src(%arg18 : memref<128xf32, #tpu.memory_space<vmem>>) dst(%dma_wait3A_93 : memref<128xf32, #tpu.memory_space<hbm>>)
      tpu.yield
    }) : () -> ()
    "tpu.region"() ({
      %run_scoped3A = tpu.sem_alloc : memref<!tpu.dma_semaphore, #tpu.memory_space<semaphore_mem>>
      %dma_start3A = tpu.memref_slice %arg9[%mul3A_91] : memref<4096xf32, #tpu.memory_space<hbm>> -> memref<128xf32, #tpu.memory_space<hbm>>
      %dma_start3A_92 = tpu.memref_slice %arg9[%mul3A_91] : memref<4096xf32, #tpu.memory_space<hbm>> -> memref<128xf32, #tpu.memory_space<hbm>>
      tpu.enqueue_dma source(%arg19 : memref<128xf32, #tpu.memory_space<vmem>>) target(%dma_start3A_92 : memref<128xf32, #tpu.memory_space<hbm>>) target_semaphore(%run_scoped3A : memref<!tpu.dma_semaphore, #tpu.memory_space<semaphore_mem>>)
      %dma_wait3A = tpu.memref_slice %arg9[%mul3A_91] : memref<4096xf32, #tpu.memory_space<hbm>> -> memref<128xf32, #tpu.memory_space<hbm>>
      %dma_wait3A_93 = tpu.memref_slice %arg9[%mul3A_91] : memref<4096xf32, #tpu.memory_space<hbm>> -> memref<128xf32, #tpu.memory_space<hbm>>
      tpu.wait_dma2 semaphore(%run_scoped3A : memref<!tpu.dma_semaphore, #tpu.memory_space<semaphore_mem>>) src(%arg19 : memref<128xf32, #tpu.memory_space<vmem>>) dst(%dma_wait3A_93 : memref<128xf32, #tpu.memory_space<hbm>>)
      tpu.yield
    }) : () -> ()
    "tpu.region"() ({
      %run_scoped3A = tpu.sem_alloc : memref<!tpu.dma_semaphore, #tpu.memory_space<semaphore_mem>>
      %dma_start3A = arith.constant 0 : i32
      %dma_start3A_92 = arith.constant 0 : i32
      %dma_start3A_93 = tpu.memref_slice %arg10[%add3A, %dma_start3A, %dma_start3A_92] : memref<32x8x16xf32, #tpu.memory_space<hbm>> -> memref<1x8x16xf32, #tpu.memory_space<hbm>>
      %dma_start3A_94 = tpu.memref_squeeze %dma_start3A_93 : memref<1x8x16xf32, #tpu.memory_space<hbm>> -> memref<8x16xf32, #tpu.memory_space<hbm>>
      %dma_start3A_95 = arith.constant 0 : i32
      %dma_start3A_96 = arith.constant 0 : i32
      %dma_start3A_97 = tpu.memref_slice %arg10[%add3A, %dma_start3A_95, %dma_start3A_96] : memref<32x8x16xf32, #tpu.memory_space<hbm>> -> memref<1x8x16xf32, #tpu.memory_space<hbm>>
      %dma_start3A_98 = tpu.memref_squeeze %dma_start3A_97 : memref<1x8x16xf32, #tpu.memory_space<hbm>> -> memref<8x16xf32, #tpu.memory_space<hbm>>
      tpu.enqueue_dma source(%arg20 : memref<8x16xf32, #tpu.memory_space<vmem>>) target(%dma_start3A_98 : memref<8x16xf32, #tpu.memory_space<hbm>>) target_semaphore(%run_scoped3A : memref<!tpu.dma_semaphore, #tpu.memory_space<semaphore_mem>>)
      %dma_wait3A = arith.constant 0 : i32
      %dma_wait3A_99 = arith.constant 0 : i32
      %dma_wait3A_100 = tpu.memref_slice %arg10[%add3A, %dma_wait3A, %dma_wait3A_99] : memref<32x8x16xf32, #tpu.memory_space<hbm>> -> memref<1x8x16xf32, #tpu.memory_space<hbm>>
      %dma_wait3A_101 = tpu.memref_squeeze %dma_wait3A_100 : memref<1x8x16xf32, #tpu.memory_space<hbm>> -> memref<8x16xf32, #tpu.memory_space<hbm>>
      %dma_wait3A_102 = arith.constant 0 : i32
      %dma_wait3A_103 = arith.constant 0 : i32
      %dma_wait3A_104 = tpu.memref_slice %arg10[%add3A, %dma_wait3A_102, %dma_wait3A_103] : memref<32x8x16xf32, #tpu.memory_space<hbm>> -> memref<1x8x16xf32, #tpu.memory_space<hbm>>
      %dma_wait3A_105 = tpu.memref_squeeze %dma_wait3A_104 : memref<1x8x16xf32, #tpu.memory_space<hbm>> -> memref<8x16xf32, #tpu.memory_space<hbm>>
      tpu.wait_dma2 semaphore(%run_scoped3A : memref<!tpu.dma_semaphore, #tpu.memory_space<semaphore_mem>>) src(%arg20 : memref<8x16xf32, #tpu.memory_space<vmem>>) dst(%dma_wait3A_105 : memref<8x16xf32, #tpu.memory_space<hbm>>)
      tpu.yield
    }) : () -> ()
    return
  }
}

module attributes {stable_mosaic.version = 14 : i64} {
  func.func @_tc_router_body(%arg0: i32, %arg1: memref<4096x768xf32, #tpu.memory_space<vmem>>, %arg2: memref<8x768xf32, #tpu.memory_space<vmem>>, %arg3: memref<2x4096xf32, #tpu.memory_space<vmem>>, %arg4: memref<2x4096xi32, #tpu.memory_space<vmem>>, %arg5: memref<2x4096xf32, #tpu.memory_space<vmem>>, %arg6: memref<8x128xf32, #tpu.memory_space<vmem>>) attributes {dimension_semantics = [#tpu.dimension_semantics<arbitrary>], iteration_bounds = array<i64: 7>, scalar_prefetch = 0 : i64, scratch_operands = 0 : i64, tpu.core_type = #tpu.core_type<tc>, window_params = [{transform_indices = @transform_0, window_bounds = array<i64: 4096, 768>}, {pipeline_mode = #tpu.pipeline_mode<synchronous>, transform_indices = @transform_1, window_bounds = array<i64: 8, 768>}, {transform_indices = @transform_2, window_bounds = array<i64: 2, 4096>}, {transform_indices = @transform_3, window_bounds = array<i64: 2, 4096>}, {transform_indices = @transform_4, window_bounds = array<i64: 2, 4096>}, {pipeline_mode = #tpu.pipeline_mode<synchronous>, transform_indices = @transform_5, window_bounds = array<i64: 8, 128>}]} {
    %get3A = arith.constant 0 : index
    %get3A_0 = arith.constant 0 : index
    %get3A_1 = vector.load %arg2[%get3A, %get3A_0] : memref<8x768xf32, #tpu.memory_space<vmem>>, vector<8x768xf32>
    %get3A_2 = arith.constant 0 : index
    %get3A_3 = arith.constant 0 : index
    %get3A_4 = vector.load %arg1[%get3A_2, %get3A_3] : memref<4096x768xf32, #tpu.memory_space<vmem>>, vector<4096x768xf32>
    %dot_general3A = arith.constant dense<0.000000e+00> : vector<8x4096xf32>
    %dot_general3A_5 = tpu.matmul %get3A_1, %get3A_4, %dot_general3A {dimension_numbers = #tpu.dot_dimension_numbers<[1], [1], [0], [0], [0, 0, 1, 0], [], []>, transpose_lhs_hint = false} : vector<8x768xf32>, vector<4096x768xf32>, vector<8x4096xf32> -> vector<8x4096xf32>
    %iota3A = tpu.iota {dimensions = array<i32: 0>} : vector<8x4096xi32>
    %reduce_max3A = arith.constant dense<0xFF800000> : vector<4096xf32>
    %reduce_max3A_6 = vector.multi_reduction <maximumf>, %dot_general3A_5, %reduce_max3A [0] : vector<8x4096xf32> to vector<4096xf32>
    %broadcast_in_dim3A = vector.shape_cast %reduce_max3A_6 : vector<4096xf32> to vector<1x4096xf32>
    %eq3A = vector.broadcast %broadcast_in_dim3A : vector<1x4096xf32> to vector<8x4096xf32>
    %eq3A_7 = arith.cmpf oeq, %dot_general3A_5, %eq3A : vector<8x4096xf32>
    %jit3A = arith.constant 8 : i32
    %broadcast_in_dim3A_8 = vector.broadcast %jit3A : i32 to vector<8x4096xi32>
    %select_n3A = arith.select %eq3A_7, %iota3A, %broadcast_in_dim3A_8 : vector<8x4096xi1>, vector<8x4096xi32>
    %reduce_min3A = arith.constant dense<2147483647> : vector<4096xi32>
    %reduce_min3A_9 = vector.multi_reduction <minsi>, %select_n3A, %reduce_min3A [0] : vector<8x4096xi32> to vector<4096xi32>
    %broadcast_in_dim3A_10 = vector.shape_cast %reduce_min3A_9 : vector<4096xi32> to vector<1x4096xi32>
    %eq3A_11 = vector.broadcast %broadcast_in_dim3A_10 : vector<1x4096xi32> to vector<8x4096xi32>
    %eq3A_12 = arith.cmpi eq, %iota3A, %eq3A_11 : vector<8x4096xi32>
    %jit3A_13 = arith.constant 0xFF800000 : f32
    %broadcast_in_dim3A_14 = vector.broadcast %jit3A_13 : f32 to vector<8x4096xf32>
    %select_n3A_15 = arith.select %eq3A_12, %broadcast_in_dim3A_14, %dot_general3A_5 : vector<8x4096xi1>, vector<8x4096xf32>
    %reduce_max3A_16 = arith.constant dense<0xFF800000> : vector<4096xf32>
    %reduce_max3A_17 = vector.multi_reduction <maximumf>, %select_n3A_15, %reduce_max3A_16 [0] : vector<8x4096xf32> to vector<4096xf32>
    %broadcast_in_dim3A_18 = vector.shape_cast %reduce_max3A_17 : vector<4096xf32> to vector<1x4096xf32>
    %eq3A_19 = vector.broadcast %broadcast_in_dim3A_18 : vector<1x4096xf32> to vector<8x4096xf32>
    %eq3A_20 = arith.cmpf oeq, %select_n3A_15, %eq3A_19 : vector<8x4096xf32>
    %jit3A_21 = arith.constant 8 : i32
    %broadcast_in_dim3A_22 = vector.broadcast %jit3A_21 : i32 to vector<8x4096xi32>
    %select_n3A_23 = arith.select %eq3A_20, %iota3A, %broadcast_in_dim3A_22 : vector<8x4096xi1>, vector<8x4096xi32>
    %reduce_min3A_24 = arith.constant dense<2147483647> : vector<4096xi32>
    %reduce_min3A_25 = vector.multi_reduction <minsi>, %select_n3A_23, %reduce_min3A_24 [0] : vector<8x4096xi32> to vector<4096xi32>
    %broadcast_in_dim3A_26 = vector.shape_cast %reduce_min3A_25 : vector<4096xi32> to vector<1x4096xi32>
    %sub3A = arith.subf %broadcast_in_dim3A_18, %broadcast_in_dim3A : vector<1x4096xf32>
    %exp3A = math.exp %sub3A : vector<1x4096xf32>
    %add3A = arith.constant 1.000000e+00 : f32
    %add3A_27 = vector.broadcast %add3A : f32 to vector<1x4096xf32>
    %add3A_28 = arith.addf %add3A_27, %exp3A : vector<1x4096xf32>
    %div3A = arith.constant 1.000000e+00 : f32
    %div3A_29 = vector.broadcast %div3A : f32 to vector<1x4096xf32>
    %div3A_30 = arith.divf %div3A_29, %add3A_28 : vector<1x4096xf32>
    %div3A_31 = arith.divf %exp3A, %add3A_28 : vector<1x4096xf32>
    %swap3A = arith.constant 0 : index
    %swap3A_32 = arith.constant 0 : index
    %swap3A_33 = vector.load %arg3[%swap3A, %swap3A_32] : memref<2x4096xf32, #tpu.memory_space<vmem>>, vector<1x4096xf32>
    tpu.vector_store %arg3[%swap3A, %swap3A_32], %div3A_30 {strides = array<i32>} : memref<2x4096xf32, #tpu.memory_space<vmem>>, vector<1x4096xf32>,
    %swap3A_34 = arith.constant 1 : index
    %swap3A_35 = arith.constant 0 : index
    %swap3A_36 = vector.load %arg3[%swap3A_34, %swap3A_35] : memref<2x4096xf32, #tpu.memory_space<vmem>>, vector<1x4096xf32>
    tpu.vector_store %arg3[%swap3A_34, %swap3A_35], %div3A_31 {strides = array<i32>} : memref<2x4096xf32, #tpu.memory_space<vmem>>, vector<1x4096xf32>,
    %swap3A_37 = arith.constant 0 : index
    %swap3A_38 = arith.constant 0 : index
    %swap3A_39 = vector.load %arg4[%swap3A_37, %swap3A_38] : memref<2x4096xi32, #tpu.memory_space<vmem>>, vector<1x4096xi32>
    tpu.vector_store %arg4[%swap3A_37, %swap3A_38], %broadcast_in_dim3A_10 {strides = array<i32>} : memref<2x4096xi32, #tpu.memory_space<vmem>>, vector<1x4096xi32>,
    %swap3A_40 = arith.constant 1 : index
    %swap3A_41 = arith.constant 0 : index
    %swap3A_42 = vector.load %arg4[%swap3A_40, %swap3A_41] : memref<2x4096xi32, #tpu.memory_space<vmem>>, vector<1x4096xi32>
    tpu.vector_store %arg4[%swap3A_40, %swap3A_41], %broadcast_in_dim3A_26 {strides = array<i32>} : memref<2x4096xi32, #tpu.memory_space<vmem>>, vector<1x4096xi32>,
    %swap3A_43 = arith.constant 0 : index
    %swap3A_44 = arith.constant 0 : index
    %swap3A_45 = vector.load %arg5[%swap3A_43, %swap3A_44] : memref<2x4096xf32, #tpu.memory_space<vmem>>, vector<1x4096xf32>
    tpu.vector_store %arg5[%swap3A_43, %swap3A_44], %broadcast_in_dim3A {strides = array<i32>} : memref<2x4096xf32, #tpu.memory_space<vmem>>, vector<1x4096xf32>,
    %swap3A_46 = arith.constant 1 : index
    %swap3A_47 = arith.constant 0 : index
    %swap3A_48 = vector.load %arg5[%swap3A_46, %swap3A_47] : memref<2x4096xf32, #tpu.memory_space<vmem>>, vector<1x4096xf32>
    tpu.vector_store %arg5[%swap3A_46, %swap3A_47], %broadcast_in_dim3A_18 {strides = array<i32>} : memref<2x4096xf32, #tpu.memory_space<vmem>>, vector<1x4096xf32>,
    %eq3A_49 = vector.broadcast %broadcast_in_dim3A_10 : vector<1x4096xi32> to vector<8x4096xi32>
    %eq3A_50 = arith.cmpi eq, %iota3A, %eq3A_49 : vector<8x4096xi32>
    %jit3A_51 = arith.constant 0.000000e+00 : f32
    %broadcast_in_dim3A_52 = vector.shape_cast %div3A_30 : vector<1x4096xf32> to vector<1x4096xf32>
    %broadcast_in_dim3A_53 = vector.broadcast %broadcast_in_dim3A_52 : vector<1x4096xf32> to vector<8x4096xf32>
    %broadcast_in_dim3A_54 = vector.broadcast %jit3A_51 : f32 to vector<8x4096xf32>
    %select_n3A_55 = arith.select %eq3A_50, %broadcast_in_dim3A_53, %broadcast_in_dim3A_54 : vector<8x4096xi1>, vector<8x4096xf32>
    %eq3A_56 = vector.broadcast %broadcast_in_dim3A_26 : vector<1x4096xi32> to vector<8x4096xi32>
    %eq3A_57 = arith.cmpi eq, %iota3A, %eq3A_56 : vector<8x4096xi32>
    %jit3A_58 = arith.constant 0.000000e+00 : f32
    %broadcast_in_dim3A_59 = vector.shape_cast %div3A_31 : vector<1x4096xf32> to vector<1x4096xf32>
    %broadcast_in_dim3A_60 = vector.broadcast %broadcast_in_dim3A_59 : vector<1x4096xf32> to vector<8x4096xf32>
    %broadcast_in_dim3A_61 = vector.broadcast %jit3A_58 : f32 to vector<8x4096xf32>
    %select_n3A_62 = arith.select %eq3A_57, %broadcast_in_dim3A_60, %broadcast_in_dim3A_61 : vector<8x4096xi1>, vector<8x4096xf32>
    %add3A_63 = arith.addf %select_n3A_55, %select_n3A_62 : vector<8x4096xf32>
    %reduce_sum3A = arith.constant dense<0.000000e+00> : vector<8xf32>
    %reduce_sum3A_64 = vector.multi_reduction <add>, %add3A_63, %reduce_sum3A [1] : vector<8x4096xf32> to vector<8xf32>
    %broadcast_in_dim3A_65 = vector.shape_cast %reduce_sum3A_64 : vector<8xf32> to vector<8x1xf32>
    %eq3A_66 = arith.constant 0 : i32
    %eq3A_67 = arith.cmpi eq, %arg0, %eq3A_66 : i32
    %convert_element_type3A = arith.extui %eq3A_67 : i1 to i32
    %cond3A = arith.constant 0 : i32
    %cond3A_68 = arith.cmpi ne, %convert_element_type3A, %cond3A : i32
    scf.if %cond3A_68 {
      %broadcast_in_dim3A_76 = arith.constant 0.000000e+00 : f32
      %broadcast_in_dim3A_77 = vector.broadcast %broadcast_in_dim3A_76 : f32 to vector<8x128xf32>
      %swap3A_78 = arith.constant 0 : index
      %swap3A_79 = arith.constant 0 : index
      %swap3A_80 = vector.load %arg6[%swap3A_78, %swap3A_79] : memref<8x128xf32, #tpu.memory_space<vmem>>, vector<8x128xf32>
      tpu.vector_store %arg6[%swap3A_78, %swap3A_79], %broadcast_in_dim3A_77 {strides = array<i32>} : memref<8x128xf32, #tpu.memory_space<vmem>>, vector<8x128xf32>,
    } else {
    }
    %get3A_69 = arith.constant 0 : index
    %get3A_70 = arith.constant 0 : index
    %get3A_71 = vector.load %arg6[%get3A_69, %get3A_70] : memref<8x128xf32, #tpu.memory_space<vmem>>, vector<8x1xf32>
    %add3A_72 = arith.addf %get3A_71, %broadcast_in_dim3A_65 : vector<8x1xf32>
    %swap3A_73 = arith.constant 0 : index
    %swap3A_74 = arith.constant 0 : index
    %swap3A_75 = vector.load %arg6[%swap3A_73, %swap3A_74] : memref<8x128xf32, #tpu.memory_space<vmem>>, vector<8x1xf32>
    tpu.vector_store %arg6[%swap3A_73, %swap3A_74], %add3A_72 {strides = array<i32>} : memref<8x128xf32, #tpu.memory_space<vmem>>, vector<8x1xf32>,
    return
  }
  func.func @transform_0(%arg0: i32) -> (i32, i32) {
    %c0_i32 = arith.constant 0 : i32
    %c0_i32_0 = arith.constant 0 : i32
    return %arg0, %c0_i32 : i32, i32
  }
  func.func @transform_1(%arg0: i32) -> (i32, i32) {
    %c0_i32 = arith.constant 0 : i32
    %c0_i32_0 = arith.constant 0 : i32
    %c0_i32_1 = arith.constant 0 : i32
    return %c0_i32, %c0_i32_0 : i32, i32
  }
  func.func @transform_2(%arg0: i32) -> (i32, i32) {
    %c0_i32 = arith.constant 0 : i32
    %c0_i32_0 = arith.constant 0 : i32
    return %c0_i32, %arg0 : i32, i32
  }
  func.func @transform_3(%arg0: i32) -> (i32, i32) {
    %c0_i32 = arith.constant 0 : i32
    %c0_i32_0 = arith.constant 0 : i32
    return %c0_i32, %arg0 : i32, i32
  }
  func.func @transform_4(%arg0: i32) -> (i32, i32) {
    %c0_i32 = arith.constant 0 : i32
    %c0_i32_0 = arith.constant 0 : i32
    return %c0_i32, %arg0 : i32, i32
  }
  func.func @transform_5(%arg0: i32) -> (i32, i32) {
    %c0_i32 = arith.constant 0 : i32
    %c0_i32_0 = arith.constant 0 : i32
    %c0_i32_1 = arith.constant 0 : i32
    return %c0_i32, %c0_i32_0 : i32, i32
  }
}

</mosaic_0001>

<sc_bundles>
// kernel: kernel.4.cloned.1.call-start
scs
__scs_entry_jumppad:
0x0: {  	(pc) =	sbr.rel $0x88, $3  }
0x1: {  	(tag) =	ssettag $0x0;
	lr =	simm.s32 $0x1  }
0x2: {  	[smem:$0x3F9F] =	sst lr;
	_ =	strace $0xD0000000  }
0x3: {  	_ = 	snop  }
0x4: {  	_ = 	snop  }
0x5: {  	_ = 	snop  }
0x6: {  	_ = 	snop  }
0x7: {  	_ = 	snop  }
__scs_overlays_trampoline_lowered:
0x8: {  	[smem:$0x3FAE] =	sst s0  }
0x9: {  	[smem:$0x3FAF] =	sst s1  }
0xa: {  	[smem:$0x3FB0] =	sst s2  }
0xb: {  	[smem:$0x3FB1] =	sst s3  }
0xc: {  	[smem:$0x3FB2] =	sst s4  }
0xd: {  	[smem:$0x3FB3] =	sst s5  }
0xe: {  	[smem:$0x3FB4] =	sst s6  }
0xf: {  	[smem:$0x3FB5] =	sst s7  }
0x10: {  	[smem:$0x3FB6] =	sst s8  }
0x11: {  	[smem:$0x3FB7] =	sst s9;
	s0 =	simm.s32 @!p0 $0x0  }
0x12: {  	s1 =	sld [smem:$0x3F9D];
	s0 =	simm.s32 @p0 $0x1  }
0x13: {  	[smem:$0x3FB8] =	sst s0;
	s0 =	simm.s32 @!p1 $0x0  }
0x14: {  	s2 =	sld [smem:$0x3F9C];
	s0 =	simm.s32 @p1 $0x1  }
0x15: {  	[smem:$0x3FB9] =	sst s0;
	s0 =	simm.s32 @!p2 $0x0  }
0x16: {  	s3 =	sld [smem:$0x3FDB];
	s0 =	simm.s32 @p2 $0x1  }
0x17: {  	s4 =	simm.s32 $0x1BF5;
	[smem:$0x3FBB] =	sst s0  }
0x18: {  	s0 =	sld [smem:$0x3F9E];
	_ =	swait.ge [sflag:s4], $0x0  }
0x19: {  	s7 =	sld [smem:$0x3F9F]  }
0x1a: {  	s8 =	sadd.s32 $0xFFFFE003, lr  }
0x1b: {  	s9 =	sadd.s32 $0xFFFFFEF7, lr;
	s5 =	simm.s32 $0xFFFFFFFF;
	p2 =	slt.u32 s8, $0xFFFFF086  }
0x1c: {  	p1 =	slt.u32 s9, $0xF7A;
	s5 =	simm.s32 @!p2 $0x0  }
0x1d: {  	s5 =	simm.s32 @p1 $0x1;
	p0 =	seq.s32 s7, s2  }
0x1e: {  	s7 =	smul.u32 @!p0 $0xF7A, s2;
	p2 =	seq.s32 @!p0 s5, $0x0  }
0x1f: {  	s9 =	smul.u32 $0xF7A, s1;
	s8 =	simm.s32 @!p0 $0x1BF5;
	p2 =	por !p2, p0  }
0x20: {  	[sflag:s8] =	ssyncset.s32 @!p0 $0xFFFFF086;
	s6 =	sadd.s32 @!p0 s3, s7;
	s7 =	simm.s32 @!p0 $0x108  }
0x21: {  	s3 =	sadd.s32 s3, s9;
	s6 =	sadd.s32 @!p0 $0x88, s6;
	s7 =	simm.s32 @p2 $0x1082  }
0x22: {  	[simem:s7], [sflag:s8] =	dma.local @!p0 [hbm:s6], $0xF7A  }
0x23: {  	s9 =	sor.u32 $0xD0000000, s2;
	s6 =	simm.s32 $0x108;
	_ =	swait.ge @!p0 [sflag:s8], $0x0  }
0x24: {  	s3 =	sadd.s32 $0x88, s3;
	s6 =	simm.s32 @!p1 $0x1082;
	[sflag:s4] =	ssyncset.s32 $0xFFFFF086  }
0x25: {  	[simem:s6], [sflag:s4] =	dma.local [hbm:s3], $0xF7A  }
0x26: {  	[smem:$0x3F9F] =	sst s1;
	(tag) =	ssettag s2;
	_ =	strace s9  }
0x27: {  	s1 =	sld [smem:$0x3FAF]  }
0x28: {  	s2 =	sld [smem:$0x3FB0]  }
0x29: {  	s4 =	sld [smem:$0x3FB2]  }
0x2a: {  	p0 =	seq.s32 s5, $0x0;
	s5 =	sld [smem:$0x3FB3]  }
0x2b: {  	s6 =	sld [smem:$0x3FB4]  }
0x2c: {  	s7 =	sld [smem:$0x3FB5]  }
0x2d: {  	s3 =	simm.s32 $0x108;
	s8 =	sld [smem:$0x3FB6]  }
0x2e: {  	s3 =	simm.s32 @!p0 $0x1082;
	s9 =	sld [smem:$0x3FB7]  }
0x2f: {  	lr =	sadd.s32 s0, s3;
	s0 =	sld [smem:$0x3FAE]  }
0x30: {  	s3 =	sld [smem:$0x3FB1]  }
0x31: {  	[smem:$0x3FBA] =	sst s10  }
0x32: {  	s10 =	sld [smem:$0x3FB8];
	_ =	sdelay $0x3  }
0x33: {  	p0 =	seq.s32 s10, $0x1;
	s10 =	sld [smem:$0x3FBA];
	_ =	sdelay $0x3  }
0x34: {  	[smem:$0x3FBA] =	sst s10  }
0x35: {  	s10 =	sld [smem:$0x3FB9];
	_ =	sdelay $0x3  }
0x36: {  	p1 =	seq.s32 s10, $0x1;
	s10 =	sld [smem:$0x3FBA];
	_ =	sdelay $0x3  }
0x37: {  	[smem:$0x3FBA] =	sst s10  }
0x38: {  	s10 =	sld [smem:$0x3FBB]  }
0x39: {  	_ = 	snop;
	(pc) =	sbr.ind lr, $3  }
0x3a: {  	_ = 	snop  }
0x3b: {  	_ = 	snop  }
0x3c: {  	p2 =	seq.s32 s10, $0x1;
	s10 =	sld [smem:$0x3FBA]  }
0x3d: {  	_ =	shalt  }
0x3e: {  	_ =	shalt  }
0x3f: {  	_ =	shalt  }
0x40: {  	_ =	shalt  }
0x41: {  	_ =	shalt  }
0x42: {  	_ =	shalt  }
0x43: {  	_ =	shalt  }
0x44: {  	_ =	shalt  }
0x45: {  	_ =	shalt  }
0x46: {  	_ =	shalt  }
0x47: {  	_ =	shalt  }
0x48: {  	_ =	shalt  }
0x49: {  	_ =	shalt  }
0x4a: {  	_ =	shalt  }
0x4b: {  	_ =	shalt  }
0x4c: {  	_ =	shalt  }
0x4d: {  	_ =	shalt  }
0x4e: {  	_ =	shalt  }
0x4f: {  	_ =	shalt  }
0x50: {  	_ =	shalt  }
0x51: {  	_ =	shalt  }
0x52: {  	_ =	shalt  }
0x53: {  	_ =	shalt  }
0x54: {  	_ =	shalt  }
0x55: {  	_ =	shalt  }
0x56: {  	_ =	shalt  }
0x57: {  	_ =	shalt  }
0x58: {  	_ =	shalt  }
0x59: {  	_ =	shalt  }
0x5a: {  	_ =	shalt  }
0x5b: {  	_ =	shalt  }
0x5c: {  	_ =	shalt  }
0x5d: {  	_ =	shalt  }
0x5e: {  	_ =	shalt  }
0x5f: {  	_ =	shalt  }
0x60: {  	_ =	shalt  }
0x61: {  	_ =	shalt  }
0x62: {  	_ =	shalt  }
0x63: {  	_ =	shalt  }
0x64: {  	_ =	shalt  }
0x65: {  	_ =	shalt  }
0x66: {  	_ =	shalt  }
0x67: {  	_ =	shalt  }
0x68: {  	_ =	shalt  }
0x69: {  	_ =	shalt  }
0x6a: {  	_ =	shalt  }
0x6b: {  	_ =	shalt  }
0x6c: {  	_ =	shalt  }
0x6d: {  	_ =	shalt  }
0x6e: {  	_ =	shalt  }
0x6f: {  	_ =	shalt  }
0x70: {  	_ =	shalt  }
0x71: {  	_ =	shalt  }
0x72: {  	_ =	shalt  }
0x73: {  	_ =	shalt  }
0x74: {  	_ =	shalt  }
0x75: {  	_ =	shalt  }
0x76: {  	_ =	shalt  }
0x77: {  	_ =	shalt  }
0x78: {  	_ =	shalt  }
0x79: {  	_ =	shalt  }
0x7a: {  	_ =	shalt  }
0x7b: {  	_ =	shalt  }
0x7c: {  	_ =	shalt  }
0x7d: {  	_ =	shalt  }
0x7e: {  	_ =	shalt  }
0x7f: {  	_ =	shalt  }
0x80: {  	_ =	shalt  }
0x81: {  	_ =	shalt  }
0x82: {  	_ =	shalt  }
0x83: {  	_ =	shalt  }
0x84: {  	_ =	shalt  }
0x85: {  	_ =	shalt  }
0x86: {  	_ =	shalt  }
0x87: {  	_ =	shalt  }
.Lfunc_end0:
.L_simem_size_0:
called_computation_lowered:
.L_overlay_start_0:
0x88: {  	s2 =	sld [smem:$0x3FD9]  }
0x89: {  	s3 =	sld [smem:$0x3FFE];
	_ =	sdelay $0x1  }
0x8a: {  	s1 =	srdreg.scid  }
0x8b: {  	s0 =	sand.u32 $0x1, s1  }
0x8c: {  	s14 =	sshll.u32 s0, $0xA;
	s2 =	sadd.s32 s3, s2  }
0x8d: {  	s2 =	sadd.s32 s2, s14  }
0x8e: {  	[smem:$0x3FC6] =	sst s2  }
0x8f: {  	_ = 	snop  }
0x90: {  	s2 =	sld [smem:$0x3FD0];
	_ =	sdelay $0x1  }
0x91: {  	s15 =	sld [smem:$0x3FC9]  }
0x92: {  	s5 =	simm.s32 $0xA;
	s6 =	simm.s32 $0x10;
	s4 =	sld [smem:$0x3FC8]  }
0x93: {  	[smem:s6], [sflag:s5] =	dma.local [hbm:s2], $0x1  }
0x94: {  	_ =	swait.eq [sflag:s5], $0x1  }
0x95: {  	[sflag:s5] =	ssyncset.done $0x0  }
0x96: {  	s16 =	sld [smem:$0x11];
	[sflag:s5] =	ssyncadd.s32 $0xFFFFFFFF  }
0x97: {  	s17 =	sld [smem:$0x13];
	(tm) =	ssettm $0x1  }
0x98: {  	s18 =	sld [smem:$0x3FFB];
	_ =	sdelay $0x3  }
0x99: {  	_ =	strace s18  }
0x9a: {  	s6 =	sld [smem:$0x3FFC];
	_ =	sdelay $0x3  }
0x9b: {  	_ =	strace s6  }
0x9c: {  	s6 =	sld [smem:$0x3FFD];
	_ =	sdelay $0x3  }
0x9d: {  	_ =	strace s6  }
0x9e: {  	_ =	strace $0x8FFFFFFF  }
0x9f: {  	s19 =	sld [smem:$0x3FDB];
	_ =	sdelay $0x1  }
0xa0: {  	s7 =	simm.s32 $_scs_section_size  }
0xa1: {  	s8 =	simm.s32 $_size__tile_overlayer_lowered;
	s9 =	simm.s32 $_tile_overlayer_lowered  }
0xa2: {  	s22 =	simm.s32 $0x1BFF;
	s21 =	sshll.u32 s9, $0x1;
	s6 =	sadd.s32 s7, s19  }
0xa3: {  	s10 =	simm.s32 $0x0;
	s20 =	sshll.u32 s8, $0x1;
	s8 =	sadd.s32 s21, s6  }
0xa4: {  	[timem:s10], [sflag:s22] =	dma.local [hbm:s8], s20  }
0xa5: {  	_ =	swait.ge [sflag:s22], s20  }
0xa6: {  	s7 =	ssub.s32 $0x0, s20;
	[sflag:s22] =	ssyncset.done $0x0  }
0xa7: {  	[sflag:s22] =	ssyncadd.s32 s7;
	_ =	sdelay $0x1  }
0xa8: {  	s23 =	simm.s32 $0x1B8B  }
0xa9: {  	_ =	swait.ge [sflag:s23], $0x1  }
0xaa: {  	[sflag:s23] =	ssyncset.done $0x0  }
0xab: {  	s25 =	simm.s32 $0x1B8E;
	s24 =	sld [smem:$0x3FFE];
	[sflag:s23] =	ssyncadd.s32 $0xFFFFFFFF  }
0xac: {  	s26 =	simm.s32 $execute0_lowered;
	[smem:$0x3FD2] =	sst s25  }
0xad: {  	s8 =	sshll.u32 s26, $0x1;
	_ =	strace $0x80000046;
	[dreg:$0x1] =	wrdreg $0xFFFFFFFF  }
0xae: {  	s28 =	simm.s32 $_size_execute0_lowered;
	s6 =	sadd.s32 s6, s8;
	[dreg:$0x0] =	wrdreg $0x0  }
0xaf: {  	s8 =	sshll.u32 s28, $0x1;
	[dreg:$0x2] =	wrdreg s6  }
0xb0: {  	[dreg:$0x3] =	wrdreg s8  }
0xb1: {  	[dreg:$0x4] =	wrdreg $0xC0  }
0xb2: {  	_ =	task [dreg:s10], $0x5FFFF  }
0xb3: {  	[dreg:$0x1] =	wrdreg $0xFFFFFFFF  }
0xb4: {  	[dreg:$0x0] =	wrdreg $0x60  }
0xb5: {  	[dreg:$0x2] =	wrdreg s15  }
0xb6: {  	[dreg:$0x3] =	wrdreg s4  }
0xb7: {  	[dreg:$0x4] =	wrdreg s16  }
0xb8: {  	[dreg:$0x5] =	wrdreg s24  }
0xb9: {  	[dreg:$0x6] =	wrdreg s17  }
0xba: {  	[dreg:$0x7] =	wrdreg $0x9  }
0xbb: {  	_ =	task.clear_ibuf [dreg:s10], $0x8FFFF;
	_ =	strace $0x90000046  }
0xbc: {  	s29 =	simm.s32 $0x9;
	_ =	strace $0x80000048  }
0xbd: {  	_ =	swait.ge [sflag:s29], $0x1  }
0xbe: {  	[sflag:s29] =	ssyncadd.s32 $0xFFFFFFFF  }
0xbf: {  	_ =	strace $0x90000048  }
0xc0: {  	_ =	sfence  }
0xc1: {  	s30 =	sld [smem:$0x0];
	_ =	sdelay $0x2  }
0xc2: {  	s31 =	sshll.u32 s1, $0xD;
	s1 =	sshrl.u32 s1, $0x2  }
0xc3: {  	s3 =	sand.u32 $0x4000, s31;
	s1 =	sadd.s32 s1, s30  }
0xc4: {  	s0 =	sor.u32 s3, s0;
	s1 =	sshll.u32 s1, $0x11  }
0xc5: {  	s0 =	sor.u32 s1, s0  }
0xc6: {  	s0 =	sadd.s32 $0x8F2B, s0  }
0xc7: {  	[sflag:s0] =	ssyncadd.remote.s32 $0x1  }
0xc8: {  	_ =	sfence.sel $0xFFFF  }
0xc9: {  	[dreg:$0x0] =	wrdreg $0xFFFFFFFF;
	(pc) =	sbr.abs _section_cstart, $3  }
0xca: {  	[dreg:$0x1] =	wrdreg $0xFFFFFFFF  }
0xcb: {  	_ =	task.clear_ibuf [dreg:s10], $0x2FFFF;
	_ =	strace $0x9FFFFFFF  }
0xcc: {  	(tm) =	ssettm $0x7FFFFFFF  }
0xcd: {  	_ =	shalt  }
tec
execute0_lowered:
.L_overlay_start_1:
0x0: {  	(tag) =	ssettag $0x1  }
0x1: {  	s0 =	rddreg [dreg:$0x0]  }
0x2: {  	s1 =	rddreg [dreg:$0x2]  }
0x3: {  	s3 =	rddreg [dreg:$0x3];
	s4 =	srdreg.scid  }
0x4: {  	s2 =	stileid.u32;
	s12 =	rddreg [dreg:$0x4]  }
0x5: {  	s14 =	simm.s32 $0x1;
	s15 =	simm.s32 $0x1800;
	s16 =	simm.s32 $0x4800  }
0x6: {  	s18 =	simm.s32 $0x5080;
	s19 =	simm.s32 $0x5100;
	s20 =	simm.s32 $0x5180  }
0x7: {  	s21 =	simm.s32 $0x5200;
	s22 =	simm.s32 $0x5280;
	s23 =	simm.s32 $0x5300  }
0x8: {  	s24 =	simm.s32 $0x0;
	s5 =	sand.u32 $0x1, s4;
	s6 =	sshll.u32 s2, $0x1  }
0x9: {  	s4 =	simm.s32 $0x0;
	s6 =	sor.u32 s5, s6;
	s5 =	ssub.s32 $0x2, s5  }
0xa: {  	[smem:$0x7FF] =	sst s4;
	s7 =	sshll.u32 s6, $0x4;
	s8 =	sshrl.u32 s5, $0x1  }
0xb: {  	_ =	strace $0x80000047;
	s3 =	sadd.s32 s7, s3;
	s13 =	ssub.s32 s5, s8  }
0xc: {  	s5 =	sshll.u32 s6, $0x7;
	s6 =	sadd.s32 s1, s7;
	s7 =	sadd.s32 $0x200, s3  }
0xd: {  	v1 =	vlaneseq.u32;
	s8 =	sadd.s32 $0x400, s3;
	s9 =	sadd.s32 $0x600, s3;
	s10 =	sadd.s32 $0x800, s3  }
0xe: {  	v1 =	vmul.u32 $0x10, v1;
	s11 =	sadd.s32 $0xA00, s3;
	s12 =	sadd.s32 s12, s5;
	s13 =	smax.u32 s13, $0x1  }
.LBB2_1:
0xf: {  	s1 =	rddreg [dreg:$0x1]  }
0x10: {  	[tilespmem:s4], [sflag:$0x1] =	stream.linear.gather [hbm4b:s1+s4], $0x1800, $0x38;
	[tilespmem:$0x5700] =	vst v63  }
0x11: {  	_ =	swait.ge [sflag:s14], $0x1800  }
0x12: {  	s30 =	sand.u32 $0x70, s4;
	s3 =	sand.u32 $0x1C00, s4;
	[sflag:s14] =	ssyncset.done $0x0  }
0x13: {  	s25 =	sor.u32 s30, s3;
	[sflag:s14] =	ssyncadd.s32 $0xFFFFE800  }
0x14: {  	v3 =	vld [tilespmem:s25+$0x0];
	_ =	sdelay $0x4  }
0x15: {  	v4 =	vshrl.u32 v3, $0x10  }
0x16: {  	v4 =	vand.u32 $0x1, v4  }
0x17: {  	v3 =	vadd.s32 v4, v3  }
0x18: {  	s31 =	simm.s32 $0x10;
	s26 =	simm.s32 $0x80;
	v3 =	vadd.s32 $0x7FFF, v3  }
0x19: {  	s28 =	simm.s32 $0x20;
	s3 =	sand.u32 $0x70, s31;
	s29 =	sand.u32 $0x1C00, s26;
	v3 =	vand.u32 $0xFFFF0000, v3  }
.LBB2_2:
0x1a: {  	p0 =	sne.s32 s28, $0x2F0;
	[tilespmem:s25+$0x0] =	vst v3;
	s25 =	sor.u32 s3, s29  }
0x1b: {  	v3 =	vld [tilespmem:s25+$0x0];
	_ =	sdelay $0x4  }
.Ltmp0:
0x1c: {  	v4 =	vshrl.u32 v3, $0x10;
	(pc) =	sbr.rel @p0 .LBB2_2-.Ltmp0, $4  }
0x1d: {  	v4 =	vand.u32 $0x1, v4  }
0x1e: {  	v3 =	vadd.s32 v4, v3  }
0x1f: {  	s26 =	sadd.s32 $0x80, s26;
	v3 =	vadd.s32 $0x7FFF, v3  }
0x20: {  	s3 =	sand.u32 $0x70, s28;
	s28 =	sadd.s32 $0x10, s28;
	s29 =	sand.u32 $0x1C00, s26;
	v3 =	vand.u32 $0xFFFF0000, v3  }
0x21: {  	s1 =	sor.u32 s3, s29;
	[tilespmem:s25+$0x0] =	vst v3  }
0x22: {  	v3 =	vld [tilespmem:s1+$0x0];
	_ =	sdelay $0x4  }
0x23: {  	v4 =	vshrl.u32 v3, $0x10  }
0x24: {  	v4 =	vand.u32 $0x1, v4  }
0x25: {  	v3 =	vadd.s32 v4, v3  }
0x26: {  	s26 =	simm.s32 $0x0;
	v3 =	vadd.s32 $0x7FFF, v3  }
0x27: {  	s25 =	sand.u32 $0x70, s26;
	s26 =	sand.u32 $0x1C00, s26;
	v3 =	vand.u32 $0xFFFF0000, v3  }
0x28: {  	s29 =	sor.u32 s25, s26;
	[tilespmem:s1+$0x0] =	vst v3  }
0x29: {  	v3 =	vld [tilespmem:s29+$0x80];
	_ =	sdelay $0x4  }
0x2a: {  	v4 =	vshrl.u32 v3, $0x10  }
0x2b: {  	v4 =	vand.u32 $0x1, v4  }
0x2c: {  	v3 =	vadd.s32 v4, v3  }
0x2d: {  	s28 =	simm.s32 $0x10;
	s30 =	simm.s32 $0x80;
	v3 =	vadd.s32 $0x7FFF, v3  }
0x2e: {  	s31 =	simm.s32 $0x20;
	s3 =	sand.u32 $0x70, s28;
	s1 =	sand.u32 $0x1C00, s30;
	v3 =	vand.u32 $0xFFFF0000, v3  }
.LBB2_4:
0x2f: {  	p0 =	sne.s32 s31, $0x2F0;
	[tilespmem:s29+$0x80] =	vst v3;
	s29 =	sor.u32 s3, s1  }
0x30: {  	v3 =	vld [tilespmem:s29+$0x80];
	_ =	sdelay $0x4  }
.Ltmp1:
0x31: {  	v4 =	vshrl.u32 v3, $0x10;
	(pc) =	sbr.rel @p0 .LBB2_4-.Ltmp1, $4  }
0x32: {  	v4 =	vand.u32 $0x1, v4  }
0x33: {  	v3 =	vadd.s32 v4, v3  }
0x34: {  	s30 =	sadd.s32 $0x80, s30;
	v3 =	vadd.s32 $0x7FFF, v3  }
0x35: {  	s3 =	sand.u32 $0x70, s31;
	s31 =	sadd.s32 $0x10, s31;
	s1 =	sand.u32 $0x1C00, s30;
	v3 =	vand.u32 $0xFFFF0000, v3  }
0x36: {  	s1 =	sor.u32 s3, s1;
	[tilespmem:s29+$0x80] =	vst v3  }
0x37: {  	v3 =	vld [tilespmem:s1+$0x80];
	_ =	sdelay $0x4  }
0x38: {  	v4 =	vshrl.u32 v3, $0x10  }
0x39: {  	v4 =	vand.u32 $0x1, v4  }
0x3a: {  	v3 =	vadd.s32 v4, v3  }
0x3b: {  	v3 =	vadd.s32 $0x7FFF, v3  }
0x3c: {  	v3 =	vand.u32 $0xFFFF0000, v3  }
0x3d: {  	s25 =	sor.u32 s25, s26;
	[tilespmem:s1+$0x80] =	vst v3  }
0x3e: {  	v3 =	vld [tilespmem:s25+$0x100];
	_ =	sdelay $0x4  }
0x3f: {  	v4 =	vshrl.u32 v3, $0x10  }
0x40: {  	v4 =	vand.u32 $0x1, v4  }
0x41: {  	v3 =	vadd.s32 v4, v3  }
0x42: {  	s26 =	simm.s32 $0x80;
	v3 =	vadd.s32 $0x7FFF, v3  }
0x43: {  	s3 =	sand.u32 $0x70, s28;
	s28 =	simm.s32 $0x20;
	s1 =	sand.u32 $0x1C00, s26;
	v3 =	vand.u32 $0xFFFF0000, v3  }
.LBB2_6:
0x44: {  	p0 =	sne.s32 s28, $0x2F0;
	[tilespmem:s25+$0x100] =	vst v3;
	s25 =	sor.u32 s3, s1  }
0x45: {  	v3 =	vld [tilespmem:s25+$0x100];
	_ =	sdelay $0x4  }
.Ltmp2:
0x46: {  	v4 =	vshrl.u32 v3, $0x10;
	(pc) =	sbr.rel @p0 .LBB2_6-.Ltmp2, $4  }
0x47: {  	v4 =	vand.u32 $0x1, v4  }
0x48: {  	v3 =	vadd.s32 v4, v3  }
0x49: {  	s26 =	sadd.s32 $0x80, s26;
	v3 =	vadd.s32 $0x7FFF, v3  }
0x4a: {  	s3 =	sand.u32 $0x70, s28;
	s28 =	sadd.s32 $0x10, s28;
	s1 =	sand.u32 $0x1C00, s26;
	v3 =	vand.u32 $0xFFFF0000, v3  }
0x4b: {  	s1 =	sor.u32 s3, s1;
	[tilespmem:s25+$0x100] =	vst v3  }
0x4c: {  	v3 =	vld [tilespmem:s1+$0x100];
	_ =	sdelay $0x4  }
0x4d: {  	v4 =	vshrl.u32 v3, $0x10  }
0x4e: {  	v4 =	vand.u32 $0x1, v4  }
0x4f: {  	v3 =	vadd.s32 v4, v3  }
0x50: {  	s26 =	simm.s32 $0x0;
	v3 =	vadd.s32 $0x7FFF, v3  }
0x51: {  	s25 =	sand.u32 $0x70, s26;
	s26 =	sand.u32 $0x1C00, s26;
	v3 =	vand.u32 $0xFFFF0000, v3  }
0x52: {  	s29 =	sor.u32 s25, s26;
	[tilespmem:s1+$0x100] =	vst v3  }
0x53: {  	v3 =	vld [tilespmem:s29+$0x180];
	_ =	sdelay $0x4  }
0x54: {  	v4 =	vshrl.u32 v3, $0x10  }
0x55: {  	v4 =	vand.u32 $0x1, v4  }
0x56: {  	v3 =	vadd.s32 v4, v3  }
0x57: {  	s28 =	simm.s32 $0x10;
	s30 =	simm.s32 $0x80;
	v3 =	vadd.s32 $0x7FFF, v3  }
0x58: {  	s31 =	simm.s32 $0x20;
	s3 =	sand.u32 $0x70, s28;
	s1 =	sand.u32 $0x1C00, s30;
	v3 =	vand.u32 $0xFFFF0000, v3  }
.LBB2_8:
0x59: {  	p0 =	sne.s32 s31, $0x2F0;
	[tilespmem:s29+$0x180] =	vst v3;
	s29 =	sor.u32 s3, s1  }
0x5a: {  	v3 =	vld [tilespmem:s29+$0x180];
	_ =	sdelay $0x4  }
.Ltmp3:
0x5b: {  	v4 =	vshrl.u32 v3, $0x10;
	(pc) =	sbr.rel @p0 .LBB2_8-.Ltmp3, $4  }
0x5c: {  	v4 =	vand.u32 $0x1, v4  }
0x5d: {  	v3 =	vadd.s32 v4, v3  }
0x5e: {  	s30 =	sadd.s32 $0x80, s30;
	v3 =	vadd.s32 $0x7FFF, v3  }
0x5f: {  	s3 =	sand.u32 $0x70, s31;
	s31 =	sadd.s32 $0x10, s31;
	s1 =	sand.u32 $0x1C00, s30;
	v3 =	vand.u32 $0xFFFF0000, v3  }
0x60: {  	s1 =	sor.u32 s3, s1;
	[tilespmem:s29+$0x180] =	vst v3  }
0x61: {  	v3 =	vld [tilespmem:s1+$0x180];
	_ =	sdelay $0x4  }
0x62: {  	v4 =	vshrl.u32 v3, $0x10  }
0x63: {  	v4 =	vand.u32 $0x1, v4  }
0x64: {  	v3 =	vadd.s32 v4, v3  }
0x65: {  	v3 =	vadd.s32 $0x7FFF, v3  }
0x66: {  	v3 =	vand.u32 $0xFFFF0000, v3  }
0x67: {  	s25 =	sor.u32 s25, s26;
	[tilespmem:s1+$0x180] =	vst v3  }
0x68: {  	v3 =	vld [tilespmem:s25+$0x200];
	_ =	sdelay $0x4  }
0x69: {  	v4 =	vshrl.u32 v3, $0x10  }
0x6a: {  	v4 =	vand.u32 $0x1, v4  }
0x6b: {  	v3 =	vadd.s32 v4, v3  }
0x6c: {  	s26 =	simm.s32 $0x80;
	v3 =	vadd.s32 $0x7FFF, v3  }
0x6d: {  	s3 =	sand.u32 $0x70, s28;
	s28 =	simm.s32 $0x20;
	s1 =	sand.u32 $0x1C00, s26;
	v3 =	vand.u32 $0xFFFF0000, v3  }
.LBB2_10:
0x6e: {  	p0 =	sne.s32 s28, $0x2F0;
	[tilespmem:s25+$0x200] =	vst v3;
	s25 =	sor.u32 s3, s1  }
0x6f: {  	v3 =	vld [tilespmem:s25+$0x200];
	_ =	sdelay $0x4  }
.Ltmp4:
0x70: {  	v4 =	vshrl.u32 v3, $0x10;
	(pc) =	sbr.rel @p0 .LBB2_10-.Ltmp4, $4  }
0x71: {  	v4 =	vand.u32 $0x1, v4  }
0x72: {  	v3 =	vadd.s32 v4, v3  }
0x73: {  	s26 =	sadd.s32 $0x80, s26;
	v3 =	vadd.s32 $0x7FFF, v3  }
0x74: {  	s3 =	sand.u32 $0x70, s28;
	s28 =	sadd.s32 $0x10, s28;
	s1 =	sand.u32 $0x1C00, s26;
	v3 =	vand.u32 $0xFFFF0000, v3  }
0x75: {  	s1 =	sor.u32 s3, s1;
	[tilespmem:s25+$0x200] =	vst v3  }
0x76: {  	v3 =	vld [tilespmem:s1+$0x200];
	_ =	sdelay $0x4  }
0x77: {  	v4 =	vshrl.u32 v3, $0x10  }
0x78: {  	v4 =	vand.u32 $0x1, v4  }
0x79: {  	v3 =	vadd.s32 v4, v3  }
0x7a: {  	s26 =	simm.s32 $0x0;
	v3 =	vadd.s32 $0x7FFF, v3  }
0x7b: {  	s25 =	sand.u32 $0x70, s26;
	s26 =	sand.u32 $0x1C00, s26;
	v3 =	vand.u32 $0xFFFF0000, v3  }
0x7c: {  	s29 =	sor.u32 s25, s26;
	[tilespmem:s1+$0x200] =	vst v3  }
0x7d: {  	v3 =	vld [tilespmem:s29+$0x280];
	_ =	sdelay $0x4  }
0x7e: {  	v4 =	vshrl.u32 v3, $0x10  }
0x7f: {  	v4 =	vand.u32 $0x1, v4  }
0x80: {  	v3 =	vadd.s32 v4, v3  }
0x81: {  	s28 =	simm.s32 $0x10;
	s30 =	simm.s32 $0x80;
	v3 =	vadd.s32 $0x7FFF, v3  }
0x82: {  	s31 =	simm.s32 $0x20;
	s3 =	sand.u32 $0x70, s28;
	s1 =	sand.u32 $0x1C00, s30;
	v3 =	vand.u32 $0xFFFF0000, v3  }
.LBB2_12:
0x83: {  	p0 =	sne.s32 s31, $0x2F0;
	[tilespmem:s29+$0x280] =	vst v3;
	s29 =	sor.u32 s3, s1  }
0x84: {  	v3 =	vld [tilespmem:s29+$0x280];
	_ =	sdelay $0x4  }
.Ltmp5:
0x85: {  	v4 =	vshrl.u32 v3, $0x10;
	(pc) =	sbr.rel @p0 .LBB2_12-.Ltmp5, $4  }
0x86: {  	v4 =	vand.u32 $0x1, v4  }
0x87: {  	v3 =	vadd.s32 v4, v3  }
0x88: {  	s30 =	sadd.s32 $0x80, s30;
	v3 =	vadd.s32 $0x7FFF, v3  }
0x89: {  	s3 =	sand.u32 $0x70, s31;
	s31 =	sadd.s32 $0x10, s31;
	s1 =	sand.u32 $0x1C00, s30;
	v3 =	vand.u32 $0xFFFF0000, v3  }
0x8a: {  	s1 =	sor.u32 s3, s1;
	[tilespmem:s29+$0x280] =	vst v3  }
0x8b: {  	v3 =	vld [tilespmem:s1+$0x280];
	_ =	sdelay $0x4  }
0x8c: {  	v4 =	vshrl.u32 v3, $0x10  }
0x8d: {  	v4 =	vand.u32 $0x1, v4  }
0x8e: {  	v3 =	vadd.s32 v4, v3  }
0x8f: {  	v3 =	vadd.s32 $0x7FFF, v3  }
0x90: {  	v3 =	vand.u32 $0xFFFF0000, v3  }
0x91: {  	s25 =	sor.u32 s25, s26;
	[tilespmem:s1+$0x280] =	vst v3  }
0x92: {  	v3 =	vld [tilespmem:s25+$0x300];
	_ =	sdelay $0x4  }
0x93: {  	v4 =	vshrl.u32 v3, $0x10  }
0x94: {  	v4 =	vand.u32 $0x1, v4  }
0x95: {  	v3 =	vadd.s32 v4, v3  }
0x96: {  	s26 =	simm.s32 $0x80;
	v3 =	vadd.s32 $0x7FFF, v3  }
0x97: {  	s3 =	sand.u32 $0x70, s28;
	s28 =	simm.s32 $0x20;
	s1 =	sand.u32 $0x1C00, s26;
	v3 =	vand.u32 $0xFFFF0000, v3  }
.LBB2_14:
0x98: {  	p0 =	sne.s32 s28, $0x2F0;
	[tilespmem:s25+$0x300] =	vst v3;
	s25 =	sor.u32 s3, s1  }
0x99: {  	v3 =	vld [tilespmem:s25+$0x300];
	_ =	sdelay $0x4  }
.Ltmp6:
0x9a: {  	v4 =	vshrl.u32 v3, $0x10;
	(pc) =	sbr.rel @p0 .LBB2_14-.Ltmp6, $4  }
0x9b: {  	v4 =	vand.u32 $0x1, v4  }
0x9c: {  	v3 =	vadd.s32 v4, v3  }
0x9d: {  	s26 =	sadd.s32 $0x80, s26;
	v3 =	vadd.s32 $0x7FFF, v3  }
0x9e: {  	s3 =	sand.u32 $0x70, s28;
	s28 =	sadd.s32 $0x10, s28;
	s1 =	sand.u32 $0x1C00, s26;
	v3 =	vand.u32 $0xFFFF0000, v3  }
0x9f: {  	s1 =	sor.u32 s3, s1;
	[tilespmem:s25+$0x300] =	vst v3  }
0xa0: {  	v3 =	vld [tilespmem:s1+$0x300];
	_ =	sdelay $0x4  }
0xa1: {  	v4 =	vshrl.u32 v3, $0x10  }
0xa2: {  	v4 =	vand.u32 $0x1, v4  }
0xa3: {  	v3 =	vadd.s32 v4, v3  }
0xa4: {  	s30 =	simm.s32 $0x0;
	v3 =	vadd.s32 $0x7FFF, v3  }
0xa5: {  	s3 =	sor.u32 s30, s30;
	v3 =	vand.u32 $0xFFFF0000, v3  }
0xa6: {  	s25 =	sor.u32 $0x380, s3;
	[tilespmem:s1+$0x300] =	vst v3  }
0xa7: {  	v3 =	vld [tilespmem:s25+$0x0];
	_ =	sdelay $0x4  }
0xa8: {  	v4 =	vshrl.u32 v3, $0x10  }
0xa9: {  	v4 =	vand.u32 $0x1, v4  }
0xaa: {  	v3 =	vadd.s32 v4, v3  }
0xab: {  	s31 =	simm.s32 $0x10;
	s26 =	simm.s32 $0x80;
	v3 =	vadd.s32 $0x7FFF, v3  }
0xac: {  	s28 =	simm.s32 $0x20;
	s1 =	sor.u32 s26, s31;
	v3 =	vand.u32 $0xFFFF0000, v3  }
.LBB2_16:
0xad: {  	p0 =	sne.s32 s28, $0x2F0;
	[tilespmem:s25+$0x0] =	vst v3;
	s25 =	sor.u32 $0x380, s1  }
0xae: {  	v3 =	vld [tilespmem:s25+$0x0];
	_ =	sdelay $0x4  }
.Ltmp7:
0xaf: {  	v4 =	vshrl.u32 v3, $0x10;
	(pc) =	sbr.rel @p0 .LBB2_16-.Ltmp7, $4  }
0xb0: {  	v4 =	vand.u32 $0x1, v4  }
0xb1: {  	v3 =	vadd.s32 v4, v3  }
0xb2: {  	s26 =	sadd.s32 $0x80, s26;
	v3 =	vadd.s32 $0x7FFF, v3  }
0xb3: {  	s1 =	sor.u32 s26, s28;
	s28 =	sadd.s32 $0x10, s28;
	v3 =	vand.u32 $0xFFFF0000, v3  }
0xb4: {  	s1 =	sor.u32 $0x380, s1;
	[tilespmem:s25+$0x0] =	vst v3  }
0xb5: {  	v3 =	vld [tilespmem:s1+$0x0];
	_ =	sdelay $0x4  }
0xb6: {  	v4 =	vshrl.u32 v3, $0x10  }
0xb7: {  	v4 =	vand.u32 $0x1, v4  }
0xb8: {  	v3 =	vadd.s32 v4, v3  }
0xb9: {  	v3 =	vadd.s32 $0x7FFF, v3  }
0xba: {  	v3 =	vand.u32 $0xFFFF0000, v3  }
0xbb: {  	v0 =	vimm.f32 $0.0e+00;
	[tilespmem:s1+$0x0] =	vst v3  }
0xbc: {  	[tilespmem:$0x5300] =	vst v0  }
0xbd: {  	[tilespmem:$0x5380] =	vst v0  }
0xbe: {  	[tilespmem:$0x5400] =	vst v0  }
0xbf: {  	[tilespmem:$0x5480] =	vst v0  }
0xc0: {  	[tilespmem:$0x5500] =	vst v0  }
0xc1: {  	[tilespmem:$0x5580] =	vst v0  }
0xc2: {  	[tilespmem:$0x5600] =	vst v0  }
0xc3: {  	s25 =	simm.s32 $0x0;
	s26 =	simm.s32 $0x0;
	[tilespmem:$0x5680] =	vst v0  }
.LBB2_18:
0xc4: {  	s28 =	sshll.u32 s26, $0x4  }
0xc5: {  	s1 =	sor.u32 s5, s28  }
0xc6: {  	s1 =	sshrl.u32 s1, $0x3  }
0xc7: {  	s1 =	sor.u32 $0xE00, s1  }
0xc8: {  	s1 =	smul.u32 $0x300, s1;
	_ =	sdelay $0x1  }
0xc9: {  	s1 =	sadd.s32 s0, s1  }
0xca: {  	[tilespmem:s15], [sflag:$0x1] =	stream.linear.gather [hbm4b:s1+s25], $0x3000, $0x38;
	[tilespmem:$0x5700] =	vst v63  }
0xcb: {  	_ =	swait.ge [sflag:s14], $0x3000  }
0xcc: {  	s30 =	sand.u32 $0x70, s25;
	s3 =	sand.u32 $0x1C00, s25;
	[sflag:s14] =	ssyncset.done $0x0  }
0xcd: {  	s1 =	sor.u32 s30, s3;
	[sflag:s14] =	ssyncadd.s32 $0xFFFFD000  }
0xce: {  	v28 =	vimm.f32 $0.0e+00;
	v39 =	vimm.f32 $0.0e+00;
	v43 =	vimm.f32 $0.0e+00;
	v5 =	vld [tilespmem:s1+$0x1980]  }
0xcf: {  	v40 =	vimm.f32 $0.0e+00;
	v41 =	vimm.f32 $0.0e+00;
	v32 =	vimm.f32 $0.0e+00;
	v6 =	vld [tilespmem:s1+$0x1900]  }
0xd0: {  	v46 =	vimm.f32 $0.0e+00;
	v17 =	vimm.f32 $0.0e+00;
	v47 =	vimm.f32 $0.0e+00;
	v7 =	vld [tilespmem:s1+$0x1880]  }
0xd1: {  	v16 =	vimm.f32 $0.0e+00;
	v33 =	vimm.f32 $0.0e+00;
	v34 =	vimm.f32 $0.0e+00  }
0xd2: {  	v18 =	vimm.f32 $0.0e+00;
	v30 =	vimm.f32 $0.0e+00;
	v44 =	vimm.f32 $0.0e+00;
	v9 =	vld [tilespmem:s1+$0x1800]  }
0xd3: {  	v26 =	vimm.f32 $0.0e+00;
	v21 =	vimm.f32 $0.0e+00;
	v31 =	vimm.f32 $0.0e+00  }
0xd4: {  	v36 =	vimm.f32 $0.0e+00;
	v25 =	vimm.f32 $0.0e+00;
	v10 =	vld [tilespmem:s1+$0x0];
	v8 =	vshrl.u32 v6, $0x10  }
0xd5: {  	v13 =	vld [tilespmem:s1+$0x100];
	v4 =	vshrl.u32 v5, $0x10;
	v11 =	vshrl.u32 v7, $0x10;
	v8 =	vand.u32 $0x1, v8  }
0xd6: {  	v3 =	vld [tilespmem:s1+$0x200];
	v12 =	vand.u32 $0x1, v4;
	v11 =	vand.u32 $0x1, v11;
	v6 =	vadd.s32 v8, v6  }
0xd7: {  	v22 =	vld [tilespmem:s1+$0x80];
	v8 =	vshrl.u32 v9, $0x10;
	v11 =	vadd.s32 v11, v7;
	v5 =	vadd.s32 v12, v5  }
0xd8: {  	v11 =	vadd.s32 $0x7FFF, v11;
	v12 =	vand.u32 $0x1, v8;
	v5 =	vadd.s32 $0x7FFF, v5  }
0xd9: {  	v4 =	vld [tilespmem:s1+$0x300];
	v6 =	vadd.s32 $0x7FFF, v6;
	v38 =	vand.u32 $0xFFFF0000, v11;
	v8 =	vand.u32 $0xFFFF0000, v5  }
0xda: {  	v7 =	vld [tilespmem:s1+$0x280];
	v19 =	vand.u32 $0xFFFF0000, v6;
	v11 =	vmul.f32 v38, v10;
	v14 =	vmul.f32 v38, v13  }
0xdb: {  	v6 =	vadd.s32 v12, v9;
	v27 =	vmul.f32 v8, v10;
	v9 =	vmul.f32 v38, v3  }
0xdc: {  	v20 =	vimm.f32 $0.0e+00;
	v12 =	vmul.f32 v19, v10;
	v29 =	vmul.f32 v8, v22  }
0xdd: {  	v42 =	vimm.f32 $0.0e+00;
	v35 =	vmul.f32 v19, v13;
	v51 =	vmul.f32 v19, v22  }
0xde: {  	s31 =	sor.u32 s25, s25;
	v6 =	vadd.s32 $0x7FFF, v6;
	v45 =	vmul.f32 v8, v13;
	v49 =	vmul.f32 v38, v4  }
0xdf: {  	v5 =	vld [tilespmem:s1+$0x180];
	s1 =	sor.u32 $0x380, s31;
	v53 =	vand.u32 $0xFFFF0000, v6;
	v48 =	vmul.f32 v19, v4;
	v50 =	vmul.f32 v19, v7  }
0xe0: {  	v6 =	vld [tilespmem:s1+$0x0];
	v55 =	vmul.f32 v53, v10;
	v15 =	vadd.f32 v9, v28;
	v54 =	vmul.f32 v53, v13  }
0xe1: {  	v9 =	vadd.f32 v12, v28;
	v23 =	vadd.f32 v11, v28;
	v10 =	vmul.f32 v19, v3  }
0xe2: {  	v11 =	vmul.f32 v53, v3;
	v56 =	vmul.f32 v53, v4;
	v24 =	vadd.f32 v14, v28  }
0xe3: {  	v57 =	vmul.f32 v53, v7;
	v12 =	vimm.f32 $0.0e+00;
	v13 =	vimm.f32 $0.0e+00  }
0xe4: {  	v14 =	vimm.f32 $0.0e+00;
	v52 =	vmul.f32 v53, v5;
	v10 =	vadd.f32 v10, v28  }
0xe5: {  	s29 =	simm.s32 $0x80;
	s3 =	simm.s32 $0x10;
	v37 =	vadd.f32 v11, v28;
	v11 =	vimm.f32 $0.0e+00;
	v58 =	vmul.f32 v53, v6  }
.LBB2_19:
0xe6: {  	s1 =	sand.u32 $0x70, s3  }
0xe7: {  	s31 =	sand.u32 $0x1C00, s29;
	v28 =	vadd.f32 v55, v28;
	v53 =	vmul.f32 v53, v22;
	v55 =	vmul.f32 v38, v5;
	s2 =	smov.u32 s3;
	s30 =	sadd.s32 $0x10, s3  }
0xe8: {  	p0 =	sne.s32 s3, $0x2F0;
	v59 =	vmul.f32 v8, v5;
	s31 =	sor.u32 s1, s31;
	v39 =	vadd.f32 v58, v39;
	v58 =	vmul.f32 v19, v6  }
0xe9: {  	v43 =	vadd.f32 v54, v43;
	v40 =	vadd.f32 v56, v40;
	v54 =	vmul.f32 v38, v6;
	v60 =	vld [tilespmem:s31+$0x0]  }
0xea: {  	v41 =	vadd.f32 v57, v41;
	v32 =	vadd.f32 v55, v32;
	v55 =	vmul.f32 v38, v7;
	v56 =	vld [tilespmem:s31+$0x180]  }
0xeb: {  	v46 =	vadd.f32 v52, v46;
	v17 =	vadd.f32 v50, v17;
	v50 =	vmul.f32 v8, v3;
	v3 =	vld [tilespmem:s31+$0x200]  }
0xec: {  	v47 =	vadd.f32 v53, v47;
	v7 =	vmul.f32 v8, v7;
	v16 =	vadd.f32 v58, v16;
	v52 =	vld [tilespmem:s31+$0x1980]  }
0xed: {  	v22 =	vmul.f32 v38, v22;
	s1 =	sor.u32 s29, s2;
	v12 =	vadd.f32 v59, v12;
	v33 =	vadd.f32 v55, v33;
	v53 =	vld [tilespmem:s31+$0x1900]  }
0xee: {  	v34 =	vadd.f32 v49, v34;
	v18 =	vadd.f32 v27, v18;
	v4 =	vmul.f32 v8, v4;
	s1 =	sor.u32 $0x380, s1;
	v38 =	vld [tilespmem:s31+$0x1880]  }
0xef: {  	v30 =	vadd.f32 v51, v30;
	v8 =	vmul.f32 v8, v6;
	v11 =	vadd.f32 v7, v11;
	v6 =	vld [tilespmem:s1+$0x0]  }
0xf0: {  	v26 =	vadd.f32 v48, v26;
	v44 =	vadd.f32 v22, v44;
	v7 =	vmul.f32 v19, v5;
	v5 =	vmovc v56;
	v49 =	vld [tilespmem:s31+$0x1800]  }
0xf1: {  	v21 =	vadd.f32 v29, v21;
	v13 =	vadd.f32 v4, v13;
	v19 =	vshrl.u32 v52, $0x10;
	v22 =	vld [tilespmem:s31+$0x80]  }
0xf2: {  	v31 =	vadd.f32 v7, v31;
	v27 =	vshrl.u32 v53, $0x10;
	v19 =	vand.u32 $0x1, v19;
	v4 =	vld [tilespmem:s31+$0x300]  }
0xf3: {  	v14 =	vadd.f32 v8, v14;
	v29 =	vshrl.u32 v38, $0x10;
	v27 =	vand.u32 $0x1, v27;
	v7 =	vld [tilespmem:s31+$0x280]  }
0xf4: {  	v36 =	vadd.f32 v35, v36;
	v8 =	vand.u32 $0x1, v29;
	v27 =	vadd.s32 v27, v53;
	v59 =	vld [tilespmem:s31+$0x100]  }
0xf5: {  	v25 =	vadd.f32 v45, v25;
	v29 =	vshrl.u32 v49, $0x10;
	v8 =	vadd.s32 v8, v38  }
0xf6: {  	v20 =	vadd.f32 v50, v20;
	v19 =	vadd.s32 v19, v52;
	v8 =	vadd.s32 $0x7FFF, v8  }
0xf7: {  	v29 =	vand.u32 $0x1, v29;
	v38 =	vand.u32 $0xFFFF0000, v8;
	v8 =	vadd.s32 $0x7FFF, v19  }
0xf8: {  	v19 =	vadd.s32 $0x7FFF, v27;
	v8 =	vand.u32 $0xFFFF0000, v8;
	v45 =	vmul.f32 v38, v60  }
0xf9: {  	v19 =	vand.u32 $0xFFFF0000, v19;
	v51 =	vmul.f32 v38, v59;
	v27 =	vmul.f32 v8, v60  }
0xfa: {  	v42 =	vadd.f32 v54, v42;
	v29 =	vadd.s32 v29, v49;
	v35 =	vmul.f32 v38, v3  }
0xfb: {  	v29 =	vadd.s32 $0x7FFF, v29;
	v49 =	vmul.f32 v38, v4;
	v50 =	vmul.f32 v19, v7  }
0xfc: {  	v53 =	vand.u32 $0xFFFF0000, v29;
	v48 =	vmul.f32 v19, v60;
	v29 =	vmul.f32 v8, v22  }
0xfd: {  	v55 =	vmul.f32 v53, v60;
	v15 =	vadd.f32 v35, v15;
	v35 =	vmul.f32 v19, v59  }
.Ltmp8:
0xfe: {  	v54 =	vmul.f32 v53, v59;
	v9 =	vadd.f32 v48, v9;
	v48 =	vmul.f32 v19, v4;
	(pc) =	sbr.rel @p0 .LBB2_19-.Ltmp8, $4  }
0xff: {  	v52 =	vmul.f32 v53, v5;
	v23 =	vadd.f32 v45, v23;
	v45 =	vmul.f32 v19, v3  }
0x100: {  	v58 =	vmul.f32 v53, v3;
	v56 =	vmul.f32 v53, v4;
	v24 =	vadd.f32 v51, v24  }
0x101: {  	v57 =	vmul.f32 v53, v7;
	v51 =	vmul.f32 v19, v22;
	v10 =	vadd.f32 v45, v10  }
0x102: {  	s29 =	sadd.s32 $0x80, s29;
	s3 =	smov.u32 s30;
	v37 =	vadd.f32 v58, v37;
	v58 =	vmul.f32 v53, v6;
	v45 =	vmul.f32 v8, v59  }
0x103: {  	[tilespmem:$0x4810] =	vst v23  }
0x104: {  	[tilespmem:$0x4A10] =	vst v24  }
0x105: {  	[tilespmem:$0x4C10] =	vst v15  }
0x106: {  	[tilespmem:$0x4820] =	vst v9  }
0x107: {  	v28 =	vadd.f32 v55, v28;
	[tilespmem:$0x4C20] =	vst v10  }
0x108: {  	v43 =	vadd.f32 v54, v43;
	[tilespmem:$0x4C00] =	vst v37  }
0x109: {  	v41 =	vadd.f32 v57, v41;
	[tilespmem:$0x4800] =	vst v28  }
0x10a: {  	v53 =	vmul.f32 v53, v22;
	v17 =	vadd.f32 v50, v17;
	[tilespmem:$0x4A00] =	vst v43  }
0x10b: {  	v63 =	vadd.f32 v58, v39;
	[tilespmem:$0x4D00] =	vst v41  }
0x10c: {  	v22 =	vmul.f32 v38, v22;
	v47 =	vadd.f32 v53, v47;
	[tilespmem:$0x4D20] =	vst v17  }
0x10d: {  	v3 =	vmul.f32 v8, v3;
	v28 =	vadd.f32 v52, v46;
	[tilespmem:$0x4F00] =	vst v63  }
0x10e: {  	v22 =	vadd.f32 v22, v44;
	[tilespmem:$0x4900] =	vst v47  }
0x10f: {  	v4 =	vmul.f32 v8, v4;
	v3 =	vadd.f32 v3, v20;
	[tilespmem:$0x4B00] =	vst v28  }
0x110: {  	v28 =	vadd.f32 v56, v40;
	[tilespmem:$0x4910] =	vst v22;
	v22 =	vmul.f32 v38, v6  }
0x111: {  	v4 =	vadd.f32 v4, v13;
	[tilespmem:$0x4C30] =	vst v3  }
0x112: {  	[tilespmem:$0x4E00] =	vst v28;
	v28 =	vmul.f32 v38, v5;
	v15 =	vadd.f32 v22, v42  }
0x113: {  	[tilespmem:$0x4E30] =	vst v4;
	v22 =	vadd.f32 v51, v30  }
0x114: {  	v23 =	vadd.f32 v28, v32;
	v28 =	vmul.f32 v38, v7;
	[tilespmem:$0x4F10] =	vst v15  }
0x115: {  	v15 =	vadd.f32 v35, v36;
	[tilespmem:$0x4920] =	vst v22  }
0x116: {  	v7 =	vmul.f32 v8, v7;
	v24 =	vadd.f32 v28, v33;
	[tilespmem:$0x4B10] =	vst v23  }
0x117: {  	v23 =	vadd.f32 v49, v34;
	[tilespmem:$0x4A20] =	vst v15;
	v15 =	vmul.f32 v19, v6  }
0x118: {  	v7 =	vadd.f32 v7, v11;
	[tilespmem:$0x4D10] =	vst v24  }
0x119: {  	v6 =	vmul.f32 v8, v6;
	[tilespmem:$0x4E10] =	vst v23;
	v10 =	vadd.f32 v15, v16  }
0x11a: {  	v23 =	vmul.f32 v19, v5;
	v15 =	vadd.f32 v27, v18;
	[tilespmem:$0x4D30] =	vst v7  }
0x11b: {  	v3 =	vadd.f32 v6, v14;
	[tilespmem:$0x4F20] =	vst v10  }
0x11c: {  	v9 =	vadd.f32 v23, v31;
	[tilespmem:$0x4830] =	vst v15  }
0x11d: {  	v5 =	vmul.f32 v8, v5;
	v10 =	vadd.f32 v45, v25;
	[tilespmem:$0x4F30] =	vst v3  }
0x11e: {  	[tilespmem:$0x4B20] =	vst v9;
	v9 =	vadd.f32 v48, v26  }
0x11f: {  	v5 =	vadd.f32 v5, v12;
	[tilespmem:$0x4A30] =	vst v10  }
0x120: {  	s1 =	simm.s32 $0x0;
	[tilespmem:$0x4E20] =	vst v9;
	v9 =	vadd.f32 v29, v21  }
0x121: {  	s2 =	sand.u32 $0x70, s1;
	s3 =	sand.u32 $0x1C00, s1;
	[tilespmem:$0x4B30] =	vst v5  }
0x122: {  	s2 =	sor.u32 s2, s3;
	[tilespmem:$0x4930] =	vst v9  }
0x123: {  	v5 =	vld [tilespmem:s2+$0x1B00]  }
0x124: {  	v4 =	vld [tilespmem:s2+$0x300]  }
0x125: {  	s1 =	sor.u32 s1, s1;
	v37 =	vimm.f32 $0.0e+00;
	v39 =	vimm.f32 $0.0e+00;
	v20 =	vimm.f32 $0.0e+00;
	v7 =	vld [tilespmem:s2+$0x1A00]  }
0x126: {  	s1 =	sor.u32 $0x380, s1;
	v41 =	vimm.f32 $0.0e+00;
	v30 =	vimm.f32 $0.0e+00;
	v36 =	vimm.f32 $0.0e+00;
	v8 =	vld [tilespmem:s2+$0x1A80]  }
0x127: {  	v32 =	vimm.f32 $0.0e+00;
	v38 =	vimm.f32 $0.0e+00;
	v28 =	vimm.f32 $0.0e+00;
	v10 =	vld [tilespmem:s1+$0x1800]  }
0x128: {  	v27 =	vimm.f32 $0.0e+00;
	v23 =	vimm.f32 $0.0e+00;
	v31 =	vimm.f32 $0.0e+00;
	v11 =	vld [tilespmem:s2+$0x0]  }
0x129: {  	v26 =	vimm.f32 $0.0e+00;
	v29 =	vimm.f32 $0.0e+00;
	v15 =	vld [tilespmem:s2+$0x80];
	v3 =	vshrl.u32 v5, $0x10  }
0x12a: {  	v21 =	vimm.f32 $0.0e+00;
	v35 =	vld [tilespmem:s2+$0x100];
	v9 =	vshrl.u32 v7, $0x10;
	v6 =	vand.u32 $0x1, v3  }
0x12b: {  	v12 =	vshrl.u32 v8, $0x10;
	v3 =	vld [tilespmem:s1+$0x0];
	v13 =	vand.u32 $0x1, v9;
	v5 =	vadd.s32 v6, v5  }
0x12c: {  	v9 =	vld [tilespmem:s2+$0x200];
	v12 =	vand.u32 $0x1, v12;
	v7 =	vadd.s32 v13, v7;
	v5 =	vadd.s32 $0x7FFF, v5  }
0x12d: {  	v7 =	vadd.s32 $0x7FFF, v7;
	v14 =	vand.u32 $0xFFFF0000, v5;
	v5 =	vshrl.u32 v10, $0x10  }
0x12e: {  	v33 =	vand.u32 $0xFFFF0000, v7;
	v7 =	vadd.s32 v12, v8;
	v16 =	vmul.f32 v14, v4  }
0x12f: {  	v13 =	vmul.f32 v14, v11;
	v8 =	vand.u32 $0x1, v5;
	v5 =	vmul.f32 v33, v11  }
0x130: {  	v6 =	vimm.f32 $0.0e+00;
	v18 =	vmul.f32 v33, v35;
	v50 =	vmul.f32 v33, v15  }
0x131: {  	v44 =	vld [tilespmem:s2+$0x180];
	v12 =	vadd.s32 $0x7FFF, v7;
	v17 =	vmul.f32 v14, v3;
	v19 =	vmul.f32 v33, v9  }
0x132: {  	v10 =	vadd.s32 v8, v10;
	v40 =	vmul.f32 v14, v9;
	v46 =	vand.u32 $0xFFFF0000, v12  }
0x133: {  	v7 =	vadd.f32 v13, v6;
	v13 =	vmul.f32 v14, v15;
	v24 =	vadd.f32 v5, v6  }
0x134: {  	v34 =	vld [tilespmem:s2+$0x280];
	v10 =	vadd.s32 $0x7FFF, v10;
	v25 =	vadd.f32 v18, v6;
	v48 =	vmul.f32 v46, v11  }
0x135: {  	v18 =	vadd.f32 v16, v6;
	v49 =	vmul.f32 v46, v15;
	v16 =	vimm.f32 $0.0e+00  }
0x136: {  	v5 =	vadd.f32 v17, v6;
	v17 =	vmul.f32 v14, v44;
	v42 =	vand.u32 $0xFFFF0000, v10  }
0x137: {  	v8 =	vadd.f32 v13, v6;
	v13 =	vmul.f32 v14, v35;
	v45 =	vmul.f32 v42, v15  }
0x138: {  	v22 =	vadd.f32 v19, v6;
	v19 =	vmul.f32 v42, v44;
	v47 =	vmul.f32 v42, v9  }
0x139: {  	v43 =	vmul.f32 v42, v34;
	v12 =	vadd.f32 v17, v6;
	v17 =	vmul.f32 v42, v35  }
0x13a: {  	v10 =	vadd.f32 v13, v6;
	v13 =	vmul.f32 v14, v34;
	v14 =	vmul.f32 v42, v11  }
0x13b: {  	v11 =	vadd.f32 v19, v6;
	v19 =	vimm.f32 $0.0e+00;
	v15 =	vadd.f32 v17, v6  }
0x13c: {  	s30 =	simm.s32 $0x10;
	s29 =	simm.s32 $0x80;
	v17 =	vimm.f32 $0.0e+00;
	v13 =	vadd.f32 v13, v6;
	v14 =	vadd.f32 v14, v6  }
.LBB2_21:
0x13d: {  	s1 =	sand.u32 $0x70, s30  }
0x13e: {  	s2 =	sand.u32 $0x1C00, s29;
	v6 =	vadd.f32 v48, v6;
	v35 =	vmul.f32 v46, v35;
	v48 =	vmul.f32 v46, v44;
	s17 =	smov.u32 s30;
	s3 =	sadd.s32 $0x10, s30  }
0x13f: {  	p0 =	sne.s32 s30, $0x2F0;
	v44 =	vmul.f32 v33, v44;
	s31 =	sor.u32 s1, s2;
	s1 =	sor.u32 s29, s17;
	v29 =	vadd.f32 v49, v29;
	v49 =	vmul.f32 v42, v4  }
0x140: {  	v19 =	vadd.f32 v47, v19;
	s1 =	sor.u32 $0x380, s1;
	v51 =	vld [tilespmem:s31+$0x300];
	v28 =	vadd.f32 v35, v28;
	v35 =	vmul.f32 v42, v3  }
0x141: {  	v47 =	vmul.f32 v33, v34;
	v37 =	vadd.f32 v50, v37;
	v42 =	vld [tilespmem:s31+$0x1B00];
	v16 =	vadd.f32 v49, v16  }
0x142: {  	v50 =	vmul.f32 v33, v4;
	v30 =	vadd.f32 v48, v30;
	v49 =	vld [tilespmem:s31+$0x1A80];
	v17 =	vadd.f32 v35, v17  }
0x143: {  	v34 =	vmul.f32 v46, v34;
	v21 =	vadd.f32 v45, v21;
	v35 =	vmul.f32 v46, v4;
	v48 =	vld [tilespmem:s1+$0x1800]  }
0x144: {  	v52 =	vmul.f32 v46, v3;
	v23 =	vadd.f32 v40, v23;
	v33 =	vmul.f32 v33, v3;
	v45 =	vld [tilespmem:s31+$0x1A00]  }
0x145: {  	v40 =	vmul.f32 v46, v9;
	v36 =	vadd.f32 v47, v36;
	v26 =	vadd.f32 v34, v26;
	v3 =	vld [tilespmem:s1+$0x0];
	v4 =	vmovc v51  }
0x146: {  	v39 =	vadd.f32 v44, v39;
	v27 =	vadd.f32 v35, v27;
	v34 =	vshrl.u32 v42, $0x10;
	v9 =	vld [tilespmem:s31+$0x200]  }
0x147: {  	v20 =	vadd.f32 v43, v20;
	v44 =	vshrl.u32 v49, $0x10;
	v34 =	vand.u32 $0x1, v34;
	v47 =	vld [tilespmem:s31+$0x0]  }
0x148: {  	v32 =	vadd.f32 v40, v32;
	v34 =	vadd.s32 v34, v42;
	v42 =	vshrl.u32 v48, $0x10  }
0x149: {  	v38 =	vadd.f32 v33, v38;
	v35 =	vshrl.u32 v45, $0x10;
	v34 =	vadd.s32 $0x7FFF, v34;
	v51 =	vld [tilespmem:s31+$0x80]  }
0x14a: {  	v31 =	vadd.f32 v52, v31;
	v33 =	vand.u32 $0x1, v35;
	v43 =	vand.u32 $0xFFFF0000, v34;
	v35 =	vld [tilespmem:s31+$0x100]  }
0x14b: {  	v41 =	vadd.f32 v50, v41;
	v33 =	vadd.s32 v33, v45;
	v52 =	vmul.f32 v43, v4  }
0x14c: {  	v34 =	vand.u32 $0x1, v44;
	v33 =	vadd.s32 $0x7FFF, v33;
	v40 =	vmul.f32 v43, v47  }
0x14d: {  	v42 =	vand.u32 $0x1, v42;
	v34 =	vadd.s32 v34, v49;
	v33 =	vand.u32 $0xFFFF0000, v33;
	v44 =	vld [tilespmem:s31+$0x180]  }
0x14e: {  	v49 =	vmul.f32 v43, v3;
	v45 =	vadd.s32 $0x7FFF, v34;
	v46 =	vmul.f32 v33, v47  }
0x14f: {  	v7 =	vadd.f32 v40, v7;
	v40 =	vmul.f32 v43, v51;
	v34 =	vld [tilespmem:s31+$0x280];
	v50 =	vmul.f32 v33, v35  }
0x150: {  	v5 =	vadd.f32 v49, v5;
	v24 =	vadd.f32 v46, v24;
	v46 =	vmul.f32 v33, v9  }
0x151: {  	v42 =	vadd.s32 v42, v48;
	v8 =	vadd.f32 v40, v8;
	v40 =	vmul.f32 v43, v35  }
0x152: {  	v42 =	vadd.s32 $0x7FFF, v42;
	v22 =	vadd.f32 v46, v22;
	v48 =	vmul.f32 v43, v44  }
0x153: {  	v42 =	vand.u32 $0xFFFF0000, v42;
	v10 =	vadd.f32 v40, v10;
	v40 =	vmul.f32 v43, v9  }
0x154: {  	v49 =	vmul.f32 v42, v47;
	v25 =	vadd.f32 v50, v25;
	v43 =	vmul.f32 v43, v34  }
.Ltmp9:
0x155: {  	v46 =	vand.u32 $0xFFFF0000, v45;
	v45 =	vmul.f32 v42, v51;
	v12 =	vadd.f32 v48, v12;
	(pc) =	sbr.rel @p0 .LBB2_21-.Ltmp9, $4  }
0x156: {  	v53 =	vmul.f32 v42, v35;
	v13 =	vadd.f32 v43, v13;
	v43 =	vmul.f32 v42, v44  }
0x157: {  	v14 =	vadd.f32 v49, v14;
	v48 =	vmul.f32 v46, v47;
	v47 =	vmul.f32 v42, v9  }
0x158: {  	v18 =	vadd.f32 v52, v18;
	v11 =	vadd.f32 v43, v11;
	v43 =	vmul.f32 v42, v34  }
0x159: {  	s29 =	sadd.s32 $0x80, s29;
	s30 =	smov.u32 s3;
	v50 =	vmul.f32 v33, v51;
	v15 =	vadd.f32 v53, v15;
	v49 =	vmul.f32 v46, v51  }
0x15a: {  	[tilespmem:$0x4840] =	vst v24  }
0x15b: {  	[tilespmem:$0x4A40] =	vst v25  }
0x15c: {  	[tilespmem:$0x4C40] =	vst v22  }
0x15d: {  	[tilespmem:$0x4860] =	vst v7  }
0x15e: {  	[tilespmem:$0x4960] =	vst v8  }
0x15f: {  	[tilespmem:$0x4A60] =	vst v10  }
0x160: {  	[tilespmem:$0x4B60] =	vst v12  }
0x161: {  	[tilespmem:$0x4D60] =	vst v13  }
0x162: {  	[tilespmem:$0x4E60] =	vst v18  }
0x163: {  	[tilespmem:$0x4F60] =	vst v5  }
0x164: {  	[tilespmem:$0x4870] =	vst v14  }
0x165: {  	v6 =	vadd.f32 v48, v6;
	[tilespmem:$0x4B70] =	vst v11  }
0x166: {  	v5 =	vadd.f32 v47, v19;
	[tilespmem:$0x4A70] =	vst v15  }
0x167: {  	v51 =	vmul.f32 v33, v44;
	v37 =	vadd.f32 v50, v37;
	[tilespmem:$0x4850] =	vst v6  }
0x168: {  	v24 =	vmul.f32 v33, v34;
	v29 =	vadd.f32 v49, v29;
	[tilespmem:$0x4C70] =	vst v5  }
0x169: {  	v62 =	vmul.f32 v33, v4;
	v39 =	vadd.f32 v51, v39;
	[tilespmem:$0x4940] =	vst v37  }
0x16a: {  	v25 =	vmul.f32 v33, v3;
	v24 =	vadd.f32 v24, v36;
	[tilespmem:$0x4950] =	vst v29  }
0x16b: {  	v9 =	vmul.f32 v46, v9;
	v63 =	vadd.f32 v62, v41;
	[tilespmem:$0x4B40] =	vst v39  }
0x16c: {  	v22 =	vadd.f32 v25, v38;
	v25 =	vmul.f32 v46, v44;
	[tilespmem:$0x4D40] =	vst v24  }
0x16d: {  	v9 =	vadd.f32 v9, v32;
	v24 =	vmul.f32 v46, v35;
	[tilespmem:$0x4E40] =	vst v63  }
0x16e: {  	[tilespmem:$0x4F40] =	vst v22;
	v6 =	vadd.f32 v25, v30;
	v25 =	vmul.f32 v46, v4  }
0x16f: {  	[tilespmem:$0x4C50] =	vst v9;
	v4 =	vmul.f32 v42, v4;
	v22 =	vadd.f32 v24, v28  }
0x170: {  	v24 =	vmul.f32 v46, v34;
	[tilespmem:$0x4B50] =	vst v6;
	v6 =	vadd.f32 v25, v27  }
0x171: {  	v4 =	vadd.f32 v4, v16;
	[tilespmem:$0x4A50] =	vst v22  }
0x172: {  	v22 =	vmul.f32 v46, v3;
	v24 =	vadd.f32 v24, v26;
	[tilespmem:$0x4E50] =	vst v6  }
0x173: {  	v6 =	vadd.f32 v40, v23;
	[tilespmem:$0x4E70] =	vst v4  }
0x174: {  	v3 =	vmul.f32 v42, v3;
	v9 =	vadd.f32 v22, v31;
	[tilespmem:$0x4D50] =	vst v24  }
0x175: {  	[tilespmem:$0x4C60] =	vst v6;
	v6 =	vadd.f32 v45, v21  }
0x176: {  	v3 =	vadd.f32 v3, v17;
	[tilespmem:$0x4F50] =	vst v9  }
0x177: {  	s1 =	simm.s32 $0x0;
	[tilespmem:$0x4970] =	vst v6;
	v6 =	vadd.f32 v43, v20  }
0x178: {  	s2 =	sand.u32 $0x70, s1;
	s3 =	sand.u32 $0x1C00, s1;
	[tilespmem:$0x4F70] =	vst v3  }
0x179: {  	s2 =	sor.u32 s2, s3;
	[tilespmem:$0x4D70] =	vst v6  }
0x17a: {  	v47 =	vimm.f32 $0.0e+00;
	v33 =	vimm.f32 $0.0e+00;
	v18 =	vimm.f32 $0.0e+00;
	v5 =	vld [tilespmem:s2+$0x3180]  }
0x17b: {  	v41 =	vimm.f32 $0.0e+00;
	v32 =	vimm.f32 $0.0e+00;
	v44 =	vimm.f32 $0.0e+00;
	v6 =	vld [tilespmem:s2+$0x3100]  }
0x17c: {  	v36 =	vimm.f32 $0.0e+00;
	v39 =	vimm.f32 $0.0e+00;
	v30 =	vimm.f32 $0.0e+00;
	v7 =	vld [tilespmem:s2+$0x3080]  }
0x17d: {  	v28 =	vimm.f32 $0.0e+00;
	v16 =	vimm.f32 $0.0e+00;
	v34 =	vimm.f32 $0.0e+00  }
0x17e: {  	v25 =	vimm.f32 $0.0e+00;
	v40 =	vimm.f32 $0.0e+00;
	v46 =	vimm.f32 $0.0e+00;
	v9 =	vld [tilespmem:s2+$0x3000]  }
0x17f: {  	v26 =	vimm.f32 $0.0e+00;
	v42 =	vimm.f32 $0.0e+00;
	v17 =	vimm.f32 $0.0e+00  }
0x180: {  	v21 =	vimm.f32 $0.0e+00;
	v31 =	vimm.f32 $0.0e+00;
	v10 =	vld [tilespmem:s2+$0x0];
	v8 =	vshrl.u32 v6, $0x10  }
0x181: {  	v13 =	vld [tilespmem:s2+$0x100];
	v4 =	vshrl.u32 v5, $0x10;
	v11 =	vshrl.u32 v7, $0x10;
	v8 =	vand.u32 $0x1, v8  }
0x182: {  	v3 =	vld [tilespmem:s2+$0x200];
	v12 =	vand.u32 $0x1, v4;
	v11 =	vand.u32 $0x1, v11;
	v6 =	vadd.s32 v8, v6  }
0x183: {  	v22 =	vld [tilespmem:s2+$0x80];
	v8 =	vshrl.u32 v9, $0x10;
	v11 =	vadd.s32 v11, v7;
	v5 =	vadd.s32 v12, v5  }
0x184: {  	v11 =	vadd.s32 $0x7FFF, v11;
	v12 =	vand.u32 $0x1, v8;
	v5 =	vadd.s32 $0x7FFF, v5  }
0x185: {  	v4 =	vld [tilespmem:s2+$0x300];
	v6 =	vadd.s32 $0x7FFF, v6;
	v38 =	vand.u32 $0xFFFF0000, v11;
	v8 =	vand.u32 $0xFFFF0000, v5  }
0x186: {  	v7 =	vld [tilespmem:s2+$0x280];
	v19 =	vand.u32 $0xFFFF0000, v6;
	v11 =	vmul.f32 v38, v10;
	v14 =	vmul.f32 v38, v13  }
0x187: {  	v6 =	vadd.s32 v12, v9;
	v27 =	vmul.f32 v8, v10;
	v9 =	vmul.f32 v38, v3  }
0x188: {  	v43 =	vimm.f32 $0.0e+00;
	v12 =	vmul.f32 v19, v10;
	v29 =	vmul.f32 v8, v22  }
0x189: {  	v20 =	vimm.f32 $0.0e+00;
	v35 =	vmul.f32 v19, v13;
	v51 =	vmul.f32 v19, v22  }
0x18a: {  	s1 =	sor.u32 s1, s1;
	v6 =	vadd.s32 $0x7FFF, v6;
	v45 =	vmul.f32 v8, v13;
	v49 =	vmul.f32 v38, v4  }
0x18b: {  	s1 =	sor.u32 $0x380, s1;
	v5 =	vld [tilespmem:s2+$0x180];
	v53 =	vand.u32 $0xFFFF0000, v6;
	v48 =	vmul.f32 v19, v4;
	v50 =	vmul.f32 v19, v7  }
0x18c: {  	v6 =	vld [tilespmem:s1+$0x0];
	v55 =	vmul.f32 v53, v10;
	v15 =	vadd.f32 v9, v28;
	v54 =	vmul.f32 v53, v13  }
0x18d: {  	v9 =	vadd.f32 v12, v28;
	v23 =	vadd.f32 v11, v28;
	v10 =	vmul.f32 v19, v3  }
0x18e: {  	v11 =	vmul.f32 v53, v3;
	v56 =	vmul.f32 v53, v4;
	v24 =	vadd.f32 v14, v28  }
0x18f: {  	v57 =	vmul.f32 v53, v7;
	v12 =	vimm.f32 $0.0e+00;
	v13 =	vimm.f32 $0.0e+00  }
0x190: {  	v14 =	vimm.f32 $0.0e+00;
	v52 =	vmul.f32 v53, v5;
	v10 =	vadd.f32 v10, v28  }
0x191: {  	s29 =	simm.s32 $0x80;
	s3 =	simm.s32 $0x10;
	v37 =	vadd.f32 v11, v28;
	v11 =	vimm.f32 $0.0e+00;
	v58 =	vmul.f32 v53, v6  }
.LBB2_23:
0x192: {  	s1 =	sand.u32 $0x70, s3  }
0x193: {  	s2 =	sand.u32 $0x1C00, s29;
	v28 =	vadd.f32 v55, v28;
	v53 =	vmul.f32 v53, v22;
	v55 =	vmul.f32 v38, v5;
	s17 =	smov.u32 s3;
	s30 =	sadd.s32 $0x10, s3  }
0x194: {  	p0 =	sne.s32 s3, $0x2F0;
	v59 =	vmul.f32 v8, v5;
	s31 =	sor.u32 s1, s2;
	v39 =	vadd.f32 v58, v39;
	v58 =	vmul.f32 v19, v6  }
0x195: {  	v43 =	vadd.f32 v54, v43;
	v40 =	vadd.f32 v56, v40;
	v54 =	vmul.f32 v38, v6;
	v60 =	vld [tilespmem:s31+$0x0]  }
0x196: {  	v41 =	vadd.f32 v57, v41;
	v32 =	vadd.f32 v55, v32;
	v55 =	vmul.f32 v38, v7;
	v56 =	vld [tilespmem:s31+$0x180]  }
0x197: {  	v46 =	vadd.f32 v52, v46;
	v17 =	vadd.f32 v50, v17;
	v50 =	vmul.f32 v8, v3;
	v3 =	vld [tilespmem:s31+$0x200]  }
0x198: {  	v47 =	vadd.f32 v53, v47;
	v7 =	vmul.f32 v8, v7;
	v16 =	vadd.f32 v58, v16;
	v52 =	vld [tilespmem:s31+$0x3180]  }
0x199: {  	v22 =	vmul.f32 v38, v22;
	s1 =	sor.u32 s29, s17;
	v12 =	vadd.f32 v59, v12;
	v33 =	vadd.f32 v55, v33;
	v53 =	vld [tilespmem:s31+$0x3100]  }
0x19a: {  	v34 =	vadd.f32 v49, v34;
	v18 =	vadd.f32 v27, v18;
	v4 =	vmul.f32 v8, v4;
	s1 =	sor.u32 $0x380, s1;
	v38 =	vld [tilespmem:s31+$0x3080]  }
0x19b: {  	v30 =	vadd.f32 v51, v30;
	v8 =	vmul.f32 v8, v6;
	v11 =	vadd.f32 v7, v11;
	v6 =	vld [tilespmem:s1+$0x0]  }
0x19c: {  	v26 =	vadd.f32 v48, v26;
	v44 =	vadd.f32 v22, v44;
	v7 =	vmul.f32 v19, v5;
	v5 =	vmovc v56;
	v49 =	vld [tilespmem:s31+$0x3000]  }
0x19d: {  	v21 =	vadd.f32 v29, v21;
	v13 =	vadd.f32 v4, v13;
	v19 =	vshrl.u32 v52, $0x10;
	v22 =	vld [tilespmem:s31+$0x80]  }
0x19e: {  	v31 =	vadd.f32 v7, v31;
	v27 =	vshrl.u32 v53, $0x10;
	v19 =	vand.u32 $0x1, v19;
	v4 =	vld [tilespmem:s31+$0x300]  }
0x19f: {  	v14 =	vadd.f32 v8, v14;
	v29 =	vshrl.u32 v38, $0x10;
	v27 =	vand.u32 $0x1, v27;
	v7 =	vld [tilespmem:s31+$0x280]  }
0x1a0: {  	v36 =	vadd.f32 v35, v36;
	v8 =	vand.u32 $0x1, v29;
	v27 =	vadd.s32 v27, v53;
	v59 =	vld [tilespmem:s31+$0x100]  }
0x1a1: {  	v25 =	vadd.f32 v45, v25;
	v29 =	vshrl.u32 v49, $0x10;
	v8 =	vadd.s32 v8, v38  }
0x1a2: {  	v20 =	vadd.f32 v50, v20;
	v19 =	vadd.s32 v19, v52;
	v8 =	vadd.s32 $0x7FFF, v8  }
0x1a3: {  	v29 =	vand.u32 $0x1, v29;
	v38 =	vand.u32 $0xFFFF0000, v8;
	v8 =	vadd.s32 $0x7FFF, v19  }
0x1a4: {  	v19 =	vadd.s32 $0x7FFF, v27;
	v8 =	vand.u32 $0xFFFF0000, v8;
	v45 =	vmul.f32 v38, v60  }
0x1a5: {  	v19 =	vand.u32 $0xFFFF0000, v19;
	v51 =	vmul.f32 v38, v59;
	v27 =	vmul.f32 v8, v60  }
0x1a6: {  	v42 =	vadd.f32 v54, v42;
	v29 =	vadd.s32 v29, v49;
	v35 =	vmul.f32 v38, v3  }
0x1a7: {  	v29 =	vadd.s32 $0x7FFF, v29;
	v49 =	vmul.f32 v38, v4;
	v50 =	vmul.f32 v19, v7  }
0x1a8: {  	v53 =	vand.u32 $0xFFFF0000, v29;
	v48 =	vmul.f32 v19, v60;
	v29 =	vmul.f32 v8, v22  }
0x1a9: {  	v55 =	vmul.f32 v53, v60;
	v15 =	vadd.f32 v35, v15;
	v35 =	vmul.f32 v19, v59  }
.Ltmp10:
0x1aa: {  	v54 =	vmul.f32 v53, v59;
	v9 =	vadd.f32 v48, v9;
	v48 =	vmul.f32 v19, v4;
	(pc) =	sbr.rel @p0 .LBB2_23-.Ltmp10, $4  }
0x1ab: {  	v52 =	vmul.f32 v53, v5;
	v23 =	vadd.f32 v45, v23;
	v45 =	vmul.f32 v19, v3  }
0x1ac: {  	v58 =	vmul.f32 v53, v3;
	v56 =	vmul.f32 v53, v4;
	v24 =	vadd.f32 v51, v24  }
0x1ad: {  	v57 =	vmul.f32 v53, v7;
	v51 =	vmul.f32 v19, v22;
	v10 =	vadd.f32 v45, v10  }
0x1ae: {  	s29 =	sadd.s32 $0x80, s29;
	s3 =	smov.u32 s30;
	v37 =	vadd.f32 v58, v37;
	v58 =	vmul.f32 v53, v6;
	v45 =	vmul.f32 v8, v59  }
0x1af: {  	[tilespmem:$0x4890] =	vst v23  }
0x1b0: {  	[tilespmem:$0x4A90] =	vst v24  }
0x1b1: {  	[tilespmem:$0x4C90] =	vst v15  }
0x1b2: {  	[tilespmem:$0x48A0] =	vst v9  }
0x1b3: {  	v28 =	vadd.f32 v55, v28;
	[tilespmem:$0x4CA0] =	vst v10  }
0x1b4: {  	v43 =	vadd.f32 v54, v43;
	[tilespmem:$0x4C80] =	vst v37  }
0x1b5: {  	v41 =	vadd.f32 v57, v41;
	[tilespmem:$0x4880] =	vst v28  }
0x1b6: {  	v53 =	vmul.f32 v53, v22;
	v17 =	vadd.f32 v50, v17;
	[tilespmem:$0x4A80] =	vst v43  }
0x1b7: {  	v63 =	vadd.f32 v58, v39;
	[tilespmem:$0x4D80] =	vst v41  }
0x1b8: {  	v22 =	vmul.f32 v38, v22;
	v47 =	vadd.f32 v53, v47;
	[tilespmem:$0x4DA0] =	vst v17  }
0x1b9: {  	v3 =	vmul.f32 v8, v3;
	v28 =	vadd.f32 v52, v46;
	[tilespmem:$0x4F80] =	vst v63  }
0x1ba: {  	v22 =	vadd.f32 v22, v44;
	[tilespmem:$0x4980] =	vst v47  }
0x1bb: {  	v4 =	vmul.f32 v8, v4;
	v3 =	vadd.f32 v3, v20;
	[tilespmem:$0x4B80] =	vst v28  }
0x1bc: {  	v28 =	vadd.f32 v56, v40;
	[tilespmem:$0x4990] =	vst v22;
	v22 =	vmul.f32 v38, v6  }
0x1bd: {  	v4 =	vadd.f32 v4, v13;
	[tilespmem:$0x4CB0] =	vst v3  }
0x1be: {  	[tilespmem:$0x4E80] =	vst v28;
	v28 =	vmul.f32 v38, v5;
	v15 =	vadd.f32 v22, v42  }
0x1bf: {  	[tilespmem:$0x4EB0] =	vst v4;
	v22 =	vadd.f32 v51, v30  }
0x1c0: {  	v23 =	vadd.f32 v28, v32;
	v28 =	vmul.f32 v38, v7;
	[tilespmem:$0x4F90] =	vst v15  }
0x1c1: {  	v15 =	vadd.f32 v35, v36;
	[tilespmem:$0x49A0] =	vst v22  }
0x1c2: {  	v7 =	vmul.f32 v8, v7;
	v24 =	vadd.f32 v28, v33;
	[tilespmem:$0x4B90] =	vst v23  }
0x1c3: {  	v23 =	vadd.f32 v49, v34;
	[tilespmem:$0x4AA0] =	vst v15;
	v15 =	vmul.f32 v19, v6  }
0x1c4: {  	v7 =	vadd.f32 v7, v11;
	[tilespmem:$0x4D90] =	vst v24  }
0x1c5: {  	v6 =	vmul.f32 v8, v6;
	[tilespmem:$0x4E90] =	vst v23;
	v10 =	vadd.f32 v15, v16  }
0x1c6: {  	v23 =	vmul.f32 v19, v5;
	v15 =	vadd.f32 v27, v18;
	[tilespmem:$0x4DB0] =	vst v7  }
0x1c7: {  	v3 =	vadd.f32 v6, v14;
	[tilespmem:$0x4FA0] =	vst v10  }
0x1c8: {  	v9 =	vadd.f32 v23, v31;
	[tilespmem:$0x48B0] =	vst v15  }
0x1c9: {  	v5 =	vmul.f32 v8, v5;
	v10 =	vadd.f32 v45, v25;
	[tilespmem:$0x4FB0] =	vst v3  }
0x1ca: {  	[tilespmem:$0x4BA0] =	vst v9;
	v9 =	vadd.f32 v48, v26  }
0x1cb: {  	v5 =	vadd.f32 v5, v12;
	[tilespmem:$0x4AB0] =	vst v10  }
0x1cc: {  	s1 =	simm.s32 $0x0;
	[tilespmem:$0x4EA0] =	vst v9;
	v9 =	vadd.f32 v29, v21  }
0x1cd: {  	s2 =	sand.u32 $0x70, s1;
	s3 =	sand.u32 $0x1C00, s1;
	[tilespmem:$0x4BB0] =	vst v5  }
0x1ce: {  	s2 =	sor.u32 s2, s3;
	[tilespmem:$0x49B0] =	vst v9  }
0x1cf: {  	v39 =	vimm.f32 $0.0e+00;
	v43 =	vimm.f32 $0.0e+00;
	v41 =	vimm.f32 $0.0e+00;
	v5 =	vld [tilespmem:s2+$0x3380]  }
0x1d0: {  	v46 =	vimm.f32 $0.0e+00;
	v17 =	vimm.f32 $0.0e+00;
	v44 =	vimm.f32 $0.0e+00;
	v6 =	vld [tilespmem:s2+$0x3300]  }
0x1d1: {  	v20 =	vimm.f32 $0.0e+00;
	v40 =	vimm.f32 $0.0e+00;
	v47 =	vimm.f32 $0.0e+00;
	v7 =	vld [tilespmem:s2+$0x3280]  }
0x1d2: {  	v30 =	vimm.f32 $0.0e+00;
	v42 =	vimm.f32 $0.0e+00;
	v32 =	vimm.f32 $0.0e+00  }
0x1d3: {  	v36 =	vimm.f32 $0.0e+00;
	v28 =	vimm.f32 $0.0e+00;
	v33 =	vimm.f32 $0.0e+00;
	v9 =	vld [tilespmem:s2+$0x3200]  }
0x1d4: {  	v34 =	vimm.f32 $0.0e+00;
	v16 =	vimm.f32 $0.0e+00;
	v18 =	vimm.f32 $0.0e+00  }
0x1d5: {  	v31 =	vimm.f32 $0.0e+00;
	v25 =	vimm.f32 $0.0e+00;
	v10 =	vld [tilespmem:s2+$0x0];
	v8 =	vshrl.u32 v6, $0x10  }
0x1d6: {  	v13 =	vld [tilespmem:s2+$0x100];
	v4 =	vshrl.u32 v5, $0x10;
	v11 =	vshrl.u32 v7, $0x10;
	v8 =	vand.u32 $0x1, v8  }
0x1d7: {  	v3 =	vld [tilespmem:s2+$0x200];
	v12 =	vand.u32 $0x1, v4;
	v11 =	vand.u32 $0x1, v11;
	v6 =	vadd.s32 v8, v6  }
0x1d8: {  	v22 =	vld [tilespmem:s2+$0x80];
	v8 =	vshrl.u32 v9, $0x10;
	v11 =	vadd.s32 v11, v7;
	v5 =	vadd.s32 v12, v5  }
0x1d9: {  	v11 =	vadd.s32 $0x7FFF, v11;
	v12 =	vand.u32 $0x1, v8;
	v5 =	vadd.s32 $0x7FFF, v5  }
0x1da: {  	v4 =	vld [tilespmem:s2+$0x300];
	v6 =	vadd.s32 $0x7FFF, v6;
	v38 =	vand.u32 $0xFFFF0000, v11;
	v8 =	vand.u32 $0xFFFF0000, v5  }
0x1db: {  	v7 =	vld [tilespmem:s2+$0x280];
	v19 =	vand.u32 $0xFFFF0000, v6;
	v11 =	vmul.f32 v38, v10;
	v14 =	vmul.f32 v38, v13  }
0x1dc: {  	v6 =	vadd.s32 v12, v9;
	v27 =	vmul.f32 v8, v10;
	v9 =	vmul.f32 v38, v3  }
0x1dd: {  	v26 =	vimm.f32 $0.0e+00;
	v12 =	vmul.f32 v19, v10;
	v29 =	vmul.f32 v8, v22  }
0x1de: {  	v21 =	vimm.f32 $0.0e+00;
	v35 =	vmul.f32 v19, v13;
	v51 =	vmul.f32 v19, v22  }
0x1df: {  	s1 =	sor.u32 s1, s1;
	v6 =	vadd.s32 $0x7FFF, v6;
	v45 =	vmul.f32 v8, v13;
	v49 =	vmul.f32 v38, v4  }
0x1e0: {  	s1 =	sor.u32 $0x380, s1;
	v5 =	vld [tilespmem:s2+$0x180];
	v53 =	vand.u32 $0xFFFF0000, v6;
	v48 =	vmul.f32 v19, v4;
	v50 =	vmul.f32 v19, v7  }
0x1e1: {  	v6 =	vld [tilespmem:s1+$0x0];
	v55 =	vmul.f32 v53, v10;
	v15 =	vadd.f32 v9, v28;
	v54 =	vmul.f32 v53, v13  }
0x1e2: {  	v9 =	vadd.f32 v12, v28;
	v23 =	vadd.f32 v11, v28;
	v10 =	vmul.f32 v19, v3  }
0x1e3: {  	v11 =	vmul.f32 v53, v3;
	v56 =	vmul.f32 v53, v4;
	v24 =	vadd.f32 v14, v28  }
0x1e4: {  	v57 =	vmul.f32 v53, v7;
	v13 =	vimm.f32 $0.0e+00;
	v14 =	vimm.f32 $0.0e+00  }
0x1e5: {  	v12 =	vimm.f32 $0.0e+00;
	v52 =	vmul.f32 v53, v5;
	v10 =	vadd.f32 v10, v28  }
0x1e6: {  	s29 =	simm.s32 $0x80;
	s3 =	simm.s32 $0x10;
	v37 =	vadd.f32 v11, v28;
	v11 =	vimm.f32 $0.0e+00;
	v58 =	vmul.f32 v53, v6  }
.LBB2_25:
0x1e7: {  	s1 =	sand.u32 $0x70, s3  }
0x1e8: {  	s2 =	sand.u32 $0x1C00, s29;
	v28 =	vadd.f32 v55, v28;
	v53 =	vmul.f32 v53, v22;
	v55 =	vmul.f32 v38, v5;
	s17 =	smov.u32 s3;
	s30 =	sadd.s32 $0x10, s3  }
0x1e9: {  	p0 =	sne.s32 s3, $0x2F0;
	v59 =	vmul.f32 v8, v5;
	s31 =	sor.u32 s1, s2;
	v39 =	vadd.f32 v58, v39;
	v58 =	vmul.f32 v19, v6  }
0x1ea: {  	v43 =	vadd.f32 v54, v43;
	v40 =	vadd.f32 v56, v40;
	v54 =	vmul.f32 v38, v6;
	v60 =	vld [tilespmem:s31+$0x0]  }
0x1eb: {  	v41 =	vadd.f32 v57, v41;
	v32 =	vadd.f32 v55, v32;
	v55 =	vmul.f32 v38, v7;
	v56 =	vld [tilespmem:s31+$0x180]  }
0x1ec: {  	v46 =	vadd.f32 v52, v46;
	v17 =	vadd.f32 v50, v17;
	v50 =	vmul.f32 v8, v3;
	v3 =	vld [tilespmem:s31+$0x200]  }
0x1ed: {  	v47 =	vadd.f32 v53, v47;
	v7 =	vmul.f32 v8, v7;
	v16 =	vadd.f32 v58, v16;
	v52 =	vld [tilespmem:s31+$0x3380]  }
0x1ee: {  	v22 =	vmul.f32 v38, v22;
	s1 =	sor.u32 s29, s17;
	v13 =	vadd.f32 v59, v13;
	v33 =	vadd.f32 v55, v33;
	v53 =	vld [tilespmem:s31+$0x3300]  }
0x1ef: {  	v34 =	vadd.f32 v49, v34;
	v18 =	vadd.f32 v27, v18;
	v4 =	vmul.f32 v8, v4;
	s1 =	sor.u32 $0x380, s1;
	v38 =	vld [tilespmem:s31+$0x3280]  }
0x1f0: {  	v30 =	vadd.f32 v51, v30;
	v8 =	vmul.f32 v8, v6;
	v11 =	vadd.f32 v7, v11;
	v6 =	vld [tilespmem:s1+$0x0]  }
0x1f1: {  	v26 =	vadd.f32 v48, v26;
	v44 =	vadd.f32 v22, v44;
	v7 =	vmul.f32 v19, v5;
	v5 =	vmovc v56;
	v49 =	vld [tilespmem:s31+$0x3200]  }
0x1f2: {  	v21 =	vadd.f32 v29, v21;
	v14 =	vadd.f32 v4, v14;
	v19 =	vshrl.u32 v52, $0x10;
	v22 =	vld [tilespmem:s31+$0x80]  }
0x1f3: {  	v31 =	vadd.f32 v7, v31;
	v27 =	vshrl.u32 v53, $0x10;
	v19 =	vand.u32 $0x1, v19;
	v4 =	vld [tilespmem:s31+$0x300]  }
0x1f4: {  	v12 =	vadd.f32 v8, v12;
	v29 =	vshrl.u32 v38, $0x10;
	v27 =	vand.u32 $0x1, v27;
	v7 =	vld [tilespmem:s31+$0x280]  }
0x1f5: {  	v36 =	vadd.f32 v35, v36;
	v8 =	vand.u32 $0x1, v29;
	v27 =	vadd.s32 v27, v53;
	v59 =	vld [tilespmem:s31+$0x100]  }
0x1f6: {  	v25 =	vadd.f32 v45, v25;
	v29 =	vshrl.u32 v49, $0x10;
	v8 =	vadd.s32 v8, v38  }
0x1f7: {  	v20 =	vadd.f32 v50, v20;
	v19 =	vadd.s32 v19, v52;
	v8 =	vadd.s32 $0x7FFF, v8  }
0x1f8: {  	v29 =	vand.u32 $0x1, v29;
	v38 =	vand.u32 $0xFFFF0000, v8;
	v8 =	vadd.s32 $0x7FFF, v19  }
0x1f9: {  	v19 =	vadd.s32 $0x7FFF, v27;
	v8 =	vand.u32 $0xFFFF0000, v8;
	v45 =	vmul.f32 v38, v60  }
0x1fa: {  	v19 =	vand.u32 $0xFFFF0000, v19;
	v51 =	vmul.f32 v38, v59;
	v27 =	vmul.f32 v8, v60  }
0x1fb: {  	v42 =	vadd.f32 v54, v42;
	v29 =	vadd.s32 v29, v49;
	v35 =	vmul.f32 v38, v3  }
0x1fc: {  	v29 =	vadd.s32 $0x7FFF, v29;
	v49 =	vmul.f32 v38, v4;
	v50 =	vmul.f32 v19, v7  }
0x1fd: {  	v53 =	vand.u32 $0xFFFF0000, v29;
	v48 =	vmul.f32 v19, v60;
	v29 =	vmul.f32 v8, v22  }
0x1fe: {  	v55 =	vmul.f32 v53, v60;
	v15 =	vadd.f32 v35, v15;
	v35 =	vmul.f32 v19, v59  }
.Ltmp11:
0x1ff: {  	v54 =	vmul.f32 v53, v59;
	v9 =	vadd.f32 v48, v9;
	v48 =	vmul.f32 v19, v4;
	(pc) =	sbr.rel @p0 .LBB2_25-.Ltmp11, $4  }
0x200: {  	v52 =	vmul.f32 v53, v5;
	v23 =	vadd.f32 v45, v23;
	v45 =	vmul.f32 v19, v3  }
0x201: {  	v58 =	vmul.f32 v53, v3;
	v56 =	vmul.f32 v53, v4;
	v24 =	vadd.f32 v51, v24  }
0x202: {  	v57 =	vmul.f32 v53, v7;
	v51 =	vmul.f32 v19, v22;
	v10 =	vadd.f32 v45, v10  }
0x203: {  	s29 =	sadd.s32 $0x80, s29;
	s3 =	smov.u32 s30;
	v37 =	vadd.f32 v58, v37;
	v58 =	vmul.f32 v53, v6;
	v45 =	vmul.f32 v8, v59  }
0x204: {  	[tilespmem:$0x48D0] =	vst v23  }
0x205: {  	[tilespmem:$0x4AD0] =	vst v24  }
0x206: {  	[tilespmem:$0x4CD0] =	vst v15  }
0x207: {  	[tilespmem:$0x48E0] =	vst v9  }
0x208: {  	v28 =	vadd.f32 v55, v28;
	[tilespmem:$0x4CE0] =	vst v10  }
0x209: {  	v43 =	vadd.f32 v54, v43;
	[tilespmem:$0x4CC0] =	vst v37  }
0x20a: {  	v59 =	vadd.f32 v52, v46;
	[tilespmem:$0x48C0] =	vst v28  }
0x20b: {  	v41 =	vadd.f32 v57, v41;
	[tilespmem:$0x4AC0] =	vst v43  }
0x20c: {  	v60 =	vadd.f32 v56, v40;
	[tilespmem:$0x4BC0] =	vst v59  }
0x20d: {  	v17 =	vadd.f32 v50, v17;
	[tilespmem:$0x4DC0] =	vst v41  }
0x20e: {  	v52 =	vadd.f32 v48, v26;
	[tilespmem:$0x4EC0] =	vst v60  }
0x20f: {  	v54 =	vadd.f32 v27, v18;
	[tilespmem:$0x4DE0] =	vst v17  }
0x210: {  	v56 =	vadd.f32 v29, v21;
	[tilespmem:$0x4EE0] =	vst v52  }
0x211: {  	v53 =	vmul.f32 v53, v22;
	v61 =	vadd.f32 v58, v39;
	[tilespmem:$0x48F0] =	vst v54  }
0x212: {  	v62 =	vmul.f32 v38, v22;
	v57 =	vadd.f32 v45, v25;
	[tilespmem:$0x49F0] =	vst v56  }
0x213: {  	v63 =	vmul.f32 v38, v5;
	v47 =	vadd.f32 v53, v47;
	[tilespmem:$0x4FC0] =	vst v61  }
0x214: {  	v22 =	vadd.f32 v62, v44;
	[tilespmem:$0x4AF0] =	vst v57  }
0x215: {  	v32 =	vadd.f32 v63, v32;
	[tilespmem:$0x49C0] =	vst v47  }
0x216: {  	v46 =	vmul.f32 v19, v5;
	v41 =	vadd.f32 v49, v34;
	[tilespmem:$0x49D0] =	vst v22  }
0x217: {  	v55 =	vmul.f32 v8, v5;
	v44 =	vadd.f32 v51, v30;
	[tilespmem:$0x4BD0] =	vst v32  }
0x218: {  	v3 =	vmul.f32 v8, v3;
	v49 =	vadd.f32 v46, v31;
	[tilespmem:$0x4ED0] =	vst v41  }
0x219: {  	v4 =	vmul.f32 v8, v4;
	v5 =	vadd.f32 v55, v13;
	[tilespmem:$0x49E0] =	vst v44  }
0x21a: {  	v37 =	vmul.f32 v38, v7;
	v3 =	vadd.f32 v3, v20;
	[tilespmem:$0x4BE0] =	vst v49  }
0x21b: {  	v39 =	vmul.f32 v38, v6;
	v4 =	vadd.f32 v4, v14;
	[tilespmem:$0x4BF0] =	vst v5  }
0x21c: {  	v58 =	vmul.f32 v8, v7;
	v40 =	vadd.f32 v37, v33;
	[tilespmem:$0x4CF0] =	vst v3  }
0x21d: {  	v43 =	vadd.f32 v39, v42;
	[tilespmem:$0x4EF0] =	vst v4  }
0x21e: {  	v51 =	vmul.f32 v19, v6;
	v7 =	vadd.f32 v58, v11;
	[tilespmem:$0x4DD0] =	vst v40  }
0x21f: {  	v59 =	vmul.f32 v8, v6;
	v47 =	vadd.f32 v35, v36;
	[tilespmem:$0x4FD0] =	vst v43  }
0x220: {  	v62 =	vor.u32 $0x3, v1;
	v53 =	vadd.f32 v51, v16;
	[tilespmem:$0x4DF0] =	vst v7  }
0x221: {  	v63 =	vor.u32 $0x4, v1;
	v60 =	vadd.f32 v59, v12;
	[tilespmem:$0x4AE0] =	vst v47  }
0x222: {  	v9 =	vor.u32 $0x5, v1;
	[tilespmem:$0x4FE0] =	vst v53  }
0x223: {  	v10 =	vor.u32 $0x7, v1;
	[tilespmem:$0x4FF0] =	vst v60  }
0x224: {  	v13 =	vor.u32 $0x9, v1;
	v12 =	vld.idx.msk [tilespmem:v1+s16+$0x0], $0xffff  }
0x225: {  	v14 =	vor.u32 $0xA, v1;
	v23 =	vld.idx.msk [tilespmem:v62+s16+$0x0], $0xffff  }
0x226: {  	v29 =	vor.u32 $0xC, v1;
	v31 =	vld.idx.msk [tilespmem:v63+s16+$0x0], $0xffff  }
0x227: {  	v30 =	vor.u32 $0xD, v1;
	v32 =	vld.idx.msk [tilespmem:v9+s16+$0x0], $0xffff  }
0x228: {  	v45 =	vor.u32 $0x10A, v1;
	v24 =	vld.idx.msk [tilespmem:v10+s16+$0x0], $0xffff  }
0x229: {  	v46 =	vor.u32 $0x10B, v1;
	v17 =	vld.idx.msk [tilespmem:v13+s16+$0x0], $0xffff  }
0x22a: {  	v48 =	vor.u32 $0x10D, v1;
	v13 =	vld.idx.msk [tilespmem:v14+s16+$0x0], $0xffff  }
0x22b: {  	v50 =	vor.u32 $0x10F, v1;
	v6 =	vld.idx.msk [tilespmem:v29+s16+$0x0], $0xffff  }
0x22c: {  	v55 =	vor.u32 $0x204, v1;
	v5 =	vld.idx.msk [tilespmem:v30+s16+$0x0], $0xffff  }
0x22d: {  	v56 =	vor.u32 $0x205, v1;
	v29 =	vld.idx.msk [tilespmem:v45+s16+$0x0], $0xffff  }
0x22e: {  	v61 =	vor.u32 $0x2, v1;
	v25 =	vld.idx.msk [tilespmem:v46+s16+$0x0], $0xffff  }
0x22f: {  	v11 =	vor.u32 $0x8, v1;
	v15 =	vld.idx.msk [tilespmem:v48+s16+$0x0], $0xffff  }
0x230: {  	v33 =	vor.u32 $0xE, v1;
	v9 =	vld.idx.msk [tilespmem:v50+s16+$0x0], $0xffff  }
0x231: {  	v37 =	vor.u32 $0x102, v1;
	v45 =	vld.idx.msk [tilespmem:v55+s16+$0x0], $0xffff  }
0x232: {  	v58 =	vor.u32 $0x207, v1;
	v46 =	vld.idx.msk [tilespmem:v56+s16+$0x0], $0xffff  }
0x233: {  	v3 =	vor.u32 $0x1, v1;
	v19 =	vld.idx.msk [tilespmem:v61+s16+$0x0], $0xffff  }
0x234: {  	v35 =	vor.u32 $0x100, v1;
	v20 =	vld.idx.msk [tilespmem:v11+s16+$0x0], $0xffff  }
0x235: {  	v36 =	vor.u32 $0x101, v1;
	v4 =	vld.idx.msk [tilespmem:v33+s16+$0x0], $0xffff  }
0x236: {  	v39 =	vor.u32 $0x104, v1;
	v33 =	vld.idx.msk [tilespmem:v37+s16+$0x0], $0xffff  }
0x237: {  	v41 =	vor.u32 $0x106, v1;
	v48 =	vld.idx.msk [tilespmem:v58+s16+$0x0], $0xffff  }
0x238: {  	v49 =	vor.u32 $0x10E, v1;
	v16 =	vld.idx.msk [tilespmem:v3+s16+$0x0], $0xffff  }
0x239: {  	v51 =	vor.u32 $0x200, v1;
	v26 =	vld.idx.msk [tilespmem:v35+s16+$0x0], $0xffff  }
0x23a: {  	v59 =	vor.u32 $0x208, v1;
	v30 =	vld.idx.msk [tilespmem:v36+s16+$0x0], $0xffff  }
0x23b: {  	v40 =	vor.u32 $0x105, v1;
	v35 =	vld.idx.msk [tilespmem:v39+s16+$0x0], $0xffff  }
0x23c: {  	v43 =	vor.u32 $0x108, v1;
	v37 =	vld.idx.msk [tilespmem:v41+s16+$0x0], $0xffff  }
0x23d: {  	v44 =	vor.u32 $0x109, v1;
	v11 =	vld.idx.msk [tilespmem:v49+s16+$0x0], $0xffff  }
0x23e: {  	v54 =	vor.u32 $0x203, v1;
	v41 =	vld.idx.msk [tilespmem:v51+s16+$0x0], $0xffff  }
0x23f: {  	v47 =	vor.u32 $0x10C, v1;
	v50 =	vld.idx.msk [tilespmem:v59+s16+$0x0], $0xffff  }
0x240: {  	v53 =	vor.u32 $0x202, v1;
	v36 =	vld.idx.msk [tilespmem:v40+s16+$0x0], $0xffff  }
0x241: {  	v57 =	vor.u32 $0x206, v1;
	v39 =	vld.idx.msk [tilespmem:v43+s16+$0x0], $0xffff  }
0x242: {  	v60 =	vor.u32 $0x209, v1;
	v40 =	vld.idx.msk [tilespmem:v44+s16+$0x0], $0xffff  }
0x243: {  	v62 =	vor.u32 $0x20B, v1;
	v44 =	vld.idx.msk [tilespmem:v54+s16+$0x0], $0xffff  }
0x244: {  	v63 =	vor.u32 $0x20C, v1;
	v21 =	vld.idx.msk [tilespmem:v47+s16+$0x0], $0xffff  }
0x245: {  	v56 =	vor.u32 $0x20D, v1;
	v43 =	vld.idx.msk [tilespmem:v53+s16+$0x0], $0xffff  }
0x246: {  	v61 =	vor.u32 $0x20A, v1;
	v47 =	vld.idx.msk [tilespmem:v57+s16+$0x0], $0xffff  }
0x247: {  	v58 =	vor.u32 $0x20F, v1;
	v51 =	vld.idx.msk [tilespmem:v60+s16+$0x0], $0xffff  }
0x248: {  	v3 =	vor.u32 $0x6, v1;
	v22 =	vld.idx.msk [tilespmem:v62+s16+$0x0], $0xffff  }
0x249: {  	v59 =	vor.u32 $0x300, v1;
	v18 =	vld.idx.msk [tilespmem:v63+s16+$0x0], $0xffff  }
0x24a: {  	v57 =	vor.u32 $0x20E, v1;
	v14 =	vld.idx.msk [tilespmem:v56+s16+$0x0], $0xffff  }
0x24b: {  	v60 =	vor.u32 $0x301, v1;
	v27 =	vld.idx.msk [tilespmem:v61+s16+$0x0], $0xffff  }
0x24c: {  	v0 =	vor.u32 $0x30D, v1;
	v7 =	vld.idx.msk [tilespmem:v58+s16+$0x0], $0xffff  }
0x24d: {  	v62 =	vor.u32 $0x303, v1;
	v12 =	vadd.f32 $0.0e+00, v12;
	v28 =	vld.idx.msk [tilespmem:v3+s16+$0x0], $0xffff  }
0x24e: {  	v56 =	vor.u32 $0x305, v1;
	v53 =	vld.idx.msk [tilespmem:v59+s16+$0x0], $0xffff  }
0x24f: {  	v61 =	vor.u32 $0x302, v1;
	v12 =	vadd.f32 v16, v12;
	v10 =	vld.idx.msk [tilespmem:v57+s16+$0x0], $0xffff  }
0x250: {  	v58 =	vor.u32 $0x307, v1;
	v49 =	vld.idx.msk [tilespmem:v60+s16+$0x0], $0xffff  }
0x251: {  	v3 =	vor.u32 $0xB, v1;
	v12 =	vadd.f32 v19, v12;
	v19 =	vld.idx.msk [tilespmem:v0+s16+$0x0], $0xffff  }
0x252: {  	v34 =	vor.u32 $0xF, v1;
	v55 =	vld.idx.msk [tilespmem:v62+s16+$0x0], $0xffff  }
0x253: {  	v38 =	vor.u32 $0x103, v1;
	v56 =	vld.idx.msk [tilespmem:v56+s16+$0x0], $0xffff  }
0x254: {  	v42 =	vor.u32 $0x107, v1;
	v54 =	vld.idx.msk [tilespmem:v61+s16+$0x0], $0xffff  }
0x255: {  	v52 =	vor.u32 $0x201, v1;
	v58 =	vld.idx.msk [tilespmem:v58+s16+$0x0], $0xffff  }
0x256: {  	v63 =	vor.u32 $0x304, v1;
	v8 =	vld.idx.msk [tilespmem:v3+s16+$0x0], $0xffff  }
0x257: {  	v59 =	vor.u32 $0x308, v1;
	v3 =	vld.idx.msk [tilespmem:v34+s16+$0x0], $0xffff  }
0x258: {  	v57 =	vor.u32 $0x306, v1;
	v34 =	vld.idx.msk [tilespmem:v38+s16+$0x0], $0xffff  }
0x259: {  	v60 =	vor.u32 $0x309, v1;
	v38 =	vld.idx.msk [tilespmem:v42+s16+$0x0], $0xffff  }
0x25a: {  	v26 =	vadd.f32 $0.0e+00, v26;
	v62 =	vor.u32 $0x30B, v1;
	v42 =	vld.idx.msk [tilespmem:v52+s16+$0x0], $0xffff  }
0x25b: {  	v61 =	vor.u32 $0x30A, v1;
	v12 =	vadd.f32 v23, v12;
	v52 =	vld.idx.msk [tilespmem:v63+s16+$0x0], $0xffff  }
0x25c: {  	v16 =	vadd.f32 v30, v26;
	v0 =	vor.u32 $0x402, v1;
	v59 =	vld.idx.msk [tilespmem:v59+s16+$0x0], $0xffff  }
0x25d: {  	v2 =	vor.u32 $0x30E, v1;
	v31 =	vadd.f32 v31, v12;
	v57 =	vld.idx.msk [tilespmem:v57+s16+$0x0], $0xffff  }
0x25e: {  	v16 =	vadd.f32 v33, v16;
	v63 =	vor.u32 $0x30C, v1;
	v60 =	vld.idx.msk [tilespmem:v60+s16+$0x0], $0xffff  }
0x25f: {  	v26 =	vld.idx.msk [tilespmem:v62+s16+$0x0], $0xffff;
	v62 =	vor.u32 $0x400, v1;
	v31 =	vadd.f32 v32, v31  }
0x260: {  	v30 =	vld.idx.msk [tilespmem:v61+s16+$0x0], $0xffff;
	v61 =	vor.u32 $0x30F, v1;
	v34 =	vadd.f32 v34, v16  }
0x261: {  	v33 =	vor.u32 $0x401, v1;
	v0 =	vld.idx.msk [tilespmem:v0+s16+$0x0], $0xffff;
	v28 =	vadd.f32 v28, v31  }
0x262: {  	v16 =	vld.idx.msk [tilespmem:v2+s16+$0x0], $0xffff;
	v2 =	vor.u32 $0x403, v1;
	v32 =	vadd.f32 v35, v34  }
0x263: {  	v41 =	vadd.f32 $0.0e+00, v41;
	v23 =	vld.idx.msk [tilespmem:v63+s16+$0x0], $0xffff;
	v35 =	vor.u32 $0x405, v1;
	v24 =	vadd.f32 v24, v28  }
0x264: {  	v34 =	vld.idx.msk [tilespmem:v62+s16+$0x0], $0xffff;
	v62 =	vor.u32 $0x406, v1;
	v63 =	vadd.f32 v36, v32  }
0x265: {  	v12 =	vld.idx.msk [tilespmem:v61+s16+$0x0], $0xffff;
	v61 =	vor.u32 $0x404, v1;
	v36 =	vadd.f32 v42, v41;
	v20 =	vadd.f32 v20, v24  }
0x266: {  	v33 =	vld.idx.msk [tilespmem:v33+s16+$0x0], $0xffff;
	v32 =	vor.u32 $0x407, v1  }
0x267: {  	v41 =	vor.u32 $0x408, v1;
	v2 =	vld.idx.msk [tilespmem:v2+s16+$0x0], $0xffff;
	v36 =	vadd.f32 v43, v36;
	v17 =	vadd.f32 v17, v20  }
0x268: {  	v42 =	vor.u32 $0x40A, v1;
	v63 =	vadd.f32 v37, v63;
	v37 =	vor.u32 $0x409, v1;
	v35 =	vld.idx.msk [tilespmem:v35+s16+$0x0], $0xffff  }
0x269: {  	v43 =	vor.u32 $0x40C, v1;
	v28 =	vld.idx.msk [tilespmem:v62+s16+$0x0], $0xffff;
	v36 =	vadd.f32 v44, v36;
	v13 =	vadd.f32 v13, v17  }
0x26a: {  	v44 =	vor.u32 $0x40E, v1;
	v31 =	vld.idx.msk [tilespmem:v61+s16+$0x0], $0xffff;
	v61 =	vadd.f32 v38, v63;
	v63 =	vadd.f32 $0.0e+00, v53  }
0x26b: {  	v38 =	vor.u32 $0x40B, v1;
	v32 =	vld.idx.msk [tilespmem:v32+s16+$0x0], $0xffff;
	v36 =	vadd.f32 v45, v36;
	v8 =	vadd.f32 v8, v13  }
0x26c: {  	v24 =	vld.idx.msk [tilespmem:v41+s16+$0x0], $0xffff;
	v45 =	vor.u32 $0x507, v1;
	v62 =	vadd.f32 v39, v61;
	v39 =	vor.u32 $0x40D, v1  }
0x26d: {  	v37 =	vld.idx.msk [tilespmem:v37+s16+$0x0], $0xffff;
	v61 =	vor.u32 $0x40F, v1;
	v41 =	vadd.f32 v49, v63;
	v36 =	vadd.f32 v46, v36  }
0x26e: {  	v17 =	vld.idx.msk [tilespmem:v43+s16+$0x0], $0xffff;
	v63 =	vor.u32 $0x501, v1;
	v49 =	vor.u32 $0x502, v1;
	v53 =	vadd.f32 v40, v62  }
0x26f: {  	v40 =	vld.idx.msk [tilespmem:v42+s16+$0x0], $0xffff;
	v62 =	vor.u32 $0x500, v1;
	v41 =	vadd.f32 v54, v41;
	v36 =	vadd.f32 v47, v36  }
0x270: {  	v54 =	vor.u32 $0x503, v1;
	v20 =	vld.idx.msk [tilespmem:v38+s16+$0x0], $0xffff;
	v29 =	vadd.f32 v29, v53;
	v53 =	vadd.f32 v6, v8  }
0x271: {  	v47 =	vor.u32 $0x508, v1;
	v8 =	vld.idx.msk [tilespmem:v44+s16+$0x0], $0xffff;
	v41 =	vadd.f32 v55, v41;
	v36 =	vadd.f32 v48, v36  }
0x272: {  	v55 =	vor.u32 $0x504, v1;
	v13 =	vld.idx.msk [tilespmem:v39+s16+$0x0], $0xffff;
	v25 =	vadd.f32 v25, v29;
	v5 =	vadd.f32 v5, v53  }
0x273: {  	v44 =	vor.u32 $0x50E, v1;
	v6 =	vld.idx.msk [tilespmem:v61+s16+$0x0], $0xffff;
	v41 =	vadd.f32 v52, v41;
	v52 =	vadd.f32 $0.0e+00, v34  }
0x274: {  	v61 =	vor.u32 $0x505, v1;
	v36 =	vadd.f32 v50, v36;
	v21 =	vadd.f32 v21, v25;
	v25 =	vld.idx.msk [tilespmem:v62+s16+$0x0], $0xffff  }
0x275: {  	v43 =	vld.idx.msk [tilespmem:v63+s16+$0x0], $0xffff;
	v53 =	vor.u32 $0x50B, v1;
	v4 =	vadd.f32 v4, v5;
	v46 =	vadd.f32 v56, v41  }
0x276: {  	v29 =	vld.idx.msk [tilespmem:v54+s16+$0x0], $0xffff;
	v62 =	vor.u32 $0x506, v1;
	v36 =	vadd.f32 v51, v36;
	v63 =	vadd.f32 v15, v21  }
0x277: {  	v56 =	vor.u32 $0x50C, v1;
	v5 =	vld.idx.msk [tilespmem:v55+s16+$0x0], $0xffff;
	v3 =	vadd.f32 v3, v4;
	v50 =	vadd.f32 v57, v46  }
0x278: {  	v55 =	vor.u32 $0x600, v1;
	v15 =	vld.idx.msk [tilespmem:v49+s16+$0x0], $0xffff;
	v27 =	vadd.f32 v27, v36;
	v48 =	vadd.f32 v11, v63  }
0x279: {  	v41 =	vor.u32 $0x706, v1;
	v38 =	vld.idx.msk [tilespmem:v61+s16+$0x0], $0xffff;
	v54 =	vadd.f32 v58, v50;
	v25 =	vadd.f32 $0.0e+00, v25  }
0x27a: {  	v49 =	vor.u32 $0x509, v1;
	v21 =	vld.idx.msk [tilespmem:v45+s16+$0x0], $0xffff;
	v4 =	vadd.f32 v9, v48;
	v9 =	vadd.f32 v33, v52  }
0x27b: {  	v51 =	vor.u32 $0x50A, v1;
	v34 =	vld.idx.msk [tilespmem:v62+s16+$0x0], $0xffff;
	v22 =	vadd.f32 v22, v27;
	v57 =	vadd.f32 v59, v54  }
0x27c: {  	v61 =	vor.u32 $0x50D, v1;
	v33 =	vld.idx.msk [tilespmem:v47+s16+$0x0], $0xffff;
	v59 =	vadd.f32 v43, v25;
	v0 =	vadd.f32 v0, v9  }
0x27d: {  	v58 =	vor.u32 $0x601, v1;
	v63 =	vor.u32 $0x602, v1;
	v45 =	vld.idx.msk [tilespmem:v55+s16+$0x0], $0xffff;
	v18 =	vadd.f32 v18, v22  }
0x27e: {  	v47 =	vld.idx.msk [tilespmem:v56+s16+$0x0], $0xffff;
	v48 =	vor.u32 $0x603, v1;
	v0 =	vadd.f32 v2, v0;
	v2 =	vadd.f32 v15, v59  }
0x27f: {  	v52 =	vor.u32 $0x700, v1;
	v54 =	vor.u32 $0x605, v1;
	v11 =	vld.idx.msk [tilespmem:v49+s16+$0x0], $0xffff;
	v62 =	vadd.f32 v60, v57  }
0x280: {  	v55 =	vor.u32 $0x701, v1;
	v25 =	vld.idx.msk [tilespmem:v51+s16+$0x0], $0xffff;
	v14 =	vadd.f32 v14, v18;
	v2 =	vadd.f32 v29, v2  }
0x281: {  	v22 =	vld.idx.msk [tilespmem:v53+s16+$0x0], $0xffff;
	v49 =	vor.u32 $0x604, v1;
	v46 =	vadd.f32 v30, v62;
	v0 =	vadd.f32 v31, v0  }
0x282: {  	v57 =	vor.u32 $0x606, v1;
	v27 =	vld.idx.msk [tilespmem:v58+s16+$0x0], $0xffff;
	v10 =	vadd.f32 v10, v14;
	v2 =	vadd.f32 v5, v2  }
0x283: {  	v9 =	vld.idx.msk [tilespmem:v44+s16+$0x0], $0xffff;
	v60 =	vor.u32 $0x607, v1;
	v15 =	vadd.f32 $0.0e+00, v45;
	v0 =	vadd.f32 v35, v0  }
0x284: {  	v44 =	vor.u32 $0x707, v1;
	v53 =	vld.idx.msk [tilespmem:v63+s16+$0x0], $0xffff;
	v50 =	vadd.f32 v26, v46;
	v2 =	vadd.f32 v38, v2  }
0x285: {  	v59 =	vor.u32 $0x702, v1;
	v26 =	vld.idx.msk [tilespmem:v52+s16+$0x0], $0xffff;
	v7 =	vadd.f32 v7, v10;
	v0 =	vadd.f32 v28, v0  }
0x286: {  	v51 =	vld.idx.msk [tilespmem:v61+s16+$0x0], $0xffff;
	vm0 =	vlt.f32 v4, $-Inf;
	v10 =	vadd.f32 v23, v50;
	v2 =	vadd.f32 v34, v2  }
0x287: {  	v62 =	vor.u32 $0x703, v1;
	v56 =	vld.idx.msk [tilespmem:v48+s16+$0x0], $0xffff;
	v15 =	vadd.f32 v27, v15;
	v0 =	vadd.f32 v32, v0  }
0x288: {  	vm1 =	vgt.f32 v4, $-Inf;
	v23 =	vld.idx.msk [tilespmem:v55+s16+$0x0], $0xffff;
	v10 =	vadd.f32 v19, v10;
	v2 =	vadd.f32 v21, v2  }
0x289: {  	v58 =	vld.idx.msk [tilespmem:v49+s16+$0x0], $0xffff;
	v5 =	vadd.f32 v53, v15;
	v34 =	vor.u32 $0x704, v1;
	v0 =	vadd.f32 v24, v0  }
0x28a: {  	vm2 =	vgt.f32 v4, v3;
	v27 =	vld.idx.msk [tilespmem:v59+s16+$0x0], $0xffff;
	v26 =	vadd.f32 $0.0e+00, v26;
	v2 =	vadd.f32 v33, v2  }
0x28b: {  	v61 =	vld.idx.msk [tilespmem:v54+s16+$0x0], $0xffff;
	v10 =	vadd.f32 v16, v10;
	v0 =	vadd.f32 v37, v0;
	v37 =	vor.u32 $0x705, v1  }
0x28c: {  	v63 =	vor.u32 $0x608, v1;
	v5 =	vadd.f32 v56, v5;
	v16 =	vld.idx.msk [tilespmem:v62+s16+$0x0], $0xffff;
	v2 =	vadd.f32 v11, v2  }
0x28d: {  	vm3 =	vmor vm1, vm0;
	v32 =	vld.idx.msk [tilespmem:v57+s16+$0x0], $0xffff;
	v0 =	vadd.f32 v40, v0;
	v40 =	vadd.f32 v23, v26  }
0x28e: {  	v35 =	vor.u32 $0x609, v1;
	v5 =	vadd.f32 v58, v5;
	v42 =	vld.idx.msk [tilespmem:v34+s16+$0x0], $0xffff;
	v2 =	vadd.f32 v25, v2  }
0x28f: {  	vm4 =	vmneg vm2;
	v54 =	vor.u32 $0x50F, v1;
	v36 =	vld.idx.msk [tilespmem:v60+s16+$0x0], $0xffff;
	v21 =	vadd.f32 v27, v40  }
0x290: {  	v38 =	vor.u32 $0x60A, v1;
	v5 =	vadd.f32 v61, v5;
	v45 =	vld.idx.msk [tilespmem:v37+s16+$0x0], $0xffff;
	v2 =	vadd.f32 v22, v2  }
0x291: {  	v46 =	vor.u32 $0x708, v1;
	v49 =	vor.u32 $0x709, v1;
	v39 =	vld.idx.msk [tilespmem:v63+s16+$0x0], $0xffff;
	v16 =	vadd.f32 v16, v21  }
0x292: {  	v53 =	vor.u32 $0x70A, v1;
	v5 =	vadd.f32 v32, v5;
	v2 =	vadd.f32 v47, v2;
	v47 =	vld.idx.msk [tilespmem:v41+s16+$0x0], $0xffff  }
0x293: {  	v50 =	vor.u32 $0x60B, v1;
	v43 =	vld.idx.msk [tilespmem:v35+s16+$0x0], $0xffff;
	v0 =	vadd.f32 v20, v0;
	v48 =	vadd.f32 v42, v16  }
0x294: {  	v63 =	vor.u32 $0x60F, v1;
	v5 =	vadd.f32 v36, v5;
	v2 =	vadd.f32 v51, v2;
	v51 =	vld.idx.msk [tilespmem:v44+s16+$0x0], $0xffff  }
0x295: {  	v59 =	vor.u32 $0x70B, v1;
	v11 =	vld.idx.msk [tilespmem:v38+s16+$0x0], $0xffff;
	v0 =	vadd.f32 v17, v0;
	v52 =	vadd.f32 v45, v48  }
0x296: {  	v55 =	vld.idx.msk [tilespmem:v46+s16+$0x0], $0xffff;
	v56 =	vor.u32 $0x60C, v1;
	v10 =	vadd.f32 v12, v10;
	v5 =	vadd.f32 v39, v5  }
0x297: {  	v57 =	vor.u32 $0x60D, v1;
	v60 =	vld.idx.msk [tilespmem:v53+s16+$0x0], $0xffff;
	v0 =	vadd.f32 v13, v0;
	v12 =	vadd.f32 v47, v52  }
0x298: {  	v62 =	vnsel vm3, $0xFF800000, v4;
	v58 =	vor.u32 $0x60E, v1;
	v5 =	vadd.f32 v43, v5;
	v16 =	vld.idx.msk [tilespmem:v49+s16+$0x0], $0xffff  }
0x299: {  	v61 =	vor.u32 $0x70C, v1;
	v0 =	vadd.f32 v8, v0;
	v8 =	vld.idx.msk [tilespmem:v50+s16+$0x0], $0xffff;
	v12 =	vadd.f32 v51, v12  }
0x29a: {  	v24 =	vor.u32 $0x70D, v1;
	v25 =	vld.idx.msk [tilespmem:v59+s16+$0x0], $0xffff;
	v27 =	vor.u32 $0x70E, v1;
	v5 =	vadd.f32 v11, v5  }
0x29b: {  	v11 =	vld.idx.msk [tilespmem:v56+s16+$0x0], $0xffff;
	v2 =	vadd.f32 v9, v2;
	v9 =	vadd.f32 v55, v12;
	v12 =	vsel vm4, v62, v3  }
0x29c: {  	v0 =	vadd.f32 v6, v0;
	v6 =	vld.idx.msk [tilespmem:v54+s16+$0x0], $0xffff;
	v3 =	vsel vm4, v3, v4;
	vm5 =	vgt.f32 v7, v12  }
0x29d: {  	v26 =	vld.idx.msk [tilespmem:v57+s16+$0x0], $0xffff;
	vm6 =	vgt.f32 v7, v3;
	v9 =	vadd.f32 v16, v9;
	v12 =	vsel vm5, v7, v12  }
0x29e: {  	v31 =	vor.u32 $0x70F, v1;
	v29 =	vld.idx.msk [tilespmem:v61+s16+$0x0], $0xffff;
	v5 =	vadd.f32 v8, v5;
	v12 =	vsel vm6, v3, v12  }
0x29f: {  	v30 =	vld.idx.msk [tilespmem:v58+s16+$0x0], $0xffff;
	v3 =	vsel vm6, v7, v3;
	v28 =	vadd.f32 v60, v9;
	vm7 =	vgt.f32 v10, v12  }
0x2a0: {  	v32 =	vld.idx.msk [tilespmem:v24+s16+$0x0], $0xffff;
	v5 =	vadd.f32 v11, v5;
	vm8 =	vgt.f32 v10, v3;
	v33 =	vsel vm7, v10, v12  }
0x2a1: {  	v34 =	vld.idx.msk [tilespmem:v63+s16+$0x0], $0xffff;
	v2 =	vadd.f32 v6, v2;
	v8 =	vadd.f32 v25, v28;
	v11 =	vsel vm8, v3, v33  }
0x2a2: {  	v35 =	vld.idx.msk [tilespmem:v27+s16+$0x0], $0xffff;
	v4 =	vadd.f32 v26, v5;
	v3 =	vsel vm8, v10, v3;
	vm10 =	vgt.f32 v0, v11  }
0x2a3: {  	vm9 =	vgt.f32 v0, v3;
	v8 =	vadd.f32 v29, v8;
	v36 =	vsel vm10, v0, v11  }
0x2a4: {  	v37 =	vld.idx.msk [tilespmem:v31+s16+$0x0], $0xffff;
	v4 =	vadd.f32 v30, v4;
	v9 =	vsel vm9, v3, v36  }
0x2a5: {  	v0 =	vsel vm9, v0, v3;
	v7 =	vadd.f32 v32, v8;
	vm12 =	vgt.f32 v2, v9  }
0x2a6: {  	v3 =	vadd.f32 v34, v4;
	vm11 =	vgt.f32 v2, v0;
	v38 =	vsel vm12, v2, v9  }
0x2a7: {  	v5 =	vadd.f32 v35, v7;
	v4 =	vsel vm11, v0, v38  }
0x2a8: {  	v0 =	vsel vm11, v2, v0;
	vm13 =	vgt.f32 v3, v4  }
0x2a9: {  	vm1 =	vgt.f32 v3, v0;
	v2 =	vadd.f32 v37, v5;
	v4 =	vsel vm13, v3, v4  }
0x2aa: {  	v4 =	vsel vm1, v0, v4;
	v0 =	vsel vm1, v3, v0  }
0x2ab: {  	vm0 =	vgt.f32 v2, v0;
	vm14 =	vgt.f32 v2, v4  }
0x2ac: {  	vm0 =	vmneg vm0;
	v3 =	vsel vm14, v2, v4  }
0x2ad: {  	v3 =	vsel vm0, v3, v0;
	v0 =	vsel vm0, v0, v2  }
0x2ae: {  	v2 =	vsub.f32 v3, v0;
	_ =	sdelay $0x1  }
0x2af: {  	v2 =	vmul.f32 $1.442695020e+00, v2;
	_ =	sdelay $0x1  }
0x2b0: {  	(erf) = vpow2.f32 v2;
	_ =	sdelay $0x7  }
0x2b1: {  	vm3 =	vmand vm4, vm3;
	v40 =	vimm.s32 $0x0  }
0x2b2: {  	v41 =	vsel vm3, $0x1, v40;
	v2 =	vpop (erf)  }
0x2b3: {  	v5 =	vsel vm2, $0x1, v40;
	v4 =	vsel vm5, $0x2, v41;
	v39 =	vadd.f32 $1.000000000e+00, v2  }
0x2b4: {  	v4 =	vsel vm6, v5, v4  }
0x2b5: {  	v5 =	vsel vm6, $0x2, v5;
	v4 =	vsel vm7, $0x3, v4;
	(erf) = vrcp.f32 v39  }
0x2b6: {  	v4 =	vsel vm8, v5, v4  }
0x2b7: {  	v5 =	vsel vm8, $0x3, v5;
	v4 =	vsel vm10, $0x4, v4  }
0x2b8: {  	v4 =	vsel vm9, v5, v4  }
0x2b9: {  	v5 =	vsel vm9, $0x4, v5;
	v4 =	vsel vm12, $0x5, v4  }
0x2ba: {  	v4 =	vsel vm11, v5, v4  }
0x2bb: {  	v5 =	vsel vm11, $0x5, v5;
	v4 =	vsel vm13, $0x6, v4  }
0x2bc: {  	[tilespmem:s28+$0x5200] =	vst v0;
	v4 =	vsel vm1, v5, v4;
	v5 =	vsel vm1, $0x6, v5  }
0x2bd: {  	[tilespmem:s28+$0x5280] =	vst v3;
	v4 =	vsel vm14, $0x7, v4;
	v43 =	vnsel vm0, $0x7, v5  }
0x2be: {  	v4 =	vsel vm0, v4, v5;
	[tilespmem:s28+$0x5100] =	vst v43;
	v42 =	vpop (erf)  }
0x2bf: {  	[tilespmem:s28+$0x5180] =	vst v4;
	v2 =	vmul.f32 v42, v2  }
0x2c0: {  	vm1 =	vmand vm1, vm0;
	vm13 =	veq.s32 v43, $0x0;
	vm15 =	veq.s32 v43, $0x1;
	[tilespmem:s28+$0x5000] =	vst v42  }
0x2c1: {  	vm5 =	veq.s32 v43, $0x2;
	vm8 =	veq.s32 v43, $0x3;
	vm10 =	veq.s32 v43, $0x4;
	[tilespmem:s28+$0x5080] =	vst v2  }
0x2c2: {  	vm11 =	veq.s32 v43, $0x5;
	vm14 =	veq.s32 v4, $0x0;
	vm6 =	veq.s32 v4, $0x1;
	v0 =	vld [tilespmem:$0x5300]  }
0x2c3: {  	vm7 =	veq.s32 v4, $0x2;
	vm9 =	veq.s32 v4, $0x3;
	vm12 =	veq.s32 v4, $0x4;
	v3 =	vld [tilespmem:$0x5380]  }
0x2c4: {  	v45 =	vnsel vm13, $0x0, v42;
	v47 =	vnsel vm15, $0x0, v42;
	v49 =	vnsel vm5, $0x0, v42;
	v44 =	vld [tilespmem:$0x5400]  }
0x2c5: {  	v54 =	vnsel vm8, $0x0, v42;
	v56 =	vnsel vm10, $0x0, v42;
	v58 =	vnsel vm11, $0x0, v42;
	v48 =	vld [tilespmem:$0x5480]  }
0x2c6: {  	vm13 =	veq.s32 v4, $0x5;
	v61 =	vnsel vm1, $0x0, v42;
	v6 =	vsel vm0, $0x0, v42;
	v53 =	vld [tilespmem:$0x5580]  }
0x2c7: {  	vm15 =	veq.s32 v4, $0x7;
	v46 =	vnsel vm14, $0x0, v2;
	v50 =	vld [tilespmem:$0x5500];
	v0 =	vadd.f32 v45, v0  }
0x2c8: {  	v51 =	vnsel vm6, $0x0, v2;
	v52 =	vnsel vm7, $0x0, v2;
	v59 =	vld [tilespmem:$0x5680];
	v3 =	vadd.f32 v47, v3  }
0x2c9: {  	v55 =	vnsel vm9, $0x0, v2;
	v57 =	vld [tilespmem:$0x5600];
	v5 =	vadd.f32 v44, v49;
	v0 =	vadd.f32 v46, v0  }
0x2ca: {  	v60 =	vnsel vm13, $0x0, v2;
	v9 =	vadd.f32 v48, v54;
	v3 =	vadd.f32 v51, v3  }
0x2cb: {  	vm14 =	veq.s32 v4, $0x6;
	v10 =	vadd.f32 v53, v58;
	v5 =	vadd.f32 v5, v52;
	[tilespmem:$0x5300] =	vst v0  }
0x2cc: {  	s26 =	sadd.s32 $0x1, s26;
	v63 =	vnsel vm14, $0x0, v2;
	v8 =	vadd.f32 v50, v56;
	v9 =	vadd.f32 v9, v55;
	[tilespmem:$0x5380] =	vst v3  }
0x2cd: {  	p0 =	sne.s32 s26, $0x8;
	v6 =	vadd.f32 v59, v6;
	v0 =	vnsel vm12, $0x0, v2;
	v3 =	vadd.f32 v10, v60;
	[tilespmem:$0x5400] =	vst v5  }
.Ltmp12:
0x2ce: {  	v62 =	vadd.f32 v57, v61;
	[tilespmem:$0x5480] =	vst v9;
	v2 =	vnsel vm15, $0x0, v2;
	v0 =	vadd.f32 v8, v0;
	(pc) =	sbr.rel @p0 .LBB2_18-.Ltmp12, $4  }
0x2cf: {  	v2 =	vadd.f32 v6, v2;
	[tilespmem:$0x5580] =	vst v3  }
0x2d0: {  	[tilespmem:$0x5500] =	vst v0;
	v0 =	vadd.f32 v62, v63  }
0x2d1: {  	[tilespmem:$0x5680] =	vst v2  }
0x2d2: {  	[tilespmem:$0x5600] =	vst v0  }
0x2d3: {  	s1 =	simm.s32 $0x5000  }
0x2d4: {  	[hbm4b:s6+s4] =	stream.linear.scatter [tilespmem:s1], [sflag:$0x1], $0x80, $0x38;
	[tilespmem:$0x5700] =	vst v63  }
0x2d5: {  	_ =	swait.ge [sflag:s14], $0x80  }
0x2d6: {  	[sflag:s14] =	ssyncset.done $0x0  }
0x2d7: {  	[sflag:s14] =	ssyncadd.s32 $0xFFFFFF80  }
0x2d8: {  	[hbm4b:s7+s4] =	stream.linear.scatter [tilespmem:s18], [sflag:$0x1], $0x80, $0x38;
	[tilespmem:$0x5700] =	vst v63  }
0x2d9: {  	_ =	swait.ge [sflag:s14], $0x80  }
0x2da: {  	[sflag:s14] =	ssyncset.done $0x0  }
0x2db: {  	[sflag:s14] =	ssyncadd.s32 $0xFFFFFF80  }
0x2dc: {  	[hbm4b:s8+s4] =	stream.linear.scatter [tilespmem:s19], [sflag:$0x1], $0x80, $0x38;
	[tilespmem:$0x5700] =	vst v63  }
0x2dd: {  	_ =	swait.ge [sflag:s14], $0x80  }
0x2de: {  	[sflag:s14] =	ssyncset.done $0x0  }
0x2df: {  	[sflag:s14] =	ssyncadd.s32 $0xFFFFFF80  }
0x2e0: {  	[hbm4b:s9+s4] =	stream.linear.scatter [tilespmem:s20], [sflag:$0x1], $0x80, $0x38;
	[tilespmem:$0x5700] =	vst v63  }
0x2e1: {  	_ =	swait.ge [sflag:s14], $0x80  }
0x2e2: {  	[sflag:s14] =	ssyncset.done $0x0  }
0x2e3: {  	[sflag:s14] =	ssyncadd.s32 $0xFFFFFF80  }
0x2e4: {  	[hbm4b:s10+s4] =	stream.linear.scatter [tilespmem:s21], [sflag:$0x1], $0x80, $0x38;
	[tilespmem:$0x5700] =	vst v63  }
0x2e5: {  	_ =	swait.ge [sflag:s14], $0x80  }
0x2e6: {  	[sflag:s14] =	ssyncset.done $0x0  }
0x2e7: {  	[sflag:s14] =	ssyncadd.s32 $0xFFFFFF80  }
0x2e8: {  	[hbm4b:s11+s4] =	stream.linear.scatter [tilespmem:s22], [sflag:$0x1], $0x80, $0x38;
	[tilespmem:$0x5700] =	vst v63  }
0x2e9: {  	s24 =	sadd.s32 $0x1, s24;
	_ =	swait.ge [sflag:s14], $0x80  }
0x2ea: {  	p0 =	sne.s32 s24, s13;
	[sflag:s14] =	ssyncset.done $0x0  }
.Ltmp13:
0x2eb: {  	[sflag:s14] =	ssyncadd.s32 $0xFFFFFF80;
	(pc) =	sbr.rel @p0 .LBB2_1-.Ltmp13, $4  }
0x2ec: {  	[hbm4b:s12+s4] =	stream.linear.scatter [tilespmem:s23], [sflag:$0x1], $0x400, $0x38;
	[tilespmem:$0x5700] =	vst v63  }
0x2ed: {  	_ =	swait.ge [sflag:s14], $0x400  }
0x2ee: {  	[sflag:s14] =	ssyncset.done $0x0  }
0x2ef: {  	[sflag:s14] =	ssyncadd.s32 $0xFFFFFC00  }
0x2f0: {  	_ =	sfence.sel $0x180000  }
0x2f1: {  	[bflag:$0x0] =	sbarrier.arrive $0xFFFF  }
0x2f2: {  	_ =	strace $0x90000047  }
0x2f3: {  	s0 =	stileid.u32;
	[bflag:$0x2] =	sbarrier.arrive $0xFFFF  }
0x2f4: {  	p0 =	sne.s32 s0, $0x0;
	s0 =	rddreg [dreg:$0x5]  }
0x2f5: {  	s0 =	sadd.s32 @!p0 $0x100000, s0  }
0x2f6: {  	[sflag:s0] =	ssyncadd.tile.s32 @!p0 $0x1;
	_ =	shalt  }
.Lfunc_end2:
_tile_overlayer_lowered:
.L_overlay_start_2:
0x2f7: {  	(tag) =	ssettag $0x2  }
0x2f8: {  	s0 =	rddreg [dreg:$0x0];
	s2 =	stileid.u32  }
0x2f9: {  	s1 =	rddreg [dreg:$0x1];
	p0 =	sne.s32 s2, $0x0  }
0x2fa: {  	s3 =	rddreg [dreg:$0x2];
	[bflag:$0x3] =	sbarrier.arrive $0xFFFF;
	s2 =	simm.s32 @!p0 $0x1C01  }
0x2fb: {  	[timem:s3], [sflag:s2] =	dma.local @!p0 [hbm:s0], s1  }
0x2fc: {  	s0 =	simm.s32 @!p0 $0x1  }
0x2fd: {  	_ =	swait.ge @!p0 [sflag:s0], s1  }
0x2fe: {  	s1 =	ssub.s32 @!p0 $0x0, s1;
	[sflag:s0] =	ssyncset.done @!p0 $0x0  }
0x2ff: {  	[sflag:s0] =	ssyncadd.s32 @!p0 s1  }
0x300: {  	[bflag:$0x3] =	sbarrier.arrive $0xFFFF  }
0x301: {  	_ =	shalt  }

</sc_bundles>
